<compile_context>
chip_gen: v7x
topology: tpu7x:2x2x1
jax: 0.10.2.dev20260603
libtpu: 0.0.44.dev20260713+nightly
codegen_flags: <defaults>
</compile_context>

<pallas_src>
import jax
import jax.numpy as jnp
from jax import lax
from jax.experimental import pallas as pl
from jax.experimental.pallas import tpu as pltpu
from jax.experimental.pallas import tpu_sc as plsc

NC = 2
NS = 16
L = 16
NW = NC * NS

B, SEQ, D = 4, 8192, 1024
N = B * SEQ
ROWS_PER_W = N // NW
K = 8
NCHUNK = ROWS_PER_W // K
NE = 4
NX = 4
PF = 2
U = 4
NFULL = (NCHUNK // U) * U


def _body(x_hbm, ids_hbm, emb_hbm, out_hbm, idx_v, xb, eb, gs, xs, osem):
  wid = lax.axis_index("s") * NC + lax.axis_index("c")
  base = wid * ROWS_PER_W
  pltpu.sync_copy(ids_hbm.at[pl.ds(base, ROWS_PER_W)], idx_v)

  def start_in(g, je, jx):
    pltpu.async_copy(emb_hbm.at[idx_v.at[pl.ds(g * K, K)]], eb[je], gs[je])
    pltpu.async_copy(x_hbm.at[pl.ds(base + g * K, K)], xb[jx], xs[jx])

  def wait_in(je, jx):
    pltpu.make_async_copy(x_hbm.at[pl.ds(0, K)], eb[je], gs[je]).wait()
    pltpu.make_async_copy(x_hbm.at[pl.ds(0, K)], xb[jx], xs[jx]).wait()

  def wait_out(je):
    pltpu.make_async_copy(x_hbm.at[pl.ds(0, K)], eb[je], osem[je]).wait()

  def chunk_body(g, jmod):
    je, jx = jmod % NE, jmod % NX
    gp = g + PF
    jep, jxp = (jmod + PF) % NE, (jmod + PF) % NX

    @pl.when(gp < NCHUNK)
    def _prefetch():
      @pl.when(gp >= NE)
      def _drain():
        wait_out(jep)
      start_in(gp, jep, jxp)

    wait_in(je, jx)

    CU = 64

    def row(r, c2):
      def col(ci, c3):
        for u in range(CU):
          sl = pl.ds(ci * (CU * L) + u * L, L)
          plsc.addupdate(eb[je].at[r, sl], xb[jx][r, sl])
        return c3

      lax.fori_loop(0, D // L // CU, col, 0)
      return c2

    lax.fori_loop(0, K, row, 0)
    pltpu.async_copy(eb[je], out_hbm.at[pl.ds(base + g * K, K)], osem[je])

  for p in range(PF):
    start_in(p, p % NE, p % NX)

  def outer(go, carry):
    for j in range(U):
      chunk_body(go * U + j, j)
    return carry

  lax.fori_loop(0, NCHUNK // U, outer, 0)
  for g_tail in range(NFULL, NCHUNK):
    chunk_body(g_tail, g_tail % U)
  for j in range(NE):
    wait_out(j)


@jax.jit
def _run(x2d, ids, emb):
  mesh = plsc.VectorSubcoreMesh(
      core_axis_name="c", subcore_axis_name="s", num_cores=NC,
      num_subcores=NS)
  f = pl.kernel(
      _body,
      out_type=jax.ShapeDtypeStruct((N, D), jnp.float32),
      mesh=mesh,
      scratch_types=[
          pltpu.VMEM((ROWS_PER_W,), jnp.int32),
          [pltpu.VMEM((K, D), jnp.float32) for _ in range(NX)],
          [pltpu.VMEM((K, D), jnp.float32) for _ in range(NE)],
          [pltpu.SemaphoreType.DMA for _ in range(NE)],
          [pltpu.SemaphoreType.DMA for _ in range(NX)],
          [pltpu.SemaphoreType.DMA for _ in range(NE)],
      ],
  )
  return f(x2d, ids, emb)


def kernel(x, position_ids, pos_emb):
  x2d = x.reshape(N, D)
  ids = position_ids.astype(jnp.int32).reshape(N)
  out = _run(x2d, ids, pos_emb)
  return out.reshape(x.shape)

# --- scband reference (transcript-rebuilt; emitter-appended) ---
"""Pipeline reference for scband-learnable-input-positional-embedding-1786706395697 (READ-ONLY COPY).

The authoritative reference and input builder live on the scoring server;
editing this copy changes nothing except your own understanding.
"""

import jax, jax.numpy as jnp
import numpy as np


def setup_inputs(seed: int = 0) -> dict:
    key = jax.random.key(seed)
    k1, k2, k3 = jax.random.split(key, 3)
    x = jax.random.normal(k1, (4, 8192, 1024), dtype=jnp.float32)
    position_ids = jax.random.randint(k2, (4, 8192), 0, 8192, dtype=jnp.int64)
    pos_emb = jax.random.normal(k3, (8192, 1024), dtype=jnp.float32) * 0.02
    return {"x": x, "position_ids": position_ids, "pos_emb": pos_emb}


def reference(x, position_ids, pos_emb):
    # Embedding lookup: gather rows of pos_emb by position_ids -> [B, L, d]
    pos_embeddings = jnp.take(pos_emb, position_ids, axis=0)
    out = x + pos_embeddings
    # dropout_rate = 0.0 -> identity
    return out

if __name__ == "__main__":
    import jax
    _d = setup_inputs()
    print(jax.jit(kernel)(*tuple(_d.values())))

</pallas_src>

<mosaic_0001>
#map = affine_map<(d0, d1) -> (0, 0)>
#map1 = affine_map<(d0, d1) -> (0)>
module attributes {stable_mosaic.version = 14 : i64} {
  func.func @_body(%arg0: i32, %arg1: i32, %arg2: memref<32768x1024xf32, #tpu.memory_space<hbm>>, %arg3: memref<32768xi32, #tpu.memory_space<hbm>>, %arg4: memref<8192x1024xf32, #tpu.memory_space<hbm>>, %arg5: memref<32768x1024xf32, #tpu.memory_space<hbm>>, %arg6: memref<1024xi32, #tpu.memory_space<vmem>>, %arg7: memref<8x1024xf32, #tpu.memory_space<vmem>>, %arg8: memref<8x1024xf32, #tpu.memory_space<vmem>>, %arg9: memref<8x1024xf32, #tpu.memory_space<vmem>>, %arg10: memref<8x1024xf32, #tpu.memory_space<vmem>>, %arg11: memref<8x1024xf32, #tpu.memory_space<vmem>>, %arg12: memref<8x1024xf32, #tpu.memory_space<vmem>>, %arg13: memref<8x1024xf32, #tpu.memory_space<vmem>>, %arg14: memref<8x1024xf32, #tpu.memory_space<vmem>>, %arg15: memref<!tpu.dma_semaphore, #tpu.memory_space<semaphore_mem>>, %arg16: memref<!tpu.dma_semaphore, #tpu.memory_space<semaphore_mem>>, %arg17: memref<!tpu.dma_semaphore, #tpu.memory_space<semaphore_mem>>, %arg18: memref<!tpu.dma_semaphore, #tpu.memory_space<semaphore_mem>>, %arg19: memref<!tpu.dma_semaphore, #tpu.memory_space<semaphore_mem>>, %arg20: memref<!tpu.dma_semaphore, #tpu.memory_space<semaphore_mem>>, %arg21: memref<!tpu.dma_semaphore, #tpu.memory_space<semaphore_mem>>, %arg22: memref<!tpu.dma_semaphore, #tpu.memory_space<semaphore_mem>>, %arg23: memref<!tpu.dma_semaphore, #tpu.memory_space<semaphore_mem>>, %arg24: memref<!tpu.dma_semaphore, #tpu.memory_space<semaphore_mem>>, %arg25: memref<!tpu.dma_semaphore, #tpu.memory_space<semaphore_mem>>, %arg26: memref<!tpu.dma_semaphore, #tpu.memory_space<semaphore_mem>>) attributes {dimension_semantics = [#tpu.dimension_semantics<core_parallel>, #tpu.dimension_semantics<subcore_parallel>], iteration_bounds = array<i64: 2, 16>, scalar_prefetch = 0 : i64, scratch_operands = 21 : i64, tpu.core_type = #tpu.core_type<sc_vector_subcore>, window_params = [{transform_indices = #map}, {transform_indices = #map1}, {transform_indices = #map}, {transform_indices = #map}]} {
    %mul3A = arith.constant 2 : i32
    %mul3A_0 = arith.muli %arg1, %mul3A : i32
    %add3A = arith.addi %mul3A_0, %arg0 : i32
    %mul3A_1 = arith.constant 1024 : i32
    %mul3A_2 = arith.muli %add3A, %mul3A_1 : i32
    "tpu.region"() ({
      %run_scoped3A = tpu.sem_alloc : memref<!tpu.dma_semaphore, #tpu.memory_space<semaphore_mem>>
      %dma_start3A_52 = tpu.memref_slice %arg3[%mul3A_2] : memref<32768xi32, #tpu.memory_space<hbm>> -> memref<1024xi32, #tpu.memory_space<hbm>>
      %dma_start3A_53 = tpu.memref_slice %arg3[%mul3A_2] : memref<32768xi32, #tpu.memory_space<hbm>> -> memref<1024xi32, #tpu.memory_space<hbm>>
      tpu.enqueue_dma source(%dma_start3A_53 : memref<1024xi32, #tpu.memory_space<hbm>>) target(%arg6 : memref<1024xi32, #tpu.memory_space<vmem>>) target_semaphore(%run_scoped3A : memref<!tpu.dma_semaphore, #tpu.memory_space<semaphore_mem>>)
      %dma_wait3A_54 = tpu.memref_slice %arg3[%mul3A_2] : memref<32768xi32, #tpu.memory_space<hbm>> -> memref<1024xi32, #tpu.memory_space<hbm>>
      %dma_wait3A_55 = tpu.memref_slice %arg3[%mul3A_2] : memref<32768xi32, #tpu.memory_space<hbm>> -> memref<1024xi32, #tpu.memory_space<hbm>>
      tpu.wait_dma2 semaphore(%run_scoped3A : memref<!tpu.dma_semaphore, #tpu.memory_space<semaphore_mem>>) src(%dma_wait3A_55 : memref<1024xi32, #tpu.memory_space<hbm>>) dst(%arg6 : memref<1024xi32, #tpu.memory_space<vmem>>)
      tpu.yield
    }) : () -> ()
    %dma_start3A = arith.constant 0 : i32
    %dma_start3A_3 = tpu.memref_slice %arg6[%dma_start3A] : memref<1024xi32, #tpu.memory_space<vmem>> -> memref<8xi32, #tpu.memory_space<vmem>>
    %dma_start3A_4 = arith.constant 0 : i32
    %dma_start3A_5 = arith.constant 0 : i32
    %dma_start3A_6 = tpu.memref_slice %arg4[%dma_start3A_4, %dma_start3A_5] : memref<8192x1024xf32, #tpu.memory_space<hbm>> -> memref<8192x1024xf32, #tpu.memory_space<hbm>>
    tpu.enqueue_indirect_dma source(%dma_start3A_6 : memref<8192x1024xf32, #tpu.memory_space<hbm>>) target(%arg11 : memref<8x1024xf32, #tpu.memory_space<vmem>>) offsets(%dma_start3A_3 : memref<8xi32, #tpu.memory_space<vmem>>) semaphore(%arg15 : memref<!tpu.dma_semaphore, #tpu.memory_space<semaphore_mem>>)
    %add3A_7 = arith.constant 0 : i32
    %add3A_8 = arith.addi %mul3A_2, %add3A_7 : i32
    %dma_start3A_9 = arith.constant 0 : i32
    %dma_start3A_10 = tpu.memref_slice %arg2[%add3A_8, %dma_start3A_9] : memref<32768x1024xf32, #tpu.memory_space<hbm>> -> memref<8x1024xf32, #tpu.memory_space<hbm>>
    %dma_start3A_11 = arith.constant 0 : i32
    %dma_start3A_12 = tpu.memref_slice %arg2[%add3A_8, %dma_start3A_11] : memref<32768x1024xf32, #tpu.memory_space<hbm>> -> memref<8x1024xf32, #tpu.memory_space<hbm>>
    tpu.enqueue_dma source(%dma_start3A_12 : memref<8x1024xf32, #tpu.memory_space<hbm>>) target(%arg7 : memref<8x1024xf32, #tpu.memory_space<vmem>>) target_semaphore(%arg19 : memref<!tpu.dma_semaphore, #tpu.memory_space<semaphore_mem>>)
    %dma_start3A_13 = arith.constant 8 : i32
    %dma_start3A_14 = tpu.memref_slice %arg6[%dma_start3A_13] : memref<1024xi32, #tpu.memory_space<vmem>> -> memref<8xi32, #tpu.memory_space<vmem>>
    %dma_start3A_15 = arith.constant 0 : i32
    %dma_start3A_16 = arith.constant 0 : i32
    %dma_start3A_17 = tpu.memref_slice %arg4[%dma_start3A_15, %dma_start3A_16] : memref<8192x1024xf32, #tpu.memory_space<hbm>> -> memref<8192x1024xf32, #tpu.memory_space<hbm>>
    tpu.enqueue_indirect_dma source(%dma_start3A_17 : memref<8192x1024xf32, #tpu.memory_space<hbm>>) target(%arg12 : memref<8x1024xf32, #tpu.memory_space<vmem>>) offsets(%dma_start3A_14 : memref<8xi32, #tpu.memory_space<vmem>>) semaphore(%arg16 : memref<!tpu.dma_semaphore, #tpu.memory_space<semaphore_mem>>)
    %add3A_18 = arith.constant 8 : i32
    %add3A_19 = arith.addi %mul3A_2, %add3A_18 : i32
    %dma_start3A_20 = arith.constant 0 : i32
    %dma_start3A_21 = tpu.memref_slice %arg2[%add3A_19, %dma_start3A_20] : memref<32768x1024xf32, #tpu.memory_space<hbm>> -> memref<8x1024xf32, #tpu.memory_space<hbm>>
    %dma_start3A_22 = arith.constant 0 : i32
    %dma_start3A_23 = tpu.memref_slice %arg2[%add3A_19, %dma_start3A_22] : memref<32768x1024xf32, #tpu.memory_space<hbm>> -> memref<8x1024xf32, #tpu.memory_space<hbm>>
    tpu.enqueue_dma source(%dma_start3A_23 : memref<8x1024xf32, #tpu.memory_space<hbm>>) target(%arg8 : memref<8x1024xf32, #tpu.memory_space<vmem>>) target_semaphore(%arg20 : memref<!tpu.dma_semaphore, #tpu.memory_space<semaphore_mem>>)
    %scan3A = arith.constant 0 : i32
    %scan3A_24 = arith.constant 0 : i32
    %scan3A_25 = arith.constant 32 : i32
    %scan3A_26 = arith.addi %scan3A_24, %scan3A_25 : i32
    %scan3A_27 = arith.constant 1 : i32
    scf.for %scan3A_52 = %scan3A_24 to %scan3A_26 step %scan3A_27  : i32 {
      %mul3A_53 = arith.constant 4 : i32
      %mul3A_54 = arith.muli %scan3A_52, %mul3A_53 : i32
      %add3A_55 = arith.constant 0 : i32
      %add3A_56 = arith.addi %mul3A_54, %add3A_55 : i32
      %add3A_57 = arith.constant 2 : i32
      %add3A_58 = arith.addi %add3A_56, %add3A_57 : i32
      %lt3A = arith.constant 128 : i32
      %lt3A_59 = arith.cmpi slt, %add3A_58, %lt3A : i32
      %convert_element_type3A = arith.extui %lt3A_59 : i1 to i32
      %cond3A = arith.constant 0 : i32
      %cond3A_60 = arith.cmpi ne, %convert_element_type3A, %cond3A : i32
      scf.if %cond3A_60 {
        %ge3A = arith.constant 4 : i32
        %ge3A_194 = arith.cmpi sge, %add3A_58, %ge3A : i32
        %convert_element_type3A_195 = arith.extui %ge3A_194 : i1 to i32
        %cond3A_196 = arith.constant 0 : i32
        %cond3A_197 = arith.cmpi ne, %convert_element_type3A_195, %cond3A_196 : i32
        scf.if %cond3A_197 {
          %dma_wait3A_211 = arith.constant 0 : i32
          %dma_wait3A_212 = arith.constant 0 : i32
          %dma_wait3A_213 = tpu.memref_slice %arg2[%dma_wait3A_211, %dma_wait3A_212] : memref<32768x1024xf32, #tpu.memory_space<hbm>> -> memref<8x1024xf32, #tpu.memory_space<hbm>>
          %dma_wait3A_214 = arith.constant 0 : i32
          %dma_wait3A_215 = arith.constant 0 : i32
          %dma_wait3A_216 = tpu.memref_slice %arg2[%dma_wait3A_214, %dma_wait3A_215] : memref<32768x1024xf32, #tpu.memory_space<hbm>> -> memref<8x1024xf32, #tpu.memory_space<hbm>>
          tpu.wait_dma2 semaphore(%arg25 : memref<!tpu.dma_semaphore, #tpu.memory_space<semaphore_mem>>) src(%dma_wait3A_216 : memref<8x1024xf32, #tpu.memory_space<hbm>>) dst(%arg13 : memref<8x1024xf32, #tpu.memory_space<vmem>>)
        } else {
        }
        %mul3A_198 = arith.constant 8 : i32
        %mul3A_199 = arith.muli %add3A_58, %mul3A_198 : i32
        %dma_start3A_200 = tpu.memref_slice %arg6[%mul3A_199] : memref<1024xi32, #tpu.memory_space<vmem>> -> memref<8xi32, #tpu.memory_space<vmem>>
        %dma_start3A_201 = arith.constant 0 : i32
        %dma_start3A_202 = arith.constant 0 : i32
        %dma_start3A_203 = tpu.memref_slice %arg4[%dma_start3A_201, %dma_start3A_202] : memref<8192x1024xf32, #tpu.memory_space<hbm>> -> memref<8192x1024xf32, #tpu.memory_space<hbm>>
        tpu.enqueue_indirect_dma source(%dma_start3A_203 : memref<8192x1024xf32, #tpu.memory_space<hbm>>) target(%arg13 : memref<8x1024xf32, #tpu.memory_space<vmem>>) offsets(%dma_start3A_200 : memref<8xi32, #tpu.memory_space<vmem>>) semaphore(%arg17 : memref<!tpu.dma_semaphore, #tpu.memory_space<semaphore_mem>>)
        %mul3A_204 = arith.constant 8 : i32
        %mul3A_205 = arith.muli %add3A_58, %mul3A_204 : i32
        %add3A_206 = arith.addi %mul3A_2, %mul3A_205 : i32
        %dma_start3A_207 = arith.constant 0 : i32
        %dma_start3A_208 = tpu.memref_slice %arg2[%add3A_206, %dma_start3A_207] : memref<32768x1024xf32, #tpu.memory_space<hbm>> -> memref<8x1024xf32, #tpu.memory_space<hbm>>
        %dma_start3A_209 = arith.constant 0 : i32
        %dma_start3A_210 = tpu.memref_slice %arg2[%add3A_206, %dma_start3A_209] : memref<32768x1024xf32, #tpu.memory_space<hbm>> -> memref<8x1024xf32, #tpu.memory_space<hbm>>
        tpu.enqueue_dma source(%dma_start3A_210 : memref<8x1024xf32, #tpu.memory_space<hbm>>) target(%arg9 : memref<8x1024xf32, #tpu.memory_space<vmem>>) target_semaphore(%arg21 : memref<!tpu.dma_semaphore, #tpu.memory_space<semaphore_mem>>)
      } else {
      }
      %dma_wait3A_61 = arith.constant 0 : i32
      %dma_wait3A_62 = arith.constant 0 : i32
      %dma_wait3A_63 = tpu.memref_slice %arg2[%dma_wait3A_61, %dma_wait3A_62] : memref<32768x1024xf32, #tpu.memory_space<hbm>> -> memref<8x1024xf32, #tpu.memory_space<hbm>>
      %dma_wait3A_64 = arith.constant 0 : i32
      %dma_wait3A_65 = arith.constant 0 : i32
      %dma_wait3A_66 = tpu.memref_slice %arg2[%dma_wait3A_64, %dma_wait3A_65] : memref<32768x1024xf32, #tpu.memory_space<hbm>> -> memref<8x1024xf32, #tpu.memory_space<hbm>>
      tpu.wait_dma2 semaphore(%arg15 : memref<!tpu.dma_semaphore, #tpu.memory_space<semaphore_mem>>) src(%dma_wait3A_66 : memref<8x1024xf32, #tpu.memory_space<hbm>>) dst(%arg11 : memref<8x1024xf32, #tpu.memory_space<vmem>>)
      %dma_wait3A_67 = arith.constant 0 : i32
      %dma_wait3A_68 = arith.constant 0 : i32
      %dma_wait3A_69 = tpu.memref_slice %arg2[%dma_wait3A_67, %dma_wait3A_68] : memref<32768x1024xf32, #tpu.memory_space<hbm>> -> memref<8x1024xf32, #tpu.memory_space<hbm>>
      %dma_wait3A_70 = arith.constant 0 : i32
      %dma_wait3A_71 = arith.constant 0 : i32
      %dma_wait3A_72 = tpu.memref_slice %arg2[%dma_wait3A_70, %dma_wait3A_71] : memref<32768x1024xf32, #tpu.memory_space<hbm>> -> memref<8x1024xf32, #tpu.memory_space<hbm>>
      tpu.wait_dma2 semaphore(%arg19 : memref<!tpu.dma_semaphore, #tpu.memory_space<semaphore_mem>>) src(%dma_wait3A_72 : memref<8x1024xf32, #tpu.memory_space<hbm>>) dst(%arg7 : memref<8x1024xf32, #tpu.memory_space<vmem>>)
      %scan3A_73 = arith.constant 0 : i32
      %scan3A_74 = arith.constant 0 : i32
      %scan3A_75 = arith.constant 8 : i32
      %scan3A_76 = arith.addi %scan3A_74, %scan3A_75 : i32
      %scan3A_77 = arith.constant 1 : i32
      scf.for %scan3A_194 = %scan3A_74 to %scan3A_76 step %scan3A_77  : i32 {
        %scan3A_195 = arith.constant 0 : i32
        %scan3A_196 = arith.constant 0 : i32
        %mul3A_197 = arith.constant 1024 : i32
        %mul3A_198 = arith.muli %scan3A_196, %mul3A_197 : i32
        %add3A_199 = arith.constant 0 : i32
        %add3A_200 = arith.addi %mul3A_198, %add3A_199 : i32
        %get3A = arith.index_cast %scan3A_194 : i32 to index
        %get3A_201 = arith.index_cast %add3A_200 : i32 to index
        %get3A_202 = tpu.vector_load %arg7[%get3A, %get3A_201] {strides = array<i32>} : memref<8x1024xf32, #tpu.memory_space<vmem>>, vector<1x16xf32>,
        %get3A_203 = vector.shape_cast %get3A_202 : vector<1x16xf32> to vector<16xf32>
        %swap3A = arith.index_cast %scan3A_194 : i32 to index
        %swap3A_204 = arith.index_cast %add3A_200 : i32 to index
        %swap3A_205 = tpu.vector_load %arg11[%swap3A, %swap3A_204] {strides = array<i32>} : memref<8x1024xf32, #tpu.memory_space<vmem>>, vector<1x16xf32>,
        %swap3A_206 = vector.shape_cast %swap3A_205 : vector<1x16xf32> to vector<16xf32>
        %swap3A_207 = vector.shape_cast %get3A_203 : vector<16xf32> to vector<1x16xf32>
        tpu.vector_store %arg11[%swap3A, %swap3A_204], %swap3A_207 {add = true, strides = array<i32>} : memref<8x1024xf32, #tpu.memory_space<vmem>>, vector<1x16xf32>,
        %mul3A_208 = arith.constant 1024 : i32
        %mul3A_209 = arith.muli %scan3A_196, %mul3A_208 : i32
        %add3A_210 = arith.constant 16 : i32
        %add3A_211 = arith.addi %mul3A_209, %add3A_210 : i32
        %get3A_212 = arith.index_cast %scan3A_194 : i32 to index
        %get3A_213 = arith.index_cast %add3A_211 : i32 to index
        %get3A_214 = tpu.vector_load %arg7[%get3A_212, %get3A_213] {strides = array<i32>} : memref<8x1024xf32, #tpu.memory_space<vmem>>, vector<1x16xf32>,
        %get3A_215 = vector.shape_cast %get3A_214 : vector<1x16xf32> to vector<16xf32>
        %swap3A_216 = arith.index_cast %scan3A_194 : i32 to index
        %swap3A_217 = arith.index_cast %add3A_211 : i32 to index
        %swap3A_218 = tpu.vector_load %arg11[%swap3A_216, %swap3A_217] {strides = array<i32>} : memref<8x1024xf32, #tpu.memory_space<vmem>>, vector<1x16xf32>,
        %swap3A_219 = vector.shape_cast %swap3A_218 : vector<1x16xf32> to vector<16xf32>
        %swap3A_220 = vector.shape_cast %get3A_215 : vector<16xf32> to vector<1x16xf32>
        tpu.vector_store %arg11[%swap3A_216, %swap3A_217], %swap3A_220 {add = true, strides = array<i32>} : memref<8x1024xf32, #tpu.memory_space<vmem>>, vector<1x16xf32>,
        %mul3A_221 = arith.constant 1024 : i32
        %mul3A_222 = arith.muli %scan3A_196, %mul3A_221 : i32
        %add3A_223 = arith.constant 32 : i32
        %add3A_224 = arith.addi %mul3A_222, %add3A_223 : i32
        %get3A_225 = arith.index_cast %scan3A_194 : i32 to index
        %get3A_226 = arith.index_cast %add3A_224 : i32 to index
        %get3A_227 = tpu.vector_load %arg7[%get3A_225, %get3A_226] {strides = array<i32>} : memref<8x1024xf32, #tpu.memory_space<vmem>>, vector<1x16xf32>,
        %get3A_228 = vector.shape_cast %get3A_227 : vector<1x16xf32> to vector<16xf32>
        %swap3A_229 = arith.index_cast %scan3A_194 : i32 to index
        %swap3A_230 = arith.index_cast %add3A_224 : i32 to index
        %swap3A_231 = tpu.vector_load %arg11[%swap3A_229, %swap3A_230] {strides = array<i32>} : memref<8x1024xf32, #tpu.memory_space<vmem>>, vector<1x16xf32>,
        %swap3A_232 = vector.shape_cast %swap3A_231 : vector<1x16xf32> to vector<16xf32>
        %swap3A_233 = vector.shape_cast %get3A_228 : vector<16xf32> to vector<1x16xf32>
        tpu.vector_store %arg11[%swap3A_229, %swap3A_230], %swap3A_233 {add = true, strides = array<i32>} : memref<8x1024xf32, #tpu.memory_space<vmem>>, vector<1x16xf32>,
        %mul3A_234 = arith.constant 1024 : i32
        %mul3A_235 = arith.muli %scan3A_196, %mul3A_234 : i32
        %add3A_236 = arith.constant 48 : i32
        %add3A_237 = arith.addi %mul3A_235, %add3A_236 : i32
        %get3A_238 = arith.index_cast %scan3A_194 : i32 to index
        %get3A_239 = arith.index_cast %add3A_237 : i32 to index
        %get3A_240 = tpu.vector_load %arg7[%get3A_238, %get3A_239] {strides = array<i32>} : memref<8x1024xf32, #tpu.memory_space<vmem>>, vector<1x16xf32>,
        %get3A_241 = vector.shape_cast %get3A_240 : vector<1x16xf32> to vector<16xf32>
        %swap3A_242 = arith.index_cast %scan3A_194 : i32 to index
        %swap3A_243 = arith.index_cast %add3A_237 : i32 to index
        %swap3A_244 = tpu.vector_load %arg11[%swap3A_242, %swap3A_243] {strides = array<i32>} : memref<8x1024xf32, #tpu.memory_space<vmem>>, vector<1x16xf32>,
        %swap3A_245 = vector.shape_cast %swap3A_244 : vector<1x16xf32> to vector<16xf32>
        %swap3A_246 = vector.shape_cast %get3A_241 : vector<16xf32> to vector<1x16xf32>
        tpu.vector_store %arg11[%swap3A_242, %swap3A_243], %swap3A_246 {add = true, strides = array<i32>} : memref<8x1024xf32, #tpu.memory_space<vmem>>, vector<1x16xf32>,
        %mul3A_247 = arith.constant 1024 : i32
        %mul3A_248 = arith.muli %scan3A_196, %mul3A_247 : i32
        %add3A_249 = arith.constant 64 : i32
        %add3A_250 = arith.addi %mul3A_248, %add3A_249 : i32
        %get3A_251 = arith.index_cast %scan3A_194 : i32 to index
        %get3A_252 = arith.index_cast %add3A_250 : i32 to index
        %get3A_253 = tpu.vector_load %arg7[%get3A_251, %get3A_252] {strides = array<i32>} : memref<8x1024xf32, #tpu.memory_space<vmem>>, vector<1x16xf32>,
        %get3A_254 = vector.shape_cast %get3A_253 : vector<1x16xf32> to vector<16xf32>
        %swap3A_255 = arith.index_cast %scan3A_194 : i32 to index
        %swap3A_256 = arith.index_cast %add3A_250 : i32 to index
        %swap3A_257 = tpu.vector_load %arg11[%swap3A_255, %swap3A_256] {strides = array<i32>} : memref<8x1024xf32, #tpu.memory_space<vmem>>, vector<1x16xf32>,
        %swap3A_258 = vector.shape_cast %swap3A_257 : vector<1x16xf32> to vector<16xf32>
        %swap3A_259 = vector.shape_cast %get3A_254 : vector<16xf32> to vector<1x16xf32>
        tpu.vector_store %arg11[%swap3A_255, %swap3A_256], %swap3A_259 {add = true, strides = array<i32>} : memref<8x1024xf32, #tpu.memory_space<vmem>>, vector<1x16xf32>,
        %mul3A_260 = arith.constant 1024 : i32
        %mul3A_261 = arith.muli %scan3A_196, %mul3A_260 : i32
        %add3A_262 = arith.constant 80 : i32
        %add3A_263 = arith.addi %mul3A_261, %add3A_262 : i32
        %get3A_264 = arith.index_cast %scan3A_194 : i32 to index
        %get3A_265 = arith.index_cast %add3A_263 : i32 to index
        %get3A_266 = tpu.vector_load %arg7[%get3A_264, %get3A_265] {strides = array<i32>} : memref<8x1024xf32, #tpu.memory_space<vmem>>, vector<1x16xf32>,
        %get3A_267 = vector.shape_cast %get3A_266 : vector<1x16xf32> to vector<16xf32>
        %swap3A_268 = arith.index_cast %scan3A_194 : i32 to index
        %swap3A_269 = arith.index_cast %add3A_263 : i32 to index
        %swap3A_270 = tpu.vector_load %arg11[%swap3A_268, %swap3A_269] {strides = array<i32>} : memref<8x1024xf32, #tpu.memory_space<vmem>>, vector<1x16xf32>,
        %swap3A_271 = vector.shape_cast %swap3A_270 : vector<1x16xf32> to vector<16xf32>
        %swap3A_272 = vector.shape_cast %get3A_267 : vector<16xf32> to vector<1x16xf32>
        tpu.vector_store %arg11[%swap3A_268, %swap3A_269], %swap3A_272 {add = true, strides = array<i32>} : memref<8x1024xf32, #tpu.memory_space<vmem>>, vector<1x16xf32>,
        %mul3A_273 = arith.constant 1024 : i32
        %mul3A_274 = arith.muli %scan3A_196, %mul3A_273 : i32
        %add3A_275 = arith.constant 96 : i32
        %add3A_276 = arith.addi %mul3A_274, %add3A_275 : i32
        %get3A_277 = arith.index_cast %scan3A_194 : i32 to index
        %get3A_278 = arith.index_cast %add3A_276 : i32 to index
        %get3A_279 = tpu.vector_load %arg7[%get3A_277, %get3A_278] {strides = array<i32>} : memref<8x1024xf32, #tpu.memory_space<vmem>>, vector<1x16xf32>,
        %get3A_280 = vector.shape_cast %get3A_279 : vector<1x16xf32> to vector<16xf32>
        %swap3A_281 = arith.index_cast %scan3A_194 : i32 to index
        %swap3A_282 = arith.index_cast %add3A_276 : i32 to index
        %swap3A_283 = tpu.vector_load %arg11[%swap3A_281, %swap3A_282] {strides = array<i32>} : memref<8x1024xf32, #tpu.memory_space<vmem>>, vector<1x16xf32>,
        %swap3A_284 = vector.shape_cast %swap3A_283 : vector<1x16xf32> to vector<16xf32>
        %swap3A_285 = vector.shape_cast %get3A_280 : vector<16xf32> to vector<1x16xf32>
        tpu.vector_store %arg11[%swap3A_281, %swap3A_282], %swap3A_285 {add = true, strides = array<i32>} : memref<8x1024xf32, #tpu.memory_space<vmem>>, vector<1x16xf32>,
        %mul3A_286 = arith.constant 1024 : i32
        %mul3A_287 = arith.muli %scan3A_196, %mul3A_286 : i32
        %add3A_288 = arith.constant 112 : i32
        %add3A_289 = arith.addi %mul3A_287, %add3A_288 : i32
        %get3A_290 = arith.index_cast %scan3A_194 : i32 to index
        %get3A_291 = arith.index_cast %add3A_289 : i32 to index
        %get3A_292 = tpu.vector_load %arg7[%get3A_290, %get3A_291] {strides = array<i32>} : memref<8x1024xf32, #tpu.memory_space<vmem>>, vector<1x16xf32>,
        %get3A_293 = vector.shape_cast %get3A_292 : vector<1x16xf32> to vector<16xf32>
        %swap3A_294 = arith.index_cast %scan3A_194 : i32 to index
        %swap3A_295 = arith.index_cast %add3A_289 : i32 to index
        %swap3A_296 = tpu.vector_load %arg11[%swap3A_294, %swap3A_295] {strides = array<i32>} : memref<8x1024xf32, #tpu.memory_space<vmem>>, vector<1x16xf32>,
        %swap3A_297 = vector.shape_cast %swap3A_296 : vector<1x16xf32> to vector<16xf32>
        %swap3A_298 = vector.shape_cast %get3A_293 : vector<16xf32> to vector<1x16xf32>
        tpu.vector_store %arg11[%swap3A_294, %swap3A_295], %swap3A_298 {add = true, strides = array<i32>} : memref<8x1024xf32, #tpu.memory_space<vmem>>, vector<1x16xf32>,
        %mul3A_299 = arith.constant 1024 : i32
        %mul3A_300 = arith.muli %scan3A_196, %mul3A_299 : i32
        %add3A_301 = arith.constant 128 : i32
        %add3A_302 = arith.addi %mul3A_300, %add3A_301 : i32
        %get3A_303 = arith.index_cast %scan3A_194 : i32 to index
        %get3A_304 = arith.index_cast %add3A_302 : i32 to index
        %get3A_305 = tpu.vector_load %arg7[%get3A_303, %get3A_304] {strides = array<i32>} : memref<8x1024xf32, #tpu.memory_space<vmem>>, vector<1x16xf32>,
        %get3A_306 = vector.shape_cast %get3A_305 : vector<1x16xf32> to vector<16xf32>
        %swap3A_307 = arith.index_cast %scan3A_194 : i32 to index
        %swap3A_308 = arith.index_cast %add3A_302 : i32 to index
        %swap3A_309 = tpu.vector_load %arg11[%swap3A_307, %swap3A_308] {strides = array<i32>} : memref<8x1024xf32, #tpu.memory_space<vmem>>, vector<1x16xf32>,
        %swap3A_310 = vector.shape_cast %swap3A_309 : vector<1x16xf32> to vector<16xf32>
        %swap3A_311 = vector.shape_cast %get3A_306 : vector<16xf32> to vector<1x16xf32>
        tpu.vector_store %arg11[%swap3A_307, %swap3A_308], %swap3A_311 {add = true, strides = array<i32>} : memref<8x1024xf32, #tpu.memory_space<vmem>>, vector<1x16xf32>,
        %mul3A_312 = arith.constant 1024 : i32
        %mul3A_313 = arith.muli %scan3A_196, %mul3A_312 : i32
        %add3A_314 = arith.constant 144 : i32
        %add3A_315 = arith.addi %mul3A_313, %add3A_314 : i32
        %get3A_316 = arith.index_cast %scan3A_194 : i32 to index
        %get3A_317 = arith.index_cast %add3A_315 : i32 to index
        %get3A_318 = tpu.vector_load %arg7[%get3A_316, %get3A_317] {strides = array<i32>} : memref<8x1024xf32, #tpu.memory_space<vmem>>, vector<1x16xf32>,
        %get3A_319 = vector.shape_cast %get3A_318 : vector<1x16xf32> to vector<16xf32>
        %swap3A_320 = arith.index_cast %scan3A_194 : i32 to index
        %swap3A_321 = arith.index_cast %add3A_315 : i32 to index
        %swap3A_322 = tpu.vector_load %arg11[%swap3A_320, %swap3A_321] {strides = array<i32>} : memref<8x1024xf32, #tpu.memory_space<vmem>>, vector<1x16xf32>,
        %swap3A_323 = vector.shape_cast %swap3A_322 : vector<1x16xf32> to vector<16xf32>
        %swap3A_324 = vector.shape_cast %get3A_319 : vector<16xf32> to vector<1x16xf32>
        tpu.vector_store %arg11[%swap3A_320, %swap3A_321], %swap3A_324 {add = true, strides = array<i32>} : memref<8x1024xf32, #tpu.memory_space<vmem>>, vector<1x16xf32>,
        %mul3A_325 = arith.constant 1024 : i32
        %mul3A_326 = arith.muli %scan3A_196, %mul3A_325 : i32
        %add3A_327 = arith.constant 160 : i32
        %add3A_328 = arith.addi %mul3A_326, %add3A_327 : i32
        %get3A_329 = arith.index_cast %scan3A_194 : i32 to index
        %get3A_330 = arith.index_cast %add3A_328 : i32 to index
        %get3A_331 = tpu.vector_load %arg7[%get3A_329, %get3A_330] {strides = array<i32>} : memref<8x1024xf32, #tpu.memory_space<vmem>>, vector<1x16xf32>,
        %get3A_332 = vector.shape_cast %get3A_331 : vector<1x16xf32> to vector<16xf32>
        %swap3A_333 = arith.index_cast %scan3A_194 : i32 to index
        %swap3A_334 = arith.index_cast %add3A_328 : i32 to index
        %swap3A_335 = tpu.vector_load %arg11[%swap3A_333, %swap3A_334] {strides = array<i32>} : memref<8x1024xf32, #tpu.memory_space<vmem>>, vector<1x16xf32>,
        %swap3A_336 = vector.shape_cast %swap3A_335 : vector<1x16xf32> to vector<16xf32>
        %swap3A_337 = vector.shape_cast %get3A_332 : vector<16xf32> to vector<1x16xf32>
        tpu.vector_store %arg11[%swap3A_333, %swap3A_334], %swap3A_337 {add = true, strides = array<i32>} : memref<8x1024xf32, #tpu.memory_space<vmem>>, vector<1x16xf32>,
        %mul3A_338 = arith.constant 1024 : i32
        %mul3A_339 = arith.muli %scan3A_196, %mul3A_338 : i32
        %add3A_340 = arith.constant 176 : i32
        %add3A_341 = arith.addi %mul3A_339, %add3A_340 : i32
        %get3A_342 = arith.index_cast %scan3A_194 : i32 to index
        %get3A_343 = arith.index_cast %add3A_341 : i32 to index
        %get3A_344 = tpu.vector_load %arg7[%get3A_342, %get3A_343] {strides = array<i32>} : memref<8x1024xf32, #tpu.memory_space<vmem>>, vector<1x16xf32>,
        %get3A_345 = vector.shape_cast %get3A_344 : vector<1x16xf32> to vector<16xf32>
        %swap3A_346 = arith.index_cast %scan3A_194 : i32 to index
        %swap3A_347 = arith.index_cast %add3A_341 : i32 to index
        %swap3A_348 = tpu.vector_load %arg11[%swap3A_346, %swap3A_347] {strides = array<i32>} : memref<8x1024xf32, #tpu.memory_space<vmem>>, vector<1x16xf32>,
        %swap3A_349 = vector.shape_cast %swap3A_348 : vector<1x16xf32> to vector<16xf32>
        %swap3A_350 = vector.shape_cast %get3A_345 : vector<16xf32> to vector<1x16xf32>
        tpu.vector_store %arg11[%swap3A_346, %swap3A_347], %swap3A_350 {add = true, strides = array<i32>} : memref<8x1024xf32, #tpu.memory_space<vmem>>, vector<1x16xf32>,
        %mul3A_351 = arith.constant 1024 : i32
        %mul3A_352 = arith.muli %scan3A_196, %mul3A_351 : i32
        %add3A_353 = arith.constant 192 : i32
        %add3A_354 = arith.addi %mul3A_352, %add3A_353 : i32
        %get3A_355 = arith.index_cast %scan3A_194 : i32 to index
        %get3A_356 = arith.index_cast %add3A_354 : i32 to index
        %get3A_357 = tpu.vector_load %arg7[%get3A_355, %get3A_356] {strides = array<i32>} : memref<8x1024xf32, #tpu.memory_space<vmem>>, vector<1x16xf32>,
        %get3A_358 = vector.shape_cast %get3A_357 : vector<1x16xf32> to vector<16xf32>
        %swap3A_359 = arith.index_cast %scan3A_194 : i32 to index
        %swap3A_360 = arith.index_cast %add3A_354 : i32 to index
        %swap3A_361 = tpu.vector_load %arg11[%swap3A_359, %swap3A_360] {strides = array<i32>} : memref<8x1024xf32, #tpu.memory_space<vmem>>, vector<1x16xf32>,
        %swap3A_362 = vector.shape_cast %swap3A_361 : vector<1x16xf32> to vector<16xf32>
        %swap3A_363 = vector.shape_cast %get3A_358 : vector<16xf32> to vector<1x16xf32>
        tpu.vector_store %arg11[%swap3A_359, %swap3A_360], %swap3A_363 {add = true, strides = array<i32>} : memref<8x1024xf32, #tpu.memory_space<vmem>>, vector<1x16xf32>,
        %mul3A_364 = arith.constant 1024 : i32
        %mul3A_365 = arith.muli %scan3A_196, %mul3A_364 : i32
        %add3A_366 = arith.constant 208 : i32
        %add3A_367 = arith.addi %mul3A_365, %add3A_366 : i32
        %get3A_368 = arith.index_cast %scan3A_194 : i32 to index
        %get3A_369 = arith.index_cast %add3A_367 : i32 to index
        %get3A_370 = tpu.vector_load %arg7[%get3A_368, %get3A_369] {strides = array<i32>} : memref<8x1024xf32, #tpu.memory_space<vmem>>, vector<1x16xf32>,
        %get3A_371 = vector.shape_cast %get3A_370 : vector<1x16xf32> to vector<16xf32>
        %swap3A_372 = arith.index_cast %scan3A_194 : i32 to index
        %swap3A_373 = arith.index_cast %add3A_367 : i32 to index
        %swap3A_374 = tpu.vector_load %arg11[%swap3A_372, %swap3A_373] {strides = array<i32>} : memref<8x1024xf32, #tpu.memory_space<vmem>>, vector<1x16xf32>,
        %swap3A_375 = vector.shape_cast %swap3A_374 : vector<1x16xf32> to vector<16xf32>
        %swap3A_376 = vector.shape_cast %get3A_371 : vector<16xf32> to vector<1x16xf32>
        tpu.vector_store %arg11[%swap3A_372, %swap3A_373], %swap3A_376 {add = true, strides = array<i32>} : memref<8x1024xf32, #tpu.memory_space<vmem>>, vector<1x16xf32>,
        %mul3A_377 = arith.constant 1024 : i32
        %mul3A_378 = arith.muli %scan3A_196, %mul3A_377 : i32
        %add3A_379 = arith.constant 224 : i32
        %add3A_380 = arith.addi %mul3A_378, %add3A_379 : i32
        %get3A_381 = arith.index_cast %scan3A_194 : i32 to index
        %get3A_382 = arith.index_cast %add3A_380 : i32 to index
        %get3A_383 = tpu.vector_load %arg7[%get3A_381, %get3A_382] {strides = array<i32>} : memref<8x1024xf32, #tpu.memory_space<vmem>>, vector<1x16xf32>,
        %get3A_384 = vector.shape_cast %get3A_383 : vector<1x16xf32> to vector<16xf32>
        %swap3A_385 = arith.index_cast %scan3A_194 : i32 to index
        %swap3A_386 = arith.index_cast %add3A_380 : i32 to index
        %swap3A_387 = tpu.vector_load %arg11[%swap3A_385, %swap3A_386] {strides = array<i32>} : memref<8x1024xf32, #tpu.memory_space<vmem>>, vector<1x16xf32>,
        %swap3A_388 = vector.shape_cast %swap3A_387 : vector<1x16xf32> to vector<16xf32>
        %swap3A_389 = vector.shape_cast %get3A_384 : vector<16xf32> to vector<1x16xf32>
        tpu.vector_store %arg11[%swap3A_385, %swap3A_386], %swap3A_389 {add = true, strides = array<i32>} : memref<8x1024xf32, #tpu.memory_space<vmem>>, vector<1x16xf32>,
        %mul3A_390 = arith.constant 1024 : i32
        %mul3A_391 = arith.muli %scan3A_196, %mul3A_390 : i32
        %add3A_392 = arith.constant 240 : i32
        %add3A_393 = arith.addi %mul3A_391, %add3A_392 : i32
        %get3A_394 = arith.index_cast %scan3A_194 : i32 to index
        %get3A_395 = arith.index_cast %add3A_393 : i32 to index
        %get3A_396 = tpu.vector_load %arg7[%get3A_394, %get3A_395] {strides = array<i32>} : memref<8x1024xf32, #tpu.memory_space<vmem>>, vector<1x16xf32>,
        %get3A_397 = vector.shape_cast %get3A_396 : vector<1x16xf32> to vector<16xf32>
        %swap3A_398 = arith.index_cast %scan3A_194 : i32 to index
        %swap3A_399 = arith.index_cast %add3A_393 : i32 to index
        %swap3A_400 = tpu.vector_load %arg11[%swap3A_398, %swap3A_399] {strides = array<i32>} : memref<8x1024xf32, #tpu.memory_space<vmem>>, vector<1x16xf32>,
        %swap3A_401 = vector.shape_cast %swap3A_400 : vector<1x16xf32> to vector<16xf32>
        %swap3A_402 = vector.shape_cast %get3A_397 : vector<16xf32> to vector<1x16xf32>
        tpu.vector_store %arg11[%swap3A_398, %swap3A_399], %swap3A_402 {add = true, strides = array<i32>} : memref<8x1024xf32, #tpu.memory_space<vmem>>, vector<1x16xf32>,
        %mul3A_403 = arith.constant 1024 : i32
        %mul3A_404 = arith.muli %scan3A_196, %mul3A_403 : i32
        %add3A_405 = arith.constant 256 : i32
        %add3A_406 = arith.addi %mul3A_404, %add3A_405 : i32
        %get3A_407 = arith.index_cast %scan3A_194 : i32 to index
        %get3A_408 = arith.index_cast %add3A_406 : i32 to index
        %get3A_409 = tpu.vector_load %arg7[%get3A_407, %get3A_408] {strides = array<i32>} : memref<8x1024xf32, #tpu.memory_space<vmem>>, vector<1x16xf32>,
        %get3A_410 = vector.shape_cast %get3A_409 : vector<1x16xf32> to vector<16xf32>
        %swap3A_411 = arith.index_cast %scan3A_194 : i32 to index
        %swap3A_412 = arith.index_cast %add3A_406 : i32 to index
        %swap3A_413 = tpu.vector_load %arg11[%swap3A_411, %swap3A_412] {strides = array<i32>} : memref<8x1024xf32, #tpu.memory_space<vmem>>, vector<1x16xf32>,
        %swap3A_414 = vector.shape_cast %swap3A_413 : vector<1x16xf32> to vector<16xf32>
        %swap3A_415 = vector.shape_cast %get3A_410 : vector<16xf32> to vector<1x16xf32>
        tpu.vector_store %arg11[%swap3A_411, %swap3A_412], %swap3A_415 {add = true, strides = array<i32>} : memref<8x1024xf32, #tpu.memory_space<vmem>>, vector<1x16xf32>,
        %mul3A_416 = arith.constant 1024 : i32
        %mul3A_417 = arith.muli %scan3A_196, %mul3A_416 : i32
        %add3A_418 = arith.constant 272 : i32
        %add3A_419 = arith.addi %mul3A_417, %add3A_418 : i32
        %get3A_420 = arith.index_cast %scan3A_194 : i32 to index
        %get3A_421 = arith.index_cast %add3A_419 : i32 to index
        %get3A_422 = tpu.vector_load %arg7[%get3A_420, %get3A_421] {strides = array<i32>} : memref<8x1024xf32, #tpu.memory_space<vmem>>, vector<1x16xf32>,
        %get3A_423 = vector.shape_cast %get3A_422 : vector<1x16xf32> to vector<16xf32>
        %swap3A_424 = arith.index_cast %scan3A_194 : i32 to index
        %swap3A_425 = arith.index_cast %add3A_419 : i32 to index
        %swap3A_426 = tpu.vector_load %arg11[%swap3A_424, %swap3A_425] {strides = array<i32>} : memref<8x1024xf32, #tpu.memory_space<vmem>>, vector<1x16xf32>,
        %swap3A_427 = vector.shape_cast %swap3A_426 : vector<1x16xf32> to vector<16xf32>
        %swap3A_428 = vector.shape_cast %get3A_423 : vector<16xf32> to vector<1x16xf32>
        tpu.vector_store %arg11[%swap3A_424, %swap3A_425], %swap3A_428 {add = true, strides = array<i32>} : memref<8x1024xf32, #tpu.memory_space<vmem>>, vector<1x16xf32>,
        %mul3A_429 = arith.constant 1024 : i32
        %mul3A_430 = arith.muli %scan3A_196, %mul3A_429 : i32
        %add3A_431 = arith.constant 288 : i32
        %add3A_432 = arith.addi %mul3A_430, %add3A_431 : i32
        %get3A_433 = arith.index_cast %scan3A_194 : i32 to index
        %get3A_434 = arith.index_cast %add3A_432 : i32 to index
        %get3A_435 = tpu.vector_load %arg7[%get3A_433, %get3A_434] {strides = array<i32>} : memref<8x1024xf32, #tpu.memory_space<vmem>>, vector<1x16xf32>,
        %get3A_436 = vector.shape_cast %get3A_435 : vector<1x16xf32> to vector<16xf32>
        %swap3A_437 = arith.index_cast %scan3A_194 : i32 to index
        %swap3A_438 = arith.index_cast %add3A_432 : i32 to index
        %swap3A_439 = tpu.vector_load %arg11[%swap3A_437, %swap3A_438] {strides = array<i32>} : memref<8x1024xf32, #tpu.memory_space<vmem>>, vector<1x16xf32>,
        %swap3A_440 = vector.shape_cast %swap3A_439 : vector<1x16xf32> to vector<16xf32>
        %swap3A_441 = vector.shape_cast %get3A_436 : vector<16xf32> to vector<1x16xf32>
        tpu.vector_store %arg11[%swap3A_437, %swap3A_438], %swap3A_441 {add = true, strides = array<i32>} : memref<8x1024xf32, #tpu.memory_space<vmem>>, vector<1x16xf32>,
        %mul3A_442 = arith.constant 1024 : i32
        %mul3A_443 = arith.muli %scan3A_196, %mul3A_442 : i32
        %add3A_444 = arith.constant 304 : i32
        %add3A_445 = arith.addi %mul3A_443, %add3A_444 : i32
        %get3A_446 = arith.index_cast %scan3A_194 : i32 to index
        %get3A_447 = arith.index_cast %add3A_445 : i32 to index
        %get3A_448 = tpu.vector_load %arg7[%get3A_446, %get3A_447] {strides = array<i32>} : memref<8x1024xf32, #tpu.memory_space<vmem>>, vector<1x16xf32>,
        %get3A_449 = vector.shape_cast %get3A_448 : vector<1x16xf32> to vector<16xf32>
        %swap3A_450 = arith.index_cast %scan3A_194 : i32 to index
        %swap3A_451 = arith.index_cast %add3A_445 : i32 to index
        %swap3A_452 = tpu.vector_load %arg11[%swap3A_450, %swap3A_451] {strides = array<i32>} : memref<8x1024xf32, #tpu.memory_space<vmem>>, vector<1x16xf32>,
        %swap3A_453 = vector.shape_cast %swap3A_452 : vector<1x16xf32> to vector<16xf32>
        %swap3A_454 = vector.shape_cast %get3A_449 : vector<16xf32> to vector<1x16xf32>
        tpu.vector_store %arg11[%swap3A_450, %swap3A_451], %swap3A_454 {add = true, strides = array<i32>} : memref<8x1024xf32, #tpu.memory_space<vmem>>, vector<1x16xf32>,
        %mul3A_455 = arith.constant 1024 : i32
        %mul3A_456 = arith.muli %scan3A_196, %mul3A_455 : i32
        %add3A_457 = arith.constant 320 : i32
        %add3A_458 = arith.addi %mul3A_456, %add3A_457 : i32
        %get3A_459 = arith.index_cast %scan3A_194 : i32 to index
        %get3A_460 = arith.index_cast %add3A_458 : i32 to index
        %get3A_461 = tpu.vector_load %arg7[%get3A_459, %get3A_460] {strides = array<i32>} : memref<8x1024xf32, #tpu.memory_space<vmem>>, vector<1x16xf32>,
        %get3A_462 = vector.shape_cast %get3A_461 : vector<1x16xf32> to vector<16xf32>
        %swap3A_463 = arith.index_cast %scan3A_194 : i32 to index
        %swap3A_464 = arith.index_cast %add3A_458 : i32 to index
        %swap3A_465 = tpu.vector_load %arg11[%swap3A_463, %swap3A_464] {strides = array<i32>} : memref<8x1024xf32, #tpu.memory_space<vmem>>, vector<1x16xf32>,
        %swap3A_466 = vector.shape_cast %swap3A_465 : vector<1x16xf32> to vector<16xf32>
        %swap3A_467 = vector.shape_cast %get3A_462 : vector<16xf32> to vector<1x16xf32>
        tpu.vector_store %arg11[%swap3A_463, %swap3A_464], %swap3A_467 {add = true, strides = array<i32>} : memref<8x1024xf32, #tpu.memory_space<vmem>>, vector<1x16xf32>,
        %mul3A_468 = arith.constant 1024 : i32
        %mul3A_469 = arith.muli %scan3A_196, %mul3A_468 : i32
        %add3A_470 = arith.constant 336 : i32
        %add3A_471 = arith.addi %mul3A_469, %add3A_470 : i32
        %get3A_472 = arith.index_cast %scan3A_194 : i32 to index
        %get3A_473 = arith.index_cast %add3A_471 : i32 to index
        %get3A_474 = tpu.vector_load %arg7[%get3A_472, %get3A_473] {strides = array<i32>} : memref<8x1024xf32, #tpu.memory_space<vmem>>, vector<1x16xf32>,
        %get3A_475 = vector.shape_cast %get3A_474 : vector<1x16xf32> to vector<16xf32>
        %swap3A_476 = arith.index_cast %scan3A_194 : i32 to index
        %swap3A_477 = arith.index_cast %add3A_471 : i32 to index
        %swap3A_478 = tpu.vector_load %arg11[%swap3A_476, %swap3A_477] {strides = array<i32>} : memref<8x1024xf32, #tpu.memory_space<vmem>>, vector<1x16xf32>,
        %swap3A_479 = vector.shape_cast %swap3A_478 : vector<1x16xf32> to vector<16xf32>
        %swap3A_480 = vector.shape_cast %get3A_475 : vector<16xf32> to vector<1x16xf32>
        tpu.vector_store %arg11[%swap3A_476, %swap3A_477], %swap3A_480 {add = true, strides = array<i32>} : memref<8x1024xf32, #tpu.memory_space<vmem>>, vector<1x16xf32>,
        %mul3A_481 = arith.constant 1024 : i32
        %mul3A_482 = arith.muli %scan3A_196, %mul3A_481 : i32
        %add3A_483 = arith.constant 352 : i32
        %add3A_484 = arith.addi %mul3A_482, %add3A_483 : i32
        %get3A_485 = arith.index_cast %scan3A_194 : i32 to index
        %get3A_486 = arith.index_cast %add3A_484 : i32 to index
        %get3A_487 = tpu.vector_load %arg7[%get3A_485, %get3A_486] {strides = array<i32>} : memref<8x1024xf32, #tpu.memory_space<vmem>>, vector<1x16xf32>,
        %get3A_488 = vector.shape_cast %get3A_487 : vector<1x16xf32> to vector<16xf32>
        %swap3A_489 = arith.index_cast %scan3A_194 : i32 to index
        %swap3A_490 = arith.index_cast %add3A_484 : i32 to index
        %swap3A_491 = tpu.vector_load %arg11[%swap3A_489, %swap3A_490] {strides = array<i32>} : memref<8x1024xf32, #tpu.memory_space<vmem>>, vector<1x16xf32>,
        %swap3A_492 = vector.shape_cast %swap3A_491 : vector<1x16xf32> to vector<16xf32>
        %swap3A_493 = vector.shape_cast %get3A_488 : vector<16xf32> to vector<1x16xf32>
        tpu.vector_store %arg11[%swap3A_489, %swap3A_490], %swap3A_493 {add = true, strides = array<i32>} : memref<8x1024xf32, #tpu.memory_space<vmem>>, vector<1x16xf32>,
        %mul3A_494 = arith.constant 1024 : i32
        %mul3A_495 = arith.muli %scan3A_196, %mul3A_494 : i32
        %add3A_496 = arith.constant 368 : i32
        %add3A_497 = arith.addi %mul3A_495, %add3A_496 : i32
        %get3A_498 = arith.index_cast %scan3A_194 : i32 to index
        %get3A_499 = arith.index_cast %add3A_497 : i32 to index
        %get3A_500 = tpu.vector_load %arg7[%get3A_498, %get3A_499] {strides = array<i32>} : memref<8x1024xf32, #tpu.memory_space<vmem>>, vector<1x16xf32>,
        %get3A_501 = vector.shape_cast %get3A_500 : vector<1x16xf32> to vector<16xf32>
        %swap3A_502 = arith.index_cast %scan3A_194 : i32 to index
        %swap3A_503 = arith.index_cast %add3A_497 : i32 to index
        %swap3A_504 = tpu.vector_load %arg11[%swap3A_502, %swap3A_503] {strides = array<i32>} : memref<8x1024xf32, #tpu.memory_space<vmem>>, vector<1x16xf32>,
        %swap3A_505 = vector.shape_cast %swap3A_504 : vector<1x16xf32> to vector<16xf32>
        %swap3A_506 = vector.shape_cast %get3A_501 : vector<16xf32> to vector<1x16xf32>
        tpu.vector_store %arg11[%swap3A_502, %swap3A_503], %swap3A_506 {add = true, strides = array<i32>} : memref<8x1024xf32, #tpu.memory_space<vmem>>, vector<1x16xf32>,
        %mul3A_507 = arith.constant 1024 : i32
        %mul3A_508 = arith.muli %scan3A_196, %mul3A_507 : i32
        %add3A_509 = arith.constant 384 : i32
        %add3A_510 = arith.addi %mul3A_508, %add3A_509 : i32
        %get3A_511 = arith.index_cast %scan3A_194 : i32 to index
        %get3A_512 = arith.index_cast %add3A_510 : i32 to index
        %get3A_513 = tpu.vector_load %arg7[%get3A_511, %get3A_512] {strides = array<i32>} : memref<8x1024xf32, #tpu.memory_space<vmem>>, vector<1x16xf32>,
        %get3A_514 = vector.shape_cast %get3A_513 : vector<1x16xf32> to vector<16xf32>
        %swap3A_515 = arith.index_cast %scan3A_194 : i32 to index
        %swap3A_516 = arith.index_cast %add3A_510 : i32 to index
        %swap3A_517 = tpu.vector_load %arg11[%swap3A_515, %swap3A_516] {strides = array<i32>} : memref<8x1024xf32, #tpu.memory_space<vmem>>, vector<1x16xf32>,
        %swap3A_518 = vector.shape_cast %swap3A_517 : vector<1x16xf32> to vector<16xf32>
        %swap3A_519 = vector.shape_cast %get3A_514 : vector<16xf32> to vector<1x16xf32>
        tpu.vector_store %arg11[%swap3A_515, %swap3A_516], %swap3A_519 {add = true, strides = array<i32>} : memref<8x1024xf32, #tpu.memory_space<vmem>>, vector<1x16xf32>,
        %mul3A_520 = arith.constant 1024 : i32
        %mul3A_521 = arith.muli %scan3A_196, %mul3A_520 : i32
        %add3A_522 = arith.constant 400 : i32
        %add3A_523 = arith.addi %mul3A_521, %add3A_522 : i32
        %get3A_524 = arith.index_cast %scan3A_194 : i32 to index
        %get3A_525 = arith.index_cast %add3A_523 : i32 to index
        %get3A_526 = tpu.vector_load %arg7[%get3A_524, %get3A_525] {strides = array<i32>} : memref<8x1024xf32, #tpu.memory_space<vmem>>, vector<1x16xf32>,
        %get3A_527 = vector.shape_cast %get3A_526 : vector<1x16xf32> to vector<16xf32>
        %swap3A_528 = arith.index_cast %scan3A_194 : i32 to index
        %swap3A_529 = arith.index_cast %add3A_523 : i32 to index
        %swap3A_530 = tpu.vector_load %arg11[%swap3A_528, %swap3A_529] {strides = array<i32>} : memref<8x1024xf32, #tpu.memory_space<vmem>>, vector<1x16xf32>,
        %swap3A_531 = vector.shape_cast %swap3A_530 : vector<1x16xf32> to vector<16xf32>
        %swap3A_532 = vector.shape_cast %get3A_527 : vector<16xf32> to vector<1x16xf32>
        tpu.vector_store %arg11[%swap3A_528, %swap3A_529], %swap3A_532 {add = true, strides = array<i32>} : memref<8x1024xf32, #tpu.memory_space<vmem>>, vector<1x16xf32>,
        %mul3A_533 = arith.constant 1024 : i32
        %mul3A_534 = arith.muli %scan3A_196, %mul3A_533 : i32
        %add3A_535 = arith.constant 416 : i32
        %add3A_536 = arith.addi %mul3A_534, %add3A_535 : i32
        %get3A_537 = arith.index_cast %scan3A_194 : i32 to index
        %get3A_538 = arith.index_cast %add3A_536 : i32 to index
        %get3A_539 = tpu.vector_load %arg7[%get3A_537, %get3A_538] {strides = array<i32>} : memref<8x1024xf32, #tpu.memory_space<vmem>>, vector<1x16xf32>,
        %get3A_540 = vector.shape_cast %get3A_539 : vector<1x16xf32> to vector<16xf32>
        %swap3A_541 = arith.index_cast %scan3A_194 : i32 to index
        %swap3A_542 = arith.index_cast %add3A_536 : i32 to index
        %swap3A_543 = tpu.vector_load %arg11[%swap3A_541, %swap3A_542] {strides = array<i32>} : memref<8x1024xf32, #tpu.memory_space<vmem>>, vector<1x16xf32>,
        %swap3A_544 = vector.shape_cast %swap3A_543 : vector<1x16xf32> to vector<16xf32>
        %swap3A_545 = vector.shape_cast %get3A_540 : vector<16xf32> to vector<1x16xf32>
        tpu.vector_store %arg11[%swap3A_541, %swap3A_542], %swap3A_545 {add = true, strides = array<i32>} : memref<8x1024xf32, #tpu.memory_space<vmem>>, vector<1x16xf32>,
        %mul3A_546 = arith.constant 1024 : i32
        %mul3A_547 = arith.muli %scan3A_196, %mul3A_546 : i32
        %add3A_548 = arith.constant 432 : i32
        %add3A_549 = arith.addi %mul3A_547, %add3A_548 : i32
        %get3A_550 = arith.index_cast %scan3A_194 : i32 to index
        %get3A_551 = arith.index_cast %add3A_549 : i32 to index
        %get3A_552 = tpu.vector_load %arg7[%get3A_550, %get3A_551] {strides = array<i32>} : memref<8x1024xf32, #tpu.memory_space<vmem>>, vector<1x16xf32>,
        %get3A_553 = vector.shape_cast %get3A_552 : vector<1x16xf32> to vector<16xf32>
        %swap3A_554 = arith.index_cast %scan3A_194 : i32 to index
        %swap3A_555 = arith.index_cast %add3A_549 : i32 to index
        %swap3A_556 = tpu.vector_load %arg11[%swap3A_554, %swap3A_555] {strides = array<i32>} : memref<8x1024xf32, #tpu.memory_space<vmem>>, vector<1x16xf32>,
        %swap3A_557 = vector.shape_cast %swap3A_556 : vector<1x16xf32> to vector<16xf32>
        %swap3A_558 = vector.shape_cast %get3A_553 : vector<16xf32> to vector<1x16xf32>
        tpu.vector_store %arg11[%swap3A_554, %swap3A_555], %swap3A_558 {add = true, strides = array<i32>} : memref<8x1024xf32, #tpu.memory_space<vmem>>, vector<1x16xf32>,
        %mul3A_559 = arith.constant 1024 : i32
        %mul3A_560 = arith.muli %scan3A_196, %mul3A_559 : i32
        %add3A_561 = arith.constant 448 : i32
        %add3A_562 = arith.addi %mul3A_560, %add3A_561 : i32
        %get3A_563 = arith.index_cast %scan3A_194 : i32 to index
        %get3A_564 = arith.index_cast %add3A_562 : i32 to index
        %get3A_565 = tpu.vector_load %arg7[%get3A_563, %get3A_564] {strides = array<i32>} : memref<8x1024xf32, #tpu.memory_space<vmem>>, vector<1x16xf32>,
        %get3A_566 = vector.shape_cast %get3A_565 : vector<1x16xf32> to vector<16xf32>
        %swap3A_567 = arith.index_cast %scan3A_194 : i32 to index
        %swap3A_568 = arith.index_cast %add3A_562 : i32 to index
        %swap3A_569 = tpu.vector_load %arg11[%swap3A_567, %swap3A_568] {strides = array<i32>} : memref<8x1024xf32, #tpu.memory_space<vmem>>, vector<1x16xf32>,
        %swap3A_570 = vector.shape_cast %swap3A_569 : vector<1x16xf32> to vector<16xf32>
        %swap3A_571 = vector.shape_cast %get3A_566 : vector<16xf32> to vector<1x16xf32>
        tpu.vector_store %arg11[%swap3A_567, %swap3A_568], %swap3A_571 {add = true, strides = array<i32>} : memref<8x1024xf32, #tpu.memory_space<vmem>>, vector<1x16xf32>,
        %mul3A_572 = arith.constant 1024 : i32
        %mul3A_573 = arith.muli %scan3A_196, %mul3A_572 : i32
        %add3A_574 = arith.constant 464 : i32
        %add3A_575 = arith.addi %mul3A_573, %add3A_574 : i32
        %get3A_576 = arith.index_cast %scan3A_194 : i32 to index
        %get3A_577 = arith.index_cast %add3A_575 : i32 to index
        %get3A_578 = tpu.vector_load %arg7[%get3A_576, %get3A_577] {strides = array<i32>} : memref<8x1024xf32, #tpu.memory_space<vmem>>, vector<1x16xf32>,
        %get3A_579 = vector.shape_cast %get3A_578 : vector<1x16xf32> to vector<16xf32>
        %swap3A_580 = arith.index_cast %scan3A_194 : i32 to index
        %swap3A_581 = arith.index_cast %add3A_575 : i32 to index
        %swap3A_582 = tpu.vector_load %arg11[%swap3A_580, %swap3A_581] {strides = array<i32>} : memref<8x1024xf32, #tpu.memory_space<vmem>>, vector<1x16xf32>,
        %swap3A_583 = vector.shape_cast %swap3A_582 : vector<1x16xf32> to vector<16xf32>
        %swap3A_584 = vector.shape_cast %get3A_579 : vector<16xf32> to vector<1x16xf32>
        tpu.vector_store %arg11[%swap3A_580, %swap3A_581], %swap3A_584 {add = true, strides = array<i32>} : memref<8x1024xf32, #tpu.memory_space<vmem>>, vector<1x16xf32>,
        %mul3A_585 = arith.constant 1024 : i32
        %mul3A_586 = arith.muli %scan3A_196, %mul3A_585 : i32
        %add3A_587 = arith.constant 480 : i32
        %add3A_588 = arith.addi %mul3A_586, %add3A_587 : i32
        %get3A_589 = arith.index_cast %scan3A_194 : i32 to index
        %get3A_590 = arith.index_cast %add3A_588 : i32 to index
        %get3A_591 = tpu.vector_load %arg7[%get3A_589, %get3A_590] {strides = array<i32>} : memref<8x1024xf32, #tpu.memory_space<vmem>>, vector<1x16xf32>,
        %get3A_592 = vector.shape_cast %get3A_591 : vector<1x16xf32> to vector<16xf32>
        %swap3A_593 = arith.index_cast %scan3A_194 : i32 to index
        %swap3A_594 = arith.index_cast %add3A_588 : i32 to index
        %swap3A_595 = tpu.vector_load %arg11[%swap3A_593, %swap3A_594] {strides = array<i32>} : memref<8x1024xf32, #tpu.memory_space<vmem>>, vector<1x16xf32>,
        %swap3A_596 = vector.shape_cast %swap3A_595 : vector<1x16xf32> to vector<16xf32>
        %swap3A_597 = vector.shape_cast %get3A_592 : vector<16xf32> to vector<1x16xf32>
        tpu.vector_store %arg11[%swap3A_593, %swap3A_594], %swap3A_597 {add = true, strides = array<i32>} : memref<8x1024xf32, #tpu.memory_space<vmem>>, vector<1x16xf32>,
        %mul3A_598 = arith.constant 1024 : i32
        %mul3A_599 = arith.muli %scan3A_196, %mul3A_598 : i32
        %add3A_600 = arith.constant 496 : i32
        %add3A_601 = arith.addi %mul3A_599, %add3A_600 : i32
        %get3A_602 = arith.index_cast %scan3A_194 : i32 to index
        %get3A_603 = arith.index_cast %add3A_601 : i32 to index
        %get3A_604 = tpu.vector_load %arg7[%get3A_602, %get3A_603] {strides = array<i32>} : memref<8x1024xf32, #tpu.memory_space<vmem>>, vector<1x16xf32>,
        %get3A_605 = vector.shape_cast %get3A_604 : vector<1x16xf32> to vector<16xf32>
        %swap3A_606 = arith.index_cast %scan3A_194 : i32 to index
        %swap3A_607 = arith.index_cast %add3A_601 : i32 to index
        %swap3A_608 = tpu.vector_load %arg11[%swap3A_606, %swap3A_607] {strides = array<i32>} : memref<8x1024xf32, #tpu.memory_space<vmem>>, vector<1x16xf32>,
        %swap3A_609 = vector.shape_cast %swap3A_608 : vector<1x16xf32> to vector<16xf32>
        %swap3A_610 = vector.shape_cast %get3A_605 : vector<16xf32> to vector<1x16xf32>
        tpu.vector_store %arg11[%swap3A_606, %swap3A_607], %swap3A_610 {add = true, strides = array<i32>} : memref<8x1024xf32, #tpu.memory_space<vmem>>, vector<1x16xf32>,
        %mul3A_611 = arith.constant 1024 : i32
        %mul3A_612 = arith.muli %scan3A_196, %mul3A_611 : i32
        %add3A_613 = arith.constant 512 : i32
        %add3A_614 = arith.addi %mul3A_612, %add3A_613 : i32
        %get3A_615 = arith.index_cast %scan3A_194 : i32 to index
        %get3A_616 = arith.index_cast %add3A_614 : i32 to index
        %get3A_617 = tpu.vector_load %arg7[%get3A_615, %get3A_616] {strides = array<i32>} : memref<8x1024xf32, #tpu.memory_space<vmem>>, vector<1x16xf32>,
        %get3A_618 = vector.shape_cast %get3A_617 : vector<1x16xf32> to vector<16xf32>
        %swap3A_619 = arith.index_cast %scan3A_194 : i32 to index
        %swap3A_620 = arith.index_cast %add3A_614 : i32 to index
        %swap3A_621 = tpu.vector_load %arg11[%swap3A_619, %swap3A_620] {strides = array<i32>} : memref<8x1024xf32, #tpu.memory_space<vmem>>, vector<1x16xf32>,
        %swap3A_622 = vector.shape_cast %swap3A_621 : vector<1x16xf32> to vector<16xf32>
        %swap3A_623 = vector.shape_cast %get3A_618 : vector<16xf32> to vector<1x16xf32>
        tpu.vector_store %arg11[%swap3A_619, %swap3A_620], %swap3A_623 {add = true, strides = array<i32>} : memref<8x1024xf32, #tpu.memory_space<vmem>>, vector<1x16xf32>,
        %mul3A_624 = arith.constant 1024 : i32
        %mul3A_625 = arith.muli %scan3A_196, %mul3A_624 : i32
        %add3A_626 = arith.constant 528 : i32
        %add3A_627 = arith.addi %mul3A_625, %add3A_626 : i32
        %get3A_628 = arith.index_cast %scan3A_194 : i32 to index
        %get3A_629 = arith.index_cast %add3A_627 : i32 to index
        %get3A_630 = tpu.vector_load %arg7[%get3A_628, %get3A_629] {strides = array<i32>} : memref<8x1024xf32, #tpu.memory_space<vmem>>, vector<1x16xf32>,
        %get3A_631 = vector.shape_cast %get3A_630 : vector<1x16xf32> to vector<16xf32>
        %swap3A_632 = arith.index_cast %scan3A_194 : i32 to index
        %swap3A_633 = arith.index_cast %add3A_627 : i32 to index
        %swap3A_634 = tpu.vector_load %arg11[%swap3A_632, %swap3A_633] {strides = array<i32>} : memref<8x1024xf32, #tpu.memory_space<vmem>>, vector<1x16xf32>,
        %swap3A_635 = vector.shape_cast %swap3A_634 : vector<1x16xf32> to vector<16xf32>
        %swap3A_636 = vector.shape_cast %get3A_631 : vector<16xf32> to vector<1x16xf32>
        tpu.vector_store %arg11[%swap3A_632, %swap3A_633], %swap3A_636 {add = true, strides = array<i32>} : memref<8x1024xf32, #tpu.memory_space<vmem>>, vector<1x16xf32>,
        %mul3A_637 = arith.constant 1024 : i32
        %mul3A_638 = arith.muli %scan3A_196, %mul3A_637 : i32
        %add3A_639 = arith.constant 544 : i32
        %add3A_640 = arith.addi %mul3A_638, %add3A_639 : i32
        %get3A_641 = arith.index_cast %scan3A_194 : i32 to index
        %get3A_642 = arith.index_cast %add3A_640 : i32 to index
        %get3A_643 = tpu.vector_load %arg7[%get3A_641, %get3A_642] {strides = array<i32>} : memref<8x1024xf32, #tpu.memory_space<vmem>>, vector<1x16xf32>,
        %get3A_644 = vector.shape_cast %get3A_643 : vector<1x16xf32> to vector<16xf32>
        %swap3A_645 = arith.index_cast %scan3A_194 : i32 to index
        %swap3A_646 = arith.index_cast %add3A_640 : i32 to index
        %swap3A_647 = tpu.vector_load %arg11[%swap3A_645, %swap3A_646] {strides = array<i32>} : memref<8x1024xf32, #tpu.memory_space<vmem>>, vector<1x16xf32>,
        %swap3A_648 = vector.shape_cast %swap3A_647 : vector<1x16xf32> to vector<16xf32>
        %swap3A_649 = vector.shape_cast %get3A_644 : vector<16xf32> to vector<1x16xf32>
        tpu.vector_store %arg11[%swap3A_645, %swap3A_646], %swap3A_649 {add = true, strides = array<i32>} : memref<8x1024xf32, #tpu.memory_space<vmem>>, vector<1x16xf32>,
        %mul3A_650 = arith.constant 1024 : i32
        %mul3A_651 = arith.muli %scan3A_196, %mul3A_650 : i32
        %add3A_652 = arith.constant 560 : i32
        %add3A_653 = arith.addi %mul3A_651, %add3A_652 : i32
        %get3A_654 = arith.index_cast %scan3A_194 : i32 to index
        %get3A_655 = arith.index_cast %add3A_653 : i32 to index
        %get3A_656 = tpu.vector_load %arg7[%get3A_654, %get3A_655] {strides = array<i32>} : memref<8x1024xf32, #tpu.memory_space<vmem>>, vector<1x16xf32>,
        %get3A_657 = vector.shape_cast %get3A_656 : vector<1x16xf32> to vector<16xf32>
        %swap3A_658 = arith.index_cast %scan3A_194 : i32 to index
        %swap3A_659 = arith.index_cast %add3A_653 : i32 to index
        %swap3A_660 = tpu.vector_load %arg11[%swap3A_658, %swap3A_659] {strides = array<i32>} : memref<8x1024xf32, #tpu.memory_space<vmem>>, vector<1x16xf32>,
        %swap3A_661 = vector.shape_cast %swap3A_660 : vector<1x16xf32> to vector<16xf32>
        %swap3A_662 = vector.shape_cast %get3A_657 : vector<16xf32> to vector<1x16xf32>
        tpu.vector_store %arg11[%swap3A_658, %swap3A_659], %swap3A_662 {add = true, strides = array<i32>} : memref<8x1024xf32, #tpu.memory_space<vmem>>, vector<1x16xf32>,
        %mul3A_663 = arith.constant 1024 : i32
        %mul3A_664 = arith.muli %scan3A_196, %mul3A_663 : i32
        %add3A_665 = arith.constant 576 : i32
        %add3A_666 = arith.addi %mul3A_664, %add3A_665 : i32
        %get3A_667 = arith.index_cast %scan3A_194 : i32 to index
        %get3A_668 = arith.index_cast %add3A_666 : i32 to index
        %get3A_669 = tpu.vector_load %arg7[%get3A_667, %get3A_668] {strides = array<i32>} : memref<8x1024xf32, #tpu.memory_space<vmem>>, vector<1x16xf32>,
        %get3A_670 = vector.shape_cast %get3A_669 : vector<1x16xf32> to vector<16xf32>
        %swap3A_671 = arith.index_cast %scan3A_194 : i32 to index
        %swap3A_672 = arith.index_cast %add3A_666 : i32 to index
        %swap3A_673 = tpu.vector_load %arg11[%swap3A_671, %swap3A_672] {strides = array<i32>} : memref<8x1024xf32, #tpu.memory_space<vmem>>, vector<1x16xf32>,
        %swap3A_674 = vector.shape_cast %swap3A_673 : vector<1x16xf32> to vector<16xf32>
        %swap3A_675 = vector.shape_cast %get3A_670 : vector<16xf32> to vector<1x16xf32>
        tpu.vector_store %arg11[%swap3A_671, %swap3A_672], %swap3A_675 {add = true, strides = array<i32>} : memref<8x1024xf32, #tpu.memory_space<vmem>>, vector<1x16xf32>,
        %mul3A_676 = arith.constant 1024 : i32
        %mul3A_677 = arith.muli %scan3A_196, %mul3A_676 : i32
        %add3A_678 = arith.constant 592 : i32
        %add3A_679 = arith.addi %mul3A_677, %add3A_678 : i32
        %get3A_680 = arith.index_cast %scan3A_194 : i32 to index
        %get3A_681 = arith.index_cast %add3A_679 : i32 to index
        %get3A_682 = tpu.vector_load %arg7[%get3A_680, %get3A_681] {strides = array<i32>} : memref<8x1024xf32, #tpu.memory_space<vmem>>, vector<1x16xf32>,
        %get3A_683 = vector.shape_cast %get3A_682 : vector<1x16xf32> to vector<16xf32>
        %swap3A_684 = arith.index_cast %scan3A_194 : i32 to index
        %swap3A_685 = arith.index_cast %add3A_679 : i32 to index
        %swap3A_686 = tpu.vector_load %arg11[%swap3A_684, %swap3A_685] {strides = array<i32>} : memref<8x1024xf32, #tpu.memory_space<vmem>>, vector<1x16xf32>,
        %swap3A_687 = vector.shape_cast %swap3A_686 : vector<1x16xf32> to vector<16xf32>
        %swap3A_688 = vector.shape_cast %get3A_683 : vector<16xf32> to vector<1x16xf32>
        tpu.vector_store %arg11[%swap3A_684, %swap3A_685], %swap3A_688 {add = true, strides = array<i32>} : memref<8x1024xf32, #tpu.memory_space<vmem>>, vector<1x16xf32>,
        %mul3A_689 = arith.constant 1024 : i32
        %mul3A_690 = arith.muli %scan3A_196, %mul3A_689 : i32
        %add3A_691 = arith.constant 608 : i32
        %add3A_692 = arith.addi %mul3A_690, %add3A_691 : i32
        %get3A_693 = arith.index_cast %scan3A_194 : i32 to index
        %get3A_694 = arith.index_cast %add3A_692 : i32 to index
        %get3A_695 = tpu.vector_load %arg7[%get3A_693, %get3A_694] {strides = array<i32>} : memref<8x1024xf32, #tpu.memory_space<vmem>>, vector<1x16xf32>,
        %get3A_696 = vector.shape_cast %get3A_695 : vector<1x16xf32> to vector<16xf32>
        %swap3A_697 = arith.index_cast %scan3A_194 : i32 to index
        %swap3A_698 = arith.index_cast %add3A_692 : i32 to index
        %swap3A_699 = tpu.vector_load %arg11[%swap3A_697, %swap3A_698] {strides = array<i32>} : memref<8x1024xf32, #tpu.memory_space<vmem>>, vector<1x16xf32>,
        %swap3A_700 = vector.shape_cast %swap3A_699 : vector<1x16xf32> to vector<16xf32>
        %swap3A_701 = vector.shape_cast %get3A_696 : vector<16xf32> to vector<1x16xf32>
        tpu.vector_store %arg11[%swap3A_697, %swap3A_698], %swap3A_701 {add = true, strides = array<i32>} : memref<8x1024xf32, #tpu.memory_space<vmem>>, vector<1x16xf32>,
        %mul3A_702 = arith.constant 1024 : i32
        %mul3A_703 = arith.muli %scan3A_196, %mul3A_702 : i32
        %add3A_704 = arith.constant 624 : i32
        %add3A_705 = arith.addi %mul3A_703, %add3A_704 : i32
        %get3A_706 = arith.index_cast %scan3A_194 : i32 to index
        %get3A_707 = arith.index_cast %add3A_705 : i32 to index
        %get3A_708 = tpu.vector_load %arg7[%get3A_706, %get3A_707] {strides = array<i32>} : memref<8x1024xf32, #tpu.memory_space<vmem>>, vector<1x16xf32>,
        %get3A_709 = vector.shape_cast %get3A_708 : vector<1x16xf32> to vector<16xf32>
        %swap3A_710 = arith.index_cast %scan3A_194 : i32 to index
        %swap3A_711 = arith.index_cast %add3A_705 : i32 to index
        %swap3A_712 = tpu.vector_load %arg11[%swap3A_710, %swap3A_711] {strides = array<i32>} : memref<8x1024xf32, #tpu.memory_space<vmem>>, vector<1x16xf32>,
        %swap3A_713 = vector.shape_cast %swap3A_712 : vector<1x16xf32> to vector<16xf32>
        %swap3A_714 = vector.shape_cast %get3A_709 : vector<16xf32> to vector<1x16xf32>
        tpu.vector_store %arg11[%swap3A_710, %swap3A_711], %swap3A_714 {add = true, strides = array<i32>} : memref<8x1024xf32, #tpu.memory_space<vmem>>, vector<1x16xf32>,
        %mul3A_715 = arith.constant 1024 : i32
        %mul3A_716 = arith.muli %scan3A_196, %mul3A_715 : i32
        %add3A_717 = arith.constant 640 : i32
        %add3A_718 = arith.addi %mul3A_716, %add3A_717 : i32
        %get3A_719 = arith.index_cast %scan3A_194 : i32 to index
        %get3A_720 = arith.index_cast %add3A_718 : i32 to index
        %get3A_721 = tpu.vector_load %arg7[%get3A_719, %get3A_720] {strides = array<i32>} : memref<8x1024xf32, #tpu.memory_space<vmem>>, vector<1x16xf32>,
        %get3A_722 = vector.shape_cast %get3A_721 : vector<1x16xf32> to vector<16xf32>
        %swap3A_723 = arith.index_cast %scan3A_194 : i32 to index
        %swap3A_724 = arith.index_cast %add3A_718 : i32 to index
        %swap3A_725 = tpu.vector_load %arg11[%swap3A_723, %swap3A_724] {strides = array<i32>} : memref<8x1024xf32, #tpu.memory_space<vmem>>, vector<1x16xf32>,
        %swap3A_726 = vector.shape_cast %swap3A_725 : vector<1x16xf32> to vector<16xf32>
        %swap3A_727 = vector.shape_cast %get3A_722 : vector<16xf32> to vector<1x16xf32>
        tpu.vector_store %arg11[%swap3A_723, %swap3A_724], %swap3A_727 {add = true, strides = array<i32>} : memref<8x1024xf32, #tpu.memory_space<vmem>>, vector<1x16xf32>,
        %mul3A_728 = arith.constant 1024 : i32
        %mul3A_729 = arith.muli %scan3A_196, %mul3A_728 : i32
        %add3A_730 = arith.constant 656 : i32
        %add3A_731 = arith.addi %mul3A_729, %add3A_730 : i32
        %get3A_732 = arith.index_cast %scan3A_194 : i32 to index
        %get3A_733 = arith.index_cast %add3A_731 : i32 to index
        %get3A_734 = tpu.vector_load %arg7[%get3A_732, %get3A_733] {strides = array<i32>} : memref<8x1024xf32, #tpu.memory_space<vmem>>, vector<1x16xf32>,
        %get3A_735 = vector.shape_cast %get3A_734 : vector<1x16xf32> to vector<16xf32>
        %swap3A_736 = arith.index_cast %scan3A_194 : i32 to index
        %swap3A_737 = arith.index_cast %add3A_731 : i32 to index
        %swap3A_738 = tpu.vector_load %arg11[%swap3A_736, %swap3A_737] {strides = array<i32>} : memref<8x1024xf32, #tpu.memory_space<vmem>>, vector<1x16xf32>,
        %swap3A_739 = vector.shape_cast %swap3A_738 : vector<1x16xf32> to vector<16xf32>
        %swap3A_740 = vector.shape_cast %get3A_735 : vector<16xf32> to vector<1x16xf32>
        tpu.vector_store %arg11[%swap3A_736, %swap3A_737], %swap3A_740 {add = true, strides = array<i32>} : memref<8x1024xf32, #tpu.memory_space<vmem>>, vector<1x16xf32>,
        %mul3A_741 = arith.constant 1024 : i32
        %mul3A_742 = arith.muli %scan3A_196, %mul3A_741 : i32
        %add3A_743 = arith.constant 672 : i32
        %add3A_744 = arith.addi %mul3A_742, %add3A_743 : i32
        %get3A_745 = arith.index_cast %scan3A_194 : i32 to index
        %get3A_746 = arith.index_cast %add3A_744 : i32 to index
        %get3A_747 = tpu.vector_load %arg7[%get3A_745, %get3A_746] {strides = array<i32>} : memref<8x1024xf32, #tpu.memory_space<vmem>>, vector<1x16xf32>,
        %get3A_748 = vector.shape_cast %get3A_747 : vector<1x16xf32> to vector<16xf32>
        %swap3A_749 = arith.index_cast %scan3A_194 : i32 to index
        %swap3A_750 = arith.index_cast %add3A_744 : i32 to index
        %swap3A_751 = tpu.vector_load %arg11[%swap3A_749, %swap3A_750] {strides = array<i32>} : memref<8x1024xf32, #tpu.memory_space<vmem>>, vector<1x16xf32>,
        %swap3A_752 = vector.shape_cast %swap3A_751 : vector<1x16xf32> to vector<16xf32>
        %swap3A_753 = vector.shape_cast %get3A_748 : vector<16xf32> to vector<1x16xf32>
        tpu.vector_store %arg11[%swap3A_749, %swap3A_750], %swap3A_753 {add = true, strides = array<i32>} : memref<8x1024xf32, #tpu.memory_space<vmem>>, vector<1x16xf32>,
        %mul3A_754 = arith.constant 1024 : i32
        %mul3A_755 = arith.muli %scan3A_196, %mul3A_754 : i32
        %add3A_756 = arith.constant 688 : i32
        %add3A_757 = arith.addi %mul3A_755, %add3A_756 : i32
        %get3A_758 = arith.index_cast %scan3A_194 : i32 to index
        %get3A_759 = arith.index_cast %add3A_757 : i32 to index
        %get3A_760 = tpu.vector_load %arg7[%get3A_758, %get3A_759] {strides = array<i32>} : memref<8x1024xf32, #tpu.memory_space<vmem>>, vector<1x16xf32>,
        %get3A_761 = vector.shape_cast %get3A_760 : vector<1x16xf32> to vector<16xf32>
        %swap3A_762 = arith.index_cast %scan3A_194 : i32 to index
        %swap3A_763 = arith.index_cast %add3A_757 : i32 to index
        %swap3A_764 = tpu.vector_load %arg11[%swap3A_762, %swap3A_763] {strides = array<i32>} : memref<8x1024xf32, #tpu.memory_space<vmem>>, vector<1x16xf32>,
        %swap3A_765 = vector.shape_cast %swap3A_764 : vector<1x16xf32> to vector<16xf32>
        %swap3A_766 = vector.shape_cast %get3A_761 : vector<16xf32> to vector<1x16xf32>
        tpu.vector_store %arg11[%swap3A_762, %swap3A_763], %swap3A_766 {add = true, strides = array<i32>} : memref<8x1024xf32, #tpu.memory_space<vmem>>, vector<1x16xf32>,
        %mul3A_767 = arith.constant 1024 : i32
        %mul3A_768 = arith.muli %scan3A_196, %mul3A_767 : i32
        %add3A_769 = arith.constant 704 : i32
        %add3A_770 = arith.addi %mul3A_768, %add3A_769 : i32
        %get3A_771 = arith.index_cast %scan3A_194 : i32 to index
        %get3A_772 = arith.index_cast %add3A_770 : i32 to index
        %get3A_773 = tpu.vector_load %arg7[%get3A_771, %get3A_772] {strides = array<i32>} : memref<8x1024xf32, #tpu.memory_space<vmem>>, vector<1x16xf32>,
        %get3A_774 = vector.shape_cast %get3A_773 : vector<1x16xf32> to vector<16xf32>
        %swap3A_775 = arith.index_cast %scan3A_194 : i32 to index
        %swap3A_776 = arith.index_cast %add3A_770 : i32 to index
        %swap3A_777 = tpu.vector_load %arg11[%swap3A_775, %swap3A_776] {strides = array<i32>} : memref<8x1024xf32, #tpu.memory_space<vmem>>, vector<1x16xf32>,
        %swap3A_778 = vector.shape_cast %swap3A_777 : vector<1x16xf32> to vector<16xf32>
        %swap3A_779 = vector.shape_cast %get3A_774 : vector<16xf32> to vector<1x16xf32>
        tpu.vector_store %arg11[%swap3A_775, %swap3A_776], %swap3A_779 {add = true, strides = array<i32>} : memref<8x1024xf32, #tpu.memory_space<vmem>>, vector<1x16xf32>,
        %mul3A_780 = arith.constant 1024 : i32
        %mul3A_781 = arith.muli %scan3A_196, %mul3A_780 : i32
        %add3A_782 = arith.constant 720 : i32
        %add3A_783 = arith.addi %mul3A_781, %add3A_782 : i32
        %get3A_784 = arith.index_cast %scan3A_194 : i32 to index
        %get3A_785 = arith.index_cast %add3A_783 : i32 to index
        %get3A_786 = tpu.vector_load %arg7[%get3A_784, %get3A_785] {strides = array<i32>} : memref<8x1024xf32, #tpu.memory_space<vmem>>, vector<1x16xf32>,
        %get3A_787 = vector.shape_cast %get3A_786 : vector<1x16xf32> to vector<16xf32>
        %swap3A_788 = arith.index_cast %scan3A_194 : i32 to index
        %swap3A_789 = arith.index_cast %add3A_783 : i32 to index
        %swap3A_790 = tpu.vector_load %arg11[%swap3A_788, %swap3A_789] {strides = array<i32>} : memref<8x1024xf32, #tpu.memory_space<vmem>>, vector<1x16xf32>,
        %swap3A_791 = vector.shape_cast %swap3A_790 : vector<1x16xf32> to vector<16xf32>
        %swap3A_792 = vector.shape_cast %get3A_787 : vector<16xf32> to vector<1x16xf32>
        tpu.vector_store %arg11[%swap3A_788, %swap3A_789], %swap3A_792 {add = true, strides = array<i32>} : memref<8x1024xf32, #tpu.memory_space<vmem>>, vector<1x16xf32>,
        %mul3A_793 = arith.constant 1024 : i32
        %mul3A_794 = arith.muli %scan3A_196, %mul3A_793 : i32
        %add3A_795 = arith.constant 736 : i32
        %add3A_796 = arith.addi %mul3A_794, %add3A_795 : i32
        %get3A_797 = arith.index_cast %scan3A_194 : i32 to index
        %get3A_798 = arith.index_cast %add3A_796 : i32 to index
        %get3A_799 = tpu.vector_load %arg7[%get3A_797, %get3A_798] {strides = array<i32>} : memref<8x1024xf32, #tpu.memory_space<vmem>>, vector<1x16xf32>,
        %get3A_800 = vector.shape_cast %get3A_799 : vector<1x16xf32> to vector<16xf32>
        %swap3A_801 = arith.index_cast %scan3A_194 : i32 to index
        %swap3A_802 = arith.index_cast %add3A_796 : i32 to index
        %swap3A_803 = tpu.vector_load %arg11[%swap3A_801, %swap3A_802] {strides = array<i32>} : memref<8x1024xf32, #tpu.memory_space<vmem>>, vector<1x16xf32>,
        %swap3A_804 = vector.shape_cast %swap3A_803 : vector<1x16xf32> to vector<16xf32>
        %swap3A_805 = vector.shape_cast %get3A_800 : vector<16xf32> to vector<1x16xf32>
        tpu.vector_store %arg11[%swap3A_801, %swap3A_802], %swap3A_805 {add = true, strides = array<i32>} : memref<8x1024xf32, #tpu.memory_space<vmem>>, vector<1x16xf32>,
        %mul3A_806 = arith.constant 1024 : i32
        %mul3A_807 = arith.muli %scan3A_196, %mul3A_806 : i32
        %add3A_808 = arith.constant 752 : i32
        %add3A_809 = arith.addi %mul3A_807, %add3A_808 : i32
        %get3A_810 = arith.index_cast %scan3A_194 : i32 to index
        %get3A_811 = arith.index_cast %add3A_809 : i32 to index
        %get3A_812 = tpu.vector_load %arg7[%get3A_810, %get3A_811] {strides = array<i32>} : memref<8x1024xf32, #tpu.memory_space<vmem>>, vector<1x16xf32>,
        %get3A_813 = vector.shape_cast %get3A_812 : vector<1x16xf32> to vector<16xf32>
        %swap3A_814 = arith.index_cast %scan3A_194 : i32 to index
        %swap3A_815 = arith.index_cast %add3A_809 : i32 to index
        %swap3A_816 = tpu.vector_load %arg11[%swap3A_814, %swap3A_815] {strides = array<i32>} : memref<8x1024xf32, #tpu.memory_space<vmem>>, vector<1x16xf32>,
        %swap3A_817 = vector.shape_cast %swap3A_816 : vector<1x16xf32> to vector<16xf32>
        %swap3A_818 = vector.shape_cast %get3A_813 : vector<16xf32> to vector<1x16xf32>
        tpu.vector_store %arg11[%swap3A_814, %swap3A_815], %swap3A_818 {add = true, strides = array<i32>} : memref<8x1024xf32, #tpu.memory_space<vmem>>, vector<1x16xf32>,
        %mul3A_819 = arith.constant 1024 : i32
        %mul3A_820 = arith.muli %scan3A_196, %mul3A_819 : i32
        %add3A_821 = arith.constant 768 : i32
        %add3A_822 = arith.addi %mul3A_820, %add3A_821 : i32
        %get3A_823 = arith.index_cast %scan3A_194 : i32 to index
        %get3A_824 = arith.index_cast %add3A_822 : i32 to index
        %get3A_825 = tpu.vector_load %arg7[%get3A_823, %get3A_824] {strides = array<i32>} : memref<8x1024xf32, #tpu.memory_space<vmem>>, vector<1x16xf32>,
        %get3A_826 = vector.shape_cast %get3A_825 : vector<1x16xf32> to vector<16xf32>
        %swap3A_827 = arith.index_cast %scan3A_194 : i32 to index
        %swap3A_828 = arith.index_cast %add3A_822 : i32 to index
        %swap3A_829 = tpu.vector_load %arg11[%swap3A_827, %swap3A_828] {strides = array<i32>} : memref<8x1024xf32, #tpu.memory_space<vmem>>, vector<1x16xf32>,
        %swap3A_830 = vector.shape_cast %swap3A_829 : vector<1x16xf32> to vector<16xf32>
        %swap3A_831 = vector.shape_cast %get3A_826 : vector<16xf32> to vector<1x16xf32>
        tpu.vector_store %arg11[%swap3A_827, %swap3A_828], %swap3A_831 {add = true, strides = array<i32>} : memref<8x1024xf32, #tpu.memory_space<vmem>>, vector<1x16xf32>,
        %mul3A_832 = arith.constant 1024 : i32
        %mul3A_833 = arith.muli %scan3A_196, %mul3A_832 : i32
        %add3A_834 = arith.constant 784 : i32
        %add3A_835 = arith.addi %mul3A_833, %add3A_834 : i32
        %get3A_836 = arith.index_cast %scan3A_194 : i32 to index
        %get3A_837 = arith.index_cast %add3A_835 : i32 to index
        %get3A_838 = tpu.vector_load %arg7[%get3A_836, %get3A_837] {strides = array<i32>} : memref<8x1024xf32, #tpu.memory_space<vmem>>, vector<1x16xf32>,
        %get3A_839 = vector.shape_cast %get3A_838 : vector<1x16xf32> to vector<16xf32>
        %swap3A_840 = arith.index_cast %scan3A_194 : i32 to index
        %swap3A_841 = arith.index_cast %add3A_835 : i32 to index
        %swap3A_842 = tpu.vector_load %arg11[%swap3A_840, %swap3A_841] {strides = array<i32>} : memref<8x1024xf32, #tpu.memory_space<vmem>>, vector<1x16xf32>,
        %swap3A_843 = vector.shape_cast %swap3A_842 : vector<1x16xf32> to vector<16xf32>
        %swap3A_844 = vector.shape_cast %get3A_839 : vector<16xf32> to vector<1x16xf32>
        tpu.vector_store %arg11[%swap3A_840, %swap3A_841], %swap3A_844 {add = true, strides = array<i32>} : memref<8x1024xf32, #tpu.memory_space<vmem>>, vector<1x16xf32>,
        %mul3A_845 = arith.constant 1024 : i32
        %mul3A_846 = arith.muli %scan3A_196, %mul3A_845 : i32
        %add3A_847 = arith.constant 800 : i32
        %add3A_848 = arith.addi %mul3A_846, %add3A_847 : i32
        %get3A_849 = arith.index_cast %scan3A_194 : i32 to index
        %get3A_850 = arith.index_cast %add3A_848 : i32 to index
        %get3A_851 = tpu.vector_load %arg7[%get3A_849, %get3A_850] {strides = array<i32>} : memref<8x1024xf32, #tpu.memory_space<vmem>>, vector<1x16xf32>,
        %get3A_852 = vector.shape_cast %get3A_851 : vector<1x16xf32> to vector<16xf32>
        %swap3A_853 = arith.index_cast %scan3A_194 : i32 to index
        %swap3A_854 = arith.index_cast %add3A_848 : i32 to index
        %swap3A_855 = tpu.vector_load %arg11[%swap3A_853, %swap3A_854] {strides = array<i32>} : memref<8x1024xf32, #tpu.memory_space<vmem>>, vector<1x16xf32>,
        %swap3A_856 = vector.shape_cast %swap3A_855 : vector<1x16xf32> to vector<16xf32>
        %swap3A_857 = vector.shape_cast %get3A_852 : vector<16xf32> to vector<1x16xf32>
        tpu.vector_store %arg11[%swap3A_853, %swap3A_854], %swap3A_857 {add = true, strides = array<i32>} : memref<8x1024xf32, #tpu.memory_space<vmem>>, vector<1x16xf32>,
        %mul3A_858 = arith.constant 1024 : i32
        %mul3A_859 = arith.muli %scan3A_196, %mul3A_858 : i32
        %add3A_860 = arith.constant 816 : i32
        %add3A_861 = arith.addi %mul3A_859, %add3A_860 : i32
        %get3A_862 = arith.index_cast %scan3A_194 : i32 to index
        %get3A_863 = arith.index_cast %add3A_861 : i32 to index
        %get3A_864 = tpu.vector_load %arg7[%get3A_862, %get3A_863] {strides = array<i32>} : memref<8x1024xf32, #tpu.memory_space<vmem>>, vector<1x16xf32>,
        %get3A_865 = vector.shape_cast %get3A_864 : vector<1x16xf32> to vector<16xf32>
        %swap3A_866 = arith.index_cast %scan3A_194 : i32 to index
        %swap3A_867 = arith.index_cast %add3A_861 : i32 to index
        %swap3A_868 = tpu.vector_load %arg11[%swap3A_866, %swap3A_867] {strides = array<i32>} : memref<8x1024xf32, #tpu.memory_space<vmem>>, vector<1x16xf32>,
        %swap3A_869 = vector.shape_cast %swap3A_868 : vector<1x16xf32> to vector<16xf32>
        %swap3A_870 = vector.shape_cast %get3A_865 : vector<16xf32> to vector<1x16xf32>
        tpu.vector_store %arg11[%swap3A_866, %swap3A_867], %swap3A_870 {add = true, strides = array<i32>} : memref<8x1024xf32, #tpu.memory_space<vmem>>, vector<1x16xf32>,
        %mul3A_871 = arith.constant 1024 : i32
        %mul3A_872 = arith.muli %scan3A_196, %mul3A_871 : i32
        %add3A_873 = arith.constant 832 : i32
        %add3A_874 = arith.addi %mul3A_872, %add3A_873 : i32
        %get3A_875 = arith.index_cast %scan3A_194 : i32 to index
        %get3A_876 = arith.index_cast %add3A_874 : i32 to index
        %get3A_877 = tpu.vector_load %arg7[%get3A_875, %get3A_876] {strides = array<i32>} : memref<8x1024xf32, #tpu.memory_space<vmem>>, vector<1x16xf32>,
        %get3A_878 = vector.shape_cast %get3A_877 : vector<1x16xf32> to vector<16xf32>
        %swap3A_879 = arith.index_cast %scan3A_194 : i32 to index
        %swap3A_880 = arith.index_cast %add3A_874 : i32 to index
        %swap3A_881 = tpu.vector_load %arg11[%swap3A_879, %swap3A_880] {strides = array<i32>} : memref<8x1024xf32, #tpu.memory_space<vmem>>, vector<1x16xf32>,
        %swap3A_882 = vector.shape_cast %swap3A_881 : vector<1x16xf32> to vector<16xf32>
        %swap3A_883 = vector.shape_cast %get3A_878 : vector<16xf32> to vector<1x16xf32>
        tpu.vector_store %arg11[%swap3A_879, %swap3A_880], %swap3A_883 {add = true, strides = array<i32>} : memref<8x1024xf32, #tpu.memory_space<vmem>>, vector<1x16xf32>,
        %mul3A_884 = arith.constant 1024 : i32
        %mul3A_885 = arith.muli %scan3A_196, %mul3A_884 : i32
        %add3A_886 = arith.constant 848 : i32
        %add3A_887 = arith.addi %mul3A_885, %add3A_886 : i32
        %get3A_888 = arith.index_cast %scan3A_194 : i32 to index
        %get3A_889 = arith.index_cast %add3A_887 : i32 to index
        %get3A_890 = tpu.vector_load %arg7[%get3A_888, %get3A_889] {strides = array<i32>} : memref<8x1024xf32, #tpu.memory_space<vmem>>, vector<1x16xf32>,
        %get3A_891 = vector.shape_cast %get3A_890 : vector<1x16xf32> to vector<16xf32>
        %swap3A_892 = arith.index_cast %scan3A_194 : i32 to index
        %swap3A_893 = arith.index_cast %add3A_887 : i32 to index
        %swap3A_894 = tpu.vector_load %arg11[%swap3A_892, %swap3A_893] {strides = array<i32>} : memref<8x1024xf32, #tpu.memory_space<vmem>>, vector<1x16xf32>,
        %swap3A_895 = vector.shape_cast %swap3A_894 : vector<1x16xf32> to vector<16xf32>
        %swap3A_896 = vector.shape_cast %get3A_891 : vector<16xf32> to vector<1x16xf32>
        tpu.vector_store %arg11[%swap3A_892, %swap3A_893], %swap3A_896 {add = true, strides = array<i32>} : memref<8x1024xf32, #tpu.memory_space<vmem>>, vector<1x16xf32>,
        %mul3A_897 = arith.constant 1024 : i32
        %mul3A_898 = arith.muli %scan3A_196, %mul3A_897 : i32
        %add3A_899 = arith.constant 864 : i32
        %add3A_900 = arith.addi %mul3A_898, %add3A_899 : i32
        %get3A_901 = arith.index_cast %scan3A_194 : i32 to index
        %get3A_902 = arith.index_cast %add3A_900 : i32 to index
        %get3A_903 = tpu.vector_load %arg7[%get3A_901, %get3A_902] {strides = array<i32>} : memref<8x1024xf32, #tpu.memory_space<vmem>>, vector<1x16xf32>,
        %get3A_904 = vector.shape_cast %get3A_903 : vector<1x16xf32> to vector<16xf32>
        %swap3A_905 = arith.index_cast %scan3A_194 : i32 to index
        %swap3A_906 = arith.index_cast %add3A_900 : i32 to index
        %swap3A_907 = tpu.vector_load %arg11[%swap3A_905, %swap3A_906] {strides = array<i32>} : memref<8x1024xf32, #tpu.memory_space<vmem>>, vector<1x16xf32>,
        %swap3A_908 = vector.shape_cast %swap3A_907 : vector<1x16xf32> to vector<16xf32>
        %swap3A_909 = vector.shape_cast %get3A_904 : vector<16xf32> to vector<1x16xf32>
        tpu.vector_store %arg11[%swap3A_905, %swap3A_906], %swap3A_909 {add = true, strides = array<i32>} : memref<8x1024xf32, #tpu.memory_space<vmem>>, vector<1x16xf32>,
        %mul3A_910 = arith.constant 1024 : i32
        %mul3A_911 = arith.muli %scan3A_196, %mul3A_910 : i32
        %add3A_912 = arith.constant 880 : i32
        %add3A_913 = arith.addi %mul3A_911, %add3A_912 : i32
        %get3A_914 = arith.index_cast %scan3A_194 : i32 to index
        %get3A_915 = arith.index_cast %add3A_913 : i32 to index
        %get3A_916 = tpu.vector_load %arg7[%get3A_914, %get3A_915] {strides = array<i32>} : memref<8x1024xf32, #tpu.memory_space<vmem>>, vector<1x16xf32>,
        %get3A_917 = vector.shape_cast %get3A_916 : vector<1x16xf32> to vector<16xf32>
        %swap3A_918 = arith.index_cast %scan3A_194 : i32 to index
        %swap3A_919 = arith.index_cast %add3A_913 : i32 to index
        %swap3A_920 = tpu.vector_load %arg11[%swap3A_918, %swap3A_919] {strides = array<i32>} : memref<8x1024xf32, #tpu.memory_space<vmem>>, vector<1x16xf32>,
        %swap3A_921 = vector.shape_cast %swap3A_920 : vector<1x16xf32> to vector<16xf32>
        %swap3A_922 = vector.shape_cast %get3A_917 : vector<16xf32> to vector<1x16xf32>
        tpu.vector_store %arg11[%swap3A_918, %swap3A_919], %swap3A_922 {add = true, strides = array<i32>} : memref<8x1024xf32, #tpu.memory_space<vmem>>, vector<1x16xf32>,
        %mul3A_923 = arith.constant 1024 : i32
        %mul3A_924 = arith.muli %scan3A_196, %mul3A_923 : i32
        %add3A_925 = arith.constant 896 : i32
        %add3A_926 = arith.addi %mul3A_924, %add3A_925 : i32
        %get3A_927 = arith.index_cast %scan3A_194 : i32 to index
        %get3A_928 = arith.index_cast %add3A_926 : i32 to index
        %get3A_929 = tpu.vector_load %arg7[%get3A_927, %get3A_928] {strides = array<i32>} : memref<8x1024xf32, #tpu.memory_space<vmem>>, vector<1x16xf32>,
        %get3A_930 = vector.shape_cast %get3A_929 : vector<1x16xf32> to vector<16xf32>
        %swap3A_931 = arith.index_cast %scan3A_194 : i32 to index
        %swap3A_932 = arith.index_cast %add3A_926 : i32 to index
        %swap3A_933 = tpu.vector_load %arg11[%swap3A_931, %swap3A_932] {strides = array<i32>} : memref<8x1024xf32, #tpu.memory_space<vmem>>, vector<1x16xf32>,
        %swap3A_934 = vector.shape_cast %swap3A_933 : vector<1x16xf32> to vector<16xf32>
        %swap3A_935 = vector.shape_cast %get3A_930 : vector<16xf32> to vector<1x16xf32>
        tpu.vector_store %arg11[%swap3A_931, %swap3A_932], %swap3A_935 {add = true, strides = array<i32>} : memref<8x1024xf32, #tpu.memory_space<vmem>>, vector<1x16xf32>,
        %mul3A_936 = arith.constant 1024 : i32
        %mul3A_937 = arith.muli %scan3A_196, %mul3A_936 : i32
        %add3A_938 = arith.constant 912 : i32
        %add3A_939 = arith.addi %mul3A_937, %add3A_938 : i32
        %get3A_940 = arith.index_cast %scan3A_194 : i32 to index
        %get3A_941 = arith.index_cast %add3A_939 : i32 to index
        %get3A_942 = tpu.vector_load %arg7[%get3A_940, %get3A_941] {strides = array<i32>} : memref<8x1024xf32, #tpu.memory_space<vmem>>, vector<1x16xf32>,
        %get3A_943 = vector.shape_cast %get3A_942 : vector<1x16xf32> to vector<16xf32>
        %swap3A_944 = arith.index_cast %scan3A_194 : i32 to index
        %swap3A_945 = arith.index_cast %add3A_939 : i32 to index
        %swap3A_946 = tpu.vector_load %arg11[%swap3A_944, %swap3A_945] {strides = array<i32>} : memref<8x1024xf32, #tpu.memory_space<vmem>>, vector<1x16xf32>,
        %swap3A_947 = vector.shape_cast %swap3A_946 : vector<1x16xf32> to vector<16xf32>
        %swap3A_948 = vector.shape_cast %get3A_943 : vector<16xf32> to vector<1x16xf32>
        tpu.vector_store %arg11[%swap3A_944, %swap3A_945], %swap3A_948 {add = true, strides = array<i32>} : memref<8x1024xf32, #tpu.memory_space<vmem>>, vector<1x16xf32>,
        %mul3A_949 = arith.constant 1024 : i32
        %mul3A_950 = arith.muli %scan3A_196, %mul3A_949 : i32
        %add3A_951 = arith.constant 928 : i32
        %add3A_952 = arith.addi %mul3A_950, %add3A_951 : i32
        %get3A_953 = arith.index_cast %scan3A_194 : i32 to index
        %get3A_954 = arith.index_cast %add3A_952 : i32 to index
        %get3A_955 = tpu.vector_load %arg7[%get3A_953, %get3A_954] {strides = array<i32>} : memref<8x1024xf32, #tpu.memory_space<vmem>>, vector<1x16xf32>,
        %get3A_956 = vector.shape_cast %get3A_955 : vector<1x16xf32> to vector<16xf32>
        %swap3A_957 = arith.index_cast %scan3A_194 : i32 to index
        %swap3A_958 = arith.index_cast %add3A_952 : i32 to index
        %swap3A_959 = tpu.vector_load %arg11[%swap3A_957, %swap3A_958] {strides = array<i32>} : memref<8x1024xf32, #tpu.memory_space<vmem>>, vector<1x16xf32>,
        %swap3A_960 = vector.shape_cast %swap3A_959 : vector<1x16xf32> to vector<16xf32>
        %swap3A_961 = vector.shape_cast %get3A_956 : vector<16xf32> to vector<1x16xf32>
        tpu.vector_store %arg11[%swap3A_957, %swap3A_958], %swap3A_961 {add = true, strides = array<i32>} : memref<8x1024xf32, #tpu.memory_space<vmem>>, vector<1x16xf32>,
        %mul3A_962 = arith.constant 1024 : i32
        %mul3A_963 = arith.muli %scan3A_196, %mul3A_962 : i32
        %add3A_964 = arith.constant 944 : i32
        %add3A_965 = arith.addi %mul3A_963, %add3A_964 : i32
        %get3A_966 = arith.index_cast %scan3A_194 : i32 to index
        %get3A_967 = arith.index_cast %add3A_965 : i32 to index
        %get3A_968 = tpu.vector_load %arg7[%get3A_966, %get3A_967] {strides = array<i32>} : memref<8x1024xf32, #tpu.memory_space<vmem>>, vector<1x16xf32>,
        %get3A_969 = vector.shape_cast %get3A_968 : vector<1x16xf32> to vector<16xf32>
        %swap3A_970 = arith.index_cast %scan3A_194 : i32 to index
        %swap3A_971 = arith.index_cast %add3A_965 : i32 to index
        %swap3A_972 = tpu.vector_load %arg11[%swap3A_970, %swap3A_971] {strides = array<i32>} : memref<8x1024xf32, #tpu.memory_space<vmem>>, vector<1x16xf32>,
        %swap3A_973 = vector.shape_cast %swap3A_972 : vector<1x16xf32> to vector<16xf32>
        %swap3A_974 = vector.shape_cast %get3A_969 : vector<16xf32> to vector<1x16xf32>
        tpu.vector_store %arg11[%swap3A_970, %swap3A_971], %swap3A_974 {add = true, strides = array<i32>} : memref<8x1024xf32, #tpu.memory_space<vmem>>, vector<1x16xf32>,
        %mul3A_975 = arith.constant 1024 : i32
        %mul3A_976 = arith.muli %scan3A_196, %mul3A_975 : i32
        %add3A_977 = arith.constant 960 : i32
        %add3A_978 = arith.addi %mul3A_976, %add3A_977 : i32
        %get3A_979 = arith.index_cast %scan3A_194 : i32 to index
        %get3A_980 = arith.index_cast %add3A_978 : i32 to index
        %get3A_981 = tpu.vector_load %arg7[%get3A_979, %get3A_980] {strides = array<i32>} : memref<8x1024xf32, #tpu.memory_space<vmem>>, vector<1x16xf32>,
        %get3A_982 = vector.shape_cast %get3A_981 : vector<1x16xf32> to vector<16xf32>
        %swap3A_983 = arith.index_cast %scan3A_194 : i32 to index
        %swap3A_984 = arith.index_cast %add3A_978 : i32 to index
        %swap3A_985 = tpu.vector_load %arg11[%swap3A_983, %swap3A_984] {strides = array<i32>} : memref<8x1024xf32, #tpu.memory_space<vmem>>, vector<1x16xf32>,
        %swap3A_986 = vector.shape_cast %swap3A_985 : vector<1x16xf32> to vector<16xf32>
        %swap3A_987 = vector.shape_cast %get3A_982 : vector<16xf32> to vector<1x16xf32>
        tpu.vector_store %arg11[%swap3A_983, %swap3A_984], %swap3A_987 {add = true, strides = array<i32>} : memref<8x1024xf32, #tpu.memory_space<vmem>>, vector<1x16xf32>,
        %mul3A_988 = arith.constant 1024 : i32
        %mul3A_989 = arith.muli %scan3A_196, %mul3A_988 : i32
        %add3A_990 = arith.constant 976 : i32
        %add3A_991 = arith.addi %mul3A_989, %add3A_990 : i32
        %get3A_992 = arith.index_cast %scan3A_194 : i32 to index
        %get3A_993 = arith.index_cast %add3A_991 : i32 to index
        %get3A_994 = tpu.vector_load %arg7[%get3A_992, %get3A_993] {strides = array<i32>} : memref<8x1024xf32, #tpu.memory_space<vmem>>, vector<1x16xf32>,
        %get3A_995 = vector.shape_cast %get3A_994 : vector<1x16xf32> to vector<16xf32>
        %swap3A_996 = arith.index_cast %scan3A_194 : i32 to index
        %swap3A_997 = arith.index_cast %add3A_991 : i32 to index
        %swap3A_998 = tpu.vector_load %arg11[%swap3A_996, %swap3A_997] {strides = array<i32>} : memref<8x1024xf32, #tpu.memory_space<vmem>>, vector<1x16xf32>,
        %swap3A_999 = vector.shape_cast %swap3A_998 : vector<1x16xf32> to vector<16xf32>
        %swap3A_1000 = vector.shape_cast %get3A_995 : vector<16xf32> to vector<1x16xf32>
        tpu.vector_store %arg11[%swap3A_996, %swap3A_997], %swap3A_1000 {add = true, strides = array<i32>} : memref<8x1024xf32, #tpu.memory_space<vmem>>, vector<1x16xf32>,
        %mul3A_1001 = arith.constant 1024 : i32
        %mul3A_1002 = arith.muli %scan3A_196, %mul3A_1001 : i32
        %add3A_1003 = arith.constant 992 : i32
        %add3A_1004 = arith.addi %mul3A_1002, %add3A_1003 : i32
        %get3A_1005 = arith.index_cast %scan3A_194 : i32 to index
        %get3A_1006 = arith.index_cast %add3A_1004 : i32 to index
        %get3A_1007 = tpu.vector_load %arg7[%get3A_1005, %get3A_1006] {strides = array<i32>} : memref<8x1024xf32, #tpu.memory_space<vmem>>, vector<1x16xf32>,
        %get3A_1008 = vector.shape_cast %get3A_1007 : vector<1x16xf32> to vector<16xf32>
        %swap3A_1009 = arith.index_cast %scan3A_194 : i32 to index
        %swap3A_1010 = arith.index_cast %add3A_1004 : i32 to index
        %swap3A_1011 = tpu.vector_load %arg11[%swap3A_1009, %swap3A_1010] {strides = array<i32>} : memref<8x1024xf32, #tpu.memory_space<vmem>>, vector<1x16xf32>,
        %swap3A_1012 = vector.shape_cast %swap3A_1011 : vector<1x16xf32> to vector<16xf32>
        %swap3A_1013 = vector.shape_cast %get3A_1008 : vector<16xf32> to vector<1x16xf32>
        tpu.vector_store %arg11[%swap3A_1009, %swap3A_1010], %swap3A_1013 {add = true, strides = array<i32>} : memref<8x1024xf32, #tpu.memory_space<vmem>>, vector<1x16xf32>,
        %mul3A_1014 = arith.constant 1024 : i32
        %mul3A_1015 = arith.muli %scan3A_196, %mul3A_1014 : i32
        %add3A_1016 = arith.constant 1008 : i32
        %add3A_1017 = arith.addi %mul3A_1015, %add3A_1016 : i32
        %get3A_1018 = arith.index_cast %scan3A_194 : i32 to index
        %get3A_1019 = arith.index_cast %add3A_1017 : i32 to index
        %get3A_1020 = tpu.vector_load %arg7[%get3A_1018, %get3A_1019] {strides = array<i32>} : memref<8x1024xf32, #tpu.memory_space<vmem>>, vector<1x16xf32>,
        %get3A_1021 = vector.shape_cast %get3A_1020 : vector<1x16xf32> to vector<16xf32>
        %swap3A_1022 = arith.index_cast %scan3A_194 : i32 to index
        %swap3A_1023 = arith.index_cast %add3A_1017 : i32 to index
        %swap3A_1024 = tpu.vector_load %arg11[%swap3A_1022, %swap3A_1023] {strides = array<i32>} : memref<8x1024xf32, #tpu.memory_space<vmem>>, vector<1x16xf32>,
        %swap3A_1025 = vector.shape_cast %swap3A_1024 : vector<1x16xf32> to vector<16xf32>
        %swap3A_1026 = vector.shape_cast %get3A_1021 : vector<16xf32> to vector<1x16xf32>
        tpu.vector_store %arg11[%swap3A_1022, %swap3A_1023], %swap3A_1026 {add = true, strides = array<i32>} : memref<8x1024xf32, #tpu.memory_space<vmem>>, vector<1x16xf32>,
        %scan3A_1027 = arith.constant 1 : i32
      }
      %scan3A_78 = arith.constant 8 : i32
      %mul3A_79 = arith.constant 8 : i32
      %mul3A_80 = arith.muli %add3A_56, %mul3A_79 : i32
      %add3A_81 = arith.addi %mul3A_2, %mul3A_80 : i32
      %dma_start3A_82 = arith.constant 0 : i32
      %dma_start3A_83 = tpu.memref_slice %arg5[%add3A_81, %dma_start3A_82] : memref<32768x1024xf32, #tpu.memory_space<hbm>> -> memref<8x1024xf32, #tpu.memory_space<hbm>>
      %dma_start3A_84 = arith.constant 0 : i32
      %dma_start3A_85 = tpu.memref_slice %arg5[%add3A_81, %dma_start3A_84] : memref<32768x1024xf32, #tpu.memory_space<hbm>> -> memref<8x1024xf32, #tpu.memory_space<hbm>>
      tpu.enqueue_dma source(%arg11 : memref<8x1024xf32, #tpu.memory_space<vmem>>) target(%dma_start3A_85 : memref<8x1024xf32, #tpu.memory_space<hbm>>) target_semaphore(%arg23 : memref<!tpu.dma_semaphore, #tpu.memory_space<semaphore_mem>>)
      %mul3A_86 = arith.constant 4 : i32
      %mul3A_87 = arith.muli %scan3A_52, %mul3A_86 : i32
      %add3A_88 = arith.constant 1 : i32
      %add3A_89 = arith.addi %mul3A_87, %add3A_88 : i32
      %add3A_90 = arith.constant 2 : i32
      %add3A_91 = arith.addi %add3A_89, %add3A_90 : i32
      %lt3A_92 = arith.constant 128 : i32
      %lt3A_93 = arith.cmpi slt, %add3A_91, %lt3A_92 : i32
      %convert_element_type3A_94 = arith.extui %lt3A_93 : i1 to i32
      %cond3A_95 = arith.constant 0 : i32
      %cond3A_96 = arith.cmpi ne, %convert_element_type3A_94, %cond3A_95 : i32
      scf.if %cond3A_96 {
        %ge3A = arith.constant 4 : i32
        %ge3A_194 = arith.cmpi sge, %add3A_91, %ge3A : i32
        %convert_element_type3A_195 = arith.extui %ge3A_194 : i1 to i32
        %cond3A_196 = arith.constant 0 : i32
        %cond3A_197 = arith.cmpi ne, %convert_element_type3A_195, %cond3A_196 : i32
        scf.if %cond3A_197 {
          %dma_wait3A_211 = arith.constant 0 : i32
          %dma_wait3A_212 = arith.constant 0 : i32
          %dma_wait3A_213 = tpu.memref_slice %arg2[%dma_wait3A_211, %dma_wait3A_212] : memref<32768x1024xf32, #tpu.memory_space<hbm>> -> memref<8x1024xf32, #tpu.memory_space<hbm>>
          %dma_wait3A_214 = arith.constant 0 : i32
          %dma_wait3A_215 = arith.constant 0 : i32
          %dma_wait3A_216 = tpu.memref_slice %arg2[%dma_wait3A_214, %dma_wait3A_215] : memref<32768x1024xf32, #tpu.memory_space<hbm>> -> memref<8x1024xf32, #tpu.memory_space<hbm>>
          tpu.wait_dma2 semaphore(%arg26 : memref<!tpu.dma_semaphore, #tpu.memory_space<semaphore_mem>>) src(%dma_wait3A_216 : memref<8x1024xf32, #tpu.memory_space<hbm>>) dst(%arg14 : memref<8x1024xf32, #tpu.memory_space<vmem>>)
        } else {
        }
        %mul3A_198 = arith.constant 8 : i32
        %mul3A_199 = arith.muli %add3A_91, %mul3A_198 : i32
        %dma_start3A_200 = tpu.memref_slice %arg6[%mul3A_199] : memref<1024xi32, #tpu.memory_space<vmem>> -> memref<8xi32, #tpu.memory_space<vmem>>
        %dma_start3A_201 = arith.constant 0 : i32
        %dma_start3A_202 = arith.constant 0 : i32
        %dma_start3A_203 = tpu.memref_slice %arg4[%dma_start3A_201, %dma_start3A_202] : memref<8192x1024xf32, #tpu.memory_space<hbm>> -> memref<8192x1024xf32, #tpu.memory_space<hbm>>
        tpu.enqueue_indirect_dma source(%dma_start3A_203 : memref<8192x1024xf32, #tpu.memory_space<hbm>>) target(%arg14 : memref<8x1024xf32, #tpu.memory_space<vmem>>) offsets(%dma_start3A_200 : memref<8xi32, #tpu.memory_space<vmem>>) semaphore(%arg18 : memref<!tpu.dma_semaphore, #tpu.memory_space<semaphore_mem>>)
        %mul3A_204 = arith.constant 8 : i32
        %mul3A_205 = arith.muli %add3A_91, %mul3A_204 : i32
        %add3A_206 = arith.addi %mul3A_2, %mul3A_205 : i32
        %dma_start3A_207 = arith.constant 0 : i32
        %dma_start3A_208 = tpu.memref_slice %arg2[%add3A_206, %dma_start3A_207] : memref<32768x1024xf32, #tpu.memory_space<hbm>> -> memref<8x1024xf32, #tpu.memory_space<hbm>>
        %dma_start3A_209 = arith.constant 0 : i32
        %dma_start3A_210 = tpu.memref_slice %arg2[%add3A_206, %dma_start3A_209] : memref<32768x1024xf32, #tpu.memory_space<hbm>> -> memref<8x1024xf32, #tpu.memory_space<hbm>>
        tpu.enqueue_dma source(%dma_start3A_210 : memref<8x1024xf32, #tpu.memory_space<hbm>>) target(%arg10 : memref<8x1024xf32, #tpu.memory_space<vmem>>) target_semaphore(%arg22 : memref<!tpu.dma_semaphore, #tpu.memory_space<semaphore_mem>>)
      } else {
      }
      %dma_wait3A_97 = arith.constant 0 : i32
      %dma_wait3A_98 = arith.constant 0 : i32
      %dma_wait3A_99 = tpu.memref_slice %arg2[%dma_wait3A_97, %dma_wait3A_98] : memref<32768x1024xf32, #tpu.memory_space<hbm>> -> memref<8x1024xf32, #tpu.memory_space<hbm>>
      %dma_wait3A_100 = arith.constant 0 : i32
      %dma_wait3A_101 = arith.constant 0 : i32
      %dma_wait3A_102 = tpu.memref_slice %arg2[%dma_wait3A_100, %dma_wait3A_101] : memref<32768x1024xf32, #tpu.memory_space<hbm>> -> memref<8x1024xf32, #tpu.memory_space<hbm>>
      tpu.wait_dma2 semaphore(%arg16 : memref<!tpu.dma_semaphore, #tpu.memory_space<semaphore_mem>>) src(%dma_wait3A_102 : memref<8x1024xf32, #tpu.memory_space<hbm>>) dst(%arg12 : memref<8x1024xf32, #tpu.memory_space<vmem>>)
      %dma_wait3A_103 = arith.constant 0 : i32
      %dma_wait3A_104 = arith.constant 0 : i32
      %dma_wait3A_105 = tpu.memref_slice %arg2[%dma_wait3A_103, %dma_wait3A_104] : memref<32768x1024xf32, #tpu.memory_space<hbm>> -> memref<8x1024xf32, #tpu.memory_space<hbm>>
      %dma_wait3A_106 = arith.constant 0 : i32
      %dma_wait3A_107 = arith.constant 0 : i32
      %dma_wait3A_108 = tpu.memref_slice %arg2[%dma_wait3A_106, %dma_wait3A_107] : memref<32768x1024xf32, #tpu.memory_space<hbm>> -> memref<8x1024xf32, #tpu.memory_space<hbm>>
      tpu.wait_dma2 semaphore(%arg20 : memref<!tpu.dma_semaphore, #tpu.memory_space<semaphore_mem>>) src(%dma_wait3A_108 : memref<8x1024xf32, #tpu.memory_space<hbm>>) dst(%arg8 : memref<8x1024xf32, #tpu.memory_space<vmem>>)
      %scan3A_109 = arith.constant 0 : i32
      %scan3A_110 = arith.constant 0 : i32
      %scan3A_111 = arith.constant 8 : i32
      %scan3A_112 = arith.addi %scan3A_110, %scan3A_111 : i32
      %scan3A_113 = arith.constant 1 : i32
      scf.for %scan3A_194 = %scan3A_110 to %scan3A_112 step %scan3A_113  : i32 {
        %scan3A_195 = arith.constant 0 : i32
        %scan3A_196 = arith.constant 0 : i32
        %mul3A_197 = arith.constant 1024 : i32
        %mul3A_198 = arith.muli %scan3A_196, %mul3A_197 : i32
        %add3A_199 = arith.constant 0 : i32
        %add3A_200 = arith.addi %mul3A_198, %add3A_199 : i32
        %get3A = arith.index_cast %scan3A_194 : i32 to index
        %get3A_201 = arith.index_cast %add3A_200 : i32 to index
        %get3A_202 = tpu.vector_load %arg8[%get3A, %get3A_201] {strides = array<i32>} : memref<8x1024xf32, #tpu.memory_space<vmem>>, vector<1x16xf32>,
        %get3A_203 = vector.shape_cast %get3A_202 : vector<1x16xf32> to vector<16xf32>
        %swap3A = arith.index_cast %scan3A_194 : i32 to index
        %swap3A_204 = arith.index_cast %add3A_200 : i32 to index
        %swap3A_205 = tpu.vector_load %arg12[%swap3A, %swap3A_204] {strides = array<i32>} : memref<8x1024xf32, #tpu.memory_space<vmem>>, vector<1x16xf32>,
        %swap3A_206 = vector.shape_cast %swap3A_205 : vector<1x16xf32> to vector<16xf32>
        %swap3A_207 = vector.shape_cast %get3A_203 : vector<16xf32> to vector<1x16xf32>
        tpu.vector_store %arg12[%swap3A, %swap3A_204], %swap3A_207 {add = true, strides = array<i32>} : memref<8x1024xf32, #tpu.memory_space<vmem>>, vector<1x16xf32>,
        %mul3A_208 = arith.constant 1024 : i32
        %mul3A_209 = arith.muli %scan3A_196, %mul3A_208 : i32
        %add3A_210 = arith.constant 16 : i32
        %add3A_211 = arith.addi %mul3A_209, %add3A_210 : i32
        %get3A_212 = arith.index_cast %scan3A_194 : i32 to index
        %get3A_213 = arith.index_cast %add3A_211 : i32 to index
        %get3A_214 = tpu.vector_load %arg8[%get3A_212, %get3A_213] {strides = array<i32>} : memref<8x1024xf32, #tpu.memory_space<vmem>>, vector<1x16xf32>,
        %get3A_215 = vector.shape_cast %get3A_214 : vector<1x16xf32> to vector<16xf32>
        %swap3A_216 = arith.index_cast %scan3A_194 : i32 to index
        %swap3A_217 = arith.index_cast %add3A_211 : i32 to index
        %swap3A_218 = tpu.vector_load %arg12[%swap3A_216, %swap3A_217] {strides = array<i32>} : memref<8x1024xf32, #tpu.memory_space<vmem>>, vector<1x16xf32>,
        %swap3A_219 = vector.shape_cast %swap3A_218 : vector<1x16xf32> to vector<16xf32>
        %swap3A_220 = vector.shape_cast %get3A_215 : vector<16xf32> to vector<1x16xf32>
        tpu.vector_store %arg12[%swap3A_216, %swap3A_217], %swap3A_220 {add = true, strides = array<i32>} : memref<8x1024xf32, #tpu.memory_space<vmem>>, vector<1x16xf32>,
        %mul3A_221 = arith.constant 1024 : i32
        %mul3A_222 = arith.muli %scan3A_196, %mul3A_221 : i32
        %add3A_223 = arith.constant 32 : i32
        %add3A_224 = arith.addi %mul3A_222, %add3A_223 : i32
        %get3A_225 = arith.index_cast %scan3A_194 : i32 to index
        %get3A_226 = arith.index_cast %add3A_224 : i32 to index
        %get3A_227 = tpu.vector_load %arg8[%get3A_225, %get3A_226] {strides = array<i32>} : memref<8x1024xf32, #tpu.memory_space<vmem>>, vector<1x16xf32>,
        %get3A_228 = vector.shape_cast %get3A_227 : vector<1x16xf32> to vector<16xf32>
        %swap3A_229 = arith.index_cast %scan3A_194 : i32 to index
        %swap3A_230 = arith.index_cast %add3A_224 : i32 to index
        %swap3A_231 = tpu.vector_load %arg12[%swap3A_229, %swap3A_230] {strides = array<i32>} : memref<8x1024xf32, #tpu.memory_space<vmem>>, vector<1x16xf32>,
        %swap3A_232 = vector.shape_cast %swap3A_231 : vector<1x16xf32> to vector<16xf32>
        %swap3A_233 = vector.shape_cast %get3A_228 : vector<16xf32> to vector<1x16xf32>
        tpu.vector_store %arg12[%swap3A_229, %swap3A_230], %swap3A_233 {add = true, strides = array<i32>} : memref<8x1024xf32, #tpu.memory_space<vmem>>, vector<1x16xf32>,
        %mul3A_234 = arith.constant 1024 : i32
        %mul3A_235 = arith.muli %scan3A_196, %mul3A_234 : i32
        %add3A_236 = arith.constant 48 : i32
        %add3A_237 = arith.addi %mul3A_235, %add3A_236 : i32
        %get3A_238 = arith.index_cast %scan3A_194 : i32 to index
        %get3A_239 = arith.index_cast %add3A_237 : i32 to index
        %get3A_240 = tpu.vector_load %arg8[%get3A_238, %get3A_239] {strides = array<i32>} : memref<8x1024xf32, #tpu.memory_space<vmem>>, vector<1x16xf32>,
        %get3A_241 = vector.shape_cast %get3A_240 : vector<1x16xf32> to vector<16xf32>
        %swap3A_242 = arith.index_cast %scan3A_194 : i32 to index
        %swap3A_243 = arith.index_cast %add3A_237 : i32 to index
        %swap3A_244 = tpu.vector_load %arg12[%swap3A_242, %swap3A_243] {strides = array<i32>} : memref<8x1024xf32, #tpu.memory_space<vmem>>, vector<1x16xf32>,
        %swap3A_245 = vector.shape_cast %swap3A_244 : vector<1x16xf32> to vector<16xf32>
        %swap3A_246 = vector.shape_cast %get3A_241 : vector<16xf32> to vector<1x16xf32>
        tpu.vector_store %arg12[%swap3A_242, %swap3A_243], %swap3A_246 {add = true, strides = array<i32>} : memref<8x1024xf32, #tpu.memory_space<vmem>>, vector<1x16xf32>,
        %mul3A_247 = arith.constant 1024 : i32
        %mul3A_248 = arith.muli %scan3A_196, %mul3A_247 : i32
        %add3A_249 = arith.constant 64 : i32
        %add3A_250 = arith.addi %mul3A_248, %add3A_249 : i32
        %get3A_251 = arith.index_cast %scan3A_194 : i32 to index
        %get3A_252 = arith.index_cast %add3A_250 : i32 to index
        %get3A_253 = tpu.vector_load %arg8[%get3A_251, %get3A_252] {strides = array<i32>} : memref<8x1024xf32, #tpu.memory_space<vmem>>, vector<1x16xf32>,
        %get3A_254 = vector.shape_cast %get3A_253 : vector<1x16xf32> to vector<16xf32>
        %swap3A_255 = arith.index_cast %scan3A_194 : i32 to index
        %swap3A_256 = arith.index_cast %add3A_250 : i32 to index
        %swap3A_257 = tpu.vector_load %arg12[%swap3A_255, %swap3A_256] {strides = array<i32>} : memref<8x1024xf32, #tpu.memory_space<vmem>>, vector<1x16xf32>,
        %swap3A_258 = vector.shape_cast %swap3A_257 : vector<1x16xf32> to vector<16xf32>
        %swap3A_259 = vector.shape_cast %get3A_254 : vector<16xf32> to vector<1x16xf32>
        tpu.vector_store %arg12[%swap3A_255, %swap3A_256], %swap3A_259 {add = true, strides = array<i32>} : memref<8x1024xf32, #tpu.memory_space<vmem>>, vector<1x16xf32>,
        %mul3A_260 = arith.constant 1024 : i32
        %mul3A_261 = arith.muli %scan3A_196, %mul3A_260 : i32
        %add3A_262 = arith.constant 80 : i32
        %add3A_263 = arith.addi %mul3A_261, %add3A_262 : i32
        %get3A_264 = arith.index_cast %scan3A_194 : i32 to index
        %get3A_265 = arith.index_cast %add3A_263 : i32 to index
        %get3A_266 = tpu.vector_load %arg8[%get3A_264, %get3A_265] {strides = array<i32>} : memref<8x1024xf32, #tpu.memory_space<vmem>>, vector<1x16xf32>,
        %get3A_267 = vector.shape_cast %get3A_266 : vector<1x16xf32> to vector<16xf32>
        %swap3A_268 = arith.index_cast %scan3A_194 : i32 to index
        %swap3A_269 = arith.index_cast %add3A_263 : i32 to index
        %swap3A_270 = tpu.vector_load %arg12[%swap3A_268, %swap3A_269] {strides = array<i32>} : memref<8x1024xf32, #tpu.memory_space<vmem>>, vector<1x16xf32>,
        %swap3A_271 = vector.shape_cast %swap3A_270 : vector<1x16xf32> to vector<16xf32>
        %swap3A_272 = vector.shape_cast %get3A_267 : vector<16xf32> to vector<1x16xf32>
        tpu.vector_store %arg12[%swap3A_268, %swap3A_269], %swap3A_272 {add = true, strides = array<i32>} : memref<8x1024xf32, #tpu.memory_space<vmem>>, vector<1x16xf32>,
        %mul3A_273 = arith.constant 1024 : i32
        %mul3A_274 = arith.muli %scan3A_196, %mul3A_273 : i32
        %add3A_275 = arith.constant 96 : i32
        %add3A_276 = arith.addi %mul3A_274, %add3A_275 : i32
        %get3A_277 = arith.index_cast %scan3A_194 : i32 to index
        %get3A_278 = arith.index_cast %add3A_276 : i32 to index
        %get3A_279 = tpu.vector_load %arg8[%get3A_277, %get3A_278] {strides = array<i32>} : memref<8x1024xf32, #tpu.memory_space<vmem>>, vector<1x16xf32>,
        %get3A_280 = vector.shape_cast %get3A_279 : vector<1x16xf32> to vector<16xf32>
        %swap3A_281 = arith.index_cast %scan3A_194 : i32 to index
        %swap3A_282 = arith.index_cast %add3A_276 : i32 to index
        %swap3A_283 = tpu.vector_load %arg12[%swap3A_281, %swap3A_282] {strides = array<i32>} : memref<8x1024xf32, #tpu.memory_space<vmem>>, vector<1x16xf32>,
        %swap3A_284 = vector.shape_cast %swap3A_283 : vector<1x16xf32> to vector<16xf32>
        %swap3A_285 = vector.shape_cast %get3A_280 : vector<16xf32> to vector<1x16xf32>
        tpu.vector_store %arg12[%swap3A_281, %swap3A_282], %swap3A_285 {add = true, strides = array<i32>} : memref<8x1024xf32, #tpu.memory_space<vmem>>, vector<1x16xf32>,
        %mul3A_286 = arith.constant 1024 : i32
        %mul3A_287 = arith.muli %scan3A_196, %mul3A_286 : i32
        %add3A_288 = arith.constant 112 : i32
        %add3A_289 = arith.addi %mul3A_287, %add3A_288 : i32
        %get3A_290 = arith.index_cast %scan3A_194 : i32 to index
        %get3A_291 = arith.index_cast %add3A_289 : i32 to index
        %get3A_292 = tpu.vector_load %arg8[%get3A_290, %get3A_291] {strides = array<i32>} : memref<8x1024xf32, #tpu.memory_space<vmem>>, vector<1x16xf32>,
        %get3A_293 = vector.shape_cast %get3A_292 : vector<1x16xf32> to vector<16xf32>
        %swap3A_294 = arith.index_cast %scan3A_194 : i32 to index
        %swap3A_295 = arith.index_cast %add3A_289 : i32 to index
        %swap3A_296 = tpu.vector_load %arg12[%swap3A_294, %swap3A_295] {strides = array<i32>} : memref<8x1024xf32, #tpu.memory_space<vmem>>, vector<1x16xf32>,
        %swap3A_297 = vector.shape_cast %swap3A_296 : vector<1x16xf32> to vector<16xf32>
        %swap3A_298 = vector.shape_cast %get3A_293 : vector<16xf32> to vector<1x16xf32>
        tpu.vector_store %arg12[%swap3A_294, %swap3A_295], %swap3A_298 {add = true, strides = array<i32>} : memref<8x1024xf32, #tpu.memory_space<vmem>>, vector<1x16xf32>,
        %mul3A_299 = arith.constant 1024 : i32
        %mul3A_300 = arith.muli %scan3A_196, %mul3A_299 : i32
        %add3A_301 = arith.constant 128 : i32
        %add3A_302 = arith.addi %mul3A_300, %add3A_301 : i32
        %get3A_303 = arith.index_cast %scan3A_194 : i32 to index
        %get3A_304 = arith.index_cast %add3A_302 : i32 to index
        %get3A_305 = tpu.vector_load %arg8[%get3A_303, %get3A_304] {strides = array<i32>} : memref<8x1024xf32, #tpu.memory_space<vmem>>, vector<1x16xf32>,
        %get3A_306 = vector.shape_cast %get3A_305 : vector<1x16xf32> to vector<16xf32>
        %swap3A_307 = arith.index_cast %scan3A_194 : i32 to index
        %swap3A_308 = arith.index_cast %add3A_302 : i32 to index
        %swap3A_309 = tpu.vector_load %arg12[%swap3A_307, %swap3A_308] {strides = array<i32>} : memref<8x1024xf32, #tpu.memory_space<vmem>>, vector<1x16xf32>,
        %swap3A_310 = vector.shape_cast %swap3A_309 : vector<1x16xf32> to vector<16xf32>
        %swap3A_311 = vector.shape_cast %get3A_306 : vector<16xf32> to vector<1x16xf32>
        tpu.vector_store %arg12[%swap3A_307, %swap3A_308], %swap3A_311 {add = true, strides = array<i32>} : memref<8x1024xf32, #tpu.memory_space<vmem>>, vector<1x16xf32>,
        %mul3A_312 = arith.constant 1024 : i32
        %mul3A_313 = arith.muli %scan3A_196, %mul3A_312 : i32
        %add3A_314 = arith.constant 144 : i32
        %add3A_315 = arith.addi %mul3A_313, %add3A_314 : i32
        %get3A_316 = arith.index_cast %scan3A_194 : i32 to index
        %get3A_317 = arith.index_cast %add3A_315 : i32 to index
        %get3A_318 = tpu.vector_load %arg8[%get3A_316, %get3A_317] {strides = array<i32>} : memref<8x1024xf32, #tpu.memory_space<vmem>>, vector<1x16xf32>,
        %get3A_319 = vector.shape_cast %get3A_318 : vector<1x16xf32> to vector<16xf32>
        %swap3A_320 = arith.index_cast %scan3A_194 : i32 to index
        %swap3A_321 = arith.index_cast %add3A_315 : i32 to index
        %swap3A_322 = tpu.vector_load %arg12[%swap3A_320, %swap3A_321] {strides = array<i32>} : memref<8x1024xf32, #tpu.memory_space<vmem>>, vector<1x16xf32>,
        %swap3A_323 = vector.shape_cast %swap3A_322 : vector<1x16xf32> to vector<16xf32>
        %swap3A_324 = vector.shape_cast %get3A_319 : vector<16xf32> to vector<1x16xf32>
        tpu.vector_store %arg12[%swap3A_320, %swap3A_321], %swap3A_324 {add = true, strides = array<i32>} : memref<8x1024xf32, #tpu.memory_space<vmem>>, vector<1x16xf32>,
        %mul3A_325 = arith.constant 1024 : i32
        %mul3A_326 = arith.muli %scan3A_196, %mul3A_325 : i32
        %add3A_327 = arith.constant 160 : i32
        %add3A_328 = arith.addi %mul3A_326, %add3A_327 : i32
        %get3A_329 = arith.index_cast %scan3A_194 : i32 to index
        %get3A_330 = arith.index_cast %add3A_328 : i32 to index
        %get3A_331 = tpu.vector_load %arg8[%get3A_329, %get3A_330] {strides = array<i32>} : memref<8x1024xf32, #tpu.memory_space<vmem>>, vector<1x16xf32>,
        %get3A_332 = vector.shape_cast %get3A_331 : vector<1x16xf32> to vector<16xf32>
        %swap3A_333 = arith.index_cast %scan3A_194 : i32 to index
        %swap3A_334 = arith.index_cast %add3A_328 : i32 to index
        %swap3A_335 = tpu.vector_load %arg12[%swap3A_333, %swap3A_334] {strides = array<i32>} : memref<8x1024xf32, #tpu.memory_space<vmem>>, vector<1x16xf32>,
        %swap3A_336 = vector.shape_cast %swap3A_335 : vector<1x16xf32> to vector<16xf32>
        %swap3A_337 = vector.shape_cast %get3A_332 : vector<16xf32> to vector<1x16xf32>
        tpu.vector_store %arg12[%swap3A_333, %swap3A_334], %swap3A_337 {add = true, strides = array<i32>} : memref<8x1024xf32, #tpu.memory_space<vmem>>, vector<1x16xf32>,
        %mul3A_338 = arith.constant 1024 : i32
        %mul3A_339 = arith.muli %scan3A_196, %mul3A_338 : i32
        %add3A_340 = arith.constant 176 : i32
        %add3A_341 = arith.addi %mul3A_339, %add3A_340 : i32
        %get3A_342 = arith.index_cast %scan3A_194 : i32 to index
        %get3A_343 = arith.index_cast %add3A_341 : i32 to index
        %get3A_344 = tpu.vector_load %arg8[%get3A_342, %get3A_343] {strides = array<i32>} : memref<8x1024xf32, #tpu.memory_space<vmem>>, vector<1x16xf32>,
        %get3A_345 = vector.shape_cast %get3A_344 : vector<1x16xf32> to vector<16xf32>
        %swap3A_346 = arith.index_cast %scan3A_194 : i32 to index
        %swap3A_347 = arith.index_cast %add3A_341 : i32 to index
        %swap3A_348 = tpu.vector_load %arg12[%swap3A_346, %swap3A_347] {strides = array<i32>} : memref<8x1024xf32, #tpu.memory_space<vmem>>, vector<1x16xf32>,
        %swap3A_349 = vector.shape_cast %swap3A_348 : vector<1x16xf32> to vector<16xf32>
        %swap3A_350 = vector.shape_cast %get3A_345 : vector<16xf32> to vector<1x16xf32>
        tpu.vector_store %arg12[%swap3A_346, %swap3A_347], %swap3A_350 {add = true, strides = array<i32>} : memref<8x1024xf32, #tpu.memory_space<vmem>>, vector<1x16xf32>,
        %mul3A_351 = arith.constant 1024 : i32
        %mul3A_352 = arith.muli %scan3A_196, %mul3A_351 : i32
        %add3A_353 = arith.constant 192 : i32
        %add3A_354 = arith.addi %mul3A_352, %add3A_353 : i32
        %get3A_355 = arith.index_cast %scan3A_194 : i32 to index
        %get3A_356 = arith.index_cast %add3A_354 : i32 to index
        %get3A_357 = tpu.vector_load %arg8[%get3A_355, %get3A_356] {strides = array<i32>} : memref<8x1024xf32, #tpu.memory_space<vmem>>, vector<1x16xf32>,
        %get3A_358 = vector.shape_cast %get3A_357 : vector<1x16xf32> to vector<16xf32>
        %swap3A_359 = arith.index_cast %scan3A_194 : i32 to index
        %swap3A_360 = arith.index_cast %add3A_354 : i32 to index
        %swap3A_361 = tpu.vector_load %arg12[%swap3A_359, %swap3A_360] {strides = array<i32>} : memref<8x1024xf32, #tpu.memory_space<vmem>>, vector<1x16xf32>,
        %swap3A_362 = vector.shape_cast %swap3A_361 : vector<1x16xf32> to vector<16xf32>
        %swap3A_363 = vector.shape_cast %get3A_358 : vector<16xf32> to vector<1x16xf32>
        tpu.vector_store %arg12[%swap3A_359, %swap3A_360], %swap3A_363 {add = true, strides = array<i32>} : memref<8x1024xf32, #tpu.memory_space<vmem>>, vector<1x16xf32>,
        %mul3A_364 = arith.constant 1024 : i32
        %mul3A_365 = arith.muli %scan3A_196, %mul3A_364 : i32
        %add3A_366 = arith.constant 208 : i32
        %add3A_367 = arith.addi %mul3A_365, %add3A_366 : i32
        %get3A_368 = arith.index_cast %scan3A_194 : i32 to index
        %get3A_369 = arith.index_cast %add3A_367 : i32 to index
        %get3A_370 = tpu.vector_load %arg8[%get3A_368, %get3A_369] {strides = array<i32>} : memref<8x1024xf32, #tpu.memory_space<vmem>>, vector<1x16xf32>,
        %get3A_371 = vector.shape_cast %get3A_370 : vector<1x16xf32> to vector<16xf32>
        %swap3A_372 = arith.index_cast %scan3A_194 : i32 to index
        %swap3A_373 = arith.index_cast %add3A_367 : i32 to index
        %swap3A_374 = tpu.vector_load %arg12[%swap3A_372, %swap3A_373] {strides = array<i32>} : memref<8x1024xf32, #tpu.memory_space<vmem>>, vector<1x16xf32>,
        %swap3A_375 = vector.shape_cast %swap3A_374 : vector<1x16xf32> to vector<16xf32>
        %swap3A_376 = vector.shape_cast %get3A_371 : vector<16xf32> to vector<1x16xf32>
        tpu.vector_store %arg12[%swap3A_372, %swap3A_373], %swap3A_376 {add = true, strides = array<i32>} : memref<8x1024xf32, #tpu.memory_space<vmem>>, vector<1x16xf32>,
        %mul3A_377 = arith.constant 1024 : i32
        %mul3A_378 = arith.muli %scan3A_196, %mul3A_377 : i32
        %add3A_379 = arith.constant 224 : i32
        %add3A_380 = arith.addi %mul3A_378, %add3A_379 : i32
        %get3A_381 = arith.index_cast %scan3A_194 : i32 to index
        %get3A_382 = arith.index_cast %add3A_380 : i32 to index
        %get3A_383 = tpu.vector_load %arg8[%get3A_381, %get3A_382] {strides = array<i32>} : memref<8x1024xf32, #tpu.memory_space<vmem>>, vector<1x16xf32>,
        %get3A_384 = vector.shape_cast %get3A_383 : vector<1x16xf32> to vector<16xf32>
        %swap3A_385 = arith.index_cast %scan3A_194 : i32 to index
        %swap3A_386 = arith.index_cast %add3A_380 : i32 to index
        %swap3A_387 = tpu.vector_load %arg12[%swap3A_385, %swap3A_386] {strides = array<i32>} : memref<8x1024xf32, #tpu.memory_space<vmem>>, vector<1x16xf32>,
        %swap3A_388 = vector.shape_cast %swap3A_387 : vector<1x16xf32> to vector<16xf32>
        %swap3A_389 = vector.shape_cast %get3A_384 : vector<16xf32> to vector<1x16xf32>
        tpu.vector_store %arg12[%swap3A_385, %swap3A_386], %swap3A_389 {add = true, strides = array<i32>} : memref<8x1024xf32, #tpu.memory_space<vmem>>, vector<1x16xf32>,
        %mul3A_390 = arith.constant 1024 : i32
        %mul3A_391 = arith.muli %scan3A_196, %mul3A_390 : i32
        %add3A_392 = arith.constant 240 : i32
        %add3A_393 = arith.addi %mul3A_391, %add3A_392 : i32
        %get3A_394 = arith.index_cast %scan3A_194 : i32 to index
        %get3A_395 = arith.index_cast %add3A_393 : i32 to index
        %get3A_396 = tpu.vector_load %arg8[%get3A_394, %get3A_395] {strides = array<i32>} : memref<8x1024xf32, #tpu.memory_space<vmem>>, vector<1x16xf32>,
        %get3A_397 = vector.shape_cast %get3A_396 : vector<1x16xf32> to vector<16xf32>
        %swap3A_398 = arith.index_cast %scan3A_194 : i32 to index
        %swap3A_399 = arith.index_cast %add3A_393 : i32 to index
        %swap3A_400 = tpu.vector_load %arg12[%swap3A_398, %swap3A_399] {strides = array<i32>} : memref<8x1024xf32, #tpu.memory_space<vmem>>, vector<1x16xf32>,
        %swap3A_401 = vector.shape_cast %swap3A_400 : vector<1x16xf32> to vector<16xf32>
        %swap3A_402 = vector.shape_cast %get3A_397 : vector<16xf32> to vector<1x16xf32>
        tpu.vector_store %arg12[%swap3A_398, %swap3A_399], %swap3A_402 {add = true, strides = array<i32>} : memref<8x1024xf32, #tpu.memory_space<vmem>>, vector<1x16xf32>,
        %mul3A_403 = arith.constant 1024 : i32
        %mul3A_404 = arith.muli %scan3A_196, %mul3A_403 : i32
        %add3A_405 = arith.constant 256 : i32
        %add3A_406 = arith.addi %mul3A_404, %add3A_405 : i32
        %get3A_407 = arith.index_cast %scan3A_194 : i32 to index
        %get3A_408 = arith.index_cast %add3A_406 : i32 to index
        %get3A_409 = tpu.vector_load %arg8[%get3A_407, %get3A_408] {strides = array<i32>} : memref<8x1024xf32, #tpu.memory_space<vmem>>, vector<1x16xf32>,
        %get3A_410 = vector.shape_cast %get3A_409 : vector<1x16xf32> to vector<16xf32>
        %swap3A_411 = arith.index_cast %scan3A_194 : i32 to index
        %swap3A_412 = arith.index_cast %add3A_406 : i32 to index
        %swap3A_413 = tpu.vector_load %arg12[%swap3A_411, %swap3A_412] {strides = array<i32>} : memref<8x1024xf32, #tpu.memory_space<vmem>>, vector<1x16xf32>,
        %swap3A_414 = vector.shape_cast %swap3A_413 : vector<1x16xf32> to vector<16xf32>
        %swap3A_415 = vector.shape_cast %get3A_410 : vector<16xf32> to vector<1x16xf32>
        tpu.vector_store %arg12[%swap3A_411, %swap3A_412], %swap3A_415 {add = true, strides = array<i32>} : memref<8x1024xf32, #tpu.memory_space<vmem>>, vector<1x16xf32>,
        %mul3A_416 = arith.constant 1024 : i32
        %mul3A_417 = arith.muli %scan3A_196, %mul3A_416 : i32
        %add3A_418 = arith.constant 272 : i32
        %add3A_419 = arith.addi %mul3A_417, %add3A_418 : i32
        %get3A_420 = arith.index_cast %scan3A_194 : i32 to index
        %get3A_421 = arith.index_cast %add3A_419 : i32 to index
        %get3A_422 = tpu.vector_load %arg8[%get3A_420, %get3A_421] {strides = array<i32>} : memref<8x1024xf32, #tpu.memory_space<vmem>>, vector<1x16xf32>,
        %get3A_423 = vector.shape_cast %get3A_422 : vector<1x16xf32> to vector<16xf32>
        %swap3A_424 = arith.index_cast %scan3A_194 : i32 to index
        %swap3A_425 = arith.index_cast %add3A_419 : i32 to index
        %swap3A_426 = tpu.vector_load %arg12[%swap3A_424, %swap3A_425] {strides = array<i32>} : memref<8x1024xf32, #tpu.memory_space<vmem>>, vector<1x16xf32>,
        %swap3A_427 = vector.shape_cast %swap3A_426 : vector<1x16xf32> to vector<16xf32>
        %swap3A_428 = vector.shape_cast %get3A_423 : vector<16xf32> to vector<1x16xf32>
        tpu.vector_store %arg12[%swap3A_424, %swap3A_425], %swap3A_428 {add = true, strides = array<i32>} : memref<8x1024xf32, #tpu.memory_space<vmem>>, vector<1x16xf32>,
        %mul3A_429 = arith.constant 1024 : i32
        %mul3A_430 = arith.muli %scan3A_196, %mul3A_429 : i32
        %add3A_431 = arith.constant 288 : i32
        %add3A_432 = arith.addi %mul3A_430, %add3A_431 : i32
        %get3A_433 = arith.index_cast %scan3A_194 : i32 to index
        %get3A_434 = arith.index_cast %add3A_432 : i32 to index
        %get3A_435 = tpu.vector_load %arg8[%get3A_433, %get3A_434] {strides = array<i32>} : memref<8x1024xf32, #tpu.memory_space<vmem>>, vector<1x16xf32>,
        %get3A_436 = vector.shape_cast %get3A_435 : vector<1x16xf32> to vector<16xf32>
        %swap3A_437 = arith.index_cast %scan3A_194 : i32 to index
        %swap3A_438 = arith.index_cast %add3A_432 : i32 to index
        %swap3A_439 = tpu.vector_load %arg12[%swap3A_437, %swap3A_438] {strides = array<i32>} : memref<8x1024xf32, #tpu.memory_space<vmem>>, vector<1x16xf32>,
        %swap3A_440 = vector.shape_cast %swap3A_439 : vector<1x16xf32> to vector<16xf32>
        %swap3A_441 = vector.shape_cast %get3A_436 : vector<16xf32> to vector<1x16xf32>
        tpu.vector_store %arg12[%swap3A_437, %swap3A_438], %swap3A_441 {add = true, strides = array<i32>} : memref<8x1024xf32, #tpu.memory_space<vmem>>, vector<1x16xf32>,
        %mul3A_442 = arith.constant 1024 : i32
        %mul3A_443 = arith.muli %scan3A_196, %mul3A_442 : i32
        %add3A_444 = arith.constant 304 : i32
        %add3A_445 = arith.addi %mul3A_443, %add3A_444 : i32
        %get3A_446 = arith.index_cast %scan3A_194 : i32 to index
        %get3A_447 = arith.index_cast %add3A_445 : i32 to index
        %get3A_448 = tpu.vector_load %arg8[%get3A_446, %get3A_447] {strides = array<i32>} : memref<8x1024xf32, #tpu.memory_space<vmem>>, vector<1x16xf32>,
        %get3A_449 = vector.shape_cast %get3A_448 : vector<1x16xf32> to vector<16xf32>
        %swap3A_450 = arith.index_cast %scan3A_194 : i32 to index
        %swap3A_451 = arith.index_cast %add3A_445 : i32 to index
        %swap3A_452 = tpu.vector_load %arg12[%swap3A_450, %swap3A_451] {strides = array<i32>} : memref<8x1024xf32, #tpu.memory_space<vmem>>, vector<1x16xf32>,
        %swap3A_453 = vector.shape_cast %swap3A_452 : vector<1x16xf32> to vector<16xf32>
        %swap3A_454 = vector.shape_cast %get3A_449 : vector<16xf32> to vector<1x16xf32>
        tpu.vector_store %arg12[%swap3A_450, %swap3A_451], %swap3A_454 {add = true, strides = array<i32>} : memref<8x1024xf32, #tpu.memory_space<vmem>>, vector<1x16xf32>,
        %mul3A_455 = arith.constant 1024 : i32
        %mul3A_456 = arith.muli %scan3A_196, %mul3A_455 : i32
        %add3A_457 = arith.constant 320 : i32
        %add3A_458 = arith.addi %mul3A_456, %add3A_457 : i32
        %get3A_459 = arith.index_cast %scan3A_194 : i32 to index
        %get3A_460 = arith.index_cast %add3A_458 : i32 to index
        %get3A_461 = tpu.vector_load %arg8[%get3A_459, %get3A_460] {strides = array<i32>} : memref<8x1024xf32, #tpu.memory_space<vmem>>, vector<1x16xf32>,
        %get3A_462 = vector.shape_cast %get3A_461 : vector<1x16xf32> to vector<16xf32>
        %swap3A_463 = arith.index_cast %scan3A_194 : i32 to index
        %swap3A_464 = arith.index_cast %add3A_458 : i32 to index
        %swap3A_465 = tpu.vector_load %arg12[%swap3A_463, %swap3A_464] {strides = array<i32>} : memref<8x1024xf32, #tpu.memory_space<vmem>>, vector<1x16xf32>,
        %swap3A_466 = vector.shape_cast %swap3A_465 : vector<1x16xf32> to vector<16xf32>
        %swap3A_467 = vector.shape_cast %get3A_462 : vector<16xf32> to vector<1x16xf32>
        tpu.vector_store %arg12[%swap3A_463, %swap3A_464], %swap3A_467 {add = true, strides = array<i32>} : memref<8x1024xf32, #tpu.memory_space<vmem>>, vector<1x16xf32>,
        %mul3A_468 = arith.constant 1024 : i32
        %mul3A_469 = arith.muli %scan3A_196, %mul3A_468 : i32
        %add3A_470 = arith.constant 336 : i32
        %add3A_471 = arith.addi %mul3A_469, %add3A_470 : i32
        %get3A_472 = arith.index_cast %scan3A_194 : i32 to index
        %get3A_473 = arith.index_cast %add3A_471 : i32 to index
        %get3A_474 = tpu.vector_load %arg8[%get3A_472, %get3A_473] {strides = array<i32>} : memref<8x1024xf32, #tpu.memory_space<vmem>>, vector<1x16xf32>,
        %get3A_475 = vector.shape_cast %get3A_474 : vector<1x16xf32> to vector<16xf32>
        %swap3A_476 = arith.index_cast %scan3A_194 : i32 to index
        %swap3A_477 = arith.index_cast %add3A_471 : i32 to index
        %swap3A_478 = tpu.vector_load %arg12[%swap3A_476, %swap3A_477] {strides = array<i32>} : memref<8x1024xf32, #tpu.memory_space<vmem>>, vector<1x16xf32>,
        %swap3A_479 = vector.shape_cast %swap3A_478 : vector<1x16xf32> to vector<16xf32>
        %swap3A_480 = vector.shape_cast %get3A_475 : vector<16xf32> to vector<1x16xf32>
        tpu.vector_store %arg12[%swap3A_476, %swap3A_477], %swap3A_480 {add = true, strides = array<i32>} : memref<8x1024xf32, #tpu.memory_space<vmem>>, vector<1x16xf32>,
        %mul3A_481 = arith.constant 1024 : i32
        %mul3A_482 = arith.muli %scan3A_196, %mul3A_481 : i32
        %add3A_483 = arith.constant 352 : i32
        %add3A_484 = arith.addi %mul3A_482, %add3A_483 : i32
        %get3A_485 = arith.index_cast %scan3A_194 : i32 to index
        %get3A_486 = arith.index_cast %add3A_484 : i32 to index
        %get3A_487 = tpu.vector_load %arg8[%get3A_485, %get3A_486] {strides = array<i32>} : memref<8x1024xf32, #tpu.memory_space<vmem>>, vector<1x16xf32>,
        %get3A_488 = vector.shape_cast %get3A_487 : vector<1x16xf32> to vector<16xf32>
        %swap3A_489 = arith.index_cast %scan3A_194 : i32 to index
        %swap3A_490 = arith.index_cast %add3A_484 : i32 to index
        %swap3A_491 = tpu.vector_load %arg12[%swap3A_489, %swap3A_490] {strides = array<i32>} : memref<8x1024xf32, #tpu.memory_space<vmem>>, vector<1x16xf32>,
        %swap3A_492 = vector.shape_cast %swap3A_491 : vector<1x16xf32> to vector<16xf32>
        %swap3A_493 = vector.shape_cast %get3A_488 : vector<16xf32> to vector<1x16xf32>
        tpu.vector_store %arg12[%swap3A_489, %swap3A_490], %swap3A_493 {add = true, strides = array<i32>} : memref<8x1024xf32, #tpu.memory_space<vmem>>, vector<1x16xf32>,
        %mul3A_494 = arith.constant 1024 : i32
        %mul3A_495 = arith.muli %scan3A_196, %mul3A_494 : i32
        %add3A_496 = arith.constant 368 : i32
        %add3A_497 = arith.addi %mul3A_495, %add3A_496 : i32
        %get3A_498 = arith.index_cast %scan3A_194 : i32 to index
        %get3A_499 = arith.index_cast %add3A_497 : i32 to index
        %get3A_500 = tpu.vector_load %arg8[%get3A_498, %get3A_499] {strides = array<i32>} : memref<8x1024xf32, #tpu.memory_space<vmem>>, vector<1x16xf32>,
        %get3A_501 = vector.shape_cast %get3A_500 : vector<1x16xf32> to vector<16xf32>
        %swap3A_502 = arith.index_cast %scan3A_194 : i32 to index
        %swap3A_503 = arith.index_cast %add3A_497 : i32 to index
        %swap3A_504 = tpu.vector_load %arg12[%swap3A_502, %swap3A_503] {strides = array<i32>} : memref<8x1024xf32, #tpu.memory_space<vmem>>, vector<1x16xf32>,
        %swap3A_505 = vector.shape_cast %swap3A_504 : vector<1x16xf32> to vector<16xf32>
        %swap3A_506 = vector.shape_cast %get3A_501 : vector<16xf32> to vector<1x16xf32>
        tpu.vector_store %arg12[%swap3A_502, %swap3A_503], %swap3A_506 {add = true, strides = array<i32>} : memref<8x1024xf32, #tpu.memory_space<vmem>>, vector<1x16xf32>,
        %mul3A_507 = arith.constant 1024 : i32
        %mul3A_508 = arith.muli %scan3A_196, %mul3A_507 : i32
        %add3A_509 = arith.constant 384 : i32
        %add3A_510 = arith.addi %mul3A_508, %add3A_509 : i32
        %get3A_511 = arith.index_cast %scan3A_194 : i32 to index
        %get3A_512 = arith.index_cast %add3A_510 : i32 to index
        %get3A_513 = tpu.vector_load %arg8[%get3A_511, %get3A_512] {strides = array<i32>} : memref<8x1024xf32, #tpu.memory_space<vmem>>, vector<1x16xf32>,
        %get3A_514 = vector.shape_cast %get3A_513 : vector<1x16xf32> to vector<16xf32>
        %swap3A_515 = arith.index_cast %scan3A_194 : i32 to index
        %swap3A_516 = arith.index_cast %add3A_510 : i32 to index
        %swap3A_517 = tpu.vector_load %arg12[%swap3A_515, %swap3A_516] {strides = array<i32>} : memref<8x1024xf32, #tpu.memory_space<vmem>>, vector<1x16xf32>,
        %swap3A_518 = vector.shape_cast %swap3A_517 : vector<1x16xf32> to vector<16xf32>
        %swap3A_519 = vector.shape_cast %get3A_514 : vector<16xf32> to vector<1x16xf32>
        tpu.vector_store %arg12[%swap3A_515, %swap3A_516], %swap3A_519 {add = true, strides = array<i32>} : memref<8x1024xf32, #tpu.memory_space<vmem>>, vector<1x16xf32>,
        %mul3A_520 = arith.constant 1024 : i32
        %mul3A_521 = arith.muli %scan3A_196, %mul3A_520 : i32
        %add3A_522 = arith.constant 400 : i32
        %add3A_523 = arith.addi %mul3A_521, %add3A_522 : i32
        %get3A_524 = arith.index_cast %scan3A_194 : i32 to index
        %get3A_525 = arith.index_cast %add3A_523 : i32 to index
        %get3A_526 = tpu.vector_load %arg8[%get3A_524, %get3A_525] {strides = array<i32>} : memref<8x1024xf32, #tpu.memory_space<vmem>>, vector<1x16xf32>,
        %get3A_527 = vector.shape_cast %get3A_526 : vector<1x16xf32> to vector<16xf32>
        %swap3A_528 = arith.index_cast %scan3A_194 : i32 to index
        %swap3A_529 = arith.index_cast %add3A_523 : i32 to index
        %swap3A_530 = tpu.vector_load %arg12[%swap3A_528, %swap3A_529] {strides = array<i32>} : memref<8x1024xf32, #tpu.memory_space<vmem>>, vector<1x16xf32>,
        %swap3A_531 = vector.shape_cast %swap3A_530 : vector<1x16xf32> to vector<16xf32>
        %swap3A_532 = vector.shape_cast %get3A_527 : vector<16xf32> to vector<1x16xf32>
        tpu.vector_store %arg12[%swap3A_528, %swap3A_529], %swap3A_532 {add = true, strides = array<i32>} : memref<8x1024xf32, #tpu.memory_space<vmem>>, vector<1x16xf32>,
        %mul3A_533 = arith.constant 1024 : i32
        %mul3A_534 = arith.muli %scan3A_196, %mul3A_533 : i32
        %add3A_535 = arith.constant 416 : i32
        %add3A_536 = arith.addi %mul3A_534, %add3A_535 : i32
        %get3A_537 = arith.index_cast %scan3A_194 : i32 to index
        %get3A_538 = arith.index_cast %add3A_536 : i32 to index
        %get3A_539 = tpu.vector_load %arg8[%get3A_537, %get3A_538] {strides = array<i32>} : memref<8x1024xf32, #tpu.memory_space<vmem>>, vector<1x16xf32>,
        %get3A_540 = vector.shape_cast %get3A_539 : vector<1x16xf32> to vector<16xf32>
        %swap3A_541 = arith.index_cast %scan3A_194 : i32 to index
        %swap3A_542 = arith.index_cast %add3A_536 : i32 to index
        %swap3A_543 = tpu.vector_load %arg12[%swap3A_541, %swap3A_542] {strides = array<i32>} : memref<8x1024xf32, #tpu.memory_space<vmem>>, vector<1x16xf32>,
        %swap3A_544 = vector.shape_cast %swap3A_543 : vector<1x16xf32> to vector<16xf32>
        %swap3A_545 = vector.shape_cast %get3A_540 : vector<16xf32> to vector<1x16xf32>
        tpu.vector_store %arg12[%swap3A_541, %swap3A_542], %swap3A_545 {add = true, strides = array<i32>} : memref<8x1024xf32, #tpu.memory_space<vmem>>, vector<1x16xf32>,
        %mul3A_546 = arith.constant 1024 : i32
        %mul3A_547 = arith.muli %scan3A_196, %mul3A_546 : i32
        %add3A_548 = arith.constant 432 : i32
        %add3A_549 = arith.addi %mul3A_547, %add3A_548 : i32
        %get3A_550 = arith.index_cast %scan3A_194 : i32 to index
        %get3A_551 = arith.index_cast %add3A_549 : i32 to index
        %get3A_552 = tpu.vector_load %arg8[%get3A_550, %get3A_551] {strides = array<i32>} : memref<8x1024xf32, #tpu.memory_space<vmem>>, vector<1x16xf32>,
        %get3A_553 = vector.shape_cast %get3A_552 : vector<1x16xf32> to vector<16xf32>
        %swap3A_554 = arith.index_cast %scan3A_194 : i32 to index
        %swap3A_555 = arith.index_cast %add3A_549 : i32 to index
        %swap3A_556 = tpu.vector_load %arg12[%swap3A_554, %swap3A_555] {strides = array<i32>} : memref<8x1024xf32, #tpu.memory_space<vmem>>, vector<1x16xf32>,
        %swap3A_557 = vector.shape_cast %swap3A_556 : vector<1x16xf32> to vector<16xf32>
        %swap3A_558 = vector.shape_cast %get3A_553 : vector<16xf32> to vector<1x16xf32>
        tpu.vector_store %arg12[%swap3A_554, %swap3A_555], %swap3A_558 {add = true, strides = array<i32>} : memref<8x1024xf32, #tpu.memory_space<vmem>>, vector<1x16xf32>,
        %mul3A_559 = arith.constant 1024 : i32
        %mul3A_560 = arith.muli %scan3A_196, %mul3A_559 : i32
        %add3A_561 = arith.constant 448 : i32
        %add3A_562 = arith.addi %mul3A_560, %add3A_561 : i32
        %get3A_563 = arith.index_cast %scan3A_194 : i32 to index
        %get3A_564 = arith.index_cast %add3A_562 : i32 to index
        %get3A_565 = tpu.vector_load %arg8[%get3A_563, %get3A_564] {strides = array<i32>} : memref<8x1024xf32, #tpu.memory_space<vmem>>, vector<1x16xf32>,
        %get3A_566 = vector.shape_cast %get3A_565 : vector<1x16xf32> to vector<16xf32>
        %swap3A_567 = arith.index_cast %scan3A_194 : i32 to index
        %swap3A_568 = arith.index_cast %add3A_562 : i32 to index
        %swap3A_569 = tpu.vector_load %arg12[%swap3A_567, %swap3A_568] {strides = array<i32>} : memref<8x1024xf32, #tpu.memory_space<vmem>>, vector<1x16xf32>,
        %swap3A_570 = vector.shape_cast %swap3A_569 : vector<1x16xf32> to vector<16xf32>
        %swap3A_571 = vector.shape_cast %get3A_566 : vector<16xf32> to vector<1x16xf32>
        tpu.vector_store %arg12[%swap3A_567, %swap3A_568], %swap3A_571 {add = true, strides = array<i32>} : memref<8x1024xf32, #tpu.memory_space<vmem>>, vector<1x16xf32>,
        %mul3A_572 = arith.constant 1024 : i32
        %mul3A_573 = arith.muli %scan3A_196, %mul3A_572 : i32
        %add3A_574 = arith.constant 464 : i32
        %add3A_575 = arith.addi %mul3A_573, %add3A_574 : i32
        %get3A_576 = arith.index_cast %scan3A_194 : i32 to index
        %get3A_577 = arith.index_cast %add3A_575 : i32 to index
        %get3A_578 = tpu.vector_load %arg8[%get3A_576, %get3A_577] {strides = array<i32>} : memref<8x1024xf32, #tpu.memory_space<vmem>>, vector<1x16xf32>,
        %get3A_579 = vector.shape_cast %get3A_578 : vector<1x16xf32> to vector<16xf32>
        %swap3A_580 = arith.index_cast %scan3A_194 : i32 to index
        %swap3A_581 = arith.index_cast %add3A_575 : i32 to index
        %swap3A_582 = tpu.vector_load %arg12[%swap3A_580, %swap3A_581] {strides = array<i32>} : memref<8x1024xf32, #tpu.memory_space<vmem>>, vector<1x16xf32>,
        %swap3A_583 = vector.shape_cast %swap3A_582 : vector<1x16xf32> to vector<16xf32>
        %swap3A_584 = vector.shape_cast %get3A_579 : vector<16xf32> to vector<1x16xf32>
        tpu.vector_store %arg12[%swap3A_580, %swap3A_581], %swap3A_584 {add = true, strides = array<i32>} : memref<8x1024xf32, #tpu.memory_space<vmem>>, vector<1x16xf32>,
        %mul3A_585 = arith.constant 1024 : i32
        %mul3A_586 = arith.muli %scan3A_196, %mul3A_585 : i32
        %add3A_587 = arith.constant 480 : i32
        %add3A_588 = arith.addi %mul3A_586, %add3A_587 : i32
        %get3A_589 = arith.index_cast %scan3A_194 : i32 to index
        %get3A_590 = arith.index_cast %add3A_588 : i32 to index
        %get3A_591 = tpu.vector_load %arg8[%get3A_589, %get3A_590] {strides = array<i32>} : memref<8x1024xf32, #tpu.memory_space<vmem>>, vector<1x16xf32>,
        %get3A_592 = vector.shape_cast %get3A_591 : vector<1x16xf32> to vector<16xf32>
        %swap3A_593 = arith.index_cast %scan3A_194 : i32 to index
        %swap3A_594 = arith.index_cast %add3A_588 : i32 to index
        %swap3A_595 = tpu.vector_load %arg12[%swap3A_593, %swap3A_594] {strides = array<i32>} : memref<8x1024xf32, #tpu.memory_space<vmem>>, vector<1x16xf32>,
        %swap3A_596 = vector.shape_cast %swap3A_595 : vector<1x16xf32> to vector<16xf32>
        %swap3A_597 = vector.shape_cast %get3A_592 : vector<16xf32> to vector<1x16xf32>
        tpu.vector_store %arg12[%swap3A_593, %swap3A_594], %swap3A_597 {add = true, strides = array<i32>} : memref<8x1024xf32, #tpu.memory_space<vmem>>, vector<1x16xf32>,
        %mul3A_598 = arith.constant 1024 : i32
        %mul3A_599 = arith.muli %scan3A_196, %mul3A_598 : i32
        %add3A_600 = arith.constant 496 : i32
        %add3A_601 = arith.addi %mul3A_599, %add3A_600 : i32
        %get3A_602 = arith.index_cast %scan3A_194 : i32 to index
        %get3A_603 = arith.index_cast %add3A_601 : i32 to index
        %get3A_604 = tpu.vector_load %arg8[%get3A_602, %get3A_603] {strides = array<i32>} : memref<8x1024xf32, #tpu.memory_space<vmem>>, vector<1x16xf32>,
        %get3A_605 = vector.shape_cast %get3A_604 : vector<1x16xf32> to vector<16xf32>
        %swap3A_606 = arith.index_cast %scan3A_194 : i32 to index
        %swap3A_607 = arith.index_cast %add3A_601 : i32 to index
        %swap3A_608 = tpu.vector_load %arg12[%swap3A_606, %swap3A_607] {strides = array<i32>} : memref<8x1024xf32, #tpu.memory_space<vmem>>, vector<1x16xf32>,
        %swap3A_609 = vector.shape_cast %swap3A_608 : vector<1x16xf32> to vector<16xf32>
        %swap3A_610 = vector.shape_cast %get3A_605 : vector<16xf32> to vector<1x16xf32>
        tpu.vector_store %arg12[%swap3A_606, %swap3A_607], %swap3A_610 {add = true, strides = array<i32>} : memref<8x1024xf32, #tpu.memory_space<vmem>>, vector<1x16xf32>,
        %mul3A_611 = arith.constant 1024 : i32
        %mul3A_612 = arith.muli %scan3A_196, %mul3A_611 : i32
        %add3A_613 = arith.constant 512 : i32
        %add3A_614 = arith.addi %mul3A_612, %add3A_613 : i32
        %get3A_615 = arith.index_cast %scan3A_194 : i32 to index
        %get3A_616 = arith.index_cast %add3A_614 : i32 to index
        %get3A_617 = tpu.vector_load %arg8[%get3A_615, %get3A_616] {strides = array<i32>} : memref<8x1024xf32, #tpu.memory_space<vmem>>, vector<1x16xf32>,
        %get3A_618 = vector.shape_cast %get3A_617 : vector<1x16xf32> to vector<16xf32>
        %swap3A_619 = arith.index_cast %scan3A_194 : i32 to index
        %swap3A_620 = arith.index_cast %add3A_614 : i32 to index
        %swap3A_621 = tpu.vector_load %arg12[%swap3A_619, %swap3A_620] {strides = array<i32>} : memref<8x1024xf32, #tpu.memory_space<vmem>>, vector<1x16xf32>,
        %swap3A_622 = vector.shape_cast %swap3A_621 : vector<1x16xf32> to vector<16xf32>
        %swap3A_623 = vector.shape_cast %get3A_618 : vector<16xf32> to vector<1x16xf32>
        tpu.vector_store %arg12[%swap3A_619, %swap3A_620], %swap3A_623 {add = true, strides = array<i32>} : memref<8x1024xf32, #tpu.memory_space<vmem>>, vector<1x16xf32>,
        %mul3A_624 = arith.constant 1024 : i32
        %mul3A_625 = arith.muli %scan3A_196, %mul3A_624 : i32
        %add3A_626 = arith.constant 528 : i32
        %add3A_627 = arith.addi %mul3A_625, %add3A_626 : i32
        %get3A_628 = arith.index_cast %scan3A_194 : i32 to index
        %get3A_629 = arith.index_cast %add3A_627 : i32 to index
        %get3A_630 = tpu.vector_load %arg8[%get3A_628, %get3A_629] {strides = array<i32>} : memref<8x1024xf32, #tpu.memory_space<vmem>>, vector<1x16xf32>,
        %get3A_631 = vector.shape_cast %get3A_630 : vector<1x16xf32> to vector<16xf32>
        %swap3A_632 = arith.index_cast %scan3A_194 : i32 to index
        %swap3A_633 = arith.index_cast %add3A_627 : i32 to index
        %swap3A_634 = tpu.vector_load %arg12[%swap3A_632, %swap3A_633] {strides = array<i32>} : memref<8x1024xf32, #tpu.memory_space<vmem>>, vector<1x16xf32>,
        %swap3A_635 = vector.shape_cast %swap3A_634 : vector<1x16xf32> to vector<16xf32>
        %swap3A_636 = vector.shape_cast %get3A_631 : vector<16xf32> to vector<1x16xf32>
        tpu.vector_store %arg12[%swap3A_632, %swap3A_633], %swap3A_636 {add = true, strides = array<i32>} : memref<8x1024xf32, #tpu.memory_space<vmem>>, vector<1x16xf32>,
        %mul3A_637 = arith.constant 1024 : i32
        %mul3A_638 = arith.muli %scan3A_196, %mul3A_637 : i32
        %add3A_639 = arith.constant 544 : i32
        %add3A_640 = arith.addi %mul3A_638, %add3A_639 : i32
        %get3A_641 = arith.index_cast %scan3A_194 : i32 to index
        %get3A_642 = arith.index_cast %add3A_640 : i32 to index
        %get3A_643 = tpu.vector_load %arg8[%get3A_641, %get3A_642] {strides = array<i32>} : memref<8x1024xf32, #tpu.memory_space<vmem>>, vector<1x16xf32>,
        %get3A_644 = vector.shape_cast %get3A_643 : vector<1x16xf32> to vector<16xf32>
        %swap3A_645 = arith.index_cast %scan3A_194 : i32 to index
        %swap3A_646 = arith.index_cast %add3A_640 : i32 to index
        %swap3A_647 = tpu.vector_load %arg12[%swap3A_645, %swap3A_646] {strides = array<i32>} : memref<8x1024xf32, #tpu.memory_space<vmem>>, vector<1x16xf32>,
        %swap3A_648 = vector.shape_cast %swap3A_647 : vector<1x16xf32> to vector<16xf32>
        %swap3A_649 = vector.shape_cast %get3A_644 : vector<16xf32> to vector<1x16xf32>
        tpu.vector_store %arg12[%swap3A_645, %swap3A_646], %swap3A_649 {add = true, strides = array<i32>} : memref<8x1024xf32, #tpu.memory_space<vmem>>, vector<1x16xf32>,
        %mul3A_650 = arith.constant 1024 : i32
        %mul3A_651 = arith.muli %scan3A_196, %mul3A_650 : i32
        %add3A_652 = arith.constant 560 : i32
        %add3A_653 = arith.addi %mul3A_651, %add3A_652 : i32
        %get3A_654 = arith.index_cast %scan3A_194 : i32 to index
        %get3A_655 = arith.index_cast %add3A_653 : i32 to index
        %get3A_656 = tpu.vector_load %arg8[%get3A_654, %get3A_655] {strides = array<i32>} : memref<8x1024xf32, #tpu.memory_space<vmem>>, vector<1x16xf32>,
        %get3A_657 = vector.shape_cast %get3A_656 : vector<1x16xf32> to vector<16xf32>
        %swap3A_658 = arith.index_cast %scan3A_194 : i32 to index
        %swap3A_659 = arith.index_cast %add3A_653 : i32 to index
        %swap3A_660 = tpu.vector_load %arg12[%swap3A_658, %swap3A_659] {strides = array<i32>} : memref<8x1024xf32, #tpu.memory_space<vmem>>, vector<1x16xf32>,
        %swap3A_661 = vector.shape_cast %swap3A_660 : vector<1x16xf32> to vector<16xf32>
        %swap3A_662 = vector.shape_cast %get3A_657 : vector<16xf32> to vector<1x16xf32>
        tpu.vector_store %arg12[%swap3A_658, %swap3A_659], %swap3A_662 {add = true, strides = array<i32>} : memref<8x1024xf32, #tpu.memory_space<vmem>>, vector<1x16xf32>,
        %mul3A_663 = arith.constant 1024 : i32
        %mul3A_664 = arith.muli %scan3A_196, %mul3A_663 : i32
        %add3A_665 = arith.constant 576 : i32
        %add3A_666 = arith.addi %mul3A_664, %add3A_665 : i32
        %get3A_667 = arith.index_cast %scan3A_194 : i32 to index
        %get3A_668 = arith.index_cast %add3A_666 : i32 to index
        %get3A_669 = tpu.vector_load %arg8[%get3A_667, %get3A_668] {strides = array<i32>} : memref<8x1024xf32, #tpu.memory_space<vmem>>, vector<1x16xf32>,
        %get3A_670 = vector.shape_cast %get3A_669 : vector<1x16xf32> to vector<16xf32>
        %swap3A_671 = arith.index_cast %scan3A_194 : i32 to index
        %swap3A_672 = arith.index_cast %add3A_666 : i32 to index
        %swap3A_673 = tpu.vector_load %arg12[%swap3A_671, %swap3A_672] {strides = array<i32>} : memref<8x1024xf32, #tpu.memory_space<vmem>>, vector<1x16xf32>,
        %swap3A_674 = vector.shape_cast %swap3A_673 : vector<1x16xf32> to vector<16xf32>
        %swap3A_675 = vector.shape_cast %get3A_670 : vector<16xf32> to vector<1x16xf32>
        tpu.vector_store %arg12[%swap3A_671, %swap3A_672], %swap3A_675 {add = true, strides = array<i32>} : memref<8x1024xf32, #tpu.memory_space<vmem>>, vector<1x16xf32>,
        %mul3A_676 = arith.constant 1024 : i32
        %mul3A_677 = arith.muli %scan3A_196, %mul3A_676 : i32
        %add3A_678 = arith.constant 592 : i32
        %add3A_679 = arith.addi %mul3A_677, %add3A_678 : i32
        %get3A_680 = arith.index_cast %scan3A_194 : i32 to index
        %get3A_681 = arith.index_cast %add3A_679 : i32 to index
        %get3A_682 = tpu.vector_load %arg8[%get3A_680, %get3A_681] {strides = array<i32>} : memref<8x1024xf32, #tpu.memory_space<vmem>>, vector<1x16xf32>,
        %get3A_683 = vector.shape_cast %get3A_682 : vector<1x16xf32> to vector<16xf32>
        %swap3A_684 = arith.index_cast %scan3A_194 : i32 to index
        %swap3A_685 = arith.index_cast %add3A_679 : i32 to index
        %swap3A_686 = tpu.vector_load %arg12[%swap3A_684, %swap3A_685] {strides = array<i32>} : memref<8x1024xf32, #tpu.memory_space<vmem>>, vector<1x16xf32>,
        %swap3A_687 = vector.shape_cast %swap3A_686 : vector<1x16xf32> to vector<16xf32>
        %swap3A_688 = vector.shape_cast %get3A_683 : vector<16xf32> to vector<1x16xf32>
        tpu.vector_store %arg12[%swap3A_684, %swap3A_685], %swap3A_688 {add = true, strides = array<i32>} : memref<8x1024xf32, #tpu.memory_space<vmem>>, vector<1x16xf32>,
        %mul3A_689 = arith.constant 1024 : i32
        %mul3A_690 = arith.muli %scan3A_196, %mul3A_689 : i32
        %add3A_691 = arith.constant 608 : i32
        %add3A_692 = arith.addi %mul3A_690, %add3A_691 : i32
        %get3A_693 = arith.index_cast %scan3A_194 : i32 to index
        %get3A_694 = arith.index_cast %add3A_692 : i32 to index
        %get3A_695 = tpu.vector_load %arg8[%get3A_693, %get3A_694] {strides = array<i32>} : memref<8x1024xf32, #tpu.memory_space<vmem>>, vector<1x16xf32>,
        %get3A_696 = vector.shape_cast %get3A_695 : vector<1x16xf32> to vector<16xf32>
        %swap3A_697 = arith.index_cast %scan3A_194 : i32 to index
        %swap3A_698 = arith.index_cast %add3A_692 : i32 to index
        %swap3A_699 = tpu.vector_load %arg12[%swap3A_697, %swap3A_698] {strides = array<i32>} : memref<8x1024xf32, #tpu.memory_space<vmem>>, vector<1x16xf32>,
        %swap3A_700 = vector.shape_cast %swap3A_699 : vector<1x16xf32> to vector<16xf32>
        %swap3A_701 = vector.shape_cast %get3A_696 : vector<16xf32> to vector<1x16xf32>
        tpu.vector_store %arg12[%swap3A_697, %swap3A_698], %swap3A_701 {add = true, strides = array<i32>} : memref<8x1024xf32, #tpu.memory_space<vmem>>, vector<1x16xf32>,
        %mul3A_702 = arith.constant 1024 : i32
        %mul3A_703 = arith.muli %scan3A_196, %mul3A_702 : i32
        %add3A_704 = arith.constant 624 : i32
        %add3A_705 = arith.addi %mul3A_703, %add3A_704 : i32
        %get3A_706 = arith.index_cast %scan3A_194 : i32 to index
        %get3A_707 = arith.index_cast %add3A_705 : i32 to index
        %get3A_708 = tpu.vector_load %arg8[%get3A_706, %get3A_707] {strides = array<i32>} : memref<8x1024xf32, #tpu.memory_space<vmem>>, vector<1x16xf32>,
        %get3A_709 = vector.shape_cast %get3A_708 : vector<1x16xf32> to vector<16xf32>
        %swap3A_710 = arith.index_cast %scan3A_194 : i32 to index
        %swap3A_711 = arith.index_cast %add3A_705 : i32 to index
        %swap3A_712 = tpu.vector_load %arg12[%swap3A_710, %swap3A_711] {strides = array<i32>} : memref<8x1024xf32, #tpu.memory_space<vmem>>, vector<1x16xf32>,
        %swap3A_713 = vector.shape_cast %swap3A_712 : vector<1x16xf32> to vector<16xf32>
        %swap3A_714 = vector.shape_cast %get3A_709 : vector<16xf32> to vector<1x16xf32>
        tpu.vector_store %arg12[%swap3A_710, %swap3A_711], %swap3A_714 {add = true, strides = array<i32>} : memref<8x1024xf32, #tpu.memory_space<vmem>>, vector<1x16xf32>,
        %mul3A_715 = arith.constant 1024 : i32
        %mul3A_716 = arith.muli %scan3A_196, %mul3A_715 : i32
        %add3A_717 = arith.constant 640 : i32
        %add3A_718 = arith.addi %mul3A_716, %add3A_717 : i32
        %get3A_719 = arith.index_cast %scan3A_194 : i32 to index
        %get3A_720 = arith.index_cast %add3A_718 : i32 to index
        %get3A_721 = tpu.vector_load %arg8[%get3A_719, %get3A_720] {strides = array<i32>} : memref<8x1024xf32, #tpu.memory_space<vmem>>, vector<1x16xf32>,
        %get3A_722 = vector.shape_cast %get3A_721 : vector<1x16xf32> to vector<16xf32>
        %swap3A_723 = arith.index_cast %scan3A_194 : i32 to index
        %swap3A_724 = arith.index_cast %add3A_718 : i32 to index
        %swap3A_725 = tpu.vector_load %arg12[%swap3A_723, %swap3A_724] {strides = array<i32>} : memref<8x1024xf32, #tpu.memory_space<vmem>>, vector<1x16xf32>,
        %swap3A_726 = vector.shape_cast %swap3A_725 : vector<1x16xf32> to vector<16xf32>
        %swap3A_727 = vector.shape_cast %get3A_722 : vector<16xf32> to vector<1x16xf32>
        tpu.vector_store %arg12[%swap3A_723, %swap3A_724], %swap3A_727 {add = true, strides = array<i32>} : memref<8x1024xf32, #tpu.memory_space<vmem>>, vector<1x16xf32>,
        %mul3A_728 = arith.constant 1024 : i32
        %mul3A_729 = arith.muli %scan3A_196, %mul3A_728 : i32
        %add3A_730 = arith.constant 656 : i32
        %add3A_731 = arith.addi %mul3A_729, %add3A_730 : i32
        %get3A_732 = arith.index_cast %scan3A_194 : i32 to index
        %get3A_733 = arith.index_cast %add3A_731 : i32 to index
        %get3A_734 = tpu.vector_load %arg8[%get3A_732, %get3A_733] {strides = array<i32>} : memref<8x1024xf32, #tpu.memory_space<vmem>>, vector<1x16xf32>,
        %get3A_735 = vector.shape_cast %get3A_734 : vector<1x16xf32> to vector<16xf32>
        %swap3A_736 = arith.index_cast %scan3A_194 : i32 to index
        %swap3A_737 = arith.index_cast %add3A_731 : i32 to index
        %swap3A_738 = tpu.vector_load %arg12[%swap3A_736, %swap3A_737] {strides = array<i32>} : memref<8x1024xf32, #tpu.memory_space<vmem>>, vector<1x16xf32>,
        %swap3A_739 = vector.shape_cast %swap3A_738 : vector<1x16xf32> to vector<16xf32>
        %swap3A_740 = vector.shape_cast %get3A_735 : vector<16xf32> to vector<1x16xf32>
        tpu.vector_store %arg12[%swap3A_736, %swap3A_737], %swap3A_740 {add = true, strides = array<i32>} : memref<8x1024xf32, #tpu.memory_space<vmem>>, vector<1x16xf32>,
        %mul3A_741 = arith.constant 1024 : i32
        %mul3A_742 = arith.muli %scan3A_196, %mul3A_741 : i32
        %add3A_743 = arith.constant 672 : i32
        %add3A_744 = arith.addi %mul3A_742, %add3A_743 : i32
        %get3A_745 = arith.index_cast %scan3A_194 : i32 to index
        %get3A_746 = arith.index_cast %add3A_744 : i32 to index
        %get3A_747 = tpu.vector_load %arg8[%get3A_745, %get3A_746] {strides = array<i32>} : memref<8x1024xf32, #tpu.memory_space<vmem>>, vector<1x16xf32>,
        %get3A_748 = vector.shape_cast %get3A_747 : vector<1x16xf32> to vector<16xf32>
        %swap3A_749 = arith.index_cast %scan3A_194 : i32 to index
        %swap3A_750 = arith.index_cast %add3A_744 : i32 to index
        %swap3A_751 = tpu.vector_load %arg12[%swap3A_749, %swap3A_750] {strides = array<i32>} : memref<8x1024xf32, #tpu.memory_space<vmem>>, vector<1x16xf32>,
        %swap3A_752 = vector.shape_cast %swap3A_751 : vector<1x16xf32> to vector<16xf32>
        %swap3A_753 = vector.shape_cast %get3A_748 : vector<16xf32> to vector<1x16xf32>
        tpu.vector_store %arg12[%swap3A_749, %swap3A_750], %swap3A_753 {add = true, strides = array<i32>} : memref<8x1024xf32, #tpu.memory_space<vmem>>, vector<1x16xf32>,
        %mul3A_754 = arith.constant 1024 : i32
        %mul3A_755 = arith.muli %scan3A_196, %mul3A_754 : i32
        %add3A_756 = arith.constant 688 : i32
        %add3A_757 = arith.addi %mul3A_755, %add3A_756 : i32
        %get3A_758 = arith.index_cast %scan3A_194 : i32 to index
        %get3A_759 = arith.index_cast %add3A_757 : i32 to index
        %get3A_760 = tpu.vector_load %arg8[%get3A_758, %get3A_759] {strides = array<i32>} : memref<8x1024xf32, #tpu.memory_space<vmem>>, vector<1x16xf32>,
        %get3A_761 = vector.shape_cast %get3A_760 : vector<1x16xf32> to vector<16xf32>
        %swap3A_762 = arith.index_cast %scan3A_194 : i32 to index
        %swap3A_763 = arith.index_cast %add3A_757 : i32 to index
        %swap3A_764 = tpu.vector_load %arg12[%swap3A_762, %swap3A_763] {strides = array<i32>} : memref<8x1024xf32, #tpu.memory_space<vmem>>, vector<1x16xf32>,
        %swap3A_765 = vector.shape_cast %swap3A_764 : vector<1x16xf32> to vector<16xf32>
        %swap3A_766 = vector.shape_cast %get3A_761 : vector<16xf32> to vector<1x16xf32>
        tpu.vector_store %arg12[%swap3A_762, %swap3A_763], %swap3A_766 {add = true, strides = array<i32>} : memref<8x1024xf32, #tpu.memory_space<vmem>>, vector<1x16xf32>,
        %mul3A_767 = arith.constant 1024 : i32
        %mul3A_768 = arith.muli %scan3A_196, %mul3A_767 : i32
        %add3A_769 = arith.constant 704 : i32
        %add3A_770 = arith.addi %mul3A_768, %add3A_769 : i32
        %get3A_771 = arith.index_cast %scan3A_194 : i32 to index
        %get3A_772 = arith.index_cast %add3A_770 : i32 to index
        %get3A_773 = tpu.vector_load %arg8[%get3A_771, %get3A_772] {strides = array<i32>} : memref<8x1024xf32, #tpu.memory_space<vmem>>, vector<1x16xf32>,
        %get3A_774 = vector.shape_cast %get3A_773 : vector<1x16xf32> to vector<16xf32>
        %swap3A_775 = arith.index_cast %scan3A_194 : i32 to index
        %swap3A_776 = arith.index_cast %add3A_770 : i32 to index
        %swap3A_777 = tpu.vector_load %arg12[%swap3A_775, %swap3A_776] {strides = array<i32>} : memref<8x1024xf32, #tpu.memory_space<vmem>>, vector<1x16xf32>,
        %swap3A_778 = vector.shape_cast %swap3A_777 : vector<1x16xf32> to vector<16xf32>
        %swap3A_779 = vector.shape_cast %get3A_774 : vector<16xf32> to vector<1x16xf32>
        tpu.vector_store %arg12[%swap3A_775, %swap3A_776], %swap3A_779 {add = true, strides = array<i32>} : memref<8x1024xf32, #tpu.memory_space<vmem>>, vector<1x16xf32>,
        %mul3A_780 = arith.constant 1024 : i32
        %mul3A_781 = arith.muli %scan3A_196, %mul3A_780 : i32
        %add3A_782 = arith.constant 720 : i32
        %add3A_783 = arith.addi %mul3A_781, %add3A_782 : i32
        %get3A_784 = arith.index_cast %scan3A_194 : i32 to index
        %get3A_785 = arith.index_cast %add3A_783 : i32 to index
        %get3A_786 = tpu.vector_load %arg8[%get3A_784, %get3A_785] {strides = array<i32>} : memref<8x1024xf32, #tpu.memory_space<vmem>>, vector<1x16xf32>,
        %get3A_787 = vector.shape_cast %get3A_786 : vector<1x16xf32> to vector<16xf32>
        %swap3A_788 = arith.index_cast %scan3A_194 : i32 to index
        %swap3A_789 = arith.index_cast %add3A_783 : i32 to index
        %swap3A_790 = tpu.vector_load %arg12[%swap3A_788, %swap3A_789] {strides = array<i32>} : memref<8x1024xf32, #tpu.memory_space<vmem>>, vector<1x16xf32>,
        %swap3A_791 = vector.shape_cast %swap3A_790 : vector<1x16xf32> to vector<16xf32>
        %swap3A_792 = vector.shape_cast %get3A_787 : vector<16xf32> to vector<1x16xf32>
        tpu.vector_store %arg12[%swap3A_788, %swap3A_789], %swap3A_792 {add = true, strides = array<i32>} : memref<8x1024xf32, #tpu.memory_space<vmem>>, vector<1x16xf32>,
        %mul3A_793 = arith.constant 1024 : i32
        %mul3A_794 = arith.muli %scan3A_196, %mul3A_793 : i32
        %add3A_795 = arith.constant 736 : i32
        %add3A_796 = arith.addi %mul3A_794, %add3A_795 : i32
        %get3A_797 = arith.index_cast %scan3A_194 : i32 to index
        %get3A_798 = arith.index_cast %add3A_796 : i32 to index
        %get3A_799 = tpu.vector_load %arg8[%get3A_797, %get3A_798] {strides = array<i32>} : memref<8x1024xf32, #tpu.memory_space<vmem>>, vector<1x16xf32>,
        %get3A_800 = vector.shape_cast %get3A_799 : vector<1x16xf32> to vector<16xf32>
        %swap3A_801 = arith.index_cast %scan3A_194 : i32 to index
        %swap3A_802 = arith.index_cast %add3A_796 : i32 to index
        %swap3A_803 = tpu.vector_load %arg12[%swap3A_801, %swap3A_802] {strides = array<i32>} : memref<8x1024xf32, #tpu.memory_space<vmem>>, vector<1x16xf32>,
        %swap3A_804 = vector.shape_cast %swap3A_803 : vector<1x16xf32> to vector<16xf32>
        %swap3A_805 = vector.shape_cast %get3A_800 : vector<16xf32> to vector<1x16xf32>
        tpu.vector_store %arg12[%swap3A_801, %swap3A_802], %swap3A_805 {add = true, strides = array<i32>} : memref<8x1024xf32, #tpu.memory_space<vmem>>, vector<1x16xf32>,
        %mul3A_806 = arith.constant 1024 : i32
        %mul3A_807 = arith.muli %scan3A_196, %mul3A_806 : i32
        %add3A_808 = arith.constant 752 : i32
        %add3A_809 = arith.addi %mul3A_807, %add3A_808 : i32
        %get3A_810 = arith.index_cast %scan3A_194 : i32 to index
        %get3A_811 = arith.index_cast %add3A_809 : i32 to index
        %get3A_812 = tpu.vector_load %arg8[%get3A_810, %get3A_811] {strides = array<i32>} : memref<8x1024xf32, #tpu.memory_space<vmem>>, vector<1x16xf32>,
        %get3A_813 = vector.shape_cast %get3A_812 : vector<1x16xf32> to vector<16xf32>
        %swap3A_814 = arith.index_cast %scan3A_194 : i32 to index
        %swap3A_815 = arith.index_cast %add3A_809 : i32 to index
        %swap3A_816 = tpu.vector_load %arg12[%swap3A_814, %swap3A_815] {strides = array<i32>} : memref<8x1024xf32, #tpu.memory_space<vmem>>, vector<1x16xf32>,
        %swap3A_817 = vector.shape_cast %swap3A_816 : vector<1x16xf32> to vector<16xf32>
        %swap3A_818 = vector.shape_cast %get3A_813 : vector<16xf32> to vector<1x16xf32>
        tpu.vector_store %arg12[%swap3A_814, %swap3A_815], %swap3A_818 {add = true, strides = array<i32>} : memref<8x1024xf32, #tpu.memory_space<vmem>>, vector<1x16xf32>,
        %mul3A_819 = arith.constant 1024 : i32
        %mul3A_820 = arith.muli %scan3A_196, %mul3A_819 : i32
        %add3A_821 = arith.constant 768 : i32
        %add3A_822 = arith.addi %mul3A_820, %add3A_821 : i32
        %get3A_823 = arith.index_cast %scan3A_194 : i32 to index
        %get3A_824 = arith.index_cast %add3A_822 : i32 to index
        %get3A_825 = tpu.vector_load %arg8[%get3A_823, %get3A_824] {strides = array<i32>} : memref<8x1024xf32, #tpu.memory_space<vmem>>, vector<1x16xf32>,
        %get3A_826 = vector.shape_cast %get3A_825 : vector<1x16xf32> to vector<16xf32>
        %swap3A_827 = arith.index_cast %scan3A_194 : i32 to index
        %swap3A_828 = arith.index_cast %add3A_822 : i32 to index
        %swap3A_829 = tpu.vector_load %arg12[%swap3A_827, %swap3A_828] {strides = array<i32>} : memref<8x1024xf32, #tpu.memory_space<vmem>>, vector<1x16xf32>,
        %swap3A_830 = vector.shape_cast %swap3A_829 : vector<1x16xf32> to vector<16xf32>
        %swap3A_831 = vector.shape_cast %get3A_826 : vector<16xf32> to vector<1x16xf32>
        tpu.vector_store %arg12[%swap3A_827, %swap3A_828], %swap3A_831 {add = true, strides = array<i32>} : memref<8x1024xf32, #tpu.memory_space<vmem>>, vector<1x16xf32>,
        %mul3A_832 = arith.constant 1024 : i32
        %mul3A_833 = arith.muli %scan3A_196, %mul3A_832 : i32
        %add3A_834 = arith.constant 784 : i32
        %add3A_835 = arith.addi %mul3A_833, %add3A_834 : i32
        %get3A_836 = arith.index_cast %scan3A_194 : i32 to index
        %get3A_837 = arith.index_cast %add3A_835 : i32 to index
        %get3A_838 = tpu.vector_load %arg8[%get3A_836, %get3A_837] {strides = array<i32>} : memref<8x1024xf32, #tpu.memory_space<vmem>>, vector<1x16xf32>,
        %get3A_839 = vector.shape_cast %get3A_838 : vector<1x16xf32> to vector<16xf32>
        %swap3A_840 = arith.index_cast %scan3A_194 : i32 to index
        %swap3A_841 = arith.index_cast %add3A_835 : i32 to index
        %swap3A_842 = tpu.vector_load %arg12[%swap3A_840, %swap3A_841] {strides = array<i32>} : memref<8x1024xf32, #tpu.memory_space<vmem>>, vector<1x16xf32>,
        %swap3A_843 = vector.shape_cast %swap3A_842 : vector<1x16xf32> to vector<16xf32>
        %swap3A_844 = vector.shape_cast %get3A_839 : vector<16xf32> to vector<1x16xf32>
        tpu.vector_store %arg12[%swap3A_840, %swap3A_841], %swap3A_844 {add = true, strides = array<i32>} : memref<8x1024xf32, #tpu.memory_space<vmem>>, vector<1x16xf32>,
        %mul3A_845 = arith.constant 1024 : i32
        %mul3A_846 = arith.muli %scan3A_196, %mul3A_845 : i32
        %add3A_847 = arith.constant 800 : i32
        %add3A_848 = arith.addi %mul3A_846, %add3A_847 : i32
        %get3A_849 = arith.index_cast %scan3A_194 : i32 to index
        %get3A_850 = arith.index_cast %add3A_848 : i32 to index
        %get3A_851 = tpu.vector_load %arg8[%get3A_849, %get3A_850] {strides = array<i32>} : memref<8x1024xf32, #tpu.memory_space<vmem>>, vector<1x16xf32>,
        %get3A_852 = vector.shape_cast %get3A_851 : vector<1x16xf32> to vector<16xf32>
        %swap3A_853 = arith.index_cast %scan3A_194 : i32 to index
        %swap3A_854 = arith.index_cast %add3A_848 : i32 to index
        %swap3A_855 = tpu.vector_load %arg12[%swap3A_853, %swap3A_854] {strides = array<i32>} : memref<8x1024xf32, #tpu.memory_space<vmem>>, vector<1x16xf32>,
        %swap3A_856 = vector.shape_cast %swap3A_855 : vector<1x16xf32> to vector<16xf32>
        %swap3A_857 = vector.shape_cast %get3A_852 : vector<16xf32> to vector<1x16xf32>
        tpu.vector_store %arg12[%swap3A_853, %swap3A_854], %swap3A_857 {add = true, strides = array<i32>} : memref<8x1024xf32, #tpu.memory_space<vmem>>, vector<1x16xf32>,
        %mul3A_858 = arith.constant 1024 : i32
        %mul3A_859 = arith.muli %scan3A_196, %mul3A_858 : i32
        %add3A_860 = arith.constant 816 : i32
        %add3A_861 = arith.addi %mul3A_859, %add3A_860 : i32
        %get3A_862 = arith.index_cast %scan3A_194 : i32 to index
        %get3A_863 = arith.index_cast %add3A_861 : i32 to index
        %get3A_864 = tpu.vector_load %arg8[%get3A_862, %get3A_863] {strides = array<i32>} : memref<8x1024xf32, #tpu.memory_space<vmem>>, vector<1x16xf32>,
        %get3A_865 = vector.shape_cast %get3A_864 : vector<1x16xf32> to vector<16xf32>
        %swap3A_866 = arith.index_cast %scan3A_194 : i32 to index
        %swap3A_867 = arith.index_cast %add3A_861 : i32 to index
        %swap3A_868 = tpu.vector_load %arg12[%swap3A_866, %swap3A_867] {strides = array<i32>} : memref<8x1024xf32, #tpu.memory_space<vmem>>, vector<1x16xf32>,
        %swap3A_869 = vector.shape_cast %swap3A_868 : vector<1x16xf32> to vector<16xf32>
        %swap3A_870 = vector.shape_cast %get3A_865 : vector<16xf32> to vector<1x16xf32>
        tpu.vector_store %arg12[%swap3A_866, %swap3A_867], %swap3A_870 {add = true, strides = array<i32>} : memref<8x1024xf32, #tpu.memory_space<vmem>>, vector<1x16xf32>,
        %mul3A_871 = arith.constant 1024 : i32
        %mul3A_872 = arith.muli %scan3A_196, %mul3A_871 : i32
        %add3A_873 = arith.constant 832 : i32
        %add3A_874 = arith.addi %mul3A_872, %add3A_873 : i32
        %get3A_875 = arith.index_cast %scan3A_194 : i32 to index
        %get3A_876 = arith.index_cast %add3A_874 : i32 to index
        %get3A_877 = tpu.vector_load %arg8[%get3A_875, %get3A_876] {strides = array<i32>} : memref<8x1024xf32, #tpu.memory_space<vmem>>, vector<1x16xf32>,
        %get3A_878 = vector.shape_cast %get3A_877 : vector<1x16xf32> to vector<16xf32>
        %swap3A_879 = arith.index_cast %scan3A_194 : i32 to index
        %swap3A_880 = arith.index_cast %add3A_874 : i32 to index
        %swap3A_881 = tpu.vector_load %arg12[%swap3A_879, %swap3A_880] {strides = array<i32>} : memref<8x1024xf32, #tpu.memory_space<vmem>>, vector<1x16xf32>,
        %swap3A_882 = vector.shape_cast %swap3A_881 : vector<1x16xf32> to vector<16xf32>
        %swap3A_883 = vector.shape_cast %get3A_878 : vector<16xf32> to vector<1x16xf32>
        tpu.vector_store %arg12[%swap3A_879, %swap3A_880], %swap3A_883 {add = true, strides = array<i32>} : memref<8x1024xf32, #tpu.memory_space<vmem>>, vector<1x16xf32>,
        %mul3A_884 = arith.constant 1024 : i32
        %mul3A_885 = arith.muli %scan3A_196, %mul3A_884 : i32
        %add3A_886 = arith.constant 848 : i32
        %add3A_887 = arith.addi %mul3A_885, %add3A_886 : i32
        %get3A_888 = arith.index_cast %scan3A_194 : i32 to index
        %get3A_889 = arith.index_cast %add3A_887 : i32 to index
        %get3A_890 = tpu.vector_load %arg8[%get3A_888, %get3A_889] {strides = array<i32>} : memref<8x1024xf32, #tpu.memory_space<vmem>>, vector<1x16xf32>,
        %get3A_891 = vector.shape_cast %get3A_890 : vector<1x16xf32> to vector<16xf32>
        %swap3A_892 = arith.index_cast %scan3A_194 : i32 to index
        %swap3A_893 = arith.index_cast %add3A_887 : i32 to index
        %swap3A_894 = tpu.vector_load %arg12[%swap3A_892, %swap3A_893] {strides = array<i32>} : memref<8x1024xf32, #tpu.memory_space<vmem>>, vector<1x16xf32>,
        %swap3A_895 = vector.shape_cast %swap3A_894 : vector<1x16xf32> to vector<16xf32>
        %swap3A_896 = vector.shape_cast %get3A_891 : vector<16xf32> to vector<1x16xf32>
        tpu.vector_store %arg12[%swap3A_892, %swap3A_893], %swap3A_896 {add = true, strides = array<i32>} : memref<8x1024xf32, #tpu.memory_space<vmem>>, vector<1x16xf32>,
        %mul3A_897 = arith.constant 1024 : i32
        %mul3A_898 = arith.muli %scan3A_196, %mul3A_897 : i32
        %add3A_899 = arith.constant 864 : i32
        %add3A_900 = arith.addi %mul3A_898, %add3A_899 : i32
        %get3A_901 = arith.index_cast %scan3A_194 : i32 to index
        %get3A_902 = arith.index_cast %add3A_900 : i32 to index
        %get3A_903 = tpu.vector_load %arg8[%get3A_901, %get3A_902] {strides = array<i32>} : memref<8x1024xf32, #tpu.memory_space<vmem>>, vector<1x16xf32>,
        %get3A_904 = vector.shape_cast %get3A_903 : vector<1x16xf32> to vector<16xf32>
        %swap3A_905 = arith.index_cast %scan3A_194 : i32 to index
        %swap3A_906 = arith.index_cast %add3A_900 : i32 to index
        %swap3A_907 = tpu.vector_load %arg12[%swap3A_905, %swap3A_906] {strides = array<i32>} : memref<8x1024xf32, #tpu.memory_space<vmem>>, vector<1x16xf32>,
        %swap3A_908 = vector.shape_cast %swap3A_907 : vector<1x16xf32> to vector<16xf32>
        %swap3A_909 = vector.shape_cast %get3A_904 : vector<16xf32> to vector<1x16xf32>
        tpu.vector_store %arg12[%swap3A_905, %swap3A_906], %swap3A_909 {add = true, strides = array<i32>} : memref<8x1024xf32, #tpu.memory_space<vmem>>, vector<1x16xf32>,
        %mul3A_910 = arith.constant 1024 : i32
        %mul3A_911 = arith.muli %scan3A_196, %mul3A_910 : i32
        %add3A_912 = arith.constant 880 : i32
        %add3A_913 = arith.addi %mul3A_911, %add3A_912 : i32
        %get3A_914 = arith.index_cast %scan3A_194 : i32 to index
        %get3A_915 = arith.index_cast %add3A_913 : i32 to index
        %get3A_916 = tpu.vector_load %arg8[%get3A_914, %get3A_915] {strides = array<i32>} : memref<8x1024xf32, #tpu.memory_space<vmem>>, vector<1x16xf32>,
        %get3A_917 = vector.shape_cast %get3A_916 : vector<1x16xf32> to vector<16xf32>
        %swap3A_918 = arith.index_cast %scan3A_194 : i32 to index
        %swap3A_919 = arith.index_cast %add3A_913 : i32 to index
        %swap3A_920 = tpu.vector_load %arg12[%swap3A_918, %swap3A_919] {strides = array<i32>} : memref<8x1024xf32, #tpu.memory_space<vmem>>, vector<1x16xf32>,
        %swap3A_921 = vector.shape_cast %swap3A_920 : vector<1x16xf32> to vector<16xf32>
        %swap3A_922 = vector.shape_cast %get3A_917 : vector<16xf32> to vector<1x16xf32>
        tpu.vector_store %arg12[%swap3A_918, %swap3A_919], %swap3A_922 {add = true, strides = array<i32>} : memref<8x1024xf32, #tpu.memory_space<vmem>>, vector<1x16xf32>,
        %mul3A_923 = arith.constant 1024 : i32
        %mul3A_924 = arith.muli %scan3A_196, %mul3A_923 : i32
        %add3A_925 = arith.constant 896 : i32
        %add3A_926 = arith.addi %mul3A_924, %add3A_925 : i32
        %get3A_927 = arith.index_cast %scan3A_194 : i32 to index
        %get3A_928 = arith.index_cast %add3A_926 : i32 to index
        %get3A_929 = tpu.vector_load %arg8[%get3A_927, %get3A_928] {strides = array<i32>} : memref<8x1024xf32, #tpu.memory_space<vmem>>, vector<1x16xf32>,
        %get3A_930 = vector.shape_cast %get3A_929 : vector<1x16xf32> to vector<16xf32>
        %swap3A_931 = arith.index_cast %scan3A_194 : i32 to index
        %swap3A_932 = arith.index_cast %add3A_926 : i32 to index
        %swap3A_933 = tpu.vector_load %arg12[%swap3A_931, %swap3A_932] {strides = array<i32>} : memref<8x1024xf32, #tpu.memory_space<vmem>>, vector<1x16xf32>,
        %swap3A_934 = vector.shape_cast %swap3A_933 : vector<1x16xf32> to vector<16xf32>
        %swap3A_935 = vector.shape_cast %get3A_930 : vector<16xf32> to vector<1x16xf32>
        tpu.vector_store %arg12[%swap3A_931, %swap3A_932], %swap3A_935 {add = true, strides = array<i32>} : memref<8x1024xf32, #tpu.memory_space<vmem>>, vector<1x16xf32>,
        %mul3A_936 = arith.constant 1024 : i32
        %mul3A_937 = arith.muli %scan3A_196, %mul3A_936 : i32
        %add3A_938 = arith.constant 912 : i32
        %add3A_939 = arith.addi %mul3A_937, %add3A_938 : i32
        %get3A_940 = arith.index_cast %scan3A_194 : i32 to index
        %get3A_941 = arith.index_cast %add3A_939 : i32 to index
        %get3A_942 = tpu.vector_load %arg8[%get3A_940, %get3A_941] {strides = array<i32>} : memref<8x1024xf32, #tpu.memory_space<vmem>>, vector<1x16xf32>,
        %get3A_943 = vector.shape_cast %get3A_942 : vector<1x16xf32> to vector<16xf32>
        %swap3A_944 = arith.index_cast %scan3A_194 : i32 to index
        %swap3A_945 = arith.index_cast %add3A_939 : i32 to index
        %swap3A_946 = tpu.vector_load %arg12[%swap3A_944, %swap3A_945] {strides = array<i32>} : memref<8x1024xf32, #tpu.memory_space<vmem>>, vector<1x16xf32>,
        %swap3A_947 = vector.shape_cast %swap3A_946 : vector<1x16xf32> to vector<16xf32>
        %swap3A_948 = vector.shape_cast %get3A_943 : vector<16xf32> to vector<1x16xf32>
        tpu.vector_store %arg12[%swap3A_944, %swap3A_945], %swap3A_948 {add = true, strides = array<i32>} : memref<8x1024xf32, #tpu.memory_space<vmem>>, vector<1x16xf32>,
        %mul3A_949 = arith.constant 1024 : i32
        %mul3A_950 = arith.muli %scan3A_196, %mul3A_949 : i32
        %add3A_951 = arith.constant 928 : i32
        %add3A_952 = arith.addi %mul3A_950, %add3A_951 : i32
        %get3A_953 = arith.index_cast %scan3A_194 : i32 to index
        %get3A_954 = arith.index_cast %add3A_952 : i32 to index
        %get3A_955 = tpu.vector_load %arg8[%get3A_953, %get3A_954] {strides = array<i32>} : memref<8x1024xf32, #tpu.memory_space<vmem>>, vector<1x16xf32>,
        %get3A_956 = vector.shape_cast %get3A_955 : vector<1x16xf32> to vector<16xf32>
        %swap3A_957 = arith.index_cast %scan3A_194 : i32 to index
        %swap3A_958 = arith.index_cast %add3A_952 : i32 to index
        %swap3A_959 = tpu.vector_load %arg12[%swap3A_957, %swap3A_958] {strides = array<i32>} : memref<8x1024xf32, #tpu.memory_space<vmem>>, vector<1x16xf32>,
        %swap3A_960 = vector.shape_cast %swap3A_959 : vector<1x16xf32> to vector<16xf32>
        %swap3A_961 = vector.shape_cast %get3A_956 : vector<16xf32> to vector<1x16xf32>
        tpu.vector_store %arg12[%swap3A_957, %swap3A_958], %swap3A_961 {add = true, strides = array<i32>} : memref<8x1024xf32, #tpu.memory_space<vmem>>, vector<1x16xf32>,
        %mul3A_962 = arith.constant 1024 : i32
        %mul3A_963 = arith.muli %scan3A_196, %mul3A_962 : i32
        %add3A_964 = arith.constant 944 : i32
        %add3A_965 = arith.addi %mul3A_963, %add3A_964 : i32
        %get3A_966 = arith.index_cast %scan3A_194 : i32 to index
        %get3A_967 = arith.index_cast %add3A_965 : i32 to index
        %get3A_968 = tpu.vector_load %arg8[%get3A_966, %get3A_967] {strides = array<i32>} : memref<8x1024xf32, #tpu.memory_space<vmem>>, vector<1x16xf32>,
        %get3A_969 = vector.shape_cast %get3A_968 : vector<1x16xf32> to vector<16xf32>
        %swap3A_970 = arith.index_cast %scan3A_194 : i32 to index
        %swap3A_971 = arith.index_cast %add3A_965 : i32 to index
        %swap3A_972 = tpu.vector_load %arg12[%swap3A_970, %swap3A_971] {strides = array<i32>} : memref<8x1024xf32, #tpu.memory_space<vmem>>, vector<1x16xf32>,
        %swap3A_973 = vector.shape_cast %swap3A_972 : vector<1x16xf32> to vector<16xf32>
        %swap3A_974 = vector.shape_cast %get3A_969 : vector<16xf32> to vector<1x16xf32>
        tpu.vector_store %arg12[%swap3A_970, %swap3A_971], %swap3A_974 {add = true, strides = array<i32>} : memref<8x1024xf32, #tpu.memory_space<vmem>>, vector<1x16xf32>,
        %mul3A_975 = arith.constant 1024 : i32
        %mul3A_976 = arith.muli %scan3A_196, %mul3A_975 : i32
        %add3A_977 = arith.constant 960 : i32
        %add3A_978 = arith.addi %mul3A_976, %add3A_977 : i32
        %get3A_979 = arith.index_cast %scan3A_194 : i32 to index
        %get3A_980 = arith.index_cast %add3A_978 : i32 to index
        %get3A_981 = tpu.vector_load %arg8[%get3A_979, %get3A_980] {strides = array<i32>} : memref<8x1024xf32, #tpu.memory_space<vmem>>, vector<1x16xf32>,
        %get3A_982 = vector.shape_cast %get3A_981 : vector<1x16xf32> to vector<16xf32>
        %swap3A_983 = arith.index_cast %scan3A_194 : i32 to index
        %swap3A_984 = arith.index_cast %add3A_978 : i32 to index
        %swap3A_985 = tpu.vector_load %arg12[%swap3A_983, %swap3A_984] {strides = array<i32>} : memref<8x1024xf32, #tpu.memory_space<vmem>>, vector<1x16xf32>,
        %swap3A_986 = vector.shape_cast %swap3A_985 : vector<1x16xf32> to vector<16xf32>
        %swap3A_987 = vector.shape_cast %get3A_982 : vector<16xf32> to vector<1x16xf32>
        tpu.vector_store %arg12[%swap3A_983, %swap3A_984], %swap3A_987 {add = true, strides = array<i32>} : memref<8x1024xf32, #tpu.memory_space<vmem>>, vector<1x16xf32>,
        %mul3A_988 = arith.constant 1024 : i32
        %mul3A_989 = arith.muli %scan3A_196, %mul3A_988 : i32
        %add3A_990 = arith.constant 976 : i32
        %add3A_991 = arith.addi %mul3A_989, %add3A_990 : i32
        %get3A_992 = arith.index_cast %scan3A_194 : i32 to index
        %get3A_993 = arith.index_cast %add3A_991 : i32 to index
        %get3A_994 = tpu.vector_load %arg8[%get3A_992, %get3A_993] {strides = array<i32>} : memref<8x1024xf32, #tpu.memory_space<vmem>>, vector<1x16xf32>,
        %get3A_995 = vector.shape_cast %get3A_994 : vector<1x16xf32> to vector<16xf32>
        %swap3A_996 = arith.index_cast %scan3A_194 : i32 to index
        %swap3A_997 = arith.index_cast %add3A_991 : i32 to index
        %swap3A_998 = tpu.vector_load %arg12[%swap3A_996, %swap3A_997] {strides = array<i32>} : memref<8x1024xf32, #tpu.memory_space<vmem>>, vector<1x16xf32>,
        %swap3A_999 = vector.shape_cast %swap3A_998 : vector<1x16xf32> to vector<16xf32>
        %swap3A_1000 = vector.shape_cast %get3A_995 : vector<16xf32> to vector<1x16xf32>
        tpu.vector_store %arg12[%swap3A_996, %swap3A_997], %swap3A_1000 {add = true, strides = array<i32>} : memref<8x1024xf32, #tpu.memory_space<vmem>>, vector<1x16xf32>,
        %mul3A_1001 = arith.constant 1024 : i32
        %mul3A_1002 = arith.muli %scan3A_196, %mul3A_1001 : i32
        %add3A_1003 = arith.constant 992 : i32
        %add3A_1004 = arith.addi %mul3A_1002, %add3A_1003 : i32
        %get3A_1005 = arith.index_cast %scan3A_194 : i32 to index
        %get3A_1006 = arith.index_cast %add3A_1004 : i32 to index
        %get3A_1007 = tpu.vector_load %arg8[%get3A_1005, %get3A_1006] {strides = array<i32>} : memref<8x1024xf32, #tpu.memory_space<vmem>>, vector<1x16xf32>,
        %get3A_1008 = vector.shape_cast %get3A_1007 : vector<1x16xf32> to vector<16xf32>
        %swap3A_1009 = arith.index_cast %scan3A_194 : i32 to index
        %swap3A_1010 = arith.index_cast %add3A_1004 : i32 to index
        %swap3A_1011 = tpu.vector_load %arg12[%swap3A_1009, %swap3A_1010] {strides = array<i32>} : memref<8x1024xf32, #tpu.memory_space<vmem>>, vector<1x16xf32>,
        %swap3A_1012 = vector.shape_cast %swap3A_1011 : vector<1x16xf32> to vector<16xf32>
        %swap3A_1013 = vector.shape_cast %get3A_1008 : vector<16xf32> to vector<1x16xf32>
        tpu.vector_store %arg12[%swap3A_1009, %swap3A_1010], %swap3A_1013 {add = true, strides = array<i32>} : memref<8x1024xf32, #tpu.memory_space<vmem>>, vector<1x16xf32>,
        %mul3A_1014 = arith.constant 1024 : i32
        %mul3A_1015 = arith.muli %scan3A_196, %mul3A_1014 : i32
        %add3A_1016 = arith.constant 1008 : i32
        %add3A_1017 = arith.addi %mul3A_1015, %add3A_1016 : i32
        %get3A_1018 = arith.index_cast %scan3A_194 : i32 to index
        %get3A_1019 = arith.index_cast %add3A_1017 : i32 to index
        %get3A_1020 = tpu.vector_load %arg8[%get3A_1018, %get3A_1019] {strides = array<i32>} : memref<8x1024xf32, #tpu.memory_space<vmem>>, vector<1x16xf32>,
        %get3A_1021 = vector.shape_cast %get3A_1020 : vector<1x16xf32> to vector<16xf32>
        %swap3A_1022 = arith.index_cast %scan3A_194 : i32 to index
        %swap3A_1023 = arith.index_cast %add3A_1017 : i32 to index
        %swap3A_1024 = tpu.vector_load %arg12[%swap3A_1022, %swap3A_1023] {strides = array<i32>} : memref<8x1024xf32, #tpu.memory_space<vmem>>, vector<1x16xf32>,
        %swap3A_1025 = vector.shape_cast %swap3A_1024 : vector<1x16xf32> to vector<16xf32>
        %swap3A_1026 = vector.shape_cast %get3A_1021 : vector<16xf32> to vector<1x16xf32>
        tpu.vector_store %arg12[%swap3A_1022, %swap3A_1023], %swap3A_1026 {add = true, strides = array<i32>} : memref<8x1024xf32, #tpu.memory_space<vmem>>, vector<1x16xf32>,
        %scan3A_1027 = arith.constant 1 : i32
      }
      %scan3A_114 = arith.constant 8 : i32
      %mul3A_115 = arith.constant 8 : i32
      %mul3A_116 = arith.muli %add3A_89, %mul3A_115 : i32
      %add3A_117 = arith.addi %mul3A_2, %mul3A_116 : i32
      %dma_start3A_118 = arith.constant 0 : i32
      %dma_start3A_119 = tpu.memref_slice %arg5[%add3A_117, %dma_start3A_118] : memref<32768x1024xf32, #tpu.memory_space<hbm>> -> memref<8x1024xf32, #tpu.memory_space<hbm>>
      %dma_start3A_120 = arith.constant 0 : i32
      %dma_start3A_121 = tpu.memref_slice %arg5[%add3A_117, %dma_start3A_120] : memref<32768x1024xf32, #tpu.memory_space<hbm>> -> memref<8x1024xf32, #tpu.memory_space<hbm>>
      tpu.enqueue_dma source(%arg12 : memref<8x1024xf32, #tpu.memory_space<vmem>>) target(%dma_start3A_121 : memref<8x1024xf32, #tpu.memory_space<hbm>>) target_semaphore(%arg24 : memref<!tpu.dma_semaphore, #tpu.memory_space<semaphore_mem>>)
      %mul3A_122 = arith.constant 4 : i32
      %mul3A_123 = arith.muli %scan3A_52, %mul3A_122 : i32
      %add3A_124 = arith.constant 2 : i32
      %add3A_125 = arith.addi %mul3A_123, %add3A_124 : i32
      %add3A_126 = arith.constant 2 : i32
      %add3A_127 = arith.addi %add3A_125, %add3A_126 : i32
      %lt3A_128 = arith.constant 128 : i32
      %lt3A_129 = arith.cmpi slt, %add3A_127, %lt3A_128 : i32
      %convert_element_type3A_130 = arith.extui %lt3A_129 : i1 to i32
      %cond3A_131 = arith.constant 0 : i32
      %cond3A_132 = arith.cmpi ne, %convert_element_type3A_130, %cond3A_131 : i32
      scf.if %cond3A_132 {
        %ge3A = arith.constant 4 : i32
        %ge3A_194 = arith.cmpi sge, %add3A_127, %ge3A : i32
        %convert_element_type3A_195 = arith.extui %ge3A_194 : i1 to i32
        %cond3A_196 = arith.constant 0 : i32
        %cond3A_197 = arith.cmpi ne, %convert_element_type3A_195, %cond3A_196 : i32
        scf.if %cond3A_197 {
          %dma_wait3A_211 = arith.constant 0 : i32
          %dma_wait3A_212 = arith.constant 0 : i32
          %dma_wait3A_213 = tpu.memref_slice %arg2[%dma_wait3A_211, %dma_wait3A_212] : memref<32768x1024xf32, #tpu.memory_space<hbm>> -> memref<8x1024xf32, #tpu.memory_space<hbm>>
          %dma_wait3A_214 = arith.constant 0 : i32
          %dma_wait3A_215 = arith.constant 0 : i32
          %dma_wait3A_216 = tpu.memref_slice %arg2[%dma_wait3A_214, %dma_wait3A_215] : memref<32768x1024xf32, #tpu.memory_space<hbm>> -> memref<8x1024xf32, #tpu.memory_space<hbm>>
          tpu.wait_dma2 semaphore(%arg23 : memref<!tpu.dma_semaphore, #tpu.memory_space<semaphore_mem>>) src(%dma_wait3A_216 : memref<8x1024xf32, #tpu.memory_space<hbm>>) dst(%arg11 : memref<8x1024xf32, #tpu.memory_space<vmem>>)
        } else {
        }
        %mul3A_198 = arith.constant 8 : i32
        %mul3A_199 = arith.muli %add3A_127, %mul3A_198 : i32
        %dma_start3A_200 = tpu.memref_slice %arg6[%mul3A_199] : memref<1024xi32, #tpu.memory_space<vmem>> -> memref<8xi32, #tpu.memory_space<vmem>>
        %dma_start3A_201 = arith.constant 0 : i32
        %dma_start3A_202 = arith.constant 0 : i32
        %dma_start3A_203 = tpu.memref_slice %arg4[%dma_start3A_201, %dma_start3A_202] : memref<8192x1024xf32, #tpu.memory_space<hbm>> -> memref<8192x1024xf32, #tpu.memory_space<hbm>>
        tpu.enqueue_indirect_dma source(%dma_start3A_203 : memref<8192x1024xf32, #tpu.memory_space<hbm>>) target(%arg11 : memref<8x1024xf32, #tpu.memory_space<vmem>>) offsets(%dma_start3A_200 : memref<8xi32, #tpu.memory_space<vmem>>) semaphore(%arg15 : memref<!tpu.dma_semaphore, #tpu.memory_space<semaphore_mem>>)
        %mul3A_204 = arith.constant 8 : i32
        %mul3A_205 = arith.muli %add3A_127, %mul3A_204 : i32
        %add3A_206 = arith.addi %mul3A_2, %mul3A_205 : i32
        %dma_start3A_207 = arith.constant 0 : i32
        %dma_start3A_208 = tpu.memref_slice %arg2[%add3A_206, %dma_start3A_207] : memref<32768x1024xf32, #tpu.memory_space<hbm>> -> memref<8x1024xf32, #tpu.memory_space<hbm>>
        %dma_start3A_209 = arith.constant 0 : i32
        %dma_start3A_210 = tpu.memref_slice %arg2[%add3A_206, %dma_start3A_209] : memref<32768x1024xf32, #tpu.memory_space<hbm>> -> memref<8x1024xf32, #tpu.memory_space<hbm>>
        tpu.enqueue_dma source(%dma_start3A_210 : memref<8x1024xf32, #tpu.memory_space<hbm>>) target(%arg7 : memref<8x1024xf32, #tpu.memory_space<vmem>>) target_semaphore(%arg19 : memref<!tpu.dma_semaphore, #tpu.memory_space<semaphore_mem>>)
      } else {
      }
      %dma_wait3A_133 = arith.constant 0 : i32
      %dma_wait3A_134 = arith.constant 0 : i32
      %dma_wait3A_135 = tpu.memref_slice %arg2[%dma_wait3A_133, %dma_wait3A_134] : memref<32768x1024xf32, #tpu.memory_space<hbm>> -> memref<8x1024xf32, #tpu.memory_space<hbm>>
      %dma_wait3A_136 = arith.constant 0 : i32
      %dma_wait3A_137 = arith.constant 0 : i32
      %dma_wait3A_138 = tpu.memref_slice %arg2[%dma_wait3A_136, %dma_wait3A_137] : memref<32768x1024xf32, #tpu.memory_space<hbm>> -> memref<8x1024xf32, #tpu.memory_space<hbm>>
      tpu.wait_dma2 semaphore(%arg17 : memref<!tpu.dma_semaphore, #tpu.memory_space<semaphore_mem>>) src(%dma_wait3A_138 : memref<8x1024xf32, #tpu.memory_space<hbm>>) dst(%arg13 : memref<8x1024xf32, #tpu.memory_space<vmem>>)
      %dma_wait3A_139 = arith.constant 0 : i32
      %dma_wait3A_140 = arith.constant 0 : i32
      %dma_wait3A_141 = tpu.memref_slice %arg2[%dma_wait3A_139, %dma_wait3A_140] : memref<32768x1024xf32, #tpu.memory_space<hbm>> -> memref<8x1024xf32, #tpu.memory_space<hbm>>
      %dma_wait3A_142 = arith.constant 0 : i32
      %dma_wait3A_143 = arith.constant 0 : i32
      %dma_wait3A_144 = tpu.memref_slice %arg2[%dma_wait3A_142, %dma_wait3A_143] : memref<32768x1024xf32, #tpu.memory_space<hbm>> -> memref<8x1024xf32, #tpu.memory_space<hbm>>
      tpu.wait_dma2 semaphore(%arg21 : memref<!tpu.dma_semaphore, #tpu.memory_space<semaphore_mem>>) src(%dma_wait3A_144 : memref<8x1024xf32, #tpu.memory_space<hbm>>) dst(%arg9 : memref<8x1024xf32, #tpu.memory_space<vmem>>)
      %scan3A_145 = arith.constant 0 : i32
      %scan3A_146 = arith.constant 0 : i32
      %scan3A_147 = arith.constant 8 : i32
      %scan3A_148 = arith.addi %scan3A_146, %scan3A_147 : i32
      %scan3A_149 = arith.constant 1 : i32
      scf.for %scan3A_194 = %scan3A_146 to %scan3A_148 step %scan3A_149  : i32 {
        %scan3A_195 = arith.constant 0 : i32
        %scan3A_196 = arith.constant 0 : i32
        %mul3A_197 = arith.constant 1024 : i32
        %mul3A_198 = arith.muli %scan3A_196, %mul3A_197 : i32
        %add3A_199 = arith.constant 0 : i32
        %add3A_200 = arith.addi %mul3A_198, %add3A_199 : i32
        %get3A = arith.index_cast %scan3A_194 : i32 to index
        %get3A_201 = arith.index_cast %add3A_200 : i32 to index
        %get3A_202 = tpu.vector_load %arg9[%get3A, %get3A_201] {strides = array<i32>} : memref<8x1024xf32, #tpu.memory_space<vmem>>, vector<1x16xf32>,
        %get3A_203 = vector.shape_cast %get3A_202 : vector<1x16xf32> to vector<16xf32>
        %swap3A = arith.index_cast %scan3A_194 : i32 to index
        %swap3A_204 = arith.index_cast %add3A_200 : i32 to index
        %swap3A_205 = tpu.vector_load %arg13[%swap3A, %swap3A_204] {strides = array<i32>} : memref<8x1024xf32, #tpu.memory_space<vmem>>, vector<1x16xf32>,
        %swap3A_206 = vector.shape_cast %swap3A_205 : vector<1x16xf32> to vector<16xf32>
        %swap3A_207 = vector.shape_cast %get3A_203 : vector<16xf32> to vector<1x16xf32>
        tpu.vector_store %arg13[%swap3A, %swap3A_204], %swap3A_207 {add = true, strides = array<i32>} : memref<8x1024xf32, #tpu.memory_space<vmem>>, vector<1x16xf32>,
        %mul3A_208 = arith.constant 1024 : i32
        %mul3A_209 = arith.muli %scan3A_196, %mul3A_208 : i32
        %add3A_210 = arith.constant 16 : i32
        %add3A_211 = arith.addi %mul3A_209, %add3A_210 : i32
        %get3A_212 = arith.index_cast %scan3A_194 : i32 to index
        %get3A_213 = arith.index_cast %add3A_211 : i32 to index
        %get3A_214 = tpu.vector_load %arg9[%get3A_212, %get3A_213] {strides = array<i32>} : memref<8x1024xf32, #tpu.memory_space<vmem>>, vector<1x16xf32>,
        %get3A_215 = vector.shape_cast %get3A_214 : vector<1x16xf32> to vector<16xf32>
        %swap3A_216 = arith.index_cast %scan3A_194 : i32 to index
        %swap3A_217 = arith.index_cast %add3A_211 : i32 to index
        %swap3A_218 = tpu.vector_load %arg13[%swap3A_216, %swap3A_217] {strides = array<i32>} : memref<8x1024xf32, #tpu.memory_space<vmem>>, vector<1x16xf32>,
        %swap3A_219 = vector.shape_cast %swap3A_218 : vector<1x16xf32> to vector<16xf32>
        %swap3A_220 = vector.shape_cast %get3A_215 : vector<16xf32> to vector<1x16xf32>
        tpu.vector_store %arg13[%swap3A_216, %swap3A_217], %swap3A_220 {add = true, strides = array<i32>} : memref<8x1024xf32, #tpu.memory_space<vmem>>, vector<1x16xf32>,
        %mul3A_221 = arith.constant 1024 : i32
        %mul3A_222 = arith.muli %scan3A_196, %mul3A_221 : i32
        %add3A_223 = arith.constant 32 : i32
        %add3A_224 = arith.addi %mul3A_222, %add3A_223 : i32
        %get3A_225 = arith.index_cast %scan3A_194 : i32 to index
        %get3A_226 = arith.index_cast %add3A_224 : i32 to index
        %get3A_227 = tpu.vector_load %arg9[%get3A_225, %get3A_226] {strides = array<i32>} : memref<8x1024xf32, #tpu.memory_space<vmem>>, vector<1x16xf32>,
        %get3A_228 = vector.shape_cast %get3A_227 : vector<1x16xf32> to vector<16xf32>
        %swap3A_229 = arith.index_cast %scan3A_194 : i32 to index
        %swap3A_230 = arith.index_cast %add3A_224 : i32 to index
        %swap3A_231 = tpu.vector_load %arg13[%swap3A_229, %swap3A_230] {strides = array<i32>} : memref<8x1024xf32, #tpu.memory_space<vmem>>, vector<1x16xf32>,
        %swap3A_232 = vector.shape_cast %swap3A_231 : vector<1x16xf32> to vector<16xf32>
        %swap3A_233 = vector.shape_cast %get3A_228 : vector<16xf32> to vector<1x16xf32>
        tpu.vector_store %arg13[%swap3A_229, %swap3A_230], %swap3A_233 {add = true, strides = array<i32>} : memref<8x1024xf32, #tpu.memory_space<vmem>>, vector<1x16xf32>,
        %mul3A_234 = arith.constant 1024 : i32
        %mul3A_235 = arith.muli %scan3A_196, %mul3A_234 : i32
        %add3A_236 = arith.constant 48 : i32
        %add3A_237 = arith.addi %mul3A_235, %add3A_236 : i32
        %get3A_238 = arith.index_cast %scan3A_194 : i32 to index
        %get3A_239 = arith.index_cast %add3A_237 : i32 to index
        %get3A_240 = tpu.vector_load %arg9[%get3A_238, %get3A_239] {strides = array<i32>} : memref<8x1024xf32, #tpu.memory_space<vmem>>, vector<1x16xf32>,
        %get3A_241 = vector.shape_cast %get3A_240 : vector<1x16xf32> to vector<16xf32>
        %swap3A_242 = arith.index_cast %scan3A_194 : i32 to index
        %swap3A_243 = arith.index_cast %add3A_237 : i32 to index
        %swap3A_244 = tpu.vector_load %arg13[%swap3A_242, %swap3A_243] {strides = array<i32>} : memref<8x1024xf32, #tpu.memory_space<vmem>>, vector<1x16xf32>,
        %swap3A_245 = vector.shape_cast %swap3A_244 : vector<1x16xf32> to vector<16xf32>
        %swap3A_246 = vector.shape_cast %get3A_241 : vector<16xf32> to vector<1x16xf32>
        tpu.vector_store %arg13[%swap3A_242, %swap3A_243], %swap3A_246 {add = true, strides = array<i32>} : memref<8x1024xf32, #tpu.memory_space<vmem>>, vector<1x16xf32>,
        %mul3A_247 = arith.constant 1024 : i32
        %mul3A_248 = arith.muli %scan3A_196, %mul3A_247 : i32
        %add3A_249 = arith.constant 64 : i32
        %add3A_250 = arith.addi %mul3A_248, %add3A_249 : i32
        %get3A_251 = arith.index_cast %scan3A_194 : i32 to index
        %get3A_252 = arith.index_cast %add3A_250 : i32 to index
        %get3A_253 = tpu.vector_load %arg9[%get3A_251, %get3A_252] {strides = array<i32>} : memref<8x1024xf32, #tpu.memory_space<vmem>>, vector<1x16xf32>,
        %get3A_254 = vector.shape_cast %get3A_253 : vector<1x16xf32> to vector<16xf32>
        %swap3A_255 = arith.index_cast %scan3A_194 : i32 to index
        %swap3A_256 = arith.index_cast %add3A_250 : i32 to index
        %swap3A_257 = tpu.vector_load %arg13[%swap3A_255, %swap3A_256] {strides = array<i32>} : memref<8x1024xf32, #tpu.memory_space<vmem>>, vector<1x16xf32>,
        %swap3A_258 = vector.shape_cast %swap3A_257 : vector<1x16xf32> to vector<16xf32>
        %swap3A_259 = vector.shape_cast %get3A_254 : vector<16xf32> to vector<1x16xf32>
        tpu.vector_store %arg13[%swap3A_255, %swap3A_256], %swap3A_259 {add = true, strides = array<i32>} : memref<8x1024xf32, #tpu.memory_space<vmem>>, vector<1x16xf32>,
        %mul3A_260 = arith.constant 1024 : i32
        %mul3A_261 = arith.muli %scan3A_196, %mul3A_260 : i32
        %add3A_262 = arith.constant 80 : i32
        %add3A_263 = arith.addi %mul3A_261, %add3A_262 : i32
        %get3A_264 = arith.index_cast %scan3A_194 : i32 to index
        %get3A_265 = arith.index_cast %add3A_263 : i32 to index
        %get3A_266 = tpu.vector_load %arg9[%get3A_264, %get3A_265] {strides = array<i32>} : memref<8x1024xf32, #tpu.memory_space<vmem>>, vector<1x16xf32>,
        %get3A_267 = vector.shape_cast %get3A_266 : vector<1x16xf32> to vector<16xf32>
        %swap3A_268 = arith.index_cast %scan3A_194 : i32 to index
        %swap3A_269 = arith.index_cast %add3A_263 : i32 to index
        %swap3A_270 = tpu.vector_load %arg13[%swap3A_268, %swap3A_269] {strides = array<i32>} : memref<8x1024xf32, #tpu.memory_space<vmem>>, vector<1x16xf32>,
        %swap3A_271 = vector.shape_cast %swap3A_270 : vector<1x16xf32> to vector<16xf32>
        %swap3A_272 = vector.shape_cast %get3A_267 : vector<16xf32> to vector<1x16xf32>
        tpu.vector_store %arg13[%swap3A_268, %swap3A_269], %swap3A_272 {add = true, strides = array<i32>} : memref<8x1024xf32, #tpu.memory_space<vmem>>, vector<1x16xf32>,
        %mul3A_273 = arith.constant 1024 : i32
        %mul3A_274 = arith.muli %scan3A_196, %mul3A_273 : i32
        %add3A_275 = arith.constant 96 : i32
        %add3A_276 = arith.addi %mul3A_274, %add3A_275 : i32
        %get3A_277 = arith.index_cast %scan3A_194 : i32 to index
        %get3A_278 = arith.index_cast %add3A_276 : i32 to index
        %get3A_279 = tpu.vector_load %arg9[%get3A_277, %get3A_278] {strides = array<i32>} : memref<8x1024xf32, #tpu.memory_space<vmem>>, vector<1x16xf32>,
        %get3A_280 = vector.shape_cast %get3A_279 : vector<1x16xf32> to vector<16xf32>
        %swap3A_281 = arith.index_cast %scan3A_194 : i32 to index
        %swap3A_282 = arith.index_cast %add3A_276 : i32 to index
        %swap3A_283 = tpu.vector_load %arg13[%swap3A_281, %swap3A_282] {strides = array<i32>} : memref<8x1024xf32, #tpu.memory_space<vmem>>, vector<1x16xf32>,
        %swap3A_284 = vector.shape_cast %swap3A_283 : vector<1x16xf32> to vector<16xf32>
        %swap3A_285 = vector.shape_cast %get3A_280 : vector<16xf32> to vector<1x16xf32>
        tpu.vector_store %arg13[%swap3A_281, %swap3A_282], %swap3A_285 {add = true, strides = array<i32>} : memref<8x1024xf32, #tpu.memory_space<vmem>>, vector<1x16xf32>,
        %mul3A_286 = arith.constant 1024 : i32
        %mul3A_287 = arith.muli %scan3A_196, %mul3A_286 : i32
        %add3A_288 = arith.constant 112 : i32
        %add3A_289 = arith.addi %mul3A_287, %add3A_288 : i32
        %get3A_290 = arith.index_cast %scan3A_194 : i32 to index
        %get3A_291 = arith.index_cast %add3A_289 : i32 to index
        %get3A_292 = tpu.vector_load %arg9[%get3A_290, %get3A_291] {strides = array<i32>} : memref<8x1024xf32, #tpu.memory_space<vmem>>, vector<1x16xf32>,
        %get3A_293 = vector.shape_cast %get3A_292 : vector<1x16xf32> to vector<16xf32>
        %swap3A_294 = arith.index_cast %scan3A_194 : i32 to index
        %swap3A_295 = arith.index_cast %add3A_289 : i32 to index
        %swap3A_296 = tpu.vector_load %arg13[%swap3A_294, %swap3A_295] {strides = array<i32>} : memref<8x1024xf32, #tpu.memory_space<vmem>>, vector<1x16xf32>,
        %swap3A_297 = vector.shape_cast %swap3A_296 : vector<1x16xf32> to vector<16xf32>
        %swap3A_298 = vector.shape_cast %get3A_293 : vector<16xf32> to vector<1x16xf32>
        tpu.vector_store %arg13[%swap3A_294, %swap3A_295], %swap3A_298 {add = true, strides = array<i32>} : memref<8x1024xf32, #tpu.memory_space<vmem>>, vector<1x16xf32>,
        %mul3A_299 = arith.constant 1024 : i32
        %mul3A_300 = arith.muli %scan3A_196, %mul3A_299 : i32
        %add3A_301 = arith.constant 128 : i32
        %add3A_302 = arith.addi %mul3A_300, %add3A_301 : i32
        %get3A_303 = arith.index_cast %scan3A_194 : i32 to index
        %get3A_304 = arith.index_cast %add3A_302 : i32 to index
        %get3A_305 = tpu.vector_load %arg9[%get3A_303, %get3A_304] {strides = array<i32>} : memref<8x1024xf32, #tpu.memory_space<vmem>>, vector<1x16xf32>,
        %get3A_306 = vector.shape_cast %get3A_305 : vector<1x16xf32> to vector<16xf32>
        %swap3A_307 = arith.index_cast %scan3A_194 : i32 to index
        %swap3A_308 = arith.index_cast %add3A_302 : i32 to index
        %swap3A_309 = tpu.vector_load %arg13[%swap3A_307, %swap3A_308] {strides = array<i32>} : memref<8x1024xf32, #tpu.memory_space<vmem>>, vector<1x16xf32>,
        %swap3A_310 = vector.shape_cast %swap3A_309 : vector<1x16xf32> to vector<16xf32>
        %swap3A_311 = vector.shape_cast %get3A_306 : vector<16xf32> to vector<1x16xf32>
        tpu.vector_store %arg13[%swap3A_307, %swap3A_308], %swap3A_311 {add = true, strides = array<i32>} : memref<8x1024xf32, #tpu.memory_space<vmem>>, vector<1x16xf32>,
        %mul3A_312 = arith.constant 1024 : i32
        %mul3A_313 = arith.muli %scan3A_196, %mul3A_312 : i32
        %add3A_314 = arith.constant 144 : i32
        %add3A_315 = arith.addi %mul3A_313, %add3A_314 : i32
        %get3A_316 = arith.index_cast %scan3A_194 : i32 to index
        %get3A_317 = arith.index_cast %add3A_315 : i32 to index
        %get3A_318 = tpu.vector_load %arg9[%get3A_316, %get3A_317] {strides = array<i32>} : memref<8x1024xf32, #tpu.memory_space<vmem>>, vector<1x16xf32>,
        %get3A_319 = vector.shape_cast %get3A_318 : vector<1x16xf32> to vector<16xf32>
        %swap3A_320 = arith.index_cast %scan3A_194 : i32 to index
        %swap3A_321 = arith.index_cast %add3A_315 : i32 to index
        %swap3A_322 = tpu.vector_load %arg13[%swap3A_320, %swap3A_321] {strides = array<i32>} : memref<8x1024xf32, #tpu.memory_space<vmem>>, vector<1x16xf32>,
        %swap3A_323 = vector.shape_cast %swap3A_322 : vector<1x16xf32> to vector<16xf32>
        %swap3A_324 = vector.shape_cast %get3A_319 : vector<16xf32> to vector<1x16xf32>
        tpu.vector_store %arg13[%swap3A_320, %swap3A_321], %swap3A_324 {add = true, strides = array<i32>} : memref<8x1024xf32, #tpu.memory_space<vmem>>, vector<1x16xf32>,
        %mul3A_325 = arith.constant 1024 : i32
        %mul3A_326 = arith.muli %scan3A_196, %mul3A_325 : i32
        %add3A_327 = arith.constant 160 : i32
        %add3A_328 = arith.addi %mul3A_326, %add3A_327 : i32
        %get3A_329 = arith.index_cast %scan3A_194 : i32 to index
        %get3A_330 = arith.index_cast %add3A_328 : i32 to index
        %get3A_331 = tpu.vector_load %arg9[%get3A_329, %get3A_330] {strides = array<i32>} : memref<8x1024xf32, #tpu.memory_space<vmem>>, vector<1x16xf32>,
        %get3A_332 = vector.shape_cast %get3A_331 : vector<1x16xf32> to vector<16xf32>
        %swap3A_333 = arith.index_cast %scan3A_194 : i32 to index
        %swap3A_334 = arith.index_cast %add3A_328 : i32 to index
        %swap3A_335 = tpu.vector_load %arg13[%swap3A_333, %swap3A_334] {strides = array<i32>} : memref<8x1024xf32, #tpu.memory_space<vmem>>, vector<1x16xf32>,
        %swap3A_336 = vector.shape_cast %swap3A_335 : vector<1x16xf32> to vector<16xf32>
        %swap3A_337 = vector.shape_cast %get3A_332 : vector<16xf32> to vector<1x16xf32>
        tpu.vector_store %arg13[%swap3A_333, %swap3A_334], %swap3A_337 {add = true, strides = array<i32>} : memref<8x1024xf32, #tpu.memory_space<vmem>>, vector<1x16xf32>,
        %mul3A_338 = arith.constant 1024 : i32
        %mul3A_339 = arith.muli %scan3A_196, %mul3A_338 : i32
        %add3A_340 = arith.constant 176 : i32
        %add3A_341 = arith.addi %mul3A_339, %add3A_340 : i32
        %get3A_342 = arith.index_cast %scan3A_194 : i32 to index
        %get3A_343 = arith.index_cast %add3A_341 : i32 to index
        %get3A_344 = tpu.vector_load %arg9[%get3A_342, %get3A_343] {strides = array<i32>} : memref<8x1024xf32, #tpu.memory_space<vmem>>, vector<1x16xf32>,
        %get3A_345 = vector.shape_cast %get3A_344 : vector<1x16xf32> to vector<16xf32>
        %swap3A_346 = arith.index_cast %scan3A_194 : i32 to index
        %swap3A_347 = arith.index_cast %add3A_341 : i32 to index
        %swap3A_348 = tpu.vector_load %arg13[%swap3A_346, %swap3A_347] {strides = array<i32>} : memref<8x1024xf32, #tpu.memory_space<vmem>>, vector<1x16xf32>,
        %swap3A_349 = vector.shape_cast %swap3A_348 : vector<1x16xf32> to vector<16xf32>
        %swap3A_350 = vector.shape_cast %get3A_345 : vector<16xf32> to vector<1x16xf32>
        tpu.vector_store %arg13[%swap3A_346, %swap3A_347], %swap3A_350 {add = true, strides = array<i32>} : memref<8x1024xf32, #tpu.memory_space<vmem>>, vector<1x16xf32>,
        %mul3A_351 = arith.constant 1024 : i32
        %mul3A_352 = arith.muli %scan3A_196, %mul3A_351 : i32
        %add3A_353 = arith.constant 192 : i32
        %add3A_354 = arith.addi %mul3A_352, %add3A_353 : i32
        %get3A_355 = arith.index_cast %scan3A_194 : i32 to index
        %get3A_356 = arith.index_cast %add3A_354 : i32 to index
        %get3A_357 = tpu.vector_load %arg9[%get3A_355, %get3A_356] {strides = array<i32>} : memref<8x1024xf32, #tpu.memory_space<vmem>>, vector<1x16xf32>,
        %get3A_358 = vector.shape_cast %get3A_357 : vector<1x16xf32> to vector<16xf32>
        %swap3A_359 = arith.index_cast %scan3A_194 : i32 to index
        %swap3A_360 = arith.index_cast %add3A_354 : i32 to index
        %swap3A_361 = tpu.vector_load %arg13[%swap3A_359, %swap3A_360] {strides = array<i32>} : memref<8x1024xf32, #tpu.memory_space<vmem>>, vector<1x16xf32>,
        %swap3A_362 = vector.shape_cast %swap3A_361 : vector<1x16xf32> to vector<16xf32>
        %swap3A_363 = vector.shape_cast %get3A_358 : vector<16xf32> to vector<1x16xf32>
        tpu.vector_store %arg13[%swap3A_359, %swap3A_360], %swap3A_363 {add = true, strides = array<i32>} : memref<8x1024xf32, #tpu.memory_space<vmem>>, vector<1x16xf32>,
        %mul3A_364 = arith.constant 1024 : i32
        %mul3A_365 = arith.muli %scan3A_196, %mul3A_364 : i32
        %add3A_366 = arith.constant 208 : i32
        %add3A_367 = arith.addi %mul3A_365, %add3A_366 : i32
        %get3A_368 = arith.index_cast %scan3A_194 : i32 to index
        %get3A_369 = arith.index_cast %add3A_367 : i32 to index
        %get3A_370 = tpu.vector_load %arg9[%get3A_368, %get3A_369] {strides = array<i32>} : memref<8x1024xf32, #tpu.memory_space<vmem>>, vector<1x16xf32>,
        %get3A_371 = vector.shape_cast %get3A_370 : vector<1x16xf32> to vector<16xf32>
        %swap3A_372 = arith.index_cast %scan3A_194 : i32 to index
        %swap3A_373 = arith.index_cast %add3A_367 : i32 to index
        %swap3A_374 = tpu.vector_load %arg13[%swap3A_372, %swap3A_373] {strides = array<i32>} : memref<8x1024xf32, #tpu.memory_space<vmem>>, vector<1x16xf32>,
        %swap3A_375 = vector.shape_cast %swap3A_374 : vector<1x16xf32> to vector<16xf32>
        %swap3A_376 = vector.shape_cast %get3A_371 : vector<16xf32> to vector<1x16xf32>
        tpu.vector_store %arg13[%swap3A_372, %swap3A_373], %swap3A_376 {add = true, strides = array<i32>} : memref<8x1024xf32, #tpu.memory_space<vmem>>, vector<1x16xf32>,
        %mul3A_377 = arith.constant 1024 : i32
        %mul3A_378 = arith.muli %scan3A_196, %mul3A_377 : i32
        %add3A_379 = arith.constant 224 : i32
        %add3A_380 = arith.addi %mul3A_378, %add3A_379 : i32
        %get3A_381 = arith.index_cast %scan3A_194 : i32 to index
        %get3A_382 = arith.index_cast %add3A_380 : i32 to index
        %get3A_383 = tpu.vector_load %arg9[%get3A_381, %get3A_382] {strides = array<i32>} : memref<8x1024xf32, #tpu.memory_space<vmem>>, vector<1x16xf32>,
        %get3A_384 = vector.shape_cast %get3A_383 : vector<1x16xf32> to vector<16xf32>
        %swap3A_385 = arith.index_cast %scan3A_194 : i32 to index
        %swap3A_386 = arith.index_cast %add3A_380 : i32 to index
        %swap3A_387 = tpu.vector_load %arg13[%swap3A_385, %swap3A_386] {strides = array<i32>} : memref<8x1024xf32, #tpu.memory_space<vmem>>, vector<1x16xf32>,
        %swap3A_388 = vector.shape_cast %swap3A_387 : vector<1x16xf32> to vector<16xf32>
        %swap3A_389 = vector.shape_cast %get3A_384 : vector<16xf32> to vector<1x16xf32>
        tpu.vector_store %arg13[%swap3A_385, %swap3A_386], %swap3A_389 {add = true, strides = array<i32>} : memref<8x1024xf32, #tpu.memory_space<vmem>>, vector<1x16xf32>,
        %mul3A_390 = arith.constant 1024 : i32
        %mul3A_391 = arith.muli %scan3A_196, %mul3A_390 : i32
        %add3A_392 = arith.constant 240 : i32
        %add3A_393 = arith.addi %mul3A_391, %add3A_392 : i32
        %get3A_394 = arith.index_cast %scan3A_194 : i32 to index
        %get3A_395 = arith.index_cast %add3A_393 : i32 to index
        %get3A_396 = tpu.vector_load %arg9[%get3A_394, %get3A_395] {strides = array<i32>} : memref<8x1024xf32, #tpu.memory_space<vmem>>, vector<1x16xf32>,
        %get3A_397 = vector.shape_cast %get3A_396 : vector<1x16xf32> to vector<16xf32>
        %swap3A_398 = arith.index_cast %scan3A_194 : i32 to index
        %swap3A_399 = arith.index_cast %add3A_393 : i32 to index
        %swap3A_400 = tpu.vector_load %arg13[%swap3A_398, %swap3A_399] {strides = array<i32>} : memref<8x1024xf32, #tpu.memory_space<vmem>>, vector<1x16xf32>,
        %swap3A_401 = vector.shape_cast %swap3A_400 : vector<1x16xf32> to vector<16xf32>
        %swap3A_402 = vector.shape_cast %get3A_397 : vector<16xf32> to vector<1x16xf32>
        tpu.vector_store %arg13[%swap3A_398, %swap3A_399], %swap3A_402 {add = true, strides = array<i32>} : memref<8x1024xf32, #tpu.memory_space<vmem>>, vector<1x16xf32>,
        %mul3A_403 = arith.constant 1024 : i32
        %mul3A_404 = arith.muli %scan3A_196, %mul3A_403 : i32
        %add3A_405 = arith.constant 256 : i32
        %add3A_406 = arith.addi %mul3A_404, %add3A_405 : i32
        %get3A_407 = arith.index_cast %scan3A_194 : i32 to index
        %get3A_408 = arith.index_cast %add3A_406 : i32 to index
        %get3A_409 = tpu.vector_load %arg9[%get3A_407, %get3A_408] {strides = array<i32>} : memref<8x1024xf32, #tpu.memory_space<vmem>>, vector<1x16xf32>,
        %get3A_410 = vector.shape_cast %get3A_409 : vector<1x16xf32> to vector<16xf32>
        %swap3A_411 = arith.index_cast %scan3A_194 : i32 to index
        %swap3A_412 = arith.index_cast %add3A_406 : i32 to index
        %swap3A_413 = tpu.vector_load %arg13[%swap3A_411, %swap3A_412] {strides = array<i32>} : memref<8x1024xf32, #tpu.memory_space<vmem>>, vector<1x16xf32>,
        %swap3A_414 = vector.shape_cast %swap3A_413 : vector<1x16xf32> to vector<16xf32>
        %swap3A_415 = vector.shape_cast %get3A_410 : vector<16xf32> to vector<1x16xf32>
        tpu.vector_store %arg13[%swap3A_411, %swap3A_412], %swap3A_415 {add = true, strides = array<i32>} : memref<8x1024xf32, #tpu.memory_space<vmem>>, vector<1x16xf32>,
        %mul3A_416 = arith.constant 1024 : i32
        %mul3A_417 = arith.muli %scan3A_196, %mul3A_416 : i32
        %add3A_418 = arith.constant 272 : i32
        %add3A_419 = arith.addi %mul3A_417, %add3A_418 : i32
        %get3A_420 = arith.index_cast %scan3A_194 : i32 to index
        %get3A_421 = arith.index_cast %add3A_419 : i32 to index
        %get3A_422 = tpu.vector_load %arg9[%get3A_420, %get3A_421] {strides = array<i32>} : memref<8x1024xf32, #tpu.memory_space<vmem>>, vector<1x16xf32>,
        %get3A_423 = vector.shape_cast %get3A_422 : vector<1x16xf32> to vector<16xf32>
        %swap3A_424 = arith.index_cast %scan3A_194 : i32 to index
        %swap3A_425 = arith.index_cast %add3A_419 : i32 to index
        %swap3A_426 = tpu.vector_load %arg13[%swap3A_424, %swap3A_425] {strides = array<i32>} : memref<8x1024xf32, #tpu.memory_space<vmem>>, vector<1x16xf32>,
        %swap3A_427 = vector.shape_cast %swap3A_426 : vector<1x16xf32> to vector<16xf32>
        %swap3A_428 = vector.shape_cast %get3A_423 : vector<16xf32> to vector<1x16xf32>
        tpu.vector_store %arg13[%swap3A_424, %swap3A_425], %swap3A_428 {add = true, strides = array<i32>} : memref<8x1024xf32, #tpu.memory_space<vmem>>, vector<1x16xf32>,
        %mul3A_429 = arith.constant 1024 : i32
        %mul3A_430 = arith.muli %scan3A_196, %mul3A_429 : i32
        %add3A_431 = arith.constant 288 : i32
        %add3A_432 = arith.addi %mul3A_430, %add3A_431 : i32
        %get3A_433 = arith.index_cast %scan3A_194 : i32 to index
        %get3A_434 = arith.index_cast %add3A_432 : i32 to index
        %get3A_435 = tpu.vector_load %arg9[%get3A_433, %get3A_434] {strides = array<i32>} : memref<8x1024xf32, #tpu.memory_space<vmem>>, vector<1x16xf32>,
        %get3A_436 = vector.shape_cast %get3A_435 : vector<1x16xf32> to vector<16xf32>
        %swap3A_437 = arith.index_cast %scan3A_194 : i32 to index
        %swap3A_438 = arith.index_cast %add3A_432 : i32 to index
        %swap3A_439 = tpu.vector_load %arg13[%swap3A_437, %swap3A_438] {strides = array<i32>} : memref<8x1024xf32, #tpu.memory_space<vmem>>, vector<1x16xf32>,
        %swap3A_440 = vector.shape_cast %swap3A_439 : vector<1x16xf32> to vector<16xf32>
        %swap3A_441 = vector.shape_cast %get3A_436 : vector<16xf32> to vector<1x16xf32>
        tpu.vector_store %arg13[%swap3A_437, %swap3A_438], %swap3A_441 {add = true, strides = array<i32>} : memref<8x1024xf32, #tpu.memory_space<vmem>>, vector<1x16xf32>,
        %mul3A_442 = arith.constant 1024 : i32
        %mul3A_443 = arith.muli %scan3A_196, %mul3A_442 : i32
        %add3A_444 = arith.constant 304 : i32
        %add3A_445 = arith.addi %mul3A_443, %add3A_444 : i32
        %get3A_446 = arith.index_cast %scan3A_194 : i32 to index
        %get3A_447 = arith.index_cast %add3A_445 : i32 to index
        %get3A_448 = tpu.vector_load %arg9[%get3A_446, %get3A_447] {strides = array<i32>} : memref<8x1024xf32, #tpu.memory_space<vmem>>, vector<1x16xf32>,
        %get3A_449 = vector.shape_cast %get3A_448 : vector<1x16xf32> to vector<16xf32>
        %swap3A_450 = arith.index_cast %scan3A_194 : i32 to index
        %swap3A_451 = arith.index_cast %add3A_445 : i32 to index
        %swap3A_452 = tpu.vector_load %arg13[%swap3A_450, %swap3A_451] {strides = array<i32>} : memref<8x1024xf32, #tpu.memory_space<vmem>>, vector<1x16xf32>,
        %swap3A_453 = vector.shape_cast %swap3A_452 : vector<1x16xf32> to vector<16xf32>
        %swap3A_454 = vector.shape_cast %get3A_449 : vector<16xf32> to vector<1x16xf32>
        tpu.vector_store %arg13[%swap3A_450, %swap3A_451], %swap3A_454 {add = true, strides = array<i32>} : memref<8x1024xf32, #tpu.memory_space<vmem>>, vector<1x16xf32>,
        %mul3A_455 = arith.constant 1024 : i32
        %mul3A_456 = arith.muli %scan3A_196, %mul3A_455 : i32
        %add3A_457 = arith.constant 320 : i32
        %add3A_458 = arith.addi %mul3A_456, %add3A_457 : i32
        %get3A_459 = arith.index_cast %scan3A_194 : i32 to index
        %get3A_460 = arith.index_cast %add3A_458 : i32 to index
        %get3A_461 = tpu.vector_load %arg9[%get3A_459, %get3A_460] {strides = array<i32>} : memref<8x1024xf32, #tpu.memory_space<vmem>>, vector<1x16xf32>,
        %get3A_462 = vector.shape_cast %get3A_461 : vector<1x16xf32> to vector<16xf32>
        %swap3A_463 = arith.index_cast %scan3A_194 : i32 to index
        %swap3A_464 = arith.index_cast %add3A_458 : i32 to index
        %swap3A_465 = tpu.vector_load %arg13[%swap3A_463, %swap3A_464] {strides = array<i32>} : memref<8x1024xf32, #tpu.memory_space<vmem>>, vector<1x16xf32>,
        %swap3A_466 = vector.shape_cast %swap3A_465 : vector<1x16xf32> to vector<16xf32>
        %swap3A_467 = vector.shape_cast %get3A_462 : vector<16xf32> to vector<1x16xf32>
        tpu.vector_store %arg13[%swap3A_463, %swap3A_464], %swap3A_467 {add = true, strides = array<i32>} : memref<8x1024xf32, #tpu.memory_space<vmem>>, vector<1x16xf32>,
        %mul3A_468 = arith.constant 1024 : i32
        %mul3A_469 = arith.muli %scan3A_196, %mul3A_468 : i32
        %add3A_470 = arith.constant 336 : i32
        %add3A_471 = arith.addi %mul3A_469, %add3A_470 : i32
        %get3A_472 = arith.index_cast %scan3A_194 : i32 to index
        %get3A_473 = arith.index_cast %add3A_471 : i32 to index
        %get3A_474 = tpu.vector_load %arg9[%get3A_472, %get3A_473] {strides = array<i32>} : memref<8x1024xf32, #tpu.memory_space<vmem>>, vector<1x16xf32>,
        %get3A_475 = vector.shape_cast %get3A_474 : vector<1x16xf32> to vector<16xf32>
        %swap3A_476 = arith.index_cast %scan3A_194 : i32 to index
        %swap3A_477 = arith.index_cast %add3A_471 : i32 to index
        %swap3A_478 = tpu.vector_load %arg13[%swap3A_476, %swap3A_477] {strides = array<i32>} : memref<8x1024xf32, #tpu.memory_space<vmem>>, vector<1x16xf32>,
        %swap3A_479 = vector.shape_cast %swap3A_478 : vector<1x16xf32> to vector<16xf32>
        %swap3A_480 = vector.shape_cast %get3A_475 : vector<16xf32> to vector<1x16xf32>
        tpu.vector_store %arg13[%swap3A_476, %swap3A_477], %swap3A_480 {add = true, strides = array<i32>} : memref<8x1024xf32, #tpu.memory_space<vmem>>, vector<1x16xf32>,
        %mul3A_481 = arith.constant 1024 : i32
        %mul3A_482 = arith.muli %scan3A_196, %mul3A_481 : i32
        %add3A_483 = arith.constant 352 : i32
        %add3A_484 = arith.addi %mul3A_482, %add3A_483 : i32
        %get3A_485 = arith.index_cast %scan3A_194 : i32 to index
        %get3A_486 = arith.index_cast %add3A_484 : i32 to index
        %get3A_487 = tpu.vector_load %arg9[%get3A_485, %get3A_486] {strides = array<i32>} : memref<8x1024xf32, #tpu.memory_space<vmem>>, vector<1x16xf32>,
        %get3A_488 = vector.shape_cast %get3A_487 : vector<1x16xf32> to vector<16xf32>
        %swap3A_489 = arith.index_cast %scan3A_194 : i32 to index
        %swap3A_490 = arith.index_cast %add3A_484 : i32 to index
        %swap3A_491 = tpu.vector_load %arg13[%swap3A_489, %swap3A_490] {strides = array<i32>} : memref<8x1024xf32, #tpu.memory_space<vmem>>, vector<1x16xf32>,
        %swap3A_492 = vector.shape_cast %swap3A_491 : vector<1x16xf32> to vector<16xf32>
        %swap3A_493 = vector.shape_cast %get3A_488 : vector<16xf32> to vector<1x16xf32>
        tpu.vector_store %arg13[%swap3A_489, %swap3A_490], %swap3A_493 {add = true, strides = array<i32>} : memref<8x1024xf32, #tpu.memory_space<vmem>>, vector<1x16xf32>,
        %mul3A_494 = arith.constant 1024 : i32
        %mul3A_495 = arith.muli %scan3A_196, %mul3A_494 : i32
        %add3A_496 = arith.constant 368 : i32
        %add3A_497 = arith.addi %mul3A_495, %add3A_496 : i32
        %get3A_498 = arith.index_cast %scan3A_194 : i32 to index
        %get3A_499 = arith.index_cast %add3A_497 : i32 to index
        %get3A_500 = tpu.vector_load %arg9[%get3A_498, %get3A_499] {strides = array<i32>} : memref<8x1024xf32, #tpu.memory_space<vmem>>, vector<1x16xf32>,
        %get3A_501 = vector.shape_cast %get3A_500 : vector<1x16xf32> to vector<16xf32>
        %swap3A_502 = arith.index_cast %scan3A_194 : i32 to index
        %swap3A_503 = arith.index_cast %add3A_497 : i32 to index
        %swap3A_504 = tpu.vector_load %arg13[%swap3A_502, %swap3A_503] {strides = array<i32>} : memref<8x1024xf32, #tpu.memory_space<vmem>>, vector<1x16xf32>,
        %swap3A_505 = vector.shape_cast %swap3A_504 : vector<1x16xf32> to vector<16xf32>
        %swap3A_506 = vector.shape_cast %get3A_501 : vector<16xf32> to vector<1x16xf32>
        tpu.vector_store %arg13[%swap3A_502, %swap3A_503], %swap3A_506 {add = true, strides = array<i32>} : memref<8x1024xf32, #tpu.memory_space<vmem>>, vector<1x16xf32>,
        %mul3A_507 = arith.constant 1024 : i32
        %mul3A_508 = arith.muli %scan3A_196, %mul3A_507 : i32
        %add3A_509 = arith.constant 384 : i32
        %add3A_510 = arith.addi %mul3A_508, %add3A_509 : i32
        %get3A_511 = arith.index_cast %scan3A_194 : i32 to index
        %get3A_512 = arith.index_cast %add3A_510 : i32 to index
        %get3A_513 = tpu.vector_load %arg9[%get3A_511, %get3A_512] {strides = array<i32>} : memref<8x1024xf32, #tpu.memory_space<vmem>>, vector<1x16xf32>,
        %get3A_514 = vector.shape_cast %get3A_513 : vector<1x16xf32> to vector<16xf32>
        %swap3A_515 = arith.index_cast %scan3A_194 : i32 to index
        %swap3A_516 = arith.index_cast %add3A_510 : i32 to index
        %swap3A_517 = tpu.vector_load %arg13[%swap3A_515, %swap3A_516] {strides = array<i32>} : memref<8x1024xf32, #tpu.memory_space<vmem>>, vector<1x16xf32>,
        %swap3A_518 = vector.shape_cast %swap3A_517 : vector<1x16xf32> to vector<16xf32>
        %swap3A_519 = vector.shape_cast %get3A_514 : vector<16xf32> to vector<1x16xf32>
        tpu.vector_store %arg13[%swap3A_515, %swap3A_516], %swap3A_519 {add = true, strides = array<i32>} : memref<8x1024xf32, #tpu.memory_space<vmem>>, vector<1x16xf32>,
        %mul3A_520 = arith.constant 1024 : i32
        %mul3A_521 = arith.muli %scan3A_196, %mul3A_520 : i32
        %add3A_522 = arith.constant 400 : i32
        %add3A_523 = arith.addi %mul3A_521, %add3A_522 : i32
        %get3A_524 = arith.index_cast %scan3A_194 : i32 to index
        %get3A_525 = arith.index_cast %add3A_523 : i32 to index
        %get3A_526 = tpu.vector_load %arg9[%get3A_524, %get3A_525] {strides = array<i32>} : memref<8x1024xf32, #tpu.memory_space<vmem>>, vector<1x16xf32>,
        %get3A_527 = vector.shape_cast %get3A_526 : vector<1x16xf32> to vector<16xf32>
        %swap3A_528 = arith.index_cast %scan3A_194 : i32 to index
        %swap3A_529 = arith.index_cast %add3A_523 : i32 to index
        %swap3A_530 = tpu.vector_load %arg13[%swap3A_528, %swap3A_529] {strides = array<i32>} : memref<8x1024xf32, #tpu.memory_space<vmem>>, vector<1x16xf32>,
        %swap3A_531 = vector.shape_cast %swap3A_530 : vector<1x16xf32> to vector<16xf32>
        %swap3A_532 = vector.shape_cast %get3A_527 : vector<16xf32> to vector<1x16xf32>
        tpu.vector_store %arg13[%swap3A_528, %swap3A_529], %swap3A_532 {add = true, strides = array<i32>} : memref<8x1024xf32, #tpu.memory_space<vmem>>, vector<1x16xf32>,
        %mul3A_533 = arith.constant 1024 : i32
        %mul3A_534 = arith.muli %scan3A_196, %mul3A_533 : i32
        %add3A_535 = arith.constant 416 : i32
        %add3A_536 = arith.addi %mul3A_534, %add3A_535 : i32
        %get3A_537 = arith.index_cast %scan3A_194 : i32 to index
        %get3A_538 = arith.index_cast %add3A_536 : i32 to index
        %get3A_539 = tpu.vector_load %arg9[%get3A_537, %get3A_538] {strides = array<i32>} : memref<8x1024xf32, #tpu.memory_space<vmem>>, vector<1x16xf32>,
        %get3A_540 = vector.shape_cast %get3A_539 : vector<1x16xf32> to vector<16xf32>
        %swap3A_541 = arith.index_cast %scan3A_194 : i32 to index
        %swap3A_542 = arith.index_cast %add3A_536 : i32 to index
        %swap3A_543 = tpu.vector_load %arg13[%swap3A_541, %swap3A_542] {strides = array<i32>} : memref<8x1024xf32, #tpu.memory_space<vmem>>, vector<1x16xf32>,
        %swap3A_544 = vector.shape_cast %swap3A_543 : vector<1x16xf32> to vector<16xf32>
        %swap3A_545 = vector.shape_cast %get3A_540 : vector<16xf32> to vector<1x16xf32>
        tpu.vector_store %arg13[%swap3A_541, %swap3A_542], %swap3A_545 {add = true, strides = array<i32>} : memref<8x1024xf32, #tpu.memory_space<vmem>>, vector<1x16xf32>,
        %mul3A_546 = arith.constant 1024 : i32
        %mul3A_547 = arith.muli %scan3A_196, %mul3A_546 : i32
        %add3A_548 = arith.constant 432 : i32
        %add3A_549 = arith.addi %mul3A_547, %add3A_548 : i32
        %get3A_550 = arith.index_cast %scan3A_194 : i32 to index
        %get3A_551 = arith.index_cast %add3A_549 : i32 to index
        %get3A_552 = tpu.vector_load %arg9[%get3A_550, %get3A_551] {strides = array<i32>} : memref<8x1024xf32, #tpu.memory_space<vmem>>, vector<1x16xf32>,
        %get3A_553 = vector.shape_cast %get3A_552 : vector<1x16xf32> to vector<16xf32>
        %swap3A_554 = arith.index_cast %scan3A_194 : i32 to index
        %swap3A_555 = arith.index_cast %add3A_549 : i32 to index
        %swap3A_556 = tpu.vector_load %arg13[%swap3A_554, %swap3A_555] {strides = array<i32>} : memref<8x1024xf32, #tpu.memory_space<vmem>>, vector<1x16xf32>,
        %swap3A_557 = vector.shape_cast %swap3A_556 : vector<1x16xf32> to vector<16xf32>
        %swap3A_558 = vector.shape_cast %get3A_553 : vector<16xf32> to vector<1x16xf32>
        tpu.vector_store %arg13[%swap3A_554, %swap3A_555], %swap3A_558 {add = true, strides = array<i32>} : memref<8x1024xf32, #tpu.memory_space<vmem>>, vector<1x16xf32>,
        %mul3A_559 = arith.constant 1024 : i32
        %mul3A_560 = arith.muli %scan3A_196, %mul3A_559 : i32
        %add3A_561 = arith.constant 448 : i32
        %add3A_562 = arith.addi %mul3A_560, %add3A_561 : i32
        %get3A_563 = arith.index_cast %scan3A_194 : i32 to index
        %get3A_564 = arith.index_cast %add3A_562 : i32 to index
        %get3A_565 = tpu.vector_load %arg9[%get3A_563, %get3A_564] {strides = array<i32>} : memref<8x1024xf32, #tpu.memory_space<vmem>>, vector<1x16xf32>,
        %get3A_566 = vector.shape_cast %get3A_565 : vector<1x16xf32> to vector<16xf32>
        %swap3A_567 = arith.index_cast %scan3A_194 : i32 to index
        %swap3A_568 = arith.index_cast %add3A_562 : i32 to index
        %swap3A_569 = tpu.vector_load %arg13[%swap3A_567, %swap3A_568] {strides = array<i32>} : memref<8x1024xf32, #tpu.memory_space<vmem>>, vector<1x16xf32>,
        %swap3A_570 = vector.shape_cast %swap3A_569 : vector<1x16xf32> to vector<16xf32>
        %swap3A_571 = vector.shape_cast %get3A_566 : vector<16xf32> to vector<1x16xf32>
        tpu.vector_store %arg13[%swap3A_567, %swap3A_568], %swap3A_571 {add = true, strides = array<i32>} : memref<8x1024xf32, #tpu.memory_space<vmem>>, vector<1x16xf32>,
        %mul3A_572 = arith.constant 1024 : i32
        %mul3A_573 = arith.muli %scan3A_196, %mul3A_572 : i32
        %add3A_574 = arith.constant 464 : i32
        %add3A_575 = arith.addi %mul3A_573, %add3A_574 : i32
        %get3A_576 = arith.index_cast %scan3A_194 : i32 to index
        %get3A_577 = arith.index_cast %add3A_575 : i32 to index
        %get3A_578 = tpu.vector_load %arg9[%get3A_576, %get3A_577] {strides = array<i32>} : memref<8x1024xf32, #tpu.memory_space<vmem>>, vector<1x16xf32>,
        %get3A_579 = vector.shape_cast %get3A_578 : vector<1x16xf32> to vector<16xf32>
        %swap3A_580 = arith.index_cast %scan3A_194 : i32 to index
        %swap3A_581 = arith.index_cast %add3A_575 : i32 to index
        %swap3A_582 = tpu.vector_load %arg13[%swap3A_580, %swap3A_581] {strides = array<i32>} : memref<8x1024xf32, #tpu.memory_space<vmem>>, vector<1x16xf32>,
        %swap3A_583 = vector.shape_cast %swap3A_582 : vector<1x16xf32> to vector<16xf32>
        %swap3A_584 = vector.shape_cast %get3A_579 : vector<16xf32> to vector<1x16xf32>
        tpu.vector_store %arg13[%swap3A_580, %swap3A_581], %swap3A_584 {add = true, strides = array<i32>} : memref<8x1024xf32, #tpu.memory_space<vmem>>, vector<1x16xf32>,
        %mul3A_585 = arith.constant 1024 : i32
        %mul3A_586 = arith.muli %scan3A_196, %mul3A_585 : i32
        %add3A_587 = arith.constant 480 : i32
        %add3A_588 = arith.addi %mul3A_586, %add3A_587 : i32
        %get3A_589 = arith.index_cast %scan3A_194 : i32 to index
        %get3A_590 = arith.index_cast %add3A_588 : i32 to index
        %get3A_591 = tpu.vector_load %arg9[%get3A_589, %get3A_590] {strides = array<i32>} : memref<8x1024xf32, #tpu.memory_space<vmem>>, vector<1x16xf32>,
        %get3A_592 = vector.shape_cast %get3A_591 : vector<1x16xf32> to vector<16xf32>
        %swap3A_593 = arith.index_cast %scan3A_194 : i32 to index
        %swap3A_594 = arith.index_cast %add3A_588 : i32 to index
        %swap3A_595 = tpu.vector_load %arg13[%swap3A_593, %swap3A_594] {strides = array<i32>} : memref<8x1024xf32, #tpu.memory_space<vmem>>, vector<1x16xf32>,
        %swap3A_596 = vector.shape_cast %swap3A_595 : vector<1x16xf32> to vector<16xf32>
        %swap3A_597 = vector.shape_cast %get3A_592 : vector<16xf32> to vector<1x16xf32>
        tpu.vector_store %arg13[%swap3A_593, %swap3A_594], %swap3A_597 {add = true, strides = array<i32>} : memref<8x1024xf32, #tpu.memory_space<vmem>>, vector<1x16xf32>,
        %mul3A_598 = arith.constant 1024 : i32
        %mul3A_599 = arith.muli %scan3A_196, %mul3A_598 : i32
        %add3A_600 = arith.constant 496 : i32
        %add3A_601 = arith.addi %mul3A_599, %add3A_600 : i32
        %get3A_602 = arith.index_cast %scan3A_194 : i32 to index
        %get3A_603 = arith.index_cast %add3A_601 : i32 to index
        %get3A_604 = tpu.vector_load %arg9[%get3A_602, %get3A_603] {strides = array<i32>} : memref<8x1024xf32, #tpu.memory_space<vmem>>, vector<1x16xf32>,
        %get3A_605 = vector.shape_cast %get3A_604 : vector<1x16xf32> to vector<16xf32>
        %swap3A_606 = arith.index_cast %scan3A_194 : i32 to index
        %swap3A_607 = arith.index_cast %add3A_601 : i32 to index
        %swap3A_608 = tpu.vector_load %arg13[%swap3A_606, %swap3A_607] {strides = array<i32>} : memref<8x1024xf32, #tpu.memory_space<vmem>>, vector<1x16xf32>,
        %swap3A_609 = vector.shape_cast %swap3A_608 : vector<1x16xf32> to vector<16xf32>
        %swap3A_610 = vector.shape_cast %get3A_605 : vector<16xf32> to vector<1x16xf32>
        tpu.vector_store %arg13[%swap3A_606, %swap3A_607], %swap3A_610 {add = true, strides = array<i32>} : memref<8x1024xf32, #tpu.memory_space<vmem>>, vector<1x16xf32>,
        %mul3A_611 = arith.constant 1024 : i32
        %mul3A_612 = arith.muli %scan3A_196, %mul3A_611 : i32
        %add3A_613 = arith.constant 512 : i32
        %add3A_614 = arith.addi %mul3A_612, %add3A_613 : i32
        %get3A_615 = arith.index_cast %scan3A_194 : i32 to index
        %get3A_616 = arith.index_cast %add3A_614 : i32 to index
        %get3A_617 = tpu.vector_load %arg9[%get3A_615, %get3A_616] {strides = array<i32>} : memref<8x1024xf32, #tpu.memory_space<vmem>>, vector<1x16xf32>,
        %get3A_618 = vector.shape_cast %get3A_617 : vector<1x16xf32> to vector<16xf32>
        %swap3A_619 = arith.index_cast %scan3A_194 : i32 to index
        %swap3A_620 = arith.index_cast %add3A_614 : i32 to index
        %swap3A_621 = tpu.vector_load %arg13[%swap3A_619, %swap3A_620] {strides = array<i32>} : memref<8x1024xf32, #tpu.memory_space<vmem>>, vector<1x16xf32>,
        %swap3A_622 = vector.shape_cast %swap3A_621 : vector<1x16xf32> to vector<16xf32>
        %swap3A_623 = vector.shape_cast %get3A_618 : vector<16xf32> to vector<1x16xf32>
        tpu.vector_store %arg13[%swap3A_619, %swap3A_620], %swap3A_623 {add = true, strides = array<i32>} : memref<8x1024xf32, #tpu.memory_space<vmem>>, vector<1x16xf32>,
        %mul3A_624 = arith.constant 1024 : i32
        %mul3A_625 = arith.muli %scan3A_196, %mul3A_624 : i32
        %add3A_626 = arith.constant 528 : i32
        %add3A_627 = arith.addi %mul3A_625, %add3A_626 : i32
        %get3A_628 = arith.index_cast %scan3A_194 : i32 to index
        %get3A_629 = arith.index_cast %add3A_627 : i32 to index
        %get3A_630 = tpu.vector_load %arg9[%get3A_628, %get3A_629] {strides = array<i32>} : memref<8x1024xf32, #tpu.memory_space<vmem>>, vector<1x16xf32>,
        %get3A_631 = vector.shape_cast %get3A_630 : vector<1x16xf32> to vector<16xf32>
        %swap3A_632 = arith.index_cast %scan3A_194 : i32 to index
        %swap3A_633 = arith.index_cast %add3A_627 : i32 to index
        %swap3A_634 = tpu.vector_load %arg13[%swap3A_632, %swap3A_633] {strides = array<i32>} : memref<8x1024xf32, #tpu.memory_space<vmem>>, vector<1x16xf32>,
        %swap3A_635 = vector.shape_cast %swap3A_634 : vector<1x16xf32> to vector<16xf32>
        %swap3A_636 = vector.shape_cast %get3A_631 : vector<16xf32> to vector<1x16xf32>
        tpu.vector_store %arg13[%swap3A_632, %swap3A_633], %swap3A_636 {add = true, strides = array<i32>} : memref<8x1024xf32, #tpu.memory_space<vmem>>, vector<1x16xf32>,
        %mul3A_637 = arith.constant 1024 : i32
        %mul3A_638 = arith.muli %scan3A_196, %mul3A_637 : i32
        %add3A_639 = arith.constant 544 : i32
        %add3A_640 = arith.addi %mul3A_638, %add3A_639 : i32
        %get3A_641 = arith.index_cast %scan3A_194 : i32 to index
        %get3A_642 = arith.index_cast %add3A_640 : i32 to index
        %get3A_643 = tpu.vector_load %arg9[%get3A_641, %get3A_642] {strides = array<i32>} : memref<8x1024xf32, #tpu.memory_space<vmem>>, vector<1x16xf32>,
        %get3A_644 = vector.shape_cast %get3A_643 : vector<1x16xf32> to vector<16xf32>
        %swap3A_645 = arith.index_cast %scan3A_194 : i32 to index
        %swap3A_646 = arith.index_cast %add3A_640 : i32 to index
        %swap3A_647 = tpu.vector_load %arg13[%swap3A_645, %swap3A_646] {strides = array<i32>} : memref<8x1024xf32, #tpu.memory_space<vmem>>, vector<1x16xf32>,
        %swap3A_648 = vector.shape_cast %swap3A_647 : vector<1x16xf32> to vector<16xf32>
        %swap3A_649 = vector.shape_cast %get3A_644 : vector<16xf32> to vector<1x16xf32>
        tpu.vector_store %arg13[%swap3A_645, %swap3A_646], %swap3A_649 {add = true, strides = array<i32>} : memref<8x1024xf32, #tpu.memory_space<vmem>>, vector<1x16xf32>,
        %mul3A_650 = arith.constant 1024 : i32
        %mul3A_651 = arith.muli %scan3A_196, %mul3A_650 : i32
        %add3A_652 = arith.constant 560 : i32
        %add3A_653 = arith.addi %mul3A_651, %add3A_652 : i32
        %get3A_654 = arith.index_cast %scan3A_194 : i32 to index
        %get3A_655 = arith.index_cast %add3A_653 : i32 to index
        %get3A_656 = tpu.vector_load %arg9[%get3A_654, %get3A_655] {strides = array<i32>} : memref<8x1024xf32, #tpu.memory_space<vmem>>, vector<1x16xf32>,
        %get3A_657 = vector.shape_cast %get3A_656 : vector<1x16xf32> to vector<16xf32>
        %swap3A_658 = arith.index_cast %scan3A_194 : i32 to index
        %swap3A_659 = arith.index_cast %add3A_653 : i32 to index
        %swap3A_660 = tpu.vector_load %arg13[%swap3A_658, %swap3A_659] {strides = array<i32>} : memref<8x1024xf32, #tpu.memory_space<vmem>>, vector<1x16xf32>,
        %swap3A_661 = vector.shape_cast %swap3A_660 : vector<1x16xf32> to vector<16xf32>
        %swap3A_662 = vector.shape_cast %get3A_657 : vector<16xf32> to vector<1x16xf32>
        tpu.vector_store %arg13[%swap3A_658, %swap3A_659], %swap3A_662 {add = true, strides = array<i32>} : memref<8x1024xf32, #tpu.memory_space<vmem>>, vector<1x16xf32>,
        %mul3A_663 = arith.constant 1024 : i32
        %mul3A_664 = arith.muli %scan3A_196, %mul3A_663 : i32
        %add3A_665 = arith.constant 576 : i32
        %add3A_666 = arith.addi %mul3A_664, %add3A_665 : i32
        %get3A_667 = arith.index_cast %scan3A_194 : i32 to index
        %get3A_668 = arith.index_cast %add3A_666 : i32 to index
        %get3A_669 = tpu.vector_load %arg9[%get3A_667, %get3A_668] {strides = array<i32>} : memref<8x1024xf32, #tpu.memory_space<vmem>>, vector<1x16xf32>,
        %get3A_670 = vector.shape_cast %get3A_669 : vector<1x16xf32> to vector<16xf32>
        %swap3A_671 = arith.index_cast %scan3A_194 : i32 to index
        %swap3A_672 = arith.index_cast %add3A_666 : i32 to index
        %swap3A_673 = tpu.vector_load %arg13[%swap3A_671, %swap3A_672] {strides = array<i32>} : memref<8x1024xf32, #tpu.memory_space<vmem>>, vector<1x16xf32>,
        %swap3A_674 = vector.shape_cast %swap3A_673 : vector<1x16xf32> to vector<16xf32>
        %swap3A_675 = vector.shape_cast %get3A_670 : vector<16xf32> to vector<1x16xf32>
        tpu.vector_store %arg13[%swap3A_671, %swap3A_672], %swap3A_675 {add = true, strides = array<i32>} : memref<8x1024xf32, #tpu.memory_space<vmem>>, vector<1x16xf32>,
        %mul3A_676 = arith.constant 1024 : i32
        %mul3A_677 = arith.muli %scan3A_196, %mul3A_676 : i32
        %add3A_678 = arith.constant 592 : i32
        %add3A_679 = arith.addi %mul3A_677, %add3A_678 : i32
        %get3A_680 = arith.index_cast %scan3A_194 : i32 to index
        %get3A_681 = arith.index_cast %add3A_679 : i32 to index
        %get3A_682 = tpu.vector_load %arg9[%get3A_680, %get3A_681] {strides = array<i32>} : memref<8x1024xf32, #tpu.memory_space<vmem>>, vector<1x16xf32>,
        %get3A_683 = vector.shape_cast %get3A_682 : vector<1x16xf32> to vector<16xf32>
        %swap3A_684 = arith.index_cast %scan3A_194 : i32 to index
        %swap3A_685 = arith.index_cast %add3A_679 : i32 to index
        %swap3A_686 = tpu.vector_load %arg13[%swap3A_684, %swap3A_685] {strides = array<i32>} : memref<8x1024xf32, #tpu.memory_space<vmem>>, vector<1x16xf32>,
        %swap3A_687 = vector.shape_cast %swap3A_686 : vector<1x16xf32> to vector<16xf32>
        %swap3A_688 = vector.shape_cast %get3A_683 : vector<16xf32> to vector<1x16xf32>
        tpu.vector_store %arg13[%swap3A_684, %swap3A_685], %swap3A_688 {add = true, strides = array<i32>} : memref<8x1024xf32, #tpu.memory_space<vmem>>, vector<1x16xf32>,
        %mul3A_689 = arith.constant 1024 : i32
        %mul3A_690 = arith.muli %scan3A_196, %mul3A_689 : i32
        %add3A_691 = arith.constant 608 : i32
        %add3A_692 = arith.addi %mul3A_690, %add3A_691 : i32
        %get3A_693 = arith.index_cast %scan3A_194 : i32 to index
        %get3A_694 = arith.index_cast %add3A_692 : i32 to index
        %get3A_695 = tpu.vector_load %arg9[%get3A_693, %get3A_694] {strides = array<i32>} : memref<8x1024xf32, #tpu.memory_space<vmem>>, vector<1x16xf32>,
        %get3A_696 = vector.shape_cast %get3A_695 : vector<1x16xf32> to vector<16xf32>
        %swap3A_697 = arith.index_cast %scan3A_194 : i32 to index
        %swap3A_698 = arith.index_cast %add3A_692 : i32 to index
        %swap3A_699 = tpu.vector_load %arg13[%swap3A_697, %swap3A_698] {strides = array<i32>} : memref<8x1024xf32, #tpu.memory_space<vmem>>, vector<1x16xf32>,
        %swap3A_700 = vector.shape_cast %swap3A_699 : vector<1x16xf32> to vector<16xf32>
        %swap3A_701 = vector.shape_cast %get3A_696 : vector<16xf32> to vector<1x16xf32>
        tpu.vector_store %arg13[%swap3A_697, %swap3A_698], %swap3A_701 {add = true, strides = array<i32>} : memref<8x1024xf32, #tpu.memory_space<vmem>>, vector<1x16xf32>,
        %mul3A_702 = arith.constant 1024 : i32
        %mul3A_703 = arith.muli %scan3A_196, %mul3A_702 : i32
        %add3A_704 = arith.constant 624 : i32
        %add3A_705 = arith.addi %mul3A_703, %add3A_704 : i32
        %get3A_706 = arith.index_cast %scan3A_194 : i32 to index
        %get3A_707 = arith.index_cast %add3A_705 : i32 to index
        %get3A_708 = tpu.vector_load %arg9[%get3A_706, %get3A_707] {strides = array<i32>} : memref<8x1024xf32, #tpu.memory_space<vmem>>, vector<1x16xf32>,
        %get3A_709 = vector.shape_cast %get3A_708 : vector<1x16xf32> to vector<16xf32>
        %swap3A_710 = arith.index_cast %scan3A_194 : i32 to index
        %swap3A_711 = arith.index_cast %add3A_705 : i32 to index
        %swap3A_712 = tpu.vector_load %arg13[%swap3A_710, %swap3A_711] {strides = array<i32>} : memref<8x1024xf32, #tpu.memory_space<vmem>>, vector<1x16xf32>,
        %swap3A_713 = vector.shape_cast %swap3A_712 : vector<1x16xf32> to vector<16xf32>
        %swap3A_714 = vector.shape_cast %get3A_709 : vector<16xf32> to vector<1x16xf32>
        tpu.vector_store %arg13[%swap3A_710, %swap3A_711], %swap3A_714 {add = true, strides = array<i32>} : memref<8x1024xf32, #tpu.memory_space<vmem>>, vector<1x16xf32>,
        %mul3A_715 = arith.constant 1024 : i32
        %mul3A_716 = arith.muli %scan3A_196, %mul3A_715 : i32
        %add3A_717 = arith.constant 640 : i32
        %add3A_718 = arith.addi %mul3A_716, %add3A_717 : i32
        %get3A_719 = arith.index_cast %scan3A_194 : i32 to index
        %get3A_720 = arith.index_cast %add3A_718 : i32 to index
        %get3A_721 = tpu.vector_load %arg9[%get3A_719, %get3A_720] {strides = array<i32>} : memref<8x1024xf32, #tpu.memory_space<vmem>>, vector<1x16xf32>,
        %get3A_722 = vector.shape_cast %get3A_721 : vector<1x16xf32> to vector<16xf32>
        %swap3A_723 = arith.index_cast %scan3A_194 : i32 to index
        %swap3A_724 = arith.index_cast %add3A_718 : i32 to index
        %swap3A_725 = tpu.vector_load %arg13[%swap3A_723, %swap3A_724] {strides = array<i32>} : memref<8x1024xf32, #tpu.memory_space<vmem>>, vector<1x16xf32>,
        %swap3A_726 = vector.shape_cast %swap3A_725 : vector<1x16xf32> to vector<16xf32>
        %swap3A_727 = vector.shape_cast %get3A_722 : vector<16xf32> to vector<1x16xf32>
        tpu.vector_store %arg13[%swap3A_723, %swap3A_724], %swap3A_727 {add = true, strides = array<i32>} : memref<8x1024xf32, #tpu.memory_space<vmem>>, vector<1x16xf32>,
        %mul3A_728 = arith.constant 1024 : i32
        %mul3A_729 = arith.muli %scan3A_196, %mul3A_728 : i32
        %add3A_730 = arith.constant 656 : i32
        %add3A_731 = arith.addi %mul3A_729, %add3A_730 : i32
        %get3A_732 = arith.index_cast %scan3A_194 : i32 to index
        %get3A_733 = arith.index_cast %add3A_731 : i32 to index
        %get3A_734 = tpu.vector_load %arg9[%get3A_732, %get3A_733] {strides = array<i32>} : memref<8x1024xf32, #tpu.memory_space<vmem>>, vector<1x16xf32>,
        %get3A_735 = vector.shape_cast %get3A_734 : vector<1x16xf32> to vector<16xf32>
        %swap3A_736 = arith.index_cast %scan3A_194 : i32 to index
        %swap3A_737 = arith.index_cast %add3A_731 : i32 to index
        %swap3A_738 = tpu.vector_load %arg13[%swap3A_736, %swap3A_737] {strides = array<i32>} : memref<8x1024xf32, #tpu.memory_space<vmem>>, vector<1x16xf32>,
        %swap3A_739 = vector.shape_cast %swap3A_738 : vector<1x16xf32> to vector<16xf32>
        %swap3A_740 = vector.shape_cast %get3A_735 : vector<16xf32> to vector<1x16xf32>
        tpu.vector_store %arg13[%swap3A_736, %swap3A_737], %swap3A_740 {add = true, strides = array<i32>} : memref<8x1024xf32, #tpu.memory_space<vmem>>, vector<1x16xf32>,
        %mul3A_741 = arith.constant 1024 : i32
        %mul3A_742 = arith.muli %scan3A_196, %mul3A_741 : i32
        %add3A_743 = arith.constant 672 : i32
        %add3A_744 = arith.addi %mul3A_742, %add3A_743 : i32
        %get3A_745 = arith.index_cast %scan3A_194 : i32 to index
        %get3A_746 = arith.index_cast %add3A_744 : i32 to index
        %get3A_747 = tpu.vector_load %arg9[%get3A_745, %get3A_746] {strides = array<i32>} : memref<8x1024xf32, #tpu.memory_space<vmem>>, vector<1x16xf32>,
        %get3A_748 = vector.shape_cast %get3A_747 : vector<1x16xf32> to vector<16xf32>
        %swap3A_749 = arith.index_cast %scan3A_194 : i32 to index
        %swap3A_750 = arith.index_cast %add3A_744 : i32 to index
        %swap3A_751 = tpu.vector_load %arg13[%swap3A_749, %swap3A_750] {strides = array<i32>} : memref<8x1024xf32, #tpu.memory_space<vmem>>, vector<1x16xf32>,
        %swap3A_752 = vector.shape_cast %swap3A_751 : vector<1x16xf32> to vector<16xf32>
        %swap3A_753 = vector.shape_cast %get3A_748 : vector<16xf32> to vector<1x16xf32>
        tpu.vector_store %arg13[%swap3A_749, %swap3A_750], %swap3A_753 {add = true, strides = array<i32>} : memref<8x1024xf32, #tpu.memory_space<vmem>>, vector<1x16xf32>,
        %mul3A_754 = arith.constant 1024 : i32
        %mul3A_755 = arith.muli %scan3A_196, %mul3A_754 : i32
        %add3A_756 = arith.constant 688 : i32
        %add3A_757 = arith.addi %mul3A_755, %add3A_756 : i32
        %get3A_758 = arith.index_cast %scan3A_194 : i32 to index
        %get3A_759 = arith.index_cast %add3A_757 : i32 to index
        %get3A_760 = tpu.vector_load %arg9[%get3A_758, %get3A_759] {strides = array<i32>} : memref<8x1024xf32, #tpu.memory_space<vmem>>, vector<1x16xf32>,
        %get3A_761 = vector.shape_cast %get3A_760 : vector<1x16xf32> to vector<16xf32>
        %swap3A_762 = arith.index_cast %scan3A_194 : i32 to index
        %swap3A_763 = arith.index_cast %add3A_757 : i32 to index
        %swap3A_764 = tpu.vector_load %arg13[%swap3A_762, %swap3A_763] {strides = array<i32>} : memref<8x1024xf32, #tpu.memory_space<vmem>>, vector<1x16xf32>,
        %swap3A_765 = vector.shape_cast %swap3A_764 : vector<1x16xf32> to vector<16xf32>
        %swap3A_766 = vector.shape_cast %get3A_761 : vector<16xf32> to vector<1x16xf32>
        tpu.vector_store %arg13[%swap3A_762, %swap3A_763], %swap3A_766 {add = true, strides = array<i32>} : memref<8x1024xf32, #tpu.memory_space<vmem>>, vector<1x16xf32>,
        %mul3A_767 = arith.constant 1024 : i32
        %mul3A_768 = arith.muli %scan3A_196, %mul3A_767 : i32
        %add3A_769 = arith.constant 704 : i32
        %add3A_770 = arith.addi %mul3A_768, %add3A_769 : i32
        %get3A_771 = arith.index_cast %scan3A_194 : i32 to index
        %get3A_772 = arith.index_cast %add3A_770 : i32 to index
        %get3A_773 = tpu.vector_load %arg9[%get3A_771, %get3A_772] {strides = array<i32>} : memref<8x1024xf32, #tpu.memory_space<vmem>>, vector<1x16xf32>,
        %get3A_774 = vector.shape_cast %get3A_773 : vector<1x16xf32> to vector<16xf32>
        %swap3A_775 = arith.index_cast %scan3A_194 : i32 to index
        %swap3A_776 = arith.index_cast %add3A_770 : i32 to index
        %swap3A_777 = tpu.vector_load %arg13[%swap3A_775, %swap3A_776] {strides = array<i32>} : memref<8x1024xf32, #tpu.memory_space<vmem>>, vector<1x16xf32>,
        %swap3A_778 = vector.shape_cast %swap3A_777 : vector<1x16xf32> to vector<16xf32>
        %swap3A_779 = vector.shape_cast %get3A_774 : vector<16xf32> to vector<1x16xf32>
        tpu.vector_store %arg13[%swap3A_775, %swap3A_776], %swap3A_779 {add = true, strides = array<i32>} : memref<8x1024xf32, #tpu.memory_space<vmem>>, vector<1x16xf32>,
        %mul3A_780 = arith.constant 1024 : i32
        %mul3A_781 = arith.muli %scan3A_196, %mul3A_780 : i32
        %add3A_782 = arith.constant 720 : i32
        %add3A_783 = arith.addi %mul3A_781, %add3A_782 : i32
        %get3A_784 = arith.index_cast %scan3A_194 : i32 to index
        %get3A_785 = arith.index_cast %add3A_783 : i32 to index
        %get3A_786 = tpu.vector_load %arg9[%get3A_784, %get3A_785] {strides = array<i32>} : memref<8x1024xf32, #tpu.memory_space<vmem>>, vector<1x16xf32>,
        %get3A_787 = vector.shape_cast %get3A_786 : vector<1x16xf32> to vector<16xf32>
        %swap3A_788 = arith.index_cast %scan3A_194 : i32 to index
        %swap3A_789 = arith.index_cast %add3A_783 : i32 to index
        %swap3A_790 = tpu.vector_load %arg13[%swap3A_788, %swap3A_789] {strides = array<i32>} : memref<8x1024xf32, #tpu.memory_space<vmem>>, vector<1x16xf32>,
        %swap3A_791 = vector.shape_cast %swap3A_790 : vector<1x16xf32> to vector<16xf32>
        %swap3A_792 = vector.shape_cast %get3A_787 : vector<16xf32> to vector<1x16xf32>
        tpu.vector_store %arg13[%swap3A_788, %swap3A_789], %swap3A_792 {add = true, strides = array<i32>} : memref<8x1024xf32, #tpu.memory_space<vmem>>, vector<1x16xf32>,
        %mul3A_793 = arith.constant 1024 : i32
        %mul3A_794 = arith.muli %scan3A_196, %mul3A_793 : i32
        %add3A_795 = arith.constant 736 : i32
        %add3A_796 = arith.addi %mul3A_794, %add3A_795 : i32
        %get3A_797 = arith.index_cast %scan3A_194 : i32 to index
        %get3A_798 = arith.index_cast %add3A_796 : i32 to index
        %get3A_799 = tpu.vector_load %arg9[%get3A_797, %get3A_798] {strides = array<i32>} : memref<8x1024xf32, #tpu.memory_space<vmem>>, vector<1x16xf32>,
        %get3A_800 = vector.shape_cast %get3A_799 : vector<1x16xf32> to vector<16xf32>
        %swap3A_801 = arith.index_cast %scan3A_194 : i32 to index
        %swap3A_802 = arith.index_cast %add3A_796 : i32 to index
        %swap3A_803 = tpu.vector_load %arg13[%swap3A_801, %swap3A_802] {strides = array<i32>} : memref<8x1024xf32, #tpu.memory_space<vmem>>, vector<1x16xf32>,
        %swap3A_804 = vector.shape_cast %swap3A_803 : vector<1x16xf32> to vector<16xf32>
        %swap3A_805 = vector.shape_cast %get3A_800 : vector<16xf32> to vector<1x16xf32>
        tpu.vector_store %arg13[%swap3A_801, %swap3A_802], %swap3A_805 {add = true, strides = array<i32>} : memref<8x1024xf32, #tpu.memory_space<vmem>>, vector<1x16xf32>,
        %mul3A_806 = arith.constant 1024 : i32
        %mul3A_807 = arith.muli %scan3A_196, %mul3A_806 : i32
        %add3A_808 = arith.constant 752 : i32
        %add3A_809 = arith.addi %mul3A_807, %add3A_808 : i32
        %get3A_810 = arith.index_cast %scan3A_194 : i32 to index
        %get3A_811 = arith.index_cast %add3A_809 : i32 to index
        %get3A_812 = tpu.vector_load %arg9[%get3A_810, %get3A_811] {strides = array<i32>} : memref<8x1024xf32, #tpu.memory_space<vmem>>, vector<1x16xf32>,
        %get3A_813 = vector.shape_cast %get3A_812 : vector<1x16xf32> to vector<16xf32>
        %swap3A_814 = arith.index_cast %scan3A_194 : i32 to index
        %swap3A_815 = arith.index_cast %add3A_809 : i32 to index
        %swap3A_816 = tpu.vector_load %arg13[%swap3A_814, %swap3A_815] {strides = array<i32>} : memref<8x1024xf32, #tpu.memory_space<vmem>>, vector<1x16xf32>,
        %swap3A_817 = vector.shape_cast %swap3A_816 : vector<1x16xf32> to vector<16xf32>
        %swap3A_818 = vector.shape_cast %get3A_813 : vector<16xf32> to vector<1x16xf32>
        tpu.vector_store %arg13[%swap3A_814, %swap3A_815], %swap3A_818 {add = true, strides = array<i32>} : memref<8x1024xf32, #tpu.memory_space<vmem>>, vector<1x16xf32>,
        %mul3A_819 = arith.constant 1024 : i32
        %mul3A_820 = arith.muli %scan3A_196, %mul3A_819 : i32
        %add3A_821 = arith.constant 768 : i32
        %add3A_822 = arith.addi %mul3A_820, %add3A_821 : i32
        %get3A_823 = arith.index_cast %scan3A_194 : i32 to index
        %get3A_824 = arith.index_cast %add3A_822 : i32 to index
        %get3A_825 = tpu.vector_load %arg9[%get3A_823, %get3A_824] {strides = array<i32>} : memref<8x1024xf32, #tpu.memory_space<vmem>>, vector<1x16xf32>,
        %get3A_826 = vector.shape_cast %get3A_825 : vector<1x16xf32> to vector<16xf32>
        %swap3A_827 = arith.index_cast %scan3A_194 : i32 to index
        %swap3A_828 = arith.index_cast %add3A_822 : i32 to index
        %swap3A_829 = tpu.vector_load %arg13[%swap3A_827, %swap3A_828] {strides = array<i32>} : memref<8x1024xf32, #tpu.memory_space<vmem>>, vector<1x16xf32>,
        %swap3A_830 = vector.shape_cast %swap3A_829 : vector<1x16xf32> to vector<16xf32>
        %swap3A_831 = vector.shape_cast %get3A_826 : vector<16xf32> to vector<1x16xf32>
        tpu.vector_store %arg13[%swap3A_827, %swap3A_828], %swap3A_831 {add = true, strides = array<i32>} : memref<8x1024xf32, #tpu.memory_space<vmem>>, vector<1x16xf32>,
        %mul3A_832 = arith.constant 1024 : i32
        %mul3A_833 = arith.muli %scan3A_196, %mul3A_832 : i32
        %add3A_834 = arith.constant 784 : i32
        %add3A_835 = arith.addi %mul3A_833, %add3A_834 : i32
        %get3A_836 = arith.index_cast %scan3A_194 : i32 to index
        %get3A_837 = arith.index_cast %add3A_835 : i32 to index
        %get3A_838 = tpu.vector_load %arg9[%get3A_836, %get3A_837] {strides = array<i32>} : memref<8x1024xf32, #tpu.memory_space<vmem>>, vector<1x16xf32>,
        %get3A_839 = vector.shape_cast %get3A_838 : vector<1x16xf32> to vector<16xf32>
        %swap3A_840 = arith.index_cast %scan3A_194 : i32 to index
        %swap3A_841 = arith.index_cast %add3A_835 : i32 to index
        %swap3A_842 = tpu.vector_load %arg13[%swap3A_840, %swap3A_841] {strides = array<i32>} : memref<8x1024xf32, #tpu.memory_space<vmem>>, vector<1x16xf32>,
        %swap3A_843 = vector.shape_cast %swap3A_842 : vector<1x16xf32> to vector<16xf32>
        %swap3A_844 = vector.shape_cast %get3A_839 : vector<16xf32> to vector<1x16xf32>
        tpu.vector_store %arg13[%swap3A_840, %swap3A_841], %swap3A_844 {add = true, strides = array<i32>} : memref<8x1024xf32, #tpu.memory_space<vmem>>, vector<1x16xf32>,
        %mul3A_845 = arith.constant 1024 : i32
        %mul3A_846 = arith.muli %scan3A_196, %mul3A_845 : i32
        %add3A_847 = arith.constant 800 : i32
        %add3A_848 = arith.addi %mul3A_846, %add3A_847 : i32
        %get3A_849 = arith.index_cast %scan3A_194 : i32 to index
        %get3A_850 = arith.index_cast %add3A_848 : i32 to index
        %get3A_851 = tpu.vector_load %arg9[%get3A_849, %get3A_850] {strides = array<i32>} : memref<8x1024xf32, #tpu.memory_space<vmem>>, vector<1x16xf32>,
        %get3A_852 = vector.shape_cast %get3A_851 : vector<1x16xf32> to vector<16xf32>
        %swap3A_853 = arith.index_cast %scan3A_194 : i32 to index
        %swap3A_854 = arith.index_cast %add3A_848 : i32 to index
        %swap3A_855 = tpu.vector_load %arg13[%swap3A_853, %swap3A_854] {strides = array<i32>} : memref<8x1024xf32, #tpu.memory_space<vmem>>, vector<1x16xf32>,
        %swap3A_856 = vector.shape_cast %swap3A_855 : vector<1x16xf32> to vector<16xf32>
        %swap3A_857 = vector.shape_cast %get3A_852 : vector<16xf32> to vector<1x16xf32>
        tpu.vector_store %arg13[%swap3A_853, %swap3A_854], %swap3A_857 {add = true, strides = array<i32>} : memref<8x1024xf32, #tpu.memory_space<vmem>>, vector<1x16xf32>,
        %mul3A_858 = arith.constant 1024 : i32
        %mul3A_859 = arith.muli %scan3A_196, %mul3A_858 : i32
        %add3A_860 = arith.constant 816 : i32
        %add3A_861 = arith.addi %mul3A_859, %add3A_860 : i32
        %get3A_862 = arith.index_cast %scan3A_194 : i32 to index
        %get3A_863 = arith.index_cast %add3A_861 : i32 to index
        %get3A_864 = tpu.vector_load %arg9[%get3A_862, %get3A_863] {strides = array<i32>} : memref<8x1024xf32, #tpu.memory_space<vmem>>, vector<1x16xf32>,
        %get3A_865 = vector.shape_cast %get3A_864 : vector<1x16xf32> to vector<16xf32>
        %swap3A_866 = arith.index_cast %scan3A_194 : i32 to index
        %swap3A_867 = arith.index_cast %add3A_861 : i32 to index
        %swap3A_868 = tpu.vector_load %arg13[%swap3A_866, %swap3A_867] {strides = array<i32>} : memref<8x1024xf32, #tpu.memory_space<vmem>>, vector<1x16xf32>,
        %swap3A_869 = vector.shape_cast %swap3A_868 : vector<1x16xf32> to vector<16xf32>
        %swap3A_870 = vector.shape_cast %get3A_865 : vector<16xf32> to vector<1x16xf32>
        tpu.vector_store %arg13[%swap3A_866, %swap3A_867], %swap3A_870 {add = true, strides = array<i32>} : memref<8x1024xf32, #tpu.memory_space<vmem>>, vector<1x16xf32>,
        %mul3A_871 = arith.constant 1024 : i32
        %mul3A_872 = arith.muli %scan3A_196, %mul3A_871 : i32
        %add3A_873 = arith.constant 832 : i32
        %add3A_874 = arith.addi %mul3A_872, %add3A_873 : i32
        %get3A_875 = arith.index_cast %scan3A_194 : i32 to index
        %get3A_876 = arith.index_cast %add3A_874 : i32 to index
        %get3A_877 = tpu.vector_load %arg9[%get3A_875, %get3A_876] {strides = array<i32>} : memref<8x1024xf32, #tpu.memory_space<vmem>>, vector<1x16xf32>,
        %get3A_878 = vector.shape_cast %get3A_877 : vector<1x16xf32> to vector<16xf32>
        %swap3A_879 = arith.index_cast %scan3A_194 : i32 to index
        %swap3A_880 = arith.index_cast %add3A_874 : i32 to index
        %swap3A_881 = tpu.vector_load %arg13[%swap3A_879, %swap3A_880] {strides = array<i32>} : memref<8x1024xf32, #tpu.memory_space<vmem>>, vector<1x16xf32>,
        %swap3A_882 = vector.shape_cast %swap3A_881 : vector<1x16xf32> to vector<16xf32>
        %swap3A_883 = vector.shape_cast %get3A_878 : vector<16xf32> to vector<1x16xf32>
        tpu.vector_store %arg13[%swap3A_879, %swap3A_880], %swap3A_883 {add = true, strides = array<i32>} : memref<8x1024xf32, #tpu.memory_space<vmem>>, vector<1x16xf32>,
        %mul3A_884 = arith.constant 1024 : i32
        %mul3A_885 = arith.muli %scan3A_196, %mul3A_884 : i32
        %add3A_886 = arith.constant 848 : i32
        %add3A_887 = arith.addi %mul3A_885, %add3A_886 : i32
        %get3A_888 = arith.index_cast %scan3A_194 : i32 to index
        %get3A_889 = arith.index_cast %add3A_887 : i32 to index
        %get3A_890 = tpu.vector_load %arg9[%get3A_888, %get3A_889] {strides = array<i32>} : memref<8x1024xf32, #tpu.memory_space<vmem>>, vector<1x16xf32>,
        %get3A_891 = vector.shape_cast %get3A_890 : vector<1x16xf32> to vector<16xf32>
        %swap3A_892 = arith.index_cast %scan3A_194 : i32 to index
        %swap3A_893 = arith.index_cast %add3A_887 : i32 to index
        %swap3A_894 = tpu.vector_load %arg13[%swap3A_892, %swap3A_893] {strides = array<i32>} : memref<8x1024xf32, #tpu.memory_space<vmem>>, vector<1x16xf32>,
        %swap3A_895 = vector.shape_cast %swap3A_894 : vector<1x16xf32> to vector<16xf32>
        %swap3A_896 = vector.shape_cast %get3A_891 : vector<16xf32> to vector<1x16xf32>
        tpu.vector_store %arg13[%swap3A_892, %swap3A_893], %swap3A_896 {add = true, strides = array<i32>} : memref<8x1024xf32, #tpu.memory_space<vmem>>, vector<1x16xf32>,
        %mul3A_897 = arith.constant 1024 : i32
        %mul3A_898 = arith.muli %scan3A_196, %mul3A_897 : i32
        %add3A_899 = arith.constant 864 : i32
        %add3A_900 = arith.addi %mul3A_898, %add3A_899 : i32
        %get3A_901 = arith.index_cast %scan3A_194 : i32 to index
        %get3A_902 = arith.index_cast %add3A_900 : i32 to index
        %get3A_903 = tpu.vector_load %arg9[%get3A_901, %get3A_902] {strides = array<i32>} : memref<8x1024xf32, #tpu.memory_space<vmem>>, vector<1x16xf32>,
        %get3A_904 = vector.shape_cast %get3A_903 : vector<1x16xf32> to vector<16xf32>
        %swap3A_905 = arith.index_cast %scan3A_194 : i32 to index
        %swap3A_906 = arith.index_cast %add3A_900 : i32 to index
        %swap3A_907 = tpu.vector_load %arg13[%swap3A_905, %swap3A_906] {strides = array<i32>} : memref<8x1024xf32, #tpu.memory_space<vmem>>, vector<1x16xf32>,
        %swap3A_908 = vector.shape_cast %swap3A_907 : vector<1x16xf32> to vector<16xf32>
        %swap3A_909 = vector.shape_cast %get3A_904 : vector<16xf32> to vector<1x16xf32>
        tpu.vector_store %arg13[%swap3A_905, %swap3A_906], %swap3A_909 {add = true, strides = array<i32>} : memref<8x1024xf32, #tpu.memory_space<vmem>>, vector<1x16xf32>,
        %mul3A_910 = arith.constant 1024 : i32
        %mul3A_911 = arith.muli %scan3A_196, %mul3A_910 : i32
        %add3A_912 = arith.constant 880 : i32
        %add3A_913 = arith.addi %mul3A_911, %add3A_912 : i32
        %get3A_914 = arith.index_cast %scan3A_194 : i32 to index
        %get3A_915 = arith.index_cast %add3A_913 : i32 to index
        %get3A_916 = tpu.vector_load %arg9[%get3A_914, %get3A_915] {strides = array<i32>} : memref<8x1024xf32, #tpu.memory_space<vmem>>, vector<1x16xf32>,
        %get3A_917 = vector.shape_cast %get3A_916 : vector<1x16xf32> to vector<16xf32>
        %swap3A_918 = arith.index_cast %scan3A_194 : i32 to index
        %swap3A_919 = arith.index_cast %add3A_913 : i32 to index
        %swap3A_920 = tpu.vector_load %arg13[%swap3A_918, %swap3A_919] {strides = array<i32>} : memref<8x1024xf32, #tpu.memory_space<vmem>>, vector<1x16xf32>,
        %swap3A_921 = vector.shape_cast %swap3A_920 : vector<1x16xf32> to vector<16xf32>
        %swap3A_922 = vector.shape_cast %get3A_917 : vector<16xf32> to vector<1x16xf32>
        tpu.vector_store %arg13[%swap3A_918, %swap3A_919], %swap3A_922 {add = true, strides = array<i32>} : memref<8x1024xf32, #tpu.memory_space<vmem>>, vector<1x16xf32>,
        %mul3A_923 = arith.constant 1024 : i32
        %mul3A_924 = arith.muli %scan3A_196, %mul3A_923 : i32
        %add3A_925 = arith.constant 896 : i32
        %add3A_926 = arith.addi %mul3A_924, %add3A_925 : i32
        %get3A_927 = arith.index_cast %scan3A_194 : i32 to index
        %get3A_928 = arith.index_cast %add3A_926 : i32 to index
        %get3A_929 = tpu.vector_load %arg9[%get3A_927, %get3A_928] {strides = array<i32>} : memref<8x1024xf32, #tpu.memory_space<vmem>>, vector<1x16xf32>,
        %get3A_930 = vector.shape_cast %get3A_929 : vector<1x16xf32> to vector<16xf32>
        %swap3A_931 = arith.index_cast %scan3A_194 : i32 to index
        %swap3A_932 = arith.index_cast %add3A_926 : i32 to index
        %swap3A_933 = tpu.vector_load %arg13[%swap3A_931, %swap3A_932] {strides = array<i32>} : memref<8x1024xf32, #tpu.memory_space<vmem>>, vector<1x16xf32>,
        %swap3A_934 = vector.shape_cast %swap3A_933 : vector<1x16xf32> to vector<16xf32>
        %swap3A_935 = vector.shape_cast %get3A_930 : vector<16xf32> to vector<1x16xf32>
        tpu.vector_store %arg13[%swap3A_931, %swap3A_932], %swap3A_935 {add = true, strides = array<i32>} : memref<8x1024xf32, #tpu.memory_space<vmem>>, vector<1x16xf32>,
        %mul3A_936 = arith.constant 1024 : i32
        %mul3A_937 = arith.muli %scan3A_196, %mul3A_936 : i32
        %add3A_938 = arith.constant 912 : i32
        %add3A_939 = arith.addi %mul3A_937, %add3A_938 : i32
        %get3A_940 = arith.index_cast %scan3A_194 : i32 to index
        %get3A_941 = arith.index_cast %add3A_939 : i32 to index
        %get3A_942 = tpu.vector_load %arg9[%get3A_940, %get3A_941] {strides = array<i32>} : memref<8x1024xf32, #tpu.memory_space<vmem>>, vector<1x16xf32>,
        %get3A_943 = vector.shape_cast %get3A_942 : vector<1x16xf32> to vector<16xf32>
        %swap3A_944 = arith.index_cast %scan3A_194 : i32 to index
        %swap3A_945 = arith.index_cast %add3A_939 : i32 to index
        %swap3A_946 = tpu.vector_load %arg13[%swap3A_944, %swap3A_945] {strides = array<i32>} : memref<8x1024xf32, #tpu.memory_space<vmem>>, vector<1x16xf32>,
        %swap3A_947 = vector.shape_cast %swap3A_946 : vector<1x16xf32> to vector<16xf32>
        %swap3A_948 = vector.shape_cast %get3A_943 : vector<16xf32> to vector<1x16xf32>
        tpu.vector_store %arg13[%swap3A_944, %swap3A_945], %swap3A_948 {add = true, strides = array<i32>} : memref<8x1024xf32, #tpu.memory_space<vmem>>, vector<1x16xf32>,
        %mul3A_949 = arith.constant 1024 : i32
        %mul3A_950 = arith.muli %scan3A_196, %mul3A_949 : i32
        %add3A_951 = arith.constant 928 : i32
        %add3A_952 = arith.addi %mul3A_950, %add3A_951 : i32
        %get3A_953 = arith.index_cast %scan3A_194 : i32 to index
        %get3A_954 = arith.index_cast %add3A_952 : i32 to index
        %get3A_955 = tpu.vector_load %arg9[%get3A_953, %get3A_954] {strides = array<i32>} : memref<8x1024xf32, #tpu.memory_space<vmem>>, vector<1x16xf32>,
        %get3A_956 = vector.shape_cast %get3A_955 : vector<1x16xf32> to vector<16xf32>
        %swap3A_957 = arith.index_cast %scan3A_194 : i32 to index
        %swap3A_958 = arith.index_cast %add3A_952 : i32 to index
        %swap3A_959 = tpu.vector_load %arg13[%swap3A_957, %swap3A_958] {strides = array<i32>} : memref<8x1024xf32, #tpu.memory_space<vmem>>, vector<1x16xf32>,
        %swap3A_960 = vector.shape_cast %swap3A_959 : vector<1x16xf32> to vector<16xf32>
        %swap3A_961 = vector.shape_cast %get3A_956 : vector<16xf32> to vector<1x16xf32>
        tpu.vector_store %arg13[%swap3A_957, %swap3A_958], %swap3A_961 {add = true, strides = array<i32>} : memref<8x1024xf32, #tpu.memory_space<vmem>>, vector<1x16xf32>,
        %mul3A_962 = arith.constant 1024 : i32
        %mul3A_963 = arith.muli %scan3A_196, %mul3A_962 : i32
        %add3A_964 = arith.constant 944 : i32
        %add3A_965 = arith.addi %mul3A_963, %add3A_964 : i32
        %get3A_966 = arith.index_cast %scan3A_194 : i32 to index
        %get3A_967 = arith.index_cast %add3A_965 : i32 to index
        %get3A_968 = tpu.vector_load %arg9[%get3A_966, %get3A_967] {strides = array<i32>} : memref<8x1024xf32, #tpu.memory_space<vmem>>, vector<1x16xf32>,
        %get3A_969 = vector.shape_cast %get3A_968 : vector<1x16xf32> to vector<16xf32>
        %swap3A_970 = arith.index_cast %scan3A_194 : i32 to index
        %swap3A_971 = arith.index_cast %add3A_965 : i32 to index
        %swap3A_972 = tpu.vector_load %arg13[%swap3A_970, %swap3A_971] {strides = array<i32>} : memref<8x1024xf32, #tpu.memory_space<vmem>>, vector<1x16xf32>,
        %swap3A_973 = vector.shape_cast %swap3A_972 : vector<1x16xf32> to vector<16xf32>
        %swap3A_974 = vector.shape_cast %get3A_969 : vector<16xf32> to vector<1x16xf32>
        tpu.vector_store %arg13[%swap3A_970, %swap3A_971], %swap3A_974 {add = true, strides = array<i32>} : memref<8x1024xf32, #tpu.memory_space<vmem>>, vector<1x16xf32>,
        %mul3A_975 = arith.constant 1024 : i32
        %mul3A_976 = arith.muli %scan3A_196, %mul3A_975 : i32
        %add3A_977 = arith.constant 960 : i32
        %add3A_978 = arith.addi %mul3A_976, %add3A_977 : i32
        %get3A_979 = arith.index_cast %scan3A_194 : i32 to index
        %get3A_980 = arith.index_cast %add3A_978 : i32 to index
        %get3A_981 = tpu.vector_load %arg9[%get3A_979, %get3A_980] {strides = array<i32>} : memref<8x1024xf32, #tpu.memory_space<vmem>>, vector<1x16xf32>,
        %get3A_982 = vector.shape_cast %get3A_981 : vector<1x16xf32> to vector<16xf32>
        %swap3A_983 = arith.index_cast %scan3A_194 : i32 to index
        %swap3A_984 = arith.index_cast %add3A_978 : i32 to index
        %swap3A_985 = tpu.vector_load %arg13[%swap3A_983, %swap3A_984] {strides = array<i32>} : memref<8x1024xf32, #tpu.memory_space<vmem>>, vector<1x16xf32>,
        %swap3A_986 = vector.shape_cast %swap3A_985 : vector<1x16xf32> to vector<16xf32>
        %swap3A_987 = vector.shape_cast %get3A_982 : vector<16xf32> to vector<1x16xf32>
        tpu.vector_store %arg13[%swap3A_983, %swap3A_984], %swap3A_987 {add = true, strides = array<i32>} : memref<8x1024xf32, #tpu.memory_space<vmem>>, vector<1x16xf32>,
        %mul3A_988 = arith.constant 1024 : i32
        %mul3A_989 = arith.muli %scan3A_196, %mul3A_988 : i32
        %add3A_990 = arith.constant 976 : i32
        %add3A_991 = arith.addi %mul3A_989, %add3A_990 : i32
        %get3A_992 = arith.index_cast %scan3A_194 : i32 to index
        %get3A_993 = arith.index_cast %add3A_991 : i32 to index
        %get3A_994 = tpu.vector_load %arg9[%get3A_992, %get3A_993] {strides = array<i32>} : memref<8x1024xf32, #tpu.memory_space<vmem>>, vector<1x16xf32>,
        %get3A_995 = vector.shape_cast %get3A_994 : vector<1x16xf32> to vector<16xf32>
        %swap3A_996 = arith.index_cast %scan3A_194 : i32 to index
        %swap3A_997 = arith.index_cast %add3A_991 : i32 to index
        %swap3A_998 = tpu.vector_load %arg13[%swap3A_996, %swap3A_997] {strides = array<i32>} : memref<8x1024xf32, #tpu.memory_space<vmem>>, vector<1x16xf32>,
        %swap3A_999 = vector.shape_cast %swap3A_998 : vector<1x16xf32> to vector<16xf32>
        %swap3A_1000 = vector.shape_cast %get3A_995 : vector<16xf32> to vector<1x16xf32>
        tpu.vector_store %arg13[%swap3A_996, %swap3A_997], %swap3A_1000 {add = true, strides = array<i32>} : memref<8x1024xf32, #tpu.memory_space<vmem>>, vector<1x16xf32>,
        %mul3A_1001 = arith.constant 1024 : i32
        %mul3A_1002 = arith.muli %scan3A_196, %mul3A_1001 : i32
        %add3A_1003 = arith.constant 992 : i32
        %add3A_1004 = arith.addi %mul3A_1002, %add3A_1003 : i32
        %get3A_1005 = arith.index_cast %scan3A_194 : i32 to index
        %get3A_1006 = arith.index_cast %add3A_1004 : i32 to index
        %get3A_1007 = tpu.vector_load %arg9[%get3A_1005, %get3A_1006] {strides = array<i32>} : memref<8x1024xf32, #tpu.memory_space<vmem>>, vector<1x16xf32>,
        %get3A_1008 = vector.shape_cast %get3A_1007 : vector<1x16xf32> to vector<16xf32>
        %swap3A_1009 = arith.index_cast %scan3A_194 : i32 to index
        %swap3A_1010 = arith.index_cast %add3A_1004 : i32 to index
        %swap3A_1011 = tpu.vector_load %arg13[%swap3A_1009, %swap3A_1010] {strides = array<i32>} : memref<8x1024xf32, #tpu.memory_space<vmem>>, vector<1x16xf32>,
        %swap3A_1012 = vector.shape_cast %swap3A_1011 : vector<1x16xf32> to vector<16xf32>
        %swap3A_1013 = vector.shape_cast %get3A_1008 : vector<16xf32> to vector<1x16xf32>
        tpu.vector_store %arg13[%swap3A_1009, %swap3A_1010], %swap3A_1013 {add = true, strides = array<i32>} : memref<8x1024xf32, #tpu.memory_space<vmem>>, vector<1x16xf32>,
        %mul3A_1014 = arith.constant 1024 : i32
        %mul3A_1015 = arith.muli %scan3A_196, %mul3A_1014 : i32
        %add3A_1016 = arith.constant 1008 : i32
        %add3A_1017 = arith.addi %mul3A_1015, %add3A_1016 : i32
        %get3A_1018 = arith.index_cast %scan3A_194 : i32 to index
        %get3A_1019 = arith.index_cast %add3A_1017 : i32 to index
        %get3A_1020 = tpu.vector_load %arg9[%get3A_1018, %get3A_1019] {strides = array<i32>} : memref<8x1024xf32, #tpu.memory_space<vmem>>, vector<1x16xf32>,
        %get3A_1021 = vector.shape_cast %get3A_1020 : vector<1x16xf32> to vector<16xf32>
        %swap3A_1022 = arith.index_cast %scan3A_194 : i32 to index
        %swap3A_1023 = arith.index_cast %add3A_1017 : i32 to index
        %swap3A_1024 = tpu.vector_load %arg13[%swap3A_1022, %swap3A_1023] {strides = array<i32>} : memref<8x1024xf32, #tpu.memory_space<vmem>>, vector<1x16xf32>,
        %swap3A_1025 = vector.shape_cast %swap3A_1024 : vector<1x16xf32> to vector<16xf32>
        %swap3A_1026 = vector.shape_cast %get3A_1021 : vector<16xf32> to vector<1x16xf32>
        tpu.vector_store %arg13[%swap3A_1022, %swap3A_1023], %swap3A_1026 {add = true, strides = array<i32>} : memref<8x1024xf32, #tpu.memory_space<vmem>>, vector<1x16xf32>,
        %scan3A_1027 = arith.constant 1 : i32
      }
      %scan3A_150 = arith.constant 8 : i32
      %mul3A_151 = arith.constant 8 : i32
      %mul3A_152 = arith.muli %add3A_125, %mul3A_151 : i32
      %add3A_153 = arith.addi %mul3A_2, %mul3A_152 : i32
      %dma_start3A_154 = arith.constant 0 : i32
      %dma_start3A_155 = tpu.memref_slice %arg5[%add3A_153, %dma_start3A_154] : memref<32768x1024xf32, #tpu.memory_space<hbm>> -> memref<8x1024xf32, #tpu.memory_space<hbm>>
      %dma_start3A_156 = arith.constant 0 : i32
      %dma_start3A_157 = tpu.memref_slice %arg5[%add3A_153, %dma_start3A_156] : memref<32768x1024xf32, #tpu.memory_space<hbm>> -> memref<8x1024xf32, #tpu.memory_space<hbm>>
      tpu.enqueue_dma source(%arg13 : memref<8x1024xf32, #tpu.memory_space<vmem>>) target(%dma_start3A_157 : memref<8x1024xf32, #tpu.memory_space<hbm>>) target_semaphore(%arg25 : memref<!tpu.dma_semaphore, #tpu.memory_space<semaphore_mem>>)
      %mul3A_158 = arith.constant 4 : i32
      %mul3A_159 = arith.muli %scan3A_52, %mul3A_158 : i32
      %add3A_160 = arith.constant 3 : i32
      %add3A_161 = arith.addi %mul3A_159, %add3A_160 : i32
      %add3A_162 = arith.constant 2 : i32
      %add3A_163 = arith.addi %add3A_161, %add3A_162 : i32
      %lt3A_164 = arith.constant 128 : i32
      %lt3A_165 = arith.cmpi slt, %add3A_163, %lt3A_164 : i32
      %convert_element_type3A_166 = arith.extui %lt3A_165 : i1 to i32
      %cond3A_167 = arith.constant 0 : i32
      %cond3A_168 = arith.cmpi ne, %convert_element_type3A_166, %cond3A_167 : i32
      scf.if %cond3A_168 {
        %ge3A = arith.constant 4 : i32
        %ge3A_194 = arith.cmpi sge, %add3A_163, %ge3A : i32
        %convert_element_type3A_195 = arith.extui %ge3A_194 : i1 to i32
        %cond3A_196 = arith.constant 0 : i32
        %cond3A_197 = arith.cmpi ne, %convert_element_type3A_195, %cond3A_196 : i32
        scf.if %cond3A_197 {
          %dma_wait3A_211 = arith.constant 0 : i32
          %dma_wait3A_212 = arith.constant 0 : i32
          %dma_wait3A_213 = tpu.memref_slice %arg2[%dma_wait3A_211, %dma_wait3A_212] : memref<32768x1024xf32, #tpu.memory_space<hbm>> -> memref<8x1024xf32, #tpu.memory_space<hbm>>
          %dma_wait3A_214 = arith.constant 0 : i32
          %dma_wait3A_215 = arith.constant 0 : i32
          %dma_wait3A_216 = tpu.memref_slice %arg2[%dma_wait3A_214, %dma_wait3A_215] : memref<32768x1024xf32, #tpu.memory_space<hbm>> -> memref<8x1024xf32, #tpu.memory_space<hbm>>
          tpu.wait_dma2 semaphore(%arg24 : memref<!tpu.dma_semaphore, #tpu.memory_space<semaphore_mem>>) src(%dma_wait3A_216 : memref<8x1024xf32, #tpu.memory_space<hbm>>) dst(%arg12 : memref<8x1024xf32, #tpu.memory_space<vmem>>)
        } else {
        }
        %mul3A_198 = arith.constant 8 : i32
        %mul3A_199 = arith.muli %add3A_163, %mul3A_198 : i32
        %dma_start3A_200 = tpu.memref_slice %arg6[%mul3A_199] : memref<1024xi32, #tpu.memory_space<vmem>> -> memref<8xi32, #tpu.memory_space<vmem>>
        %dma_start3A_201 = arith.constant 0 : i32
        %dma_start3A_202 = arith.constant 0 : i32
        %dma_start3A_203 = tpu.memref_slice %arg4[%dma_start3A_201, %dma_start3A_202] : memref<8192x1024xf32, #tpu.memory_space<hbm>> -> memref<8192x1024xf32, #tpu.memory_space<hbm>>
        tpu.enqueue_indirect_dma source(%dma_start3A_203 : memref<8192x1024xf32, #tpu.memory_space<hbm>>) target(%arg12 : memref<8x1024xf32, #tpu.memory_space<vmem>>) offsets(%dma_start3A_200 : memref<8xi32, #tpu.memory_space<vmem>>) semaphore(%arg16 : memref<!tpu.dma_semaphore, #tpu.memory_space<semaphore_mem>>)
        %mul3A_204 = arith.constant 8 : i32
        %mul3A_205 = arith.muli %add3A_163, %mul3A_204 : i32
        %add3A_206 = arith.addi %mul3A_2, %mul3A_205 : i32
        %dma_start3A_207 = arith.constant 0 : i32
        %dma_start3A_208 = tpu.memref_slice %arg2[%add3A_206, %dma_start3A_207] : memref<32768x1024xf32, #tpu.memory_space<hbm>> -> memref<8x1024xf32, #tpu.memory_space<hbm>>
        %dma_start3A_209 = arith.constant 0 : i32
        %dma_start3A_210 = tpu.memref_slice %arg2[%add3A_206, %dma_start3A_209] : memref<32768x1024xf32, #tpu.memory_space<hbm>> -> memref<8x1024xf32, #tpu.memory_space<hbm>>
        tpu.enqueue_dma source(%dma_start3A_210 : memref<8x1024xf32, #tpu.memory_space<hbm>>) target(%arg8 : memref<8x1024xf32, #tpu.memory_space<vmem>>) target_semaphore(%arg20 : memref<!tpu.dma_semaphore, #tpu.memory_space<semaphore_mem>>)
      } else {
      }
      %dma_wait3A_169 = arith.constant 0 : i32
      %dma_wait3A_170 = arith.constant 0 : i32
      %dma_wait3A_171 = tpu.memref_slice %arg2[%dma_wait3A_169, %dma_wait3A_170] : memref<32768x1024xf32, #tpu.memory_space<hbm>> -> memref<8x1024xf32, #tpu.memory_space<hbm>>
      %dma_wait3A_172 = arith.constant 0 : i32
      %dma_wait3A_173 = arith.constant 0 : i32
      %dma_wait3A_174 = tpu.memref_slice %arg2[%dma_wait3A_172, %dma_wait3A_173] : memref<32768x1024xf32, #tpu.memory_space<hbm>> -> memref<8x1024xf32, #tpu.memory_space<hbm>>
      tpu.wait_dma2 semaphore(%arg18 : memref<!tpu.dma_semaphore, #tpu.memory_space<semaphore_mem>>) src(%dma_wait3A_174 : memref<8x1024xf32, #tpu.memory_space<hbm>>) dst(%arg14 : memref<8x1024xf32, #tpu.memory_space<vmem>>)
      %dma_wait3A_175 = arith.constant 0 : i32
      %dma_wait3A_176 = arith.constant 0 : i32
      %dma_wait3A_177 = tpu.memref_slice %arg2[%dma_wait3A_175, %dma_wait3A_176] : memref<32768x1024xf32, #tpu.memory_space<hbm>> -> memref<8x1024xf32, #tpu.memory_space<hbm>>
      %dma_wait3A_178 = arith.constant 0 : i32
      %dma_wait3A_179 = arith.constant 0 : i32
      %dma_wait3A_180 = tpu.memref_slice %arg2[%dma_wait3A_178, %dma_wait3A_179] : memref<32768x1024xf32, #tpu.memory_space<hbm>> -> memref<8x1024xf32, #tpu.memory_space<hbm>>
      tpu.wait_dma2 semaphore(%arg22 : memref<!tpu.dma_semaphore, #tpu.memory_space<semaphore_mem>>) src(%dma_wait3A_180 : memref<8x1024xf32, #tpu.memory_space<hbm>>) dst(%arg10 : memref<8x1024xf32, #tpu.memory_space<vmem>>)
      %scan3A_181 = arith.constant 0 : i32
      %scan3A_182 = arith.constant 0 : i32
      %scan3A_183 = arith.constant 8 : i32
      %scan3A_184 = arith.addi %scan3A_182, %scan3A_183 : i32
      %scan3A_185 = arith.constant 1 : i32
      scf.for %scan3A_194 = %scan3A_182 to %scan3A_184 step %scan3A_185  : i32 {
        %scan3A_195 = arith.constant 0 : i32
        %scan3A_196 = arith.constant 0 : i32
        %mul3A_197 = arith.constant 1024 : i32
        %mul3A_198 = arith.muli %scan3A_196, %mul3A_197 : i32
        %add3A_199 = arith.constant 0 : i32
        %add3A_200 = arith.addi %mul3A_198, %add3A_199 : i32
        %get3A = arith.index_cast %scan3A_194 : i32 to index
        %get3A_201 = arith.index_cast %add3A_200 : i32 to index
        %get3A_202 = tpu.vector_load %arg10[%get3A, %get3A_201] {strides = array<i32>} : memref<8x1024xf32, #tpu.memory_space<vmem>>, vector<1x16xf32>,
        %get3A_203 = vector.shape_cast %get3A_202 : vector<1x16xf32> to vector<16xf32>
        %swap3A = arith.index_cast %scan3A_194 : i32 to index
        %swap3A_204 = arith.index_cast %add3A_200 : i32 to index
        %swap3A_205 = tpu.vector_load %arg14[%swap3A, %swap3A_204] {strides = array<i32>} : memref<8x1024xf32, #tpu.memory_space<vmem>>, vector<1x16xf32>,
        %swap3A_206 = vector.shape_cast %swap3A_205 : vector<1x16xf32> to vector<16xf32>
        %swap3A_207 = vector.shape_cast %get3A_203 : vector<16xf32> to vector<1x16xf32>
        tpu.vector_store %arg14[%swap3A, %swap3A_204], %swap3A_207 {add = true, strides = array<i32>} : memref<8x1024xf32, #tpu.memory_space<vmem>>, vector<1x16xf32>,
        %mul3A_208 = arith.constant 1024 : i32
        %mul3A_209 = arith.muli %scan3A_196, %mul3A_208 : i32
        %add3A_210 = arith.constant 16 : i32
        %add3A_211 = arith.addi %mul3A_209, %add3A_210 : i32
        %get3A_212 = arith.index_cast %scan3A_194 : i32 to index
        %get3A_213 = arith.index_cast %add3A_211 : i32 to index
        %get3A_214 = tpu.vector_load %arg10[%get3A_212, %get3A_213] {strides = array<i32>} : memref<8x1024xf32, #tpu.memory_space<vmem>>, vector<1x16xf32>,
        %get3A_215 = vector.shape_cast %get3A_214 : vector<1x16xf32> to vector<16xf32>
        %swap3A_216 = arith.index_cast %scan3A_194 : i32 to index
        %swap3A_217 = arith.index_cast %add3A_211 : i32 to index
        %swap3A_218 = tpu.vector_load %arg14[%swap3A_216, %swap3A_217] {strides = array<i32>} : memref<8x1024xf32, #tpu.memory_space<vmem>>, vector<1x16xf32>,
        %swap3A_219 = vector.shape_cast %swap3A_218 : vector<1x16xf32> to vector<16xf32>
        %swap3A_220 = vector.shape_cast %get3A_215 : vector<16xf32> to vector<1x16xf32>
        tpu.vector_store %arg14[%swap3A_216, %swap3A_217], %swap3A_220 {add = true, strides = array<i32>} : memref<8x1024xf32, #tpu.memory_space<vmem>>, vector<1x16xf32>,
        %mul3A_221 = arith.constant 1024 : i32
        %mul3A_222 = arith.muli %scan3A_196, %mul3A_221 : i32
        %add3A_223 = arith.constant 32 : i32
        %add3A_224 = arith.addi %mul3A_222, %add3A_223 : i32
        %get3A_225 = arith.index_cast %scan3A_194 : i32 to index
        %get3A_226 = arith.index_cast %add3A_224 : i32 to index
        %get3A_227 = tpu.vector_load %arg10[%get3A_225, %get3A_226] {strides = array<i32>} : memref<8x1024xf32, #tpu.memory_space<vmem>>, vector<1x16xf32>,
        %get3A_228 = vector.shape_cast %get3A_227 : vector<1x16xf32> to vector<16xf32>
        %swap3A_229 = arith.index_cast %scan3A_194 : i32 to index
        %swap3A_230 = arith.index_cast %add3A_224 : i32 to index
        %swap3A_231 = tpu.vector_load %arg14[%swap3A_229, %swap3A_230] {strides = array<i32>} : memref<8x1024xf32, #tpu.memory_space<vmem>>, vector<1x16xf32>,
        %swap3A_232 = vector.shape_cast %swap3A_231 : vector<1x16xf32> to vector<16xf32>
        %swap3A_233 = vector.shape_cast %get3A_228 : vector<16xf32> to vector<1x16xf32>
        tpu.vector_store %arg14[%swap3A_229, %swap3A_230], %swap3A_233 {add = true, strides = array<i32>} : memref<8x1024xf32, #tpu.memory_space<vmem>>, vector<1x16xf32>,
        %mul3A_234 = arith.constant 1024 : i32
        %mul3A_235 = arith.muli %scan3A_196, %mul3A_234 : i32
        %add3A_236 = arith.constant 48 : i32
        %add3A_237 = arith.addi %mul3A_235, %add3A_236 : i32
        %get3A_238 = arith.index_cast %scan3A_194 : i32 to index
        %get3A_239 = arith.index_cast %add3A_237 : i32 to index
        %get3A_240 = tpu.vector_load %arg10[%get3A_238, %get3A_239] {strides = array<i32>} : memref<8x1024xf32, #tpu.memory_space<vmem>>, vector<1x16xf32>,
        %get3A_241 = vector.shape_cast %get3A_240 : vector<1x16xf32> to vector<16xf32>
        %swap3A_242 = arith.index_cast %scan3A_194 : i32 to index
        %swap3A_243 = arith.index_cast %add3A_237 : i32 to index
        %swap3A_244 = tpu.vector_load %arg14[%swap3A_242, %swap3A_243] {strides = array<i32>} : memref<8x1024xf32, #tpu.memory_space<vmem>>, vector<1x16xf32>,
        %swap3A_245 = vector.shape_cast %swap3A_244 : vector<1x16xf32> to vector<16xf32>
        %swap3A_246 = vector.shape_cast %get3A_241 : vector<16xf32> to vector<1x16xf32>
        tpu.vector_store %arg14[%swap3A_242, %swap3A_243], %swap3A_246 {add = true, strides = array<i32>} : memref<8x1024xf32, #tpu.memory_space<vmem>>, vector<1x16xf32>,
        %mul3A_247 = arith.constant 1024 : i32
        %mul3A_248 = arith.muli %scan3A_196, %mul3A_247 : i32
        %add3A_249 = arith.constant 64 : i32
        %add3A_250 = arith.addi %mul3A_248, %add3A_249 : i32
        %get3A_251 = arith.index_cast %scan3A_194 : i32 to index
        %get3A_252 = arith.index_cast %add3A_250 : i32 to index
        %get3A_253 = tpu.vector_load %arg10[%get3A_251, %get3A_252] {strides = array<i32>} : memref<8x1024xf32, #tpu.memory_space<vmem>>, vector<1x16xf32>,
        %get3A_254 = vector.shape_cast %get3A_253 : vector<1x16xf32> to vector<16xf32>
        %swap3A_255 = arith.index_cast %scan3A_194 : i32 to index
        %swap3A_256 = arith.index_cast %add3A_250 : i32 to index
        %swap3A_257 = tpu.vector_load %arg14[%swap3A_255, %swap3A_256] {strides = array<i32>} : memref<8x1024xf32, #tpu.memory_space<vmem>>, vector<1x16xf32>,
        %swap3A_258 = vector.shape_cast %swap3A_257 : vector<1x16xf32> to vector<16xf32>
        %swap3A_259 = vector.shape_cast %get3A_254 : vector<16xf32> to vector<1x16xf32>
        tpu.vector_store %arg14[%swap3A_255, %swap3A_256], %swap3A_259 {add = true, strides = array<i32>} : memref<8x1024xf32, #tpu.memory_space<vmem>>, vector<1x16xf32>,
        %mul3A_260 = arith.constant 1024 : i32
        %mul3A_261 = arith.muli %scan3A_196, %mul3A_260 : i32
        %add3A_262 = arith.constant 80 : i32
        %add3A_263 = arith.addi %mul3A_261, %add3A_262 : i32
        %get3A_264 = arith.index_cast %scan3A_194 : i32 to index
        %get3A_265 = arith.index_cast %add3A_263 : i32 to index
        %get3A_266 = tpu.vector_load %arg10[%get3A_264, %get3A_265] {strides = array<i32>} : memref<8x1024xf32, #tpu.memory_space<vmem>>, vector<1x16xf32>,
        %get3A_267 = vector.shape_cast %get3A_266 : vector<1x16xf32> to vector<16xf32>
        %swap3A_268 = arith.index_cast %scan3A_194 : i32 to index
        %swap3A_269 = arith.index_cast %add3A_263 : i32 to index
        %swap3A_270 = tpu.vector_load %arg14[%swap3A_268, %swap3A_269] {strides = array<i32>} : memref<8x1024xf32, #tpu.memory_space<vmem>>, vector<1x16xf32>,
        %swap3A_271 = vector.shape_cast %swap3A_270 : vector<1x16xf32> to vector<16xf32>
        %swap3A_272 = vector.shape_cast %get3A_267 : vector<16xf32> to vector<1x16xf32>
        tpu.vector_store %arg14[%swap3A_268, %swap3A_269], %swap3A_272 {add = true, strides = array<i32>} : memref<8x1024xf32, #tpu.memory_space<vmem>>, vector<1x16xf32>,
        %mul3A_273 = arith.constant 1024 : i32
        %mul3A_274 = arith.muli %scan3A_196, %mul3A_273 : i32
        %add3A_275 = arith.constant 96 : i32
        %add3A_276 = arith.addi %mul3A_274, %add3A_275 : i32
        %get3A_277 = arith.index_cast %scan3A_194 : i32 to index
        %get3A_278 = arith.index_cast %add3A_276 : i32 to index
        %get3A_279 = tpu.vector_load %arg10[%get3A_277, %get3A_278] {strides = array<i32>} : memref<8x1024xf32, #tpu.memory_space<vmem>>, vector<1x16xf32>,
        %get3A_280 = vector.shape_cast %get3A_279 : vector<1x16xf32> to vector<16xf32>
        %swap3A_281 = arith.index_cast %scan3A_194 : i32 to index
        %swap3A_282 = arith.index_cast %add3A_276 : i32 to index
        %swap3A_283 = tpu.vector_load %arg14[%swap3A_281, %swap3A_282] {strides = array<i32>} : memref<8x1024xf32, #tpu.memory_space<vmem>>, vector<1x16xf32>,
        %swap3A_284 = vector.shape_cast %swap3A_283 : vector<1x16xf32> to vector<16xf32>
        %swap3A_285 = vector.shape_cast %get3A_280 : vector<16xf32> to vector<1x16xf32>
        tpu.vector_store %arg14[%swap3A_281, %swap3A_282], %swap3A_285 {add = true, strides = array<i32>} : memref<8x1024xf32, #tpu.memory_space<vmem>>, vector<1x16xf32>,
        %mul3A_286 = arith.constant 1024 : i32
        %mul3A_287 = arith.muli %scan3A_196, %mul3A_286 : i32
        %add3A_288 = arith.constant 112 : i32
        %add3A_289 = arith.addi %mul3A_287, %add3A_288 : i32
        %get3A_290 = arith.index_cast %scan3A_194 : i32 to index
        %get3A_291 = arith.index_cast %add3A_289 : i32 to index
        %get3A_292 = tpu.vector_load %arg10[%get3A_290, %get3A_291] {strides = array<i32>} : memref<8x1024xf32, #tpu.memory_space<vmem>>, vector<1x16xf32>,
        %get3A_293 = vector.shape_cast %get3A_292 : vector<1x16xf32> to vector<16xf32>
        %swap3A_294 = arith.index_cast %scan3A_194 : i32 to index
        %swap3A_295 = arith.index_cast %add3A_289 : i32 to index
        %swap3A_296 = tpu.vector_load %arg14[%swap3A_294, %swap3A_295] {strides = array<i32>} : memref<8x1024xf32, #tpu.memory_space<vmem>>, vector<1x16xf32>,
        %swap3A_297 = vector.shape_cast %swap3A_296 : vector<1x16xf32> to vector<16xf32>
        %swap3A_298 = vector.shape_cast %get3A_293 : vector<16xf32> to vector<1x16xf32>
        tpu.vector_store %arg14[%swap3A_294, %swap3A_295], %swap3A_298 {add = true, strides = array<i32>} : memref<8x1024xf32, #tpu.memory_space<vmem>>, vector<1x16xf32>,
        %mul3A_299 = arith.constant 1024 : i32
        %mul3A_300 = arith.muli %scan3A_196, %mul3A_299 : i32
        %add3A_301 = arith.constant 128 : i32
        %add3A_302 = arith.addi %mul3A_300, %add3A_301 : i32
        %get3A_303 = arith.index_cast %scan3A_194 : i32 to index
        %get3A_304 = arith.index_cast %add3A_302 : i32 to index
        %get3A_305 = tpu.vector_load %arg10[%get3A_303, %get3A_304] {strides = array<i32>} : memref<8x1024xf32, #tpu.memory_space<vmem>>, vector<1x16xf32>,
        %get3A_306 = vector.shape_cast %get3A_305 : vector<1x16xf32> to vector<16xf32>
        %swap3A_307 = arith.index_cast %scan3A_194 : i32 to index
        %swap3A_308 = arith.index_cast %add3A_302 : i32 to index
        %swap3A_309 = tpu.vector_load %arg14[%swap3A_307, %swap3A_308] {strides = array<i32>} : memref<8x1024xf32, #tpu.memory_space<vmem>>, vector<1x16xf32>,
        %swap3A_310 = vector.shape_cast %swap3A_309 : vector<1x16xf32> to vector<16xf32>
        %swap3A_311 = vector.shape_cast %get3A_306 : vector<16xf32> to vector<1x16xf32>
        tpu.vector_store %arg14[%swap3A_307, %swap3A_308], %swap3A_311 {add = true, strides = array<i32>} : memref<8x1024xf32, #tpu.memory_space<vmem>>, vector<1x16xf32>,
        %mul3A_312 = arith.constant 1024 : i32
        %mul3A_313 = arith.muli %scan3A_196, %mul3A_312 : i32
        %add3A_314 = arith.constant 144 : i32
        %add3A_315 = arith.addi %mul3A_313, %add3A_314 : i32
        %get3A_316 = arith.index_cast %scan3A_194 : i32 to index
        %get3A_317 = arith.index_cast %add3A_315 : i32 to index
        %get3A_318 = tpu.vector_load %arg10[%get3A_316, %get3A_317] {strides = array<i32>} : memref<8x1024xf32, #tpu.memory_space<vmem>>, vector<1x16xf32>,
        %get3A_319 = vector.shape_cast %get3A_318 : vector<1x16xf32> to vector<16xf32>
        %swap3A_320 = arith.index_cast %scan3A_194 : i32 to index
        %swap3A_321 = arith.index_cast %add3A_315 : i32 to index
        %swap3A_322 = tpu.vector_load %arg14[%swap3A_320, %swap3A_321] {strides = array<i32>} : memref<8x1024xf32, #tpu.memory_space<vmem>>, vector<1x16xf32>,
        %swap3A_323 = vector.shape_cast %swap3A_322 : vector<1x16xf32> to vector<16xf32>
        %swap3A_324 = vector.shape_cast %get3A_319 : vector<16xf32> to vector<1x16xf32>
        tpu.vector_store %arg14[%swap3A_320, %swap3A_321], %swap3A_324 {add = true, strides = array<i32>} : memref<8x1024xf32, #tpu.memory_space<vmem>>, vector<1x16xf32>,
        %mul3A_325 = arith.constant 1024 : i32
        %mul3A_326 = arith.muli %scan3A_196, %mul3A_325 : i32
        %add3A_327 = arith.constant 160 : i32
        %add3A_328 = arith.addi %mul3A_326, %add3A_327 : i32
        %get3A_329 = arith.index_cast %scan3A_194 : i32 to index
        %get3A_330 = arith.index_cast %add3A_328 : i32 to index
        %get3A_331 = tpu.vector_load %arg10[%get3A_329, %get3A_330] {strides = array<i32>} : memref<8x1024xf32, #tpu.memory_space<vmem>>, vector<1x16xf32>,
        %get3A_332 = vector.shape_cast %get3A_331 : vector<1x16xf32> to vector<16xf32>
        %swap3A_333 = arith.index_cast %scan3A_194 : i32 to index
        %swap3A_334 = arith.index_cast %add3A_328 : i32 to index
        %swap3A_335 = tpu.vector_load %arg14[%swap3A_333, %swap3A_334] {strides = array<i32>} : memref<8x1024xf32, #tpu.memory_space<vmem>>, vector<1x16xf32>,
        %swap3A_336 = vector.shape_cast %swap3A_335 : vector<1x16xf32> to vector<16xf32>
        %swap3A_337 = vector.shape_cast %get3A_332 : vector<16xf32> to vector<1x16xf32>
        tpu.vector_store %arg14[%swap3A_333, %swap3A_334], %swap3A_337 {add = true, strides = array<i32>} : memref<8x1024xf32, #tpu.memory_space<vmem>>, vector<1x16xf32>,
        %mul3A_338 = arith.constant 1024 : i32
        %mul3A_339 = arith.muli %scan3A_196, %mul3A_338 : i32
        %add3A_340 = arith.constant 176 : i32
        %add3A_341 = arith.addi %mul3A_339, %add3A_340 : i32
        %get3A_342 = arith.index_cast %scan3A_194 : i32 to index
        %get3A_343 = arith.index_cast %add3A_341 : i32 to index
        %get3A_344 = tpu.vector_load %arg10[%get3A_342, %get3A_343] {strides = array<i32>} : memref<8x1024xf32, #tpu.memory_space<vmem>>, vector<1x16xf32>,
        %get3A_345 = vector.shape_cast %get3A_344 : vector<1x16xf32> to vector<16xf32>
        %swap3A_346 = arith.index_cast %scan3A_194 : i32 to index
        %swap3A_347 = arith.index_cast %add3A_341 : i32 to index
        %swap3A_348 = tpu.vector_load %arg14[%swap3A_346, %swap3A_347] {strides = array<i32>} : memref<8x1024xf32, #tpu.memory_space<vmem>>, vector<1x16xf32>,
        %swap3A_349 = vector.shape_cast %swap3A_348 : vector<1x16xf32> to vector<16xf32>
        %swap3A_350 = vector.shape_cast %get3A_345 : vector<16xf32> to vector<1x16xf32>
        tpu.vector_store %arg14[%swap3A_346, %swap3A_347], %swap3A_350 {add = true, strides = array<i32>} : memref<8x1024xf32, #tpu.memory_space<vmem>>, vector<1x16xf32>,
        %mul3A_351 = arith.constant 1024 : i32
        %mul3A_352 = arith.muli %scan3A_196, %mul3A_351 : i32
        %add3A_353 = arith.constant 192 : i32
        %add3A_354 = arith.addi %mul3A_352, %add3A_353 : i32
        %get3A_355 = arith.index_cast %scan3A_194 : i32 to index
        %get3A_356 = arith.index_cast %add3A_354 : i32 to index
        %get3A_357 = tpu.vector_load %arg10[%get3A_355, %get3A_356] {strides = array<i32>} : memref<8x1024xf32, #tpu.memory_space<vmem>>, vector<1x16xf32>,
        %get3A_358 = vector.shape_cast %get3A_357 : vector<1x16xf32> to vector<16xf32>
        %swap3A_359 = arith.index_cast %scan3A_194 : i32 to index
        %swap3A_360 = arith.index_cast %add3A_354 : i32 to index
        %swap3A_361 = tpu.vector_load %arg14[%swap3A_359, %swap3A_360] {strides = array<i32>} : memref<8x1024xf32, #tpu.memory_space<vmem>>, vector<1x16xf32>,
        %swap3A_362 = vector.shape_cast %swap3A_361 : vector<1x16xf32> to vector<16xf32>
        %swap3A_363 = vector.shape_cast %get3A_358 : vector<16xf32> to vector<1x16xf32>
        tpu.vector_store %arg14[%swap3A_359, %swap3A_360], %swap3A_363 {add = true, strides = array<i32>} : memref<8x1024xf32, #tpu.memory_space<vmem>>, vector<1x16xf32>,
        %mul3A_364 = arith.constant 1024 : i32
        %mul3A_365 = arith.muli %scan3A_196, %mul3A_364 : i32
        %add3A_366 = arith.constant 208 : i32
        %add3A_367 = arith.addi %mul3A_365, %add3A_366 : i32
        %get3A_368 = arith.index_cast %scan3A_194 : i32 to index
        %get3A_369 = arith.index_cast %add3A_367 : i32 to index
        %get3A_370 = tpu.vector_load %arg10[%get3A_368, %get3A_369] {strides = array<i32>} : memref<8x1024xf32, #tpu.memory_space<vmem>>, vector<1x16xf32>,
        %get3A_371 = vector.shape_cast %get3A_370 : vector<1x16xf32> to vector<16xf32>
        %swap3A_372 = arith.index_cast %scan3A_194 : i32 to index
        %swap3A_373 = arith.index_cast %add3A_367 : i32 to index
        %swap3A_374 = tpu.vector_load %arg14[%swap3A_372, %swap3A_373] {strides = array<i32>} : memref<8x1024xf32, #tpu.memory_space<vmem>>, vector<1x16xf32>,
        %swap3A_375 = vector.shape_cast %swap3A_374 : vector<1x16xf32> to vector<16xf32>
        %swap3A_376 = vector.shape_cast %get3A_371 : vector<16xf32> to vector<1x16xf32>
        tpu.vector_store %arg14[%swap3A_372, %swap3A_373], %swap3A_376 {add = true, strides = array<i32>} : memref<8x1024xf32, #tpu.memory_space<vmem>>, vector<1x16xf32>,
        %mul3A_377 = arith.constant 1024 : i32
        %mul3A_378 = arith.muli %scan3A_196, %mul3A_377 : i32
        %add3A_379 = arith.constant 224 : i32
        %add3A_380 = arith.addi %mul3A_378, %add3A_379 : i32
        %get3A_381 = arith.index_cast %scan3A_194 : i32 to index
        %get3A_382 = arith.index_cast %add3A_380 : i32 to index
        %get3A_383 = tpu.vector_load %arg10[%get3A_381, %get3A_382] {strides = array<i32>} : memref<8x1024xf32, #tpu.memory_space<vmem>>, vector<1x16xf32>,
        %get3A_384 = vector.shape_cast %get3A_383 : vector<1x16xf32> to vector<16xf32>
        %swap3A_385 = arith.index_cast %scan3A_194 : i32 to index
        %swap3A_386 = arith.index_cast %add3A_380 : i32 to index
        %swap3A_387 = tpu.vector_load %arg14[%swap3A_385, %swap3A_386] {strides = array<i32>} : memref<8x1024xf32, #tpu.memory_space<vmem>>, vector<1x16xf32>,
        %swap3A_388 = vector.shape_cast %swap3A_387 : vector<1x16xf32> to vector<16xf32>
        %swap3A_389 = vector.shape_cast %get3A_384 : vector<16xf32> to vector<1x16xf32>
        tpu.vector_store %arg14[%swap3A_385, %swap3A_386], %swap3A_389 {add = true, strides = array<i32>} : memref<8x1024xf32, #tpu.memory_space<vmem>>, vector<1x16xf32>,
        %mul3A_390 = arith.constant 1024 : i32
        %mul3A_391 = arith.muli %scan3A_196, %mul3A_390 : i32
        %add3A_392 = arith.constant 240 : i32
        %add3A_393 = arith.addi %mul3A_391, %add3A_392 : i32
        %get3A_394 = arith.index_cast %scan3A_194 : i32 to index
        %get3A_395 = arith.index_cast %add3A_393 : i32 to index
        %get3A_396 = tpu.vector_load %arg10[%get3A_394, %get3A_395] {strides = array<i32>} : memref<8x1024xf32, #tpu.memory_space<vmem>>, vector<1x16xf32>,
        %get3A_397 = vector.shape_cast %get3A_396 : vector<1x16xf32> to vector<16xf32>
        %swap3A_398 = arith.index_cast %scan3A_194 : i32 to index
        %swap3A_399 = arith.index_cast %add3A_393 : i32 to index
        %swap3A_400 = tpu.vector_load %arg14[%swap3A_398, %swap3A_399] {strides = array<i32>} : memref<8x1024xf32, #tpu.memory_space<vmem>>, vector<1x16xf32>,
        %swap3A_401 = vector.shape_cast %swap3A_400 : vector<1x16xf32> to vector<16xf32>
        %swap3A_402 = vector.shape_cast %get3A_397 : vector<16xf32> to vector<1x16xf32>
        tpu.vector_store %arg14[%swap3A_398, %swap3A_399], %swap3A_402 {add = true, strides = array<i32>} : memref<8x1024xf32, #tpu.memory_space<vmem>>, vector<1x16xf32>,
        %mul3A_403 = arith.constant 1024 : i32
        %mul3A_404 = arith.muli %scan3A_196, %mul3A_403 : i32
        %add3A_405 = arith.constant 256 : i32
        %add3A_406 = arith.addi %mul3A_404, %add3A_405 : i32
        %get3A_407 = arith.index_cast %scan3A_194 : i32 to index
        %get3A_408 = arith.index_cast %add3A_406 : i32 to index
        %get3A_409 = tpu.vector_load %arg10[%get3A_407, %get3A_408] {strides = array<i32>} : memref<8x1024xf32, #tpu.memory_space<vmem>>, vector<1x16xf32>,
        %get3A_410 = vector.shape_cast %get3A_409 : vector<1x16xf32> to vector<16xf32>
        %swap3A_411 = arith.index_cast %scan3A_194 : i32 to index
        %swap3A_412 = arith.index_cast %add3A_406 : i32 to index
        %swap3A_413 = tpu.vector_load %arg14[%swap3A_411, %swap3A_412] {strides = array<i32>} : memref<8x1024xf32, #tpu.memory_space<vmem>>, vector<1x16xf32>,
        %swap3A_414 = vector.shape_cast %swap3A_413 : vector<1x16xf32> to vector<16xf32>
        %swap3A_415 = vector.shape_cast %get3A_410 : vector<16xf32> to vector<1x16xf32>
        tpu.vector_store %arg14[%swap3A_411, %swap3A_412], %swap3A_415 {add = true, strides = array<i32>} : memref<8x1024xf32, #tpu.memory_space<vmem>>, vector<1x16xf32>,
        %mul3A_416 = arith.constant 1024 : i32
        %mul3A_417 = arith.muli %scan3A_196, %mul3A_416 : i32
        %add3A_418 = arith.constant 272 : i32
        %add3A_419 = arith.addi %mul3A_417, %add3A_418 : i32
        %get3A_420 = arith.index_cast %scan3A_194 : i32 to index
        %get3A_421 = arith.index_cast %add3A_419 : i32 to index
        %get3A_422 = tpu.vector_load %arg10[%get3A_420, %get3A_421] {strides = array<i32>} : memref<8x1024xf32, #tpu.memory_space<vmem>>, vector<1x16xf32>,
        %get3A_423 = vector.shape_cast %get3A_422 : vector<1x16xf32> to vector<16xf32>
        %swap3A_424 = arith.index_cast %scan3A_194 : i32 to index
        %swap3A_425 = arith.index_cast %add3A_419 : i32 to index
        %swap3A_426 = tpu.vector_load %arg14[%swap3A_424, %swap3A_425] {strides = array<i32>} : memref<8x1024xf32, #tpu.memory_space<vmem>>, vector<1x16xf32>,
        %swap3A_427 = vector.shape_cast %swap3A_426 : vector<1x16xf32> to vector<16xf32>
        %swap3A_428 = vector.shape_cast %get3A_423 : vector<16xf32> to vector<1x16xf32>
        tpu.vector_store %arg14[%swap3A_424, %swap3A_425], %swap3A_428 {add = true, strides = array<i32>} : memref<8x1024xf32, #tpu.memory_space<vmem>>, vector<1x16xf32>,
        %mul3A_429 = arith.constant 1024 : i32
        %mul3A_430 = arith.muli %scan3A_196, %mul3A_429 : i32
        %add3A_431 = arith.constant 288 : i32
        %add3A_432 = arith.addi %mul3A_430, %add3A_431 : i32
        %get3A_433 = arith.index_cast %scan3A_194 : i32 to index
        %get3A_434 = arith.index_cast %add3A_432 : i32 to index
        %get3A_435 = tpu.vector_load %arg10[%get3A_433, %get3A_434] {strides = array<i32>} : memref<8x1024xf32, #tpu.memory_space<vmem>>, vector<1x16xf32>,
        %get3A_436 = vector.shape_cast %get3A_435 : vector<1x16xf32> to vector<16xf32>
        %swap3A_437 = arith.index_cast %scan3A_194 : i32 to index
        %swap3A_438 = arith.index_cast %add3A_432 : i32 to index
        %swap3A_439 = tpu.vector_load %arg14[%swap3A_437, %swap3A_438] {strides = array<i32>} : memref<8x1024xf32, #tpu.memory_space<vmem>>, vector<1x16xf32>,
        %swap3A_440 = vector.shape_cast %swap3A_439 : vector<1x16xf32> to vector<16xf32>
        %swap3A_441 = vector.shape_cast %get3A_436 : vector<16xf32> to vector<1x16xf32>
        tpu.vector_store %arg14[%swap3A_437, %swap3A_438], %swap3A_441 {add = true, strides = array<i32>} : memref<8x1024xf32, #tpu.memory_space<vmem>>, vector<1x16xf32>,
        %mul3A_442 = arith.constant 1024 : i32
        %mul3A_443 = arith.muli %scan3A_196, %mul3A_442 : i32
        %add3A_444 = arith.constant 304 : i32
        %add3A_445 = arith.addi %mul3A_443, %add3A_444 : i32
        %get3A_446 = arith.index_cast %scan3A_194 : i32 to index
        %get3A_447 = arith.index_cast %add3A_445 : i32 to index
        %get3A_448 = tpu.vector_load %arg10[%get3A_446, %get3A_447] {strides = array<i32>} : memref<8x1024xf32, #tpu.memory_space<vmem>>, vector<1x16xf32>,
        %get3A_449 = vector.shape_cast %get3A_448 : vector<1x16xf32> to vector<16xf32>
        %swap3A_450 = arith.index_cast %scan3A_194 : i32 to index
        %swap3A_451 = arith.index_cast %add3A_445 : i32 to index
        %swap3A_452 = tpu.vector_load %arg14[%swap3A_450, %swap3A_451] {strides = array<i32>} : memref<8x1024xf32, #tpu.memory_space<vmem>>, vector<1x16xf32>,
        %swap3A_453 = vector.shape_cast %swap3A_452 : vector<1x16xf32> to vector<16xf32>
        %swap3A_454 = vector.shape_cast %get3A_449 : vector<16xf32> to vector<1x16xf32>
        tpu.vector_store %arg14[%swap3A_450, %swap3A_451], %swap3A_454 {add = true, strides = array<i32>} : memref<8x1024xf32, #tpu.memory_space<vmem>>, vector<1x16xf32>,
        %mul3A_455 = arith.constant 1024 : i32
        %mul3A_456 = arith.muli %scan3A_196, %mul3A_455 : i32
        %add3A_457 = arith.constant 320 : i32
        %add3A_458 = arith.addi %mul3A_456, %add3A_457 : i32
        %get3A_459 = arith.index_cast %scan3A_194 : i32 to index
        %get3A_460 = arith.index_cast %add3A_458 : i32 to index
        %get3A_461 = tpu.vector_load %arg10[%get3A_459, %get3A_460] {strides = array<i32>} : memref<8x1024xf32, #tpu.memory_space<vmem>>, vector<1x16xf32>,
        %get3A_462 = vector.shape_cast %get3A_461 : vector<1x16xf32> to vector<16xf32>
        %swap3A_463 = arith.index_cast %scan3A_194 : i32 to index
        %swap3A_464 = arith.index_cast %add3A_458 : i32 to index
        %swap3A_465 = tpu.vector_load %arg14[%swap3A_463, %swap3A_464] {strides = array<i32>} : memref<8x1024xf32, #tpu.memory_space<vmem>>, vector<1x16xf32>,
        %swap3A_466 = vector.shape_cast %swap3A_465 : vector<1x16xf32> to vector<16xf32>
        %swap3A_467 = vector.shape_cast %get3A_462 : vector<16xf32> to vector<1x16xf32>
        tpu.vector_store %arg14[%swap3A_463, %swap3A_464], %swap3A_467 {add = true, strides = array<i32>} : memref<8x1024xf32, #tpu.memory_space<vmem>>, vector<1x16xf32>,
        %mul3A_468 = arith.constant 1024 : i32
        %mul3A_469 = arith.muli %scan3A_196, %mul3A_468 : i32
        %add3A_470 = arith.constant 336 : i32
        %add3A_471 = arith.addi %mul3A_469, %add3A_470 : i32
        %get3A_472 = arith.index_cast %scan3A_194 : i32 to index
        %get3A_473 = arith.index_cast %add3A_471 : i32 to index
        %get3A_474 = tpu.vector_load %arg10[%get3A_472, %get3A_473] {strides = array<i32>} : memref<8x1024xf32, #tpu.memory_space<vmem>>, vector<1x16xf32>,
        %get3A_475 = vector.shape_cast %get3A_474 : vector<1x16xf32> to vector<16xf32>
        %swap3A_476 = arith.index_cast %scan3A_194 : i32 to index
        %swap3A_477 = arith.index_cast %add3A_471 : i32 to index
        %swap3A_478 = tpu.vector_load %arg14[%swap3A_476, %swap3A_477] {strides = array<i32>} : memref<8x1024xf32, #tpu.memory_space<vmem>>, vector<1x16xf32>,
        %swap3A_479 = vector.shape_cast %swap3A_478 : vector<1x16xf32> to vector<16xf32>
        %swap3A_480 = vector.shape_cast %get3A_475 : vector<16xf32> to vector<1x16xf32>
        tpu.vector_store %arg14[%swap3A_476, %swap3A_477], %swap3A_480 {add = true, strides = array<i32>} : memref<8x1024xf32, #tpu.memory_space<vmem>>, vector<1x16xf32>,
        %mul3A_481 = arith.constant 1024 : i32
        %mul3A_482 = arith.muli %scan3A_196, %mul3A_481 : i32
        %add3A_483 = arith.constant 352 : i32
        %add3A_484 = arith.addi %mul3A_482, %add3A_483 : i32
        %get3A_485 = arith.index_cast %scan3A_194 : i32 to index
        %get3A_486 = arith.index_cast %add3A_484 : i32 to index
        %get3A_487 = tpu.vector_load %arg10[%get3A_485, %get3A_486] {strides = array<i32>} : memref<8x1024xf32, #tpu.memory_space<vmem>>, vector<1x16xf32>,
        %get3A_488 = vector.shape_cast %get3A_487 : vector<1x16xf32> to vector<16xf32>
        %swap3A_489 = arith.index_cast %scan3A_194 : i32 to index
        %swap3A_490 = arith.index_cast %add3A_484 : i32 to index
        %swap3A_491 = tpu.vector_load %arg14[%swap3A_489, %swap3A_490] {strides = array<i32>} : memref<8x1024xf32, #tpu.memory_space<vmem>>, vector<1x16xf32>,
        %swap3A_492 = vector.shape_cast %swap3A_491 : vector<1x16xf32> to vector<16xf32>
        %swap3A_493 = vector.shape_cast %get3A_488 : vector<16xf32> to vector<1x16xf32>
        tpu.vector_store %arg14[%swap3A_489, %swap3A_490], %swap3A_493 {add = true, strides = array<i32>} : memref<8x1024xf32, #tpu.memory_space<vmem>>, vector<1x16xf32>,
        %mul3A_494 = arith.constant 1024 : i32
        %mul3A_495 = arith.muli %scan3A_196, %mul3A_494 : i32
        %add3A_496 = arith.constant 368 : i32
        %add3A_497 = arith.addi %mul3A_495, %add3A_496 : i32
        %get3A_498 = arith.index_cast %scan3A_194 : i32 to index
        %get3A_499 = arith.index_cast %add3A_497 : i32 to index
        %get3A_500 = tpu.vector_load %arg10[%get3A_498, %get3A_499] {strides = array<i32>} : memref<8x1024xf32, #tpu.memory_space<vmem>>, vector<1x16xf32>,
        %get3A_501 = vector.shape_cast %get3A_500 : vector<1x16xf32> to vector<16xf32>
        %swap3A_502 = arith.index_cast %scan3A_194 : i32 to index
        %swap3A_503 = arith.index_cast %add3A_497 : i32 to index
        %swap3A_504 = tpu.vector_load %arg14[%swap3A_502, %swap3A_503] {strides = array<i32>} : memref<8x1024xf32, #tpu.memory_space<vmem>>, vector<1x16xf32>,
        %swap3A_505 = vector.shape_cast %swap3A_504 : vector<1x16xf32> to vector<16xf32>
        %swap3A_506 = vector.shape_cast %get3A_501 : vector<16xf32> to vector<1x16xf32>
        tpu.vector_store %arg14[%swap3A_502, %swap3A_503], %swap3A_506 {add = true, strides = array<i32>} : memref<8x1024xf32, #tpu.memory_space<vmem>>, vector<1x16xf32>,
        %mul3A_507 = arith.constant 1024 : i32
        %mul3A_508 = arith.muli %scan3A_196, %mul3A_507 : i32
        %add3A_509 = arith.constant 384 : i32
        %add3A_510 = arith.addi %mul3A_508, %add3A_509 : i32
        %get3A_511 = arith.index_cast %scan3A_194 : i32 to index
        %get3A_512 = arith.index_cast %add3A_510 : i32 to index
        %get3A_513 = tpu.vector_load %arg10[%get3A_511, %get3A_512] {strides = array<i32>} : memref<8x1024xf32, #tpu.memory_space<vmem>>, vector<1x16xf32>,
        %get3A_514 = vector.shape_cast %get3A_513 : vector<1x16xf32> to vector<16xf32>
        %swap3A_515 = arith.index_cast %scan3A_194 : i32 to index
        %swap3A_516 = arith.index_cast %add3A_510 : i32 to index
        %swap3A_517 = tpu.vector_load %arg14[%swap3A_515, %swap3A_516] {strides = array<i32>} : memref<8x1024xf32, #tpu.memory_space<vmem>>, vector<1x16xf32>,
        %swap3A_518 = vector.shape_cast %swap3A_517 : vector<1x16xf32> to vector<16xf32>
        %swap3A_519 = vector.shape_cast %get3A_514 : vector<16xf32> to vector<1x16xf32>
        tpu.vector_store %arg14[%swap3A_515, %swap3A_516], %swap3A_519 {add = true, strides = array<i32>} : memref<8x1024xf32, #tpu.memory_space<vmem>>, vector<1x16xf32>,
        %mul3A_520 = arith.constant 1024 : i32
        %mul3A_521 = arith.muli %scan3A_196, %mul3A_520 : i32
        %add3A_522 = arith.constant 400 : i32
        %add3A_523 = arith.addi %mul3A_521, %add3A_522 : i32
        %get3A_524 = arith.index_cast %scan3A_194 : i32 to index
        %get3A_525 = arith.index_cast %add3A_523 : i32 to index
        %get3A_526 = tpu.vector_load %arg10[%get3A_524, %get3A_525] {strides = array<i32>} : memref<8x1024xf32, #tpu.memory_space<vmem>>, vector<1x16xf32>,
        %get3A_527 = vector.shape_cast %get3A_526 : vector<1x16xf32> to vector<16xf32>
        %swap3A_528 = arith.index_cast %scan3A_194 : i32 to index
        %swap3A_529 = arith.index_cast %add3A_523 : i32 to index
        %swap3A_530 = tpu.vector_load %arg14[%swap3A_528, %swap3A_529] {strides = array<i32>} : memref<8x1024xf32, #tpu.memory_space<vmem>>, vector<1x16xf32>,
        %swap3A_531 = vector.shape_cast %swap3A_530 : vector<1x16xf32> to vector<16xf32>
        %swap3A_532 = vector.shape_cast %get3A_527 : vector<16xf32> to vector<1x16xf32>
        tpu.vector_store %arg14[%swap3A_528, %swap3A_529], %swap3A_532 {add = true, strides = array<i32>} : memref<8x1024xf32, #tpu.memory_space<vmem>>, vector<1x16xf32>,
        %mul3A_533 = arith.constant 1024 : i32
        %mul3A_534 = arith.muli %scan3A_196, %mul3A_533 : i32
        %add3A_535 = arith.constant 416 : i32
        %add3A_536 = arith.addi %mul3A_534, %add3A_535 : i32
        %get3A_537 = arith.index_cast %scan3A_194 : i32 to index
        %get3A_538 = arith.index_cast %add3A_536 : i32 to index
        %get3A_539 = tpu.vector_load %arg10[%get3A_537, %get3A_538] {strides = array<i32>} : memref<8x1024xf32, #tpu.memory_space<vmem>>, vector<1x16xf32>,
        %get3A_540 = vector.shape_cast %get3A_539 : vector<1x16xf32> to vector<16xf32>
        %swap3A_541 = arith.index_cast %scan3A_194 : i32 to index
        %swap3A_542 = arith.index_cast %add3A_536 : i32 to index
        %swap3A_543 = tpu.vector_load %arg14[%swap3A_541, %swap3A_542] {strides = array<i32>} : memref<8x1024xf32, #tpu.memory_space<vmem>>, vector<1x16xf32>,
        %swap3A_544 = vector.shape_cast %swap3A_543 : vector<1x16xf32> to vector<16xf32>
        %swap3A_545 = vector.shape_cast %get3A_540 : vector<16xf32> to vector<1x16xf32>
        tpu.vector_store %arg14[%swap3A_541, %swap3A_542], %swap3A_545 {add = true, strides = array<i32>} : memref<8x1024xf32, #tpu.memory_space<vmem>>, vector<1x16xf32>,
        %mul3A_546 = arith.constant 1024 : i32
        %mul3A_547 = arith.muli %scan3A_196, %mul3A_546 : i32
        %add3A_548 = arith.constant 432 : i32
        %add3A_549 = arith.addi %mul3A_547, %add3A_548 : i32
        %get3A_550 = arith.index_cast %scan3A_194 : i32 to index
        %get3A_551 = arith.index_cast %add3A_549 : i32 to index
        %get3A_552 = tpu.vector_load %arg10[%get3A_550, %get3A_551] {strides = array<i32>} : memref<8x1024xf32, #tpu.memory_space<vmem>>, vector<1x16xf32>,
        %get3A_553 = vector.shape_cast %get3A_552 : vector<1x16xf32> to vector<16xf32>
        %swap3A_554 = arith.index_cast %scan3A_194 : i32 to index
        %swap3A_555 = arith.index_cast %add3A_549 : i32 to index
        %swap3A_556 = tpu.vector_load %arg14[%swap3A_554, %swap3A_555] {strides = array<i32>} : memref<8x1024xf32, #tpu.memory_space<vmem>>, vector<1x16xf32>,
        %swap3A_557 = vector.shape_cast %swap3A_556 : vector<1x16xf32> to vector<16xf32>
        %swap3A_558 = vector.shape_cast %get3A_553 : vector<16xf32> to vector<1x16xf32>
        tpu.vector_store %arg14[%swap3A_554, %swap3A_555], %swap3A_558 {add = true, strides = array<i32>} : memref<8x1024xf32, #tpu.memory_space<vmem>>, vector<1x16xf32>,
        %mul3A_559 = arith.constant 1024 : i32
        %mul3A_560 = arith.muli %scan3A_196, %mul3A_559 : i32
        %add3A_561 = arith.constant 448 : i32
        %add3A_562 = arith.addi %mul3A_560, %add3A_561 : i32
        %get3A_563 = arith.index_cast %scan3A_194 : i32 to index
        %get3A_564 = arith.index_cast %add3A_562 : i32 to index
        %get3A_565 = tpu.vector_load %arg10[%get3A_563, %get3A_564] {strides = array<i32>} : memref<8x1024xf32, #tpu.memory_space<vmem>>, vector<1x16xf32>,
        %get3A_566 = vector.shape_cast %get3A_565 : vector<1x16xf32> to vector<16xf32>
        %swap3A_567 = arith.index_cast %scan3A_194 : i32 to index
        %swap3A_568 = arith.index_cast %add3A_562 : i32 to index
        %swap3A_569 = tpu.vector_load %arg14[%swap3A_567, %swap3A_568] {strides = array<i32>} : memref<8x1024xf32, #tpu.memory_space<vmem>>, vector<1x16xf32>,
        %swap3A_570 = vector.shape_cast %swap3A_569 : vector<1x16xf32> to vector<16xf32>
        %swap3A_571 = vector.shape_cast %get3A_566 : vector<16xf32> to vector<1x16xf32>
        tpu.vector_store %arg14[%swap3A_567, %swap3A_568], %swap3A_571 {add = true, strides = array<i32>} : memref<8x1024xf32, #tpu.memory_space<vmem>>, vector<1x16xf32>,
        %mul3A_572 = arith.constant 1024 : i32
        %mul3A_573 = arith.muli %scan3A_196, %mul3A_572 : i32
        %add3A_574 = arith.constant 464 : i32
        %add3A_575 = arith.addi %mul3A_573, %add3A_574 : i32
        %get3A_576 = arith.index_cast %scan3A_194 : i32 to index
        %get3A_577 = arith.index_cast %add3A_575 : i32 to index
        %get3A_578 = tpu.vector_load %arg10[%get3A_576, %get3A_577] {strides = array<i32>} : memref<8x1024xf32, #tpu.memory_space<vmem>>, vector<1x16xf32>,
        %get3A_579 = vector.shape_cast %get3A_578 : vector<1x16xf32> to vector<16xf32>
        %swap3A_580 = arith.index_cast %scan3A_194 : i32 to index
        %swap3A_581 = arith.index_cast %add3A_575 : i32 to index
        %swap3A_582 = tpu.vector_load %arg14[%swap3A_580, %swap3A_581] {strides = array<i32>} : memref<8x1024xf32, #tpu.memory_space<vmem>>, vector<1x16xf32>,
        %swap3A_583 = vector.shape_cast %swap3A_582 : vector<1x16xf32> to vector<16xf32>
        %swap3A_584 = vector.shape_cast %get3A_579 : vector<16xf32> to vector<1x16xf32>
        tpu.vector_store %arg14[%swap3A_580, %swap3A_581], %swap3A_584 {add = true, strides = array<i32>} : memref<8x1024xf32, #tpu.memory_space<vmem>>, vector<1x16xf32>,
        %mul3A_585 = arith.constant 1024 : i32
        %mul3A_586 = arith.muli %scan3A_196, %mul3A_585 : i32
        %add3A_587 = arith.constant 480 : i32
        %add3A_588 = arith.addi %mul3A_586, %add3A_587 : i32
        %get3A_589 = arith.index_cast %scan3A_194 : i32 to index
        %get3A_590 = arith.index_cast %add3A_588 : i32 to index
        %get3A_591 = tpu.vector_load %arg10[%get3A_589, %get3A_590] {strides = array<i32>} : memref<8x1024xf32, #tpu.memory_space<vmem>>, vector<1x16xf32>,
        %get3A_592 = vector.shape_cast %get3A_591 : vector<1x16xf32> to vector<16xf32>
        %swap3A_593 = arith.index_cast %scan3A_194 : i32 to index
        %swap3A_594 = arith.index_cast %add3A_588 : i32 to index
        %swap3A_595 = tpu.vector_load %arg14[%swap3A_593, %swap3A_594] {strides = array<i32>} : memref<8x1024xf32, #tpu.memory_space<vmem>>, vector<1x16xf32>,
        %swap3A_596 = vector.shape_cast %swap3A_595 : vector<1x16xf32> to vector<16xf32>
        %swap3A_597 = vector.shape_cast %get3A_592 : vector<16xf32> to vector<1x16xf32>
        tpu.vector_store %arg14[%swap3A_593, %swap3A_594], %swap3A_597 {add = true, strides = array<i32>} : memref<8x1024xf32, #tpu.memory_space<vmem>>, vector<1x16xf32>,
        %mul3A_598 = arith.constant 1024 : i32
        %mul3A_599 = arith.muli %scan3A_196, %mul3A_598 : i32
        %add3A_600 = arith.constant 496 : i32
        %add3A_601 = arith.addi %mul3A_599, %add3A_600 : i32
        %get3A_602 = arith.index_cast %scan3A_194 : i32 to index
        %get3A_603 = arith.index_cast %add3A_601 : i32 to index
        %get3A_604 = tpu.vector_load %arg10[%get3A_602, %get3A_603] {strides = array<i32>} : memref<8x1024xf32, #tpu.memory_space<vmem>>, vector<1x16xf32>,
        %get3A_605 = vector.shape_cast %get3A_604 : vector<1x16xf32> to vector<16xf32>
        %swap3A_606 = arith.index_cast %scan3A_194 : i32 to index
        %swap3A_607 = arith.index_cast %add3A_601 : i32 to index
        %swap3A_608 = tpu.vector_load %arg14[%swap3A_606, %swap3A_607] {strides = array<i32>} : memref<8x1024xf32, #tpu.memory_space<vmem>>, vector<1x16xf32>,
        %swap3A_609 = vector.shape_cast %swap3A_608 : vector<1x16xf32> to vector<16xf32>
        %swap3A_610 = vector.shape_cast %get3A_605 : vector<16xf32> to vector<1x16xf32>
        tpu.vector_store %arg14[%swap3A_606, %swap3A_607], %swap3A_610 {add = true, strides = array<i32>} : memref<8x1024xf32, #tpu.memory_space<vmem>>, vector<1x16xf32>,
        %mul3A_611 = arith.constant 1024 : i32
        %mul3A_612 = arith.muli %scan3A_196, %mul3A_611 : i32
        %add3A_613 = arith.constant 512 : i32
        %add3A_614 = arith.addi %mul3A_612, %add3A_613 : i32
        %get3A_615 = arith.index_cast %scan3A_194 : i32 to index
        %get3A_616 = arith.index_cast %add3A_614 : i32 to index
        %get3A_617 = tpu.vector_load %arg10[%get3A_615, %get3A_616] {strides = array<i32>} : memref<8x1024xf32, #tpu.memory_space<vmem>>, vector<1x16xf32>,
        %get3A_618 = vector.shape_cast %get3A_617 : vector<1x16xf32> to vector<16xf32>
        %swap3A_619 = arith.index_cast %scan3A_194 : i32 to index
        %swap3A_620 = arith.index_cast %add3A_614 : i32 to index
        %swap3A_621 = tpu.vector_load %arg14[%swap3A_619, %swap3A_620] {strides = array<i32>} : memref<8x1024xf32, #tpu.memory_space<vmem>>, vector<1x16xf32>,
        %swap3A_622 = vector.shape_cast %swap3A_621 : vector<1x16xf32> to vector<16xf32>
        %swap3A_623 = vector.shape_cast %get3A_618 : vector<16xf32> to vector<1x16xf32>
        tpu.vector_store %arg14[%swap3A_619, %swap3A_620], %swap3A_623 {add = true, strides = array<i32>} : memref<8x1024xf32, #tpu.memory_space<vmem>>, vector<1x16xf32>,
        %mul3A_624 = arith.constant 1024 : i32
        %mul3A_625 = arith.muli %scan3A_196, %mul3A_624 : i32
        %add3A_626 = arith.constant 528 : i32
        %add3A_627 = arith.addi %mul3A_625, %add3A_626 : i32
        %get3A_628 = arith.index_cast %scan3A_194 : i32 to index
        %get3A_629 = arith.index_cast %add3A_627 : i32 to index
        %get3A_630 = tpu.vector_load %arg10[%get3A_628, %get3A_629] {strides = array<i32>} : memref<8x1024xf32, #tpu.memory_space<vmem>>, vector<1x16xf32>,
        %get3A_631 = vector.shape_cast %get3A_630 : vector<1x16xf32> to vector<16xf32>
        %swap3A_632 = arith.index_cast %scan3A_194 : i32 to index
        %swap3A_633 = arith.index_cast %add3A_627 : i32 to index
        %swap3A_634 = tpu.vector_load %arg14[%swap3A_632, %swap3A_633] {strides = array<i32>} : memref<8x1024xf32, #tpu.memory_space<vmem>>, vector<1x16xf32>,
        %swap3A_635 = vector.shape_cast %swap3A_634 : vector<1x16xf32> to vector<16xf32>
        %swap3A_636 = vector.shape_cast %get3A_631 : vector<16xf32> to vector<1x16xf32>
        tpu.vector_store %arg14[%swap3A_632, %swap3A_633], %swap3A_636 {add = true, strides = array<i32>} : memref<8x1024xf32, #tpu.memory_space<vmem>>, vector<1x16xf32>,
        %mul3A_637 = arith.constant 1024 : i32
        %mul3A_638 = arith.muli %scan3A_196, %mul3A_637 : i32
        %add3A_639 = arith.constant 544 : i32
        %add3A_640 = arith.addi %mul3A_638, %add3A_639 : i32
        %get3A_641 = arith.index_cast %scan3A_194 : i32 to index
        %get3A_642 = arith.index_cast %add3A_640 : i32 to index
        %get3A_643 = tpu.vector_load %arg10[%get3A_641, %get3A_642] {strides = array<i32>} : memref<8x1024xf32, #tpu.memory_space<vmem>>, vector<1x16xf32>,
        %get3A_644 = vector.shape_cast %get3A_643 : vector<1x16xf32> to vector<16xf32>
        %swap3A_645 = arith.index_cast %scan3A_194 : i32 to index
        %swap3A_646 = arith.index_cast %add3A_640 : i32 to index
        %swap3A_647 = tpu.vector_load %arg14[%swap3A_645, %swap3A_646] {strides = array<i32>} : memref<8x1024xf32, #tpu.memory_space<vmem>>, vector<1x16xf32>,
        %swap3A_648 = vector.shape_cast %swap3A_647 : vector<1x16xf32> to vector<16xf32>
        %swap3A_649 = vector.shape_cast %get3A_644 : vector<16xf32> to vector<1x16xf32>
        tpu.vector_store %arg14[%swap3A_645, %swap3A_646], %swap3A_649 {add = true, strides = array<i32>} : memref<8x1024xf32, #tpu.memory_space<vmem>>, vector<1x16xf32>,
        %mul3A_650 = arith.constant 1024 : i32
        %mul3A_651 = arith.muli %scan3A_196, %mul3A_650 : i32
        %add3A_652 = arith.constant 560 : i32
        %add3A_653 = arith.addi %mul3A_651, %add3A_652 : i32
        %get3A_654 = arith.index_cast %scan3A_194 : i32 to index
        %get3A_655 = arith.index_cast %add3A_653 : i32 to index
        %get3A_656 = tpu.vector_load %arg10[%get3A_654, %get3A_655] {strides = array<i32>} : memref<8x1024xf32, #tpu.memory_space<vmem>>, vector<1x16xf32>,
        %get3A_657 = vector.shape_cast %get3A_656 : vector<1x16xf32> to vector<16xf32>
        %swap3A_658 = arith.index_cast %scan3A_194 : i32 to index
        %swap3A_659 = arith.index_cast %add3A_653 : i32 to index
        %swap3A_660 = tpu.vector_load %arg14[%swap3A_658, %swap3A_659] {strides = array<i32>} : memref<8x1024xf32, #tpu.memory_space<vmem>>, vector<1x16xf32>,
        %swap3A_661 = vector.shape_cast %swap3A_660 : vector<1x16xf32> to vector<16xf32>
        %swap3A_662 = vector.shape_cast %get3A_657 : vector<16xf32> to vector<1x16xf32>
        tpu.vector_store %arg14[%swap3A_658, %swap3A_659], %swap3A_662 {add = true, strides = array<i32>} : memref<8x1024xf32, #tpu.memory_space<vmem>>, vector<1x16xf32>,
        %mul3A_663 = arith.constant 1024 : i32
        %mul3A_664 = arith.muli %scan3A_196, %mul3A_663 : i32
        %add3A_665 = arith.constant 576 : i32
        %add3A_666 = arith.addi %mul3A_664, %add3A_665 : i32
        %get3A_667 = arith.index_cast %scan3A_194 : i32 to index
        %get3A_668 = arith.index_cast %add3A_666 : i32 to index
        %get3A_669 = tpu.vector_load %arg10[%get3A_667, %get3A_668] {strides = array<i32>} : memref<8x1024xf32, #tpu.memory_space<vmem>>, vector<1x16xf32>,
        %get3A_670 = vector.shape_cast %get3A_669 : vector<1x16xf32> to vector<16xf32>
        %swap3A_671 = arith.index_cast %scan3A_194 : i32 to index
        %swap3A_672 = arith.index_cast %add3A_666 : i32 to index
        %swap3A_673 = tpu.vector_load %arg14[%swap3A_671, %swap3A_672] {strides = array<i32>} : memref<8x1024xf32, #tpu.memory_space<vmem>>, vector<1x16xf32>,
        %swap3A_674 = vector.shape_cast %swap3A_673 : vector<1x16xf32> to vector<16xf32>
        %swap3A_675 = vector.shape_cast %get3A_670 : vector<16xf32> to vector<1x16xf32>
        tpu.vector_store %arg14[%swap3A_671, %swap3A_672], %swap3A_675 {add = true, strides = array<i32>} : memref<8x1024xf32, #tpu.memory_space<vmem>>, vector<1x16xf32>,
        %mul3A_676 = arith.constant 1024 : i32
        %mul3A_677 = arith.muli %scan3A_196, %mul3A_676 : i32
        %add3A_678 = arith.constant 592 : i32
        %add3A_679 = arith.addi %mul3A_677, %add3A_678 : i32
        %get3A_680 = arith.index_cast %scan3A_194 : i32 to index
        %get3A_681 = arith.index_cast %add3A_679 : i32 to index
        %get3A_682 = tpu.vector_load %arg10[%get3A_680, %get3A_681] {strides = array<i32>} : memref<8x1024xf32, #tpu.memory_space<vmem>>, vector<1x16xf32>,
        %get3A_683 = vector.shape_cast %get3A_682 : vector<1x16xf32> to vector<16xf32>
        %swap3A_684 = arith.index_cast %scan3A_194 : i32 to index
        %swap3A_685 = arith.index_cast %add3A_679 : i32 to index
        %swap3A_686 = tpu.vector_load %arg14[%swap3A_684, %swap3A_685] {strides = array<i32>} : memref<8x1024xf32, #tpu.memory_space<vmem>>, vector<1x16xf32>,
        %swap3A_687 = vector.shape_cast %swap3A_686 : vector<1x16xf32> to vector<16xf32>
        %swap3A_688 = vector.shape_cast %get3A_683 : vector<16xf32> to vector<1x16xf32>
        tpu.vector_store %arg14[%swap3A_684, %swap3A_685], %swap3A_688 {add = true, strides = array<i32>} : memref<8x1024xf32, #tpu.memory_space<vmem>>, vector<1x16xf32>,
        %mul3A_689 = arith.constant 1024 : i32
        %mul3A_690 = arith.muli %scan3A_196, %mul3A_689 : i32
        %add3A_691 = arith.constant 608 : i32
        %add3A_692 = arith.addi %mul3A_690, %add3A_691 : i32
        %get3A_693 = arith.index_cast %scan3A_194 : i32 to index
        %get3A_694 = arith.index_cast %add3A_692 : i32 to index
        %get3A_695 = tpu.vector_load %arg10[%get3A_693, %get3A_694] {strides = array<i32>} : memref<8x1024xf32, #tpu.memory_space<vmem>>, vector<1x16xf32>,
        %get3A_696 = vector.shape_cast %get3A_695 : vector<1x16xf32> to vector<16xf32>
        %swap3A_697 = arith.index_cast %scan3A_194 : i32 to index
        %swap3A_698 = arith.index_cast %add3A_692 : i32 to index
        %swap3A_699 = tpu.vector_load %arg14[%swap3A_697, %swap3A_698] {strides = array<i32>} : memref<8x1024xf32, #tpu.memory_space<vmem>>, vector<1x16xf32>,
        %swap3A_700 = vector.shape_cast %swap3A_699 : vector<1x16xf32> to vector<16xf32>
        %swap3A_701 = vector.shape_cast %get3A_696 : vector<16xf32> to vector<1x16xf32>
        tpu.vector_store %arg14[%swap3A_697, %swap3A_698], %swap3A_701 {add = true, strides = array<i32>} : memref<8x1024xf32, #tpu.memory_space<vmem>>, vector<1x16xf32>,
        %mul3A_702 = arith.constant 1024 : i32
        %mul3A_703 = arith.muli %scan3A_196, %mul3A_702 : i32
        %add3A_704 = arith.constant 624 : i32
        %add3A_705 = arith.addi %mul3A_703, %add3A_704 : i32
        %get3A_706 = arith.index_cast %scan3A_194 : i32 to index
        %get3A_707 = arith.index_cast %add3A_705 : i32 to index
        %get3A_708 = tpu.vector_load %arg10[%get3A_706, %get3A_707] {strides = array<i32>} : memref<8x1024xf32, #tpu.memory_space<vmem>>, vector<1x16xf32>,
        %get3A_709 = vector.shape_cast %get3A_708 : vector<1x16xf32> to vector<16xf32>
        %swap3A_710 = arith.index_cast %scan3A_194 : i32 to index
        %swap3A_711 = arith.index_cast %add3A_705 : i32 to index
        %swap3A_712 = tpu.vector_load %arg14[%swap3A_710, %swap3A_711] {strides = array<i32>} : memref<8x1024xf32, #tpu.memory_space<vmem>>, vector<1x16xf32>,
        %swap3A_713 = vector.shape_cast %swap3A_712 : vector<1x16xf32> to vector<16xf32>
        %swap3A_714 = vector.shape_cast %get3A_709 : vector<16xf32> to vector<1x16xf32>
        tpu.vector_store %arg14[%swap3A_710, %swap3A_711], %swap3A_714 {add = true, strides = array<i32>} : memref<8x1024xf32, #tpu.memory_space<vmem>>, vector<1x16xf32>,
        %mul3A_715 = arith.constant 1024 : i32
        %mul3A_716 = arith.muli %scan3A_196, %mul3A_715 : i32
        %add3A_717 = arith.constant 640 : i32
        %add3A_718 = arith.addi %mul3A_716, %add3A_717 : i32
        %get3A_719 = arith.index_cast %scan3A_194 : i32 to index
        %get3A_720 = arith.index_cast %add3A_718 : i32 to index
        %get3A_721 = tpu.vector_load %arg10[%get3A_719, %get3A_720] {strides = array<i32>} : memref<8x1024xf32, #tpu.memory_space<vmem>>, vector<1x16xf32>,
        %get3A_722 = vector.shape_cast %get3A_721 : vector<1x16xf32> to vector<16xf32>
        %swap3A_723 = arith.index_cast %scan3A_194 : i32 to index
        %swap3A_724 = arith.index_cast %add3A_718 : i32 to index
        %swap3A_725 = tpu.vector_load %arg14[%swap3A_723, %swap3A_724] {strides = array<i32>} : memref<8x1024xf32, #tpu.memory_space<vmem>>, vector<1x16xf32>,
        %swap3A_726 = vector.shape_cast %swap3A_725 : vector<1x16xf32> to vector<16xf32>
        %swap3A_727 = vector.shape_cast %get3A_722 : vector<16xf32> to vector<1x16xf32>
        tpu.vector_store %arg14[%swap3A_723, %swap3A_724], %swap3A_727 {add = true, strides = array<i32>} : memref<8x1024xf32, #tpu.memory_space<vmem>>, vector<1x16xf32>,
        %mul3A_728 = arith.constant 1024 : i32
        %mul3A_729 = arith.muli %scan3A_196, %mul3A_728 : i32
        %add3A_730 = arith.constant 656 : i32
        %add3A_731 = arith.addi %mul3A_729, %add3A_730 : i32
        %get3A_732 = arith.index_cast %scan3A_194 : i32 to index
        %get3A_733 = arith.index_cast %add3A_731 : i32 to index
        %get3A_734 = tpu.vector_load %arg10[%get3A_732, %get3A_733] {strides = array<i32>} : memref<8x1024xf32, #tpu.memory_space<vmem>>, vector<1x16xf32>,
        %get3A_735 = vector.shape_cast %get3A_734 : vector<1x16xf32> to vector<16xf32>
        %swap3A_736 = arith.index_cast %scan3A_194 : i32 to index
        %swap3A_737 = arith.index_cast %add3A_731 : i32 to index
        %swap3A_738 = tpu.vector_load %arg14[%swap3A_736, %swap3A_737] {strides = array<i32>} : memref<8x1024xf32, #tpu.memory_space<vmem>>, vector<1x16xf32>,
        %swap3A_739 = vector.shape_cast %swap3A_738 : vector<1x16xf32> to vector<16xf32>
        %swap3A_740 = vector.shape_cast %get3A_735 : vector<16xf32> to vector<1x16xf32>
        tpu.vector_store %arg14[%swap3A_736, %swap3A_737], %swap3A_740 {add = true, strides = array<i32>} : memref<8x1024xf32, #tpu.memory_space<vmem>>, vector<1x16xf32>,
        %mul3A_741 = arith.constant 1024 : i32
        %mul3A_742 = arith.muli %scan3A_196, %mul3A_741 : i32
        %add3A_743 = arith.constant 672 : i32
        %add3A_744 = arith.addi %mul3A_742, %add3A_743 : i32
        %get3A_745 = arith.index_cast %scan3A_194 : i32 to index
        %get3A_746 = arith.index_cast %add3A_744 : i32 to index
        %get3A_747 = tpu.vector_load %arg10[%get3A_745, %get3A_746] {strides = array<i32>} : memref<8x1024xf32, #tpu.memory_space<vmem>>, vector<1x16xf32>,
        %get3A_748 = vector.shape_cast %get3A_747 : vector<1x16xf32> to vector<16xf32>
        %swap3A_749 = arith.index_cast %scan3A_194 : i32 to index
        %swap3A_750 = arith.index_cast %add3A_744 : i32 to index
        %swap3A_751 = tpu.vector_load %arg14[%swap3A_749, %swap3A_750] {strides = array<i32>} : memref<8x1024xf32, #tpu.memory_space<vmem>>, vector<1x16xf32>,
        %swap3A_752 = vector.shape_cast %swap3A_751 : vector<1x16xf32> to vector<16xf32>
        %swap3A_753 = vector.shape_cast %get3A_748 : vector<16xf32> to vector<1x16xf32>
        tpu.vector_store %arg14[%swap3A_749, %swap3A_750], %swap3A_753 {add = true, strides = array<i32>} : memref<8x1024xf32, #tpu.memory_space<vmem>>, vector<1x16xf32>,
        %mul3A_754 = arith.constant 1024 : i32
        %mul3A_755 = arith.muli %scan3A_196, %mul3A_754 : i32
        %add3A_756 = arith.constant 688 : i32
        %add3A_757 = arith.addi %mul3A_755, %add3A_756 : i32
        %get3A_758 = arith.index_cast %scan3A_194 : i32 to index
        %get3A_759 = arith.index_cast %add3A_757 : i32 to index
        %get3A_760 = tpu.vector_load %arg10[%get3A_758, %get3A_759] {strides = array<i32>} : memref<8x1024xf32, #tpu.memory_space<vmem>>, vector<1x16xf32>,
        %get3A_761 = vector.shape_cast %get3A_760 : vector<1x16xf32> to vector<16xf32>
        %swap3A_762 = arith.index_cast %scan3A_194 : i32 to index
        %swap3A_763 = arith.index_cast %add3A_757 : i32 to index
        %swap3A_764 = tpu.vector_load %arg14[%swap3A_762, %swap3A_763] {strides = array<i32>} : memref<8x1024xf32, #tpu.memory_space<vmem>>, vector<1x16xf32>,
        %swap3A_765 = vector.shape_cast %swap3A_764 : vector<1x16xf32> to vector<16xf32>
        %swap3A_766 = vector.shape_cast %get3A_761 : vector<16xf32> to vector<1x16xf32>
        tpu.vector_store %arg14[%swap3A_762, %swap3A_763], %swap3A_766 {add = true, strides = array<i32>} : memref<8x1024xf32, #tpu.memory_space<vmem>>, vector<1x16xf32>,
        %mul3A_767 = arith.constant 1024 : i32
        %mul3A_768 = arith.muli %scan3A_196, %mul3A_767 : i32
        %add3A_769 = arith.constant 704 : i32
        %add3A_770 = arith.addi %mul3A_768, %add3A_769 : i32
        %get3A_771 = arith.index_cast %scan3A_194 : i32 to index
        %get3A_772 = arith.index_cast %add3A_770 : i32 to index
        %get3A_773 = tpu.vector_load %arg10[%get3A_771, %get3A_772] {strides = array<i32>} : memref<8x1024xf32, #tpu.memory_space<vmem>>, vector<1x16xf32>,
        %get3A_774 = vector.shape_cast %get3A_773 : vector<1x16xf32> to vector<16xf32>
        %swap3A_775 = arith.index_cast %scan3A_194 : i32 to index
        %swap3A_776 = arith.index_cast %add3A_770 : i32 to index
        %swap3A_777 = tpu.vector_load %arg14[%swap3A_775, %swap3A_776] {strides = array<i32>} : memref<8x1024xf32, #tpu.memory_space<vmem>>, vector<1x16xf32>,
        %swap3A_778 = vector.shape_cast %swap3A_777 : vector<1x16xf32> to vector<16xf32>
        %swap3A_779 = vector.shape_cast %get3A_774 : vector<16xf32> to vector<1x16xf32>
        tpu.vector_store %arg14[%swap3A_775, %swap3A_776], %swap3A_779 {add = true, strides = array<i32>} : memref<8x1024xf32, #tpu.memory_space<vmem>>, vector<1x16xf32>,
        %mul3A_780 = arith.constant 1024 : i32
        %mul3A_781 = arith.muli %scan3A_196, %mul3A_780 : i32
        %add3A_782 = arith.constant 720 : i32
        %add3A_783 = arith.addi %mul3A_781, %add3A_782 : i32
        %get3A_784 = arith.index_cast %scan3A_194 : i32 to index
        %get3A_785 = arith.index_cast %add3A_783 : i32 to index
        %get3A_786 = tpu.vector_load %arg10[%get3A_784, %get3A_785] {strides = array<i32>} : memref<8x1024xf32, #tpu.memory_space<vmem>>, vector<1x16xf32>,
        %get3A_787 = vector.shape_cast %get3A_786 : vector<1x16xf32> to vector<16xf32>
        %swap3A_788 = arith.index_cast %scan3A_194 : i32 to index
        %swap3A_789 = arith.index_cast %add3A_783 : i32 to index
        %swap3A_790 = tpu.vector_load %arg14[%swap3A_788, %swap3A_789] {strides = array<i32>} : memref<8x1024xf32, #tpu.memory_space<vmem>>, vector<1x16xf32>,
        %swap3A_791 = vector.shape_cast %swap3A_790 : vector<1x16xf32> to vector<16xf32>
        %swap3A_792 = vector.shape_cast %get3A_787 : vector<16xf32> to vector<1x16xf32>
        tpu.vector_store %arg14[%swap3A_788, %swap3A_789], %swap3A_792 {add = true, strides = array<i32>} : memref<8x1024xf32, #tpu.memory_space<vmem>>, vector<1x16xf32>,
        %mul3A_793 = arith.constant 1024 : i32
        %mul3A_794 = arith.muli %scan3A_196, %mul3A_793 : i32
        %add3A_795 = arith.constant 736 : i32
        %add3A_796 = arith.addi %mul3A_794, %add3A_795 : i32
        %get3A_797 = arith.index_cast %scan3A_194 : i32 to index
        %get3A_798 = arith.index_cast %add3A_796 : i32 to index
        %get3A_799 = tpu.vector_load %arg10[%get3A_797, %get3A_798] {strides = array<i32>} : memref<8x1024xf32, #tpu.memory_space<vmem>>, vector<1x16xf32>,
        %get3A_800 = vector.shape_cast %get3A_799 : vector<1x16xf32> to vector<16xf32>
        %swap3A_801 = arith.index_cast %scan3A_194 : i32 to index
        %swap3A_802 = arith.index_cast %add3A_796 : i32 to index
        %swap3A_803 = tpu.vector_load %arg14[%swap3A_801, %swap3A_802] {strides = array<i32>} : memref<8x1024xf32, #tpu.memory_space<vmem>>, vector<1x16xf32>,
        %swap3A_804 = vector.shape_cast %swap3A_803 : vector<1x16xf32> to vector<16xf32>
        %swap3A_805 = vector.shape_cast %get3A_800 : vector<16xf32> to vector<1x16xf32>
        tpu.vector_store %arg14[%swap3A_801, %swap3A_802], %swap3A_805 {add = true, strides = array<i32>} : memref<8x1024xf32, #tpu.memory_space<vmem>>, vector<1x16xf32>,
        %mul3A_806 = arith.constant 1024 : i32
        %mul3A_807 = arith.muli %scan3A_196, %mul3A_806 : i32
        %add3A_808 = arith.constant 752 : i32
        %add3A_809 = arith.addi %mul3A_807, %add3A_808 : i32
        %get3A_810 = arith.index_cast %scan3A_194 : i32 to index
        %get3A_811 = arith.index_cast %add3A_809 : i32 to index
        %get3A_812 = tpu.vector_load %arg10[%get3A_810, %get3A_811] {strides = array<i32>} : memref<8x1024xf32, #tpu.memory_space<vmem>>, vector<1x16xf32>,
        %get3A_813 = vector.shape_cast %get3A_812 : vector<1x16xf32> to vector<16xf32>
        %swap3A_814 = arith.index_cast %scan3A_194 : i32 to index
        %swap3A_815 = arith.index_cast %add3A_809 : i32 to index
        %swap3A_816 = tpu.vector_load %arg14[%swap3A_814, %swap3A_815] {strides = array<i32>} : memref<8x1024xf32, #tpu.memory_space<vmem>>, vector<1x16xf32>,
        %swap3A_817 = vector.shape_cast %swap3A_816 : vector<1x16xf32> to vector<16xf32>
        %swap3A_818 = vector.shape_cast %get3A_813 : vector<16xf32> to vector<1x16xf32>
        tpu.vector_store %arg14[%swap3A_814, %swap3A_815], %swap3A_818 {add = true, strides = array<i32>} : memref<8x1024xf32, #tpu.memory_space<vmem>>, vector<1x16xf32>,
        %mul3A_819 = arith.constant 1024 : i32
        %mul3A_820 = arith.muli %scan3A_196, %mul3A_819 : i32
        %add3A_821 = arith.constant 768 : i32
        %add3A_822 = arith.addi %mul3A_820, %add3A_821 : i32
        %get3A_823 = arith.index_cast %scan3A_194 : i32 to index
        %get3A_824 = arith.index_cast %add3A_822 : i32 to index
        %get3A_825 = tpu.vector_load %arg10[%get3A_823, %get3A_824] {strides = array<i32>} : memref<8x1024xf32, #tpu.memory_space<vmem>>, vector<1x16xf32>,
        %get3A_826 = vector.shape_cast %get3A_825 : vector<1x16xf32> to vector<16xf32>
        %swap3A_827 = arith.index_cast %scan3A_194 : i32 to index
        %swap3A_828 = arith.index_cast %add3A_822 : i32 to index
        %swap3A_829 = tpu.vector_load %arg14[%swap3A_827, %swap3A_828] {strides = array<i32>} : memref<8x1024xf32, #tpu.memory_space<vmem>>, vector<1x16xf32>,
        %swap3A_830 = vector.shape_cast %swap3A_829 : vector<1x16xf32> to vector<16xf32>
        %swap3A_831 = vector.shape_cast %get3A_826 : vector<16xf32> to vector<1x16xf32>
        tpu.vector_store %arg14[%swap3A_827, %swap3A_828], %swap3A_831 {add = true, strides = array<i32>} : memref<8x1024xf32, #tpu.memory_space<vmem>>, vector<1x16xf32>,
        %mul3A_832 = arith.constant 1024 : i32
        %mul3A_833 = arith.muli %scan3A_196, %mul3A_832 : i32
        %add3A_834 = arith.constant 784 : i32
        %add3A_835 = arith.addi %mul3A_833, %add3A_834 : i32
        %get3A_836 = arith.index_cast %scan3A_194 : i32 to index
        %get3A_837 = arith.index_cast %add3A_835 : i32 to index
        %get3A_838 = tpu.vector_load %arg10[%get3A_836, %get3A_837] {strides = array<i32>} : memref<8x1024xf32, #tpu.memory_space<vmem>>, vector<1x16xf32>,
        %get3A_839 = vector.shape_cast %get3A_838 : vector<1x16xf32> to vector<16xf32>
        %swap3A_840 = arith.index_cast %scan3A_194 : i32 to index
        %swap3A_841 = arith.index_cast %add3A_835 : i32 to index
        %swap3A_842 = tpu.vector_load %arg14[%swap3A_840, %swap3A_841] {strides = array<i32>} : memref<8x1024xf32, #tpu.memory_space<vmem>>, vector<1x16xf32>,
        %swap3A_843 = vector.shape_cast %swap3A_842 : vector<1x16xf32> to vector<16xf32>
        %swap3A_844 = vector.shape_cast %get3A_839 : vector<16xf32> to vector<1x16xf32>
        tpu.vector_store %arg14[%swap3A_840, %swap3A_841], %swap3A_844 {add = true, strides = array<i32>} : memref<8x1024xf32, #tpu.memory_space<vmem>>, vector<1x16xf32>,
        %mul3A_845 = arith.constant 1024 : i32
        %mul3A_846 = arith.muli %scan3A_196, %mul3A_845 : i32
        %add3A_847 = arith.constant 800 : i32
        %add3A_848 = arith.addi %mul3A_846, %add3A_847 : i32
        %get3A_849 = arith.index_cast %scan3A_194 : i32 to index
        %get3A_850 = arith.index_cast %add3A_848 : i32 to index
        %get3A_851 = tpu.vector_load %arg10[%get3A_849, %get3A_850] {strides = array<i32>} : memref<8x1024xf32, #tpu.memory_space<vmem>>, vector<1x16xf32>,
        %get3A_852 = vector.shape_cast %get3A_851 : vector<1x16xf32> to vector<16xf32>
        %swap3A_853 = arith.index_cast %scan3A_194 : i32 to index
        %swap3A_854 = arith.index_cast %add3A_848 : i32 to index
        %swap3A_855 = tpu.vector_load %arg14[%swap3A_853, %swap3A_854] {strides = array<i32>} : memref<8x1024xf32, #tpu.memory_space<vmem>>, vector<1x16xf32>,
        %swap3A_856 = vector.shape_cast %swap3A_855 : vector<1x16xf32> to vector<16xf32>
        %swap3A_857 = vector.shape_cast %get3A_852 : vector<16xf32> to vector<1x16xf32>
        tpu.vector_store %arg14[%swap3A_853, %swap3A_854], %swap3A_857 {add = true, strides = array<i32>} : memref<8x1024xf32, #tpu.memory_space<vmem>>, vector<1x16xf32>,
        %mul3A_858 = arith.constant 1024 : i32
        %mul3A_859 = arith.muli %scan3A_196, %mul3A_858 : i32
        %add3A_860 = arith.constant 816 : i32
        %add3A_861 = arith.addi %mul3A_859, %add3A_860 : i32
        %get3A_862 = arith.index_cast %scan3A_194 : i32 to index
        %get3A_863 = arith.index_cast %add3A_861 : i32 to index
        %get3A_864 = tpu.vector_load %arg10[%get3A_862, %get3A_863] {strides = array<i32>} : memref<8x1024xf32, #tpu.memory_space<vmem>>, vector<1x16xf32>,
        %get3A_865 = vector.shape_cast %get3A_864 : vector<1x16xf32> to vector<16xf32>
        %swap3A_866 = arith.index_cast %scan3A_194 : i32 to index
        %swap3A_867 = arith.index_cast %add3A_861 : i32 to index
        %swap3A_868 = tpu.vector_load %arg14[%swap3A_866, %swap3A_867] {strides = array<i32>} : memref<8x1024xf32, #tpu.memory_space<vmem>>, vector<1x16xf32>,
        %swap3A_869 = vector.shape_cast %swap3A_868 : vector<1x16xf32> to vector<16xf32>
        %swap3A_870 = vector.shape_cast %get3A_865 : vector<16xf32> to vector<1x16xf32>
        tpu.vector_store %arg14[%swap3A_866, %swap3A_867], %swap3A_870 {add = true, strides = array<i32>} : memref<8x1024xf32, #tpu.memory_space<vmem>>, vector<1x16xf32>,
        %mul3A_871 = arith.constant 1024 : i32
        %mul3A_872 = arith.muli %scan3A_196, %mul3A_871 : i32
        %add3A_873 = arith.constant 832 : i32
        %add3A_874 = arith.addi %mul3A_872, %add3A_873 : i32
        %get3A_875 = arith.index_cast %scan3A_194 : i32 to index
        %get3A_876 = arith.index_cast %add3A_874 : i32 to index
        %get3A_877 = tpu.vector_load %arg10[%get3A_875, %get3A_876] {strides = array<i32>} : memref<8x1024xf32, #tpu.memory_space<vmem>>, vector<1x16xf32>,
        %get3A_878 = vector.shape_cast %get3A_877 : vector<1x16xf32> to vector<16xf32>
        %swap3A_879 = arith.index_cast %scan3A_194 : i32 to index
        %swap3A_880 = arith.index_cast %add3A_874 : i32 to index
        %swap3A_881 = tpu.vector_load %arg14[%swap3A_879, %swap3A_880] {strides = array<i32>} : memref<8x1024xf32, #tpu.memory_space<vmem>>, vector<1x16xf32>,
        %swap3A_882 = vector.shape_cast %swap3A_881 : vector<1x16xf32> to vector<16xf32>
        %swap3A_883 = vector.shape_cast %get3A_878 : vector<16xf32> to vector<1x16xf32>
        tpu.vector_store %arg14[%swap3A_879, %swap3A_880], %swap3A_883 {add = true, strides = array<i32>} : memref<8x1024xf32, #tpu.memory_space<vmem>>, vector<1x16xf32>,
        %mul3A_884 = arith.constant 1024 : i32
        %mul3A_885 = arith.muli %scan3A_196, %mul3A_884 : i32
        %add3A_886 = arith.constant 848 : i32
        %add3A_887 = arith.addi %mul3A_885, %add3A_886 : i32
        %get3A_888 = arith.index_cast %scan3A_194 : i32 to index
        %get3A_889 = arith.index_cast %add3A_887 : i32 to index
        %get3A_890 = tpu.vector_load %arg10[%get3A_888, %get3A_889] {strides = array<i32>} : memref<8x1024xf32, #tpu.memory_space<vmem>>, vector<1x16xf32>,
        %get3A_891 = vector.shape_cast %get3A_890 : vector<1x16xf32> to vector<16xf32>
        %swap3A_892 = arith.index_cast %scan3A_194 : i32 to index
        %swap3A_893 = arith.index_cast %add3A_887 : i32 to index
        %swap3A_894 = tpu.vector_load %arg14[%swap3A_892, %swap3A_893] {strides = array<i32>} : memref<8x1024xf32, #tpu.memory_space<vmem>>, vector<1x16xf32>,
        %swap3A_895 = vector.shape_cast %swap3A_894 : vector<1x16xf32> to vector<16xf32>
        %swap3A_896 = vector.shape_cast %get3A_891 : vector<16xf32> to vector<1x16xf32>
        tpu.vector_store %arg14[%swap3A_892, %swap3A_893], %swap3A_896 {add = true, strides = array<i32>} : memref<8x1024xf32, #tpu.memory_space<vmem>>, vector<1x16xf32>,
        %mul3A_897 = arith.constant 1024 : i32
        %mul3A_898 = arith.muli %scan3A_196, %mul3A_897 : i32
        %add3A_899 = arith.constant 864 : i32
        %add3A_900 = arith.addi %mul3A_898, %add3A_899 : i32
        %get3A_901 = arith.index_cast %scan3A_194 : i32 to index
        %get3A_902 = arith.index_cast %add3A_900 : i32 to index
        %get3A_903 = tpu.vector_load %arg10[%get3A_901, %get3A_902] {strides = array<i32>} : memref<8x1024xf32, #tpu.memory_space<vmem>>, vector<1x16xf32>,
        %get3A_904 = vector.shape_cast %get3A_903 : vector<1x16xf32> to vector<16xf32>
        %swap3A_905 = arith.index_cast %scan3A_194 : i32 to index
        %swap3A_906 = arith.index_cast %add3A_900 : i32 to index
        %swap3A_907 = tpu.vector_load %arg14[%swap3A_905, %swap3A_906] {strides = array<i32>} : memref<8x1024xf32, #tpu.memory_space<vmem>>, vector<1x16xf32>,
        %swap3A_908 = vector.shape_cast %swap3A_907 : vector<1x16xf32> to vector<16xf32>
        %swap3A_909 = vector.shape_cast %get3A_904 : vector<16xf32> to vector<1x16xf32>
        tpu.vector_store %arg14[%swap3A_905, %swap3A_906], %swap3A_909 {add = true, strides = array<i32>} : memref<8x1024xf32, #tpu.memory_space<vmem>>, vector<1x16xf32>,
        %mul3A_910 = arith.constant 1024 : i32
        %mul3A_911 = arith.muli %scan3A_196, %mul3A_910 : i32
        %add3A_912 = arith.constant 880 : i32
        %add3A_913 = arith.addi %mul3A_911, %add3A_912 : i32
        %get3A_914 = arith.index_cast %scan3A_194 : i32 to index
        %get3A_915 = arith.index_cast %add3A_913 : i32 to index
        %get3A_916 = tpu.vector_load %arg10[%get3A_914, %get3A_915] {strides = array<i32>} : memref<8x1024xf32, #tpu.memory_space<vmem>>, vector<1x16xf32>,
        %get3A_917 = vector.shape_cast %get3A_916 : vector<1x16xf32> to vector<16xf32>
        %swap3A_918 = arith.index_cast %scan3A_194 : i32 to index
        %swap3A_919 = arith.index_cast %add3A_913 : i32 to index
        %swap3A_920 = tpu.vector_load %arg14[%swap3A_918, %swap3A_919] {strides = array<i32>} : memref<8x1024xf32, #tpu.memory_space<vmem>>, vector<1x16xf32>,
        %swap3A_921 = vector.shape_cast %swap3A_920 : vector<1x16xf32> to vector<16xf32>
        %swap3A_922 = vector.shape_cast %get3A_917 : vector<16xf32> to vector<1x16xf32>
        tpu.vector_store %arg14[%swap3A_918, %swap3A_919], %swap3A_922 {add = true, strides = array<i32>} : memref<8x1024xf32, #tpu.memory_space<vmem>>, vector<1x16xf32>,
        %mul3A_923 = arith.constant 1024 : i32
        %mul3A_924 = arith.muli %scan3A_196, %mul3A_923 : i32
        %add3A_925 = arith.constant 896 : i32
        %add3A_926 = arith.addi %mul3A_924, %add3A_925 : i32
        %get3A_927 = arith.index_cast %scan3A_194 : i32 to index
        %get3A_928 = arith.index_cast %add3A_926 : i32 to index
        %get3A_929 = tpu.vector_load %arg10[%get3A_927, %get3A_928] {strides = array<i32>} : memref<8x1024xf32, #tpu.memory_space<vmem>>, vector<1x16xf32>,
        %get3A_930 = vector.shape_cast %get3A_929 : vector<1x16xf32> to vector<16xf32>
        %swap3A_931 = arith.index_cast %scan3A_194 : i32 to index
        %swap3A_932 = arith.index_cast %add3A_926 : i32 to index
        %swap3A_933 = tpu.vector_load %arg14[%swap3A_931, %swap3A_932] {strides = array<i32>} : memref<8x1024xf32, #tpu.memory_space<vmem>>, vector<1x16xf32>,
        %swap3A_934 = vector.shape_cast %swap3A_933 : vector<1x16xf32> to vector<16xf32>
        %swap3A_935 = vector.shape_cast %get3A_930 : vector<16xf32> to vector<1x16xf32>
        tpu.vector_store %arg14[%swap3A_931, %swap3A_932], %swap3A_935 {add = true, strides = array<i32>} : memref<8x1024xf32, #tpu.memory_space<vmem>>, vector<1x16xf32>,
        %mul3A_936 = arith.constant 1024 : i32
        %mul3A_937 = arith.muli %scan3A_196, %mul3A_936 : i32
        %add3A_938 = arith.constant 912 : i32
        %add3A_939 = arith.addi %mul3A_937, %add3A_938 : i32
        %get3A_940 = arith.index_cast %scan3A_194 : i32 to index
        %get3A_941 = arith.index_cast %add3A_939 : i32 to index
        %get3A_942 = tpu.vector_load %arg10[%get3A_940, %get3A_941] {strides = array<i32>} : memref<8x1024xf32, #tpu.memory_space<vmem>>, vector<1x16xf32>,
        %get3A_943 = vector.shape_cast %get3A_942 : vector<1x16xf32> to vector<16xf32>
        %swap3A_944 = arith.index_cast %scan3A_194 : i32 to index
        %swap3A_945 = arith.index_cast %add3A_939 : i32 to index
        %swap3A_946 = tpu.vector_load %arg14[%swap3A_944, %swap3A_945] {strides = array<i32>} : memref<8x1024xf32, #tpu.memory_space<vmem>>, vector<1x16xf32>,
        %swap3A_947 = vector.shape_cast %swap3A_946 : vector<1x16xf32> to vector<16xf32>
        %swap3A_948 = vector.shape_cast %get3A_943 : vector<16xf32> to vector<1x16xf32>
        tpu.vector_store %arg14[%swap3A_944, %swap3A_945], %swap3A_948 {add = true, strides = array<i32>} : memref<8x1024xf32, #tpu.memory_space<vmem>>, vector<1x16xf32>,
        %mul3A_949 = arith.constant 1024 : i32
        %mul3A_950 = arith.muli %scan3A_196, %mul3A_949 : i32
        %add3A_951 = arith.constant 928 : i32
        %add3A_952 = arith.addi %mul3A_950, %add3A_951 : i32
        %get3A_953 = arith.index_cast %scan3A_194 : i32 to index
        %get3A_954 = arith.index_cast %add3A_952 : i32 to index
        %get3A_955 = tpu.vector_load %arg10[%get3A_953, %get3A_954] {strides = array<i32>} : memref<8x1024xf32, #tpu.memory_space<vmem>>, vector<1x16xf32>,
        %get3A_956 = vector.shape_cast %get3A_955 : vector<1x16xf32> to vector<16xf32>
        %swap3A_957 = arith.index_cast %scan3A_194 : i32 to index
        %swap3A_958 = arith.index_cast %add3A_952 : i32 to index
        %swap3A_959 = tpu.vector_load %arg14[%swap3A_957, %swap3A_958] {strides = array<i32>} : memref<8x1024xf32, #tpu.memory_space<vmem>>, vector<1x16xf32>,
        %swap3A_960 = vector.shape_cast %swap3A_959 : vector<1x16xf32> to vector<16xf32>
        %swap3A_961 = vector.shape_cast %get3A_956 : vector<16xf32> to vector<1x16xf32>
        tpu.vector_store %arg14[%swap3A_957, %swap3A_958], %swap3A_961 {add = true, strides = array<i32>} : memref<8x1024xf32, #tpu.memory_space<vmem>>, vector<1x16xf32>,
        %mul3A_962 = arith.constant 1024 : i32
        %mul3A_963 = arith.muli %scan3A_196, %mul3A_962 : i32
        %add3A_964 = arith.constant 944 : i32
        %add3A_965 = arith.addi %mul3A_963, %add3A_964 : i32
        %get3A_966 = arith.index_cast %scan3A_194 : i32 to index
        %get3A_967 = arith.index_cast %add3A_965 : i32 to index
        %get3A_968 = tpu.vector_load %arg10[%get3A_966, %get3A_967] {strides = array<i32>} : memref<8x1024xf32, #tpu.memory_space<vmem>>, vector<1x16xf32>,
        %get3A_969 = vector.shape_cast %get3A_968 : vector<1x16xf32> to vector<16xf32>
        %swap3A_970 = arith.index_cast %scan3A_194 : i32 to index
        %swap3A_971 = arith.index_cast %add3A_965 : i32 to index
        %swap3A_972 = tpu.vector_load %arg14[%swap3A_970, %swap3A_971] {strides = array<i32>} : memref<8x1024xf32, #tpu.memory_space<vmem>>, vector<1x16xf32>,
        %swap3A_973 = vector.shape_cast %swap3A_972 : vector<1x16xf32> to vector<16xf32>
        %swap3A_974 = vector.shape_cast %get3A_969 : vector<16xf32> to vector<1x16xf32>
        tpu.vector_store %arg14[%swap3A_970, %swap3A_971], %swap3A_974 {add = true, strides = array<i32>} : memref<8x1024xf32, #tpu.memory_space<vmem>>, vector<1x16xf32>,
        %mul3A_975 = arith.constant 1024 : i32
        %mul3A_976 = arith.muli %scan3A_196, %mul3A_975 : i32
        %add3A_977 = arith.constant 960 : i32
        %add3A_978 = arith.addi %mul3A_976, %add3A_977 : i32
        %get3A_979 = arith.index_cast %scan3A_194 : i32 to index
        %get3A_980 = arith.index_cast %add3A_978 : i32 to index
        %get3A_981 = tpu.vector_load %arg10[%get3A_979, %get3A_980] {strides = array<i32>} : memref<8x1024xf32, #tpu.memory_space<vmem>>, vector<1x16xf32>,
        %get3A_982 = vector.shape_cast %get3A_981 : vector<1x16xf32> to vector<16xf32>
        %swap3A_983 = arith.index_cast %scan3A_194 : i32 to index
        %swap3A_984 = arith.index_cast %add3A_978 : i32 to index
        %swap3A_985 = tpu.vector_load %arg14[%swap3A_983, %swap3A_984] {strides = array<i32>} : memref<8x1024xf32, #tpu.memory_space<vmem>>, vector<1x16xf32>,
        %swap3A_986 = vector.shape_cast %swap3A_985 : vector<1x16xf32> to vector<16xf32>
        %swap3A_987 = vector.shape_cast %get3A_982 : vector<16xf32> to vector<1x16xf32>
        tpu.vector_store %arg14[%swap3A_983, %swap3A_984], %swap3A_987 {add = true, strides = array<i32>} : memref<8x1024xf32, #tpu.memory_space<vmem>>, vector<1x16xf32>,
        %mul3A_988 = arith.constant 1024 : i32
        %mul3A_989 = arith.muli %scan3A_196, %mul3A_988 : i32
        %add3A_990 = arith.constant 976 : i32
        %add3A_991 = arith.addi %mul3A_989, %add3A_990 : i32
        %get3A_992 = arith.index_cast %scan3A_194 : i32 to index
        %get3A_993 = arith.index_cast %add3A_991 : i32 to index
        %get3A_994 = tpu.vector_load %arg10[%get3A_992, %get3A_993] {strides = array<i32>} : memref<8x1024xf32, #tpu.memory_space<vmem>>, vector<1x16xf32>,
        %get3A_995 = vector.shape_cast %get3A_994 : vector<1x16xf32> to vector<16xf32>
        %swap3A_996 = arith.index_cast %scan3A_194 : i32 to index
        %swap3A_997 = arith.index_cast %add3A_991 : i32 to index
        %swap3A_998 = tpu.vector_load %arg14[%swap3A_996, %swap3A_997] {strides = array<i32>} : memref<8x1024xf32, #tpu.memory_space<vmem>>, vector<1x16xf32>,
        %swap3A_999 = vector.shape_cast %swap3A_998 : vector<1x16xf32> to vector<16xf32>
        %swap3A_1000 = vector.shape_cast %get3A_995 : vector<16xf32> to vector<1x16xf32>
        tpu.vector_store %arg14[%swap3A_996, %swap3A_997], %swap3A_1000 {add = true, strides = array<i32>} : memref<8x1024xf32, #tpu.memory_space<vmem>>, vector<1x16xf32>,
        %mul3A_1001 = arith.constant 1024 : i32
        %mul3A_1002 = arith.muli %scan3A_196, %mul3A_1001 : i32
        %add3A_1003 = arith.constant 992 : i32
        %add3A_1004 = arith.addi %mul3A_1002, %add3A_1003 : i32
        %get3A_1005 = arith.index_cast %scan3A_194 : i32 to index
        %get3A_1006 = arith.index_cast %add3A_1004 : i32 to index
        %get3A_1007 = tpu.vector_load %arg10[%get3A_1005, %get3A_1006] {strides = array<i32>} : memref<8x1024xf32, #tpu.memory_space<vmem>>, vector<1x16xf32>,
        %get3A_1008 = vector.shape_cast %get3A_1007 : vector<1x16xf32> to vector<16xf32>
        %swap3A_1009 = arith.index_cast %scan3A_194 : i32 to index
        %swap3A_1010 = arith.index_cast %add3A_1004 : i32 to index
        %swap3A_1011 = tpu.vector_load %arg14[%swap3A_1009, %swap3A_1010] {strides = array<i32>} : memref<8x1024xf32, #tpu.memory_space<vmem>>, vector<1x16xf32>,
        %swap3A_1012 = vector.shape_cast %swap3A_1011 : vector<1x16xf32> to vector<16xf32>
        %swap3A_1013 = vector.shape_cast %get3A_1008 : vector<16xf32> to vector<1x16xf32>
        tpu.vector_store %arg14[%swap3A_1009, %swap3A_1010], %swap3A_1013 {add = true, strides = array<i32>} : memref<8x1024xf32, #tpu.memory_space<vmem>>, vector<1x16xf32>,
        %mul3A_1014 = arith.constant 1024 : i32
        %mul3A_1015 = arith.muli %scan3A_196, %mul3A_1014 : i32
        %add3A_1016 = arith.constant 1008 : i32
        %add3A_1017 = arith.addi %mul3A_1015, %add3A_1016 : i32
        %get3A_1018 = arith.index_cast %scan3A_194 : i32 to index
        %get3A_1019 = arith.index_cast %add3A_1017 : i32 to index
        %get3A_1020 = tpu.vector_load %arg10[%get3A_1018, %get3A_1019] {strides = array<i32>} : memref<8x1024xf32, #tpu.memory_space<vmem>>, vector<1x16xf32>,
        %get3A_1021 = vector.shape_cast %get3A_1020 : vector<1x16xf32> to vector<16xf32>
        %swap3A_1022 = arith.index_cast %scan3A_194 : i32 to index
        %swap3A_1023 = arith.index_cast %add3A_1017 : i32 to index
        %swap3A_1024 = tpu.vector_load %arg14[%swap3A_1022, %swap3A_1023] {strides = array<i32>} : memref<8x1024xf32, #tpu.memory_space<vmem>>, vector<1x16xf32>,
        %swap3A_1025 = vector.shape_cast %swap3A_1024 : vector<1x16xf32> to vector<16xf32>
        %swap3A_1026 = vector.shape_cast %get3A_1021 : vector<16xf32> to vector<1x16xf32>
        tpu.vector_store %arg14[%swap3A_1022, %swap3A_1023], %swap3A_1026 {add = true, strides = array<i32>} : memref<8x1024xf32, #tpu.memory_space<vmem>>, vector<1x16xf32>,
        %scan3A_1027 = arith.constant 1 : i32
      }
      %scan3A_186 = arith.constant 8 : i32
      %mul3A_187 = arith.constant 8 : i32
      %mul3A_188 = arith.muli %add3A_161, %mul3A_187 : i32
      %add3A_189 = arith.addi %mul3A_2, %mul3A_188 : i32
      %dma_start3A_190 = arith.constant 0 : i32
      %dma_start3A_191 = tpu.memref_slice %arg5[%add3A_189, %dma_start3A_190] : memref<32768x1024xf32, #tpu.memory_space<hbm>> -> memref<8x1024xf32, #tpu.memory_space<hbm>>
      %dma_start3A_192 = arith.constant 0 : i32
      %dma_start3A_193 = tpu.memref_slice %arg5[%add3A_189, %dma_start3A_192] : memref<32768x1024xf32, #tpu.memory_space<hbm>> -> memref<8x1024xf32, #tpu.memory_space<hbm>>
      tpu.enqueue_dma source(%arg14 : memref<8x1024xf32, #tpu.memory_space<vmem>>) target(%dma_start3A_193 : memref<8x1024xf32, #tpu.memory_space<hbm>>) target_semaphore(%arg26 : memref<!tpu.dma_semaphore, #tpu.memory_space<semaphore_mem>>)
    }
    %scan3A_28 = arith.constant 32 : i32
    %dma_wait3A = arith.constant 0 : i32
    %dma_wait3A_29 = arith.constant 0 : i32
    %dma_wait3A_30 = tpu.memref_slice %arg2[%dma_wait3A, %dma_wait3A_29] : memref<32768x1024xf32, #tpu.memory_space<hbm>> -> memref<8x1024xf32, #tpu.memory_space<hbm>>
    %dma_wait3A_31 = arith.constant 0 : i32
    %dma_wait3A_32 = arith.constant 0 : i32
    %dma_wait3A_33 = tpu.memref_slice %arg2[%dma_wait3A_31, %dma_wait3A_32] : memref<32768x1024xf32, #tpu.memory_space<hbm>> -> memref<8x1024xf32, #tpu.memory_space<hbm>>
    tpu.wait_dma2 semaphore(%arg23 : memref<!tpu.dma_semaphore, #tpu.memory_space<semaphore_mem>>) src(%dma_wait3A_33 : memref<8x1024xf32, #tpu.memory_space<hbm>>) dst(%arg11 : memref<8x1024xf32, #tpu.memory_space<vmem>>)
    %dma_wait3A_34 = arith.constant 0 : i32
    %dma_wait3A_35 = arith.constant 0 : i32
    %dma_wait3A_36 = tpu.memref_slice %arg2[%dma_wait3A_34, %dma_wait3A_35] : memref<32768x1024xf32, #tpu.memory_space<hbm>> -> memref<8x1024xf32, #tpu.memory_space<hbm>>
    %dma_wait3A_37 = arith.constant 0 : i32
    %dma_wait3A_38 = arith.constant 0 : i32
    %dma_wait3A_39 = tpu.memref_slice %arg2[%dma_wait3A_37, %dma_wait3A_38] : memref<32768x1024xf32, #tpu.memory_space<hbm>> -> memref<8x1024xf32, #tpu.memory_space<hbm>>
    tpu.wait_dma2 semaphore(%arg24 : memref<!tpu.dma_semaphore, #tpu.memory_space<semaphore_mem>>) src(%dma_wait3A_39 : memref<8x1024xf32, #tpu.memory_space<hbm>>) dst(%arg12 : memref<8x1024xf32, #tpu.memory_space<vmem>>)
    %dma_wait3A_40 = arith.constant 0 : i32
    %dma_wait3A_41 = arith.constant 0 : i32
    %dma_wait3A_42 = tpu.memref_slice %arg2[%dma_wait3A_40, %dma_wait3A_41] : memref<32768x1024xf32, #tpu.memory_space<hbm>> -> memref<8x1024xf32, #tpu.memory_space<hbm>>
    %dma_wait3A_43 = arith.constant 0 : i32
    %dma_wait3A_44 = arith.constant 0 : i32
    %dma_wait3A_45 = tpu.memref_slice %arg2[%dma_wait3A_43, %dma_wait3A_44] : memref<32768x1024xf32, #tpu.memory_space<hbm>> -> memref<8x1024xf32, #tpu.memory_space<hbm>>
    tpu.wait_dma2 semaphore(%arg25 : memref<!tpu.dma_semaphore, #tpu.memory_space<semaphore_mem>>) src(%dma_wait3A_45 : memref<8x1024xf32, #tpu.memory_space<hbm>>) dst(%arg13 : memref<8x1024xf32, #tpu.memory_space<vmem>>)
    %dma_wait3A_46 = arith.constant 0 : i32
    %dma_wait3A_47 = arith.constant 0 : i32
    %dma_wait3A_48 = tpu.memref_slice %arg2[%dma_wait3A_46, %dma_wait3A_47] : memref<32768x1024xf32, #tpu.memory_space<hbm>> -> memref<8x1024xf32, #tpu.memory_space<hbm>>
    %dma_wait3A_49 = arith.constant 0 : i32
    %dma_wait3A_50 = arith.constant 0 : i32
    %dma_wait3A_51 = tpu.memref_slice %arg2[%dma_wait3A_49, %dma_wait3A_50] : memref<32768x1024xf32, #tpu.memory_space<hbm>> -> memref<8x1024xf32, #tpu.memory_space<hbm>>
    tpu.wait_dma2 semaphore(%arg26 : memref<!tpu.dma_semaphore, #tpu.memory_space<semaphore_mem>>) src(%dma_wait3A_51 : memref<8x1024xf32, #tpu.memory_space<hbm>>) dst(%arg14 : memref<8x1024xf32, #tpu.memory_space<vmem>>)
    return
  }
}

</mosaic_0001>

<sc_bundles>
// kernel: _run.3.cloned.1.call-start
scs
__scs_entry_jumppad:
0x0: {  	(pc) =	sbr.rel $0x88, $3  }
0x1: {  	(tag) =	ssettag $0x0;
	lr =	simm.s32 $0x1  }
0x2: {  	[smem:$0x3F9E] =	sst lr;
	_ =	strace $0xD0000000  }
0x3: {  	_ = 	snop  }
0x4: {  	_ = 	snop  }
0x5: {  	_ = 	snop  }
0x6: {  	_ = 	snop  }
0x7: {  	_ = 	snop  }
__scs_overlays_trampoline_lowered:
0x8: {  	[smem:$0x3FAD] =	sst s0  }
0x9: {  	[smem:$0x3FAE] =	sst s1  }
0xa: {  	[smem:$0x3FAF] =	sst s2  }
0xb: {  	[smem:$0x3FB0] =	sst s3  }
0xc: {  	[smem:$0x3FB1] =	sst s4  }
0xd: {  	[smem:$0x3FB2] =	sst s5  }
0xe: {  	[smem:$0x3FB3] =	sst s6  }
0xf: {  	[smem:$0x3FB4] =	sst s7  }
0x10: {  	[smem:$0x3FB5] =	sst s8  }
0x11: {  	[smem:$0x3FB6] =	sst s9;
	s0 =	simm.s32 @!p0 $0x0  }
0x12: {  	s1 =	sld [smem:$0x3F9C];
	s0 =	simm.s32 @p0 $0x1  }
0x13: {  	[smem:$0x3FB7] =	sst s0;
	s0 =	simm.s32 @!p1 $0x0  }
0x14: {  	s2 =	sld [smem:$0x3F9B];
	s0 =	simm.s32 @p1 $0x1  }
0x15: {  	[smem:$0x3FB8] =	sst s0;
	s0 =	simm.s32 @!p2 $0x0  }
0x16: {  	s3 =	sld [smem:$0x3FDB];
	s0 =	simm.s32 @p2 $0x1  }
0x17: {  	s4 =	simm.s32 $0x1BF5;
	[smem:$0x3FBA] =	sst s0  }
0x18: {  	s0 =	sld [smem:$0x3F9D];
	_ =	swait.ge [sflag:s4], $0x0  }
0x19: {  	s7 =	sld [smem:$0x3F9E]  }
0x1a: {  	s8 =	sadd.s32 $0xFFFFE003, lr  }
0x1b: {  	s9 =	sadd.s32 $0xFFFFFEF7, lr;
	s5 =	simm.s32 $0xFFFFFFFF;
	p2 =	slt.u32 s8, $0xFFFFF086  }
0x1c: {  	p1 =	slt.u32 s9, $0xF7A;
	s5 =	simm.s32 @!p2 $0x0  }
0x1d: {  	s5 =	simm.s32 @p1 $0x1;
	p0 =	seq.s32 s7, s2  }
0x1e: {  	s7 =	smul.u32 @!p0 $0xF7A, s2;
	p2 =	seq.s32 @!p0 s5, $0x0  }
0x1f: {  	s9 =	smul.u32 $0xF7A, s1;
	s8 =	simm.s32 @!p0 $0x1BF5;
	p2 =	por !p2, p0  }
0x20: {  	[sflag:s8] =	ssyncset.s32 @!p0 $0xFFFFF086;
	s6 =	sadd.s32 @!p0 s3, s7;
	s7 =	simm.s32 @!p0 $0x108  }
0x21: {  	s3 =	sadd.s32 s3, s9;
	s6 =	sadd.s32 @!p0 $0x88, s6;
	s7 =	simm.s32 @p2 $0x1082  }
0x22: {  	[simem:s7], [sflag:s8] =	dma.local @!p0 [hbm:s6], $0xF7A  }
0x23: {  	s9 =	sor.u32 $0xD0000000, s2;
	s6 =	simm.s32 $0x108;
	_ =	swait.ge @!p0 [sflag:s8], $0x0  }
0x24: {  	s3 =	sadd.s32 $0x88, s3;
	s6 =	simm.s32 @!p1 $0x1082;
	[sflag:s4] =	ssyncset.s32 $0xFFFFF086  }
0x25: {  	[simem:s6], [sflag:s4] =	dma.local [hbm:s3], $0xF7A  }
0x26: {  	[smem:$0x3F9E] =	sst s1;
	(tag) =	ssettag s2;
	_ =	strace s9  }
0x27: {  	s1 =	sld [smem:$0x3FAE]  }
0x28: {  	s2 =	sld [smem:$0x3FAF]  }
0x29: {  	s4 =	sld [smem:$0x3FB1]  }
0x2a: {  	p0 =	seq.s32 s5, $0x0;
	s5 =	sld [smem:$0x3FB2]  }
0x2b: {  	s6 =	sld [smem:$0x3FB3]  }
0x2c: {  	s7 =	sld [smem:$0x3FB4]  }
0x2d: {  	s3 =	simm.s32 $0x108;
	s8 =	sld [smem:$0x3FB5]  }
0x2e: {  	s3 =	simm.s32 @!p0 $0x1082;
	s9 =	sld [smem:$0x3FB6]  }
0x2f: {  	lr =	sadd.s32 s0, s3;
	s0 =	sld [smem:$0x3FAD]  }
0x30: {  	s3 =	sld [smem:$0x3FB0]  }
0x31: {  	[smem:$0x3FB9] =	sst s10  }
0x32: {  	s10 =	sld [smem:$0x3FB7];
	_ =	sdelay $0x3  }
0x33: {  	p0 =	seq.s32 s10, $0x1;
	s10 =	sld [smem:$0x3FB9];
	_ =	sdelay $0x3  }
0x34: {  	[smem:$0x3FB9] =	sst s10  }
0x35: {  	s10 =	sld [smem:$0x3FB8];
	_ =	sdelay $0x3  }
0x36: {  	p1 =	seq.s32 s10, $0x1;
	s10 =	sld [smem:$0x3FB9];
	_ =	sdelay $0x3  }
0x37: {  	[smem:$0x3FB9] =	sst s10  }
0x38: {  	s10 =	sld [smem:$0x3FBA]  }
0x39: {  	_ = 	snop;
	(pc) =	sbr.ind lr, $3  }
0x3a: {  	_ = 	snop  }
0x3b: {  	_ = 	snop  }
0x3c: {  	p2 =	seq.s32 s10, $0x1;
	s10 =	sld [smem:$0x3FB9]  }
0x3d: {  	_ =	shalt  }
0x3e: {  	_ =	shalt  }
0x3f: {  	_ =	shalt  }
0x40: {  	_ =	shalt  }
0x41: {  	_ =	shalt  }
0x42: {  	_ =	shalt  }
0x43: {  	_ =	shalt  }
0x44: {  	_ =	shalt  }
0x45: {  	_ =	shalt  }
0x46: {  	_ =	shalt  }
0x47: {  	_ =	shalt  }
0x48: {  	_ =	shalt  }
0x49: {  	_ =	shalt  }
0x4a: {  	_ =	shalt  }
0x4b: {  	_ =	shalt  }
0x4c: {  	_ =	shalt  }
0x4d: {  	_ =	shalt  }
0x4e: {  	_ =	shalt  }
0x4f: {  	_ =	shalt  }
0x50: {  	_ =	shalt  }
0x51: {  	_ =	shalt  }
0x52: {  	_ =	shalt  }
0x53: {  	_ =	shalt  }
0x54: {  	_ =	shalt  }
0x55: {  	_ =	shalt  }
0x56: {  	_ =	shalt  }
0x57: {  	_ =	shalt  }
0x58: {  	_ =	shalt  }
0x59: {  	_ =	shalt  }
0x5a: {  	_ =	shalt  }
0x5b: {  	_ =	shalt  }
0x5c: {  	_ =	shalt  }
0x5d: {  	_ =	shalt  }
0x5e: {  	_ =	shalt  }
0x5f: {  	_ =	shalt  }
0x60: {  	_ =	shalt  }
0x61: {  	_ =	shalt  }
0x62: {  	_ =	shalt  }
0x63: {  	_ =	shalt  }
0x64: {  	_ =	shalt  }
0x65: {  	_ =	shalt  }
0x66: {  	_ =	shalt  }
0x67: {  	_ =	shalt  }
0x68: {  	_ =	shalt  }
0x69: {  	_ =	shalt  }
0x6a: {  	_ =	shalt  }
0x6b: {  	_ =	shalt  }
0x6c: {  	_ =	shalt  }
0x6d: {  	_ =	shalt  }
0x6e: {  	_ =	shalt  }
0x6f: {  	_ =	shalt  }
0x70: {  	_ =	shalt  }
0x71: {  	_ =	shalt  }
0x72: {  	_ =	shalt  }
0x73: {  	_ =	shalt  }
0x74: {  	_ =	shalt  }
0x75: {  	_ =	shalt  }
0x76: {  	_ =	shalt  }
0x77: {  	_ =	shalt  }
0x78: {  	_ =	shalt  }
0x79: {  	_ =	shalt  }
0x7a: {  	_ =	shalt  }
0x7b: {  	_ =	shalt  }
0x7c: {  	_ =	shalt  }
0x7d: {  	_ =	shalt  }
0x7e: {  	_ =	shalt  }
0x7f: {  	_ =	shalt  }
0x80: {  	_ =	shalt  }
0x81: {  	_ =	shalt  }
0x82: {  	_ =	shalt  }
0x83: {  	_ =	shalt  }
0x84: {  	_ =	shalt  }
0x85: {  	_ =	shalt  }
0x86: {  	_ =	shalt  }
0x87: {  	_ =	shalt  }
.Lfunc_end0:
.L_simem_size_0:
called_computation_lowered:
.L_overlay_start_0:
0x88: {  	s2 =	sld [smem:$0x3FD9]  }
0x89: {  	s3 =	sld [smem:$0x3FFE];
	_ =	sdelay $0x1  }
0x8a: {  	s1 =	srdreg.scid  }
0x8b: {  	s0 =	sand.u32 $0x1, s1  }
0x8c: {  	s18 =	sshll.u32 s0, $0xA;
	s2 =	sadd.s32 s3, s2  }
0x8d: {  	s2 =	sadd.s32 s2, s18  }
0x8e: {  	[smem:$0x3FC5] =	sst s2  }
0x8f: {  	_ = 	snop  }
0x90: {  	s2 =	sld [smem:$0x3FC9]  }
0x91: {  	s19 =	sld [smem:$0x3FC8]  }
0x92: {  	s4 =	sld [smem:$0x3FC7]  }
0x93: {  	s5 =	sld [smem:$0x3FD0];
	(tm) =	ssettm $0x1  }
0x94: {  	s6 =	sld [smem:$0x3FFB];
	_ =	sdelay $0x3  }
0x95: {  	_ =	strace s6  }
0x96: {  	s6 =	sld [smem:$0x3FFC];
	_ =	sdelay $0x3  }
0x97: {  	_ =	strace s6  }
0x98: {  	s6 =	sld [smem:$0x3FFD];
	_ =	sdelay $0x3  }
0x99: {  	_ =	strace s6  }
0x9a: {  	_ =	strace $0x8FFFFFFF  }
0x9b: {  	s20 =	sld [smem:$0x3FDB];
	_ =	sdelay $0x1  }
0x9c: {  	s7 =	simm.s32 $_scs_section_size  }
0x9d: {  	s8 =	simm.s32 $_size__tile_overlayer_lowered;
	s9 =	simm.s32 $_tile_overlayer_lowered  }
0x9e: {  	s23 =	simm.s32 $0x1BFF;
	s22 =	sshll.u32 s9, $0x1;
	s6 =	sadd.s32 s7, s20  }
0x9f: {  	s10 =	simm.s32 $0x0;
	s21 =	sshll.u32 s8, $0x1;
	s8 =	sadd.s32 s22, s6  }
0xa0: {  	[timem:s10], [sflag:s23] =	dma.local [hbm:s8], s21  }
0xa1: {  	_ =	swait.ge [sflag:s23], s21  }
0xa2: {  	s7 =	ssub.s32 $0x0, s21;
	[sflag:s23] =	ssyncset.done $0x0  }
0xa3: {  	[sflag:s23] =	ssyncadd.s32 s7;
	_ =	sdelay $0x1  }
0xa4: {  	s24 =	simm.s32 $0x1B8B  }
0xa5: {  	_ =	swait.ge [sflag:s24], $0x1  }
0xa6: {  	[sflag:s24] =	ssyncset.done $0x0  }
0xa7: {  	s25 =	simm.s32 $0x1B8E;
	[sflag:s24] =	ssyncadd.s32 $0xFFFFFFFF  }
0xa8: {  	s26 =	simm.s32 $execute0_lowered;
	[smem:$0x3FD2] =	sst s25  }
0xa9: {  	s7 =	sshll.u32 s26, $0x1;
	_ =	strace $0x80000046;
	[dreg:$0x1] =	wrdreg $0xFFFFFFFF  }
0xaa: {  	s28 =	simm.s32 $_size_execute0_lowered;
	s6 =	sadd.s32 s6, s7;
	[dreg:$0x0] =	wrdreg $0x0  }
0xab: {  	s7 =	sshll.u32 s28, $0x1;
	[dreg:$0x2] =	wrdreg s6  }
0xac: {  	[dreg:$0x3] =	wrdreg s7  }
0xad: {  	[dreg:$0x4] =	wrdreg $0xC0  }
0xae: {  	_ =	task [dreg:s10], $0x5FFFF  }
0xaf: {  	[dreg:$0x1] =	wrdreg $0xFFFFFFFF  }
0xb0: {  	[dreg:$0x0] =	wrdreg $0x60  }
0xb1: {  	[dreg:$0x2] =	wrdreg s2  }
0xb2: {  	[dreg:$0x3] =	wrdreg s19  }
0xb3: {  	[dreg:$0x4] =	wrdreg s4  }
0xb4: {  	[dreg:$0x5] =	wrdreg s5  }
0xb5: {  	[dreg:$0x6] =	wrdreg $0x9  }
0xb6: {  	_ =	task.clear_ibuf [dreg:s10], $0x7FFFF;
	_ =	strace $0x90000046  }
0xb7: {  	s29 =	simm.s32 $0x9;
	_ =	strace $0x80000048  }
0xb8: {  	_ =	swait.ge [sflag:s29], $0x1  }
0xb9: {  	[sflag:s29] =	ssyncadd.s32 $0xFFFFFFFF  }
0xba: {  	_ =	strace $0x90000048  }
0xbb: {  	_ =	sfence  }
0xbc: {  	s30 =	sld [smem:$0x0];
	_ =	sdelay $0x2  }
0xbd: {  	s31 =	sshll.u32 s1, $0xD;
	s1 =	sshrl.u32 s1, $0x2  }
0xbe: {  	s3 =	sand.u32 $0x4000, s31;
	s1 =	sadd.s32 s1, s30  }
0xbf: {  	s0 =	sor.u32 s3, s0;
	s1 =	sshll.u32 s1, $0x11  }
0xc0: {  	s0 =	sor.u32 s1, s0  }
0xc1: {  	s0 =	sadd.s32 $0x8F2B, s0  }
0xc2: {  	[sflag:s0] =	ssyncadd.remote.s32 $0x1  }
0xc3: {  	_ =	sfence.sel $0xFFFF  }
0xc4: {  	[dreg:$0x0] =	wrdreg $0xFFFFFFFF;
	(pc) =	sbr.abs _section_cstart, $3  }
0xc5: {  	[dreg:$0x1] =	wrdreg $0xFFFFFFFF  }
0xc6: {  	_ =	task.clear_ibuf [dreg:s10], $0x2FFFF;
	_ =	strace $0x9FFFFFFF  }
0xc7: {  	(tm) =	ssettm $0x7FFFFFFF  }
tec
execute0_lowered:
.L_overlay_start_1:
0x0: {  	(tag) =	ssettag $0x1  }
0x1: {  	s1 =	rddreg [dreg:$0x0]  }
0x2: {  	s0 =	rddreg [dreg:$0x1]  }
0x3: {  	s2 =	rddreg [dreg:$0x2]  }
0x4: {  	s3 =	rddreg [dreg:$0x3];
	s5 =	simm.s32 $0x0;
	s4 =	srdreg.scid  }
0x5: {  	s6 =	stileid.u32;
	s17 =	simm.s32 $0x8400;
	s22 =	simm.s32 $0xA400  }
0x6: {  	s28 =	simm.s32 $0xC400;
	s18 =	simm.s32 $0x5;
	s19 =	simm.s32 $0xE400  }
0x7: {  	s23 =	simm.s32 $0xFC00;
	s24 =	simm.s32 $0x6400;
	s25 =	simm.s32 $0x2  }
0x8: {  	s13 =	simm.s32 $0x7;
	s15 =	simm.s32 $0x4;
	s10 =	simm.s32 $0x8  }
0x9: {  	s20 =	simm.s32 $0x0;
	[smem:$0x7FF] =	sst s5;
	s4 =	sand.u32 $0x1, s4  }
0xa: {  	s6 =	sshll.u32 s6, $0xB;
	s7 =	ssub.s32 $0x2, s4;
	s4 =	sshll.u32 s4, $0xA  }
0xb: {  	s9 =	sadd.s32 $0x100, s2;
	s8 =	sshrl.u32 s7, $0x1;
	s6 =	sor.u32 s4, s6  }
0xc: {  	s11 =	sadd.s32 $0x200, s2;
	s26 =	ssub.s32 s7, s8;
	s7 =	sshrl.u32 s6, $0x3  }
0xd: {  	s12 =	sadd.s32 $0x300, s2;
	s29 =	sshll.u32 s6, $0x7;
	s0 =	sadd.s32 s0, s7  }
0xe: {  	_ =	strace $0x80000047;
	s30 =	sadd.s32 s1, s29;
	[dreg:$0x5] =	wrdreg s0  }
0xf: {  	v0 =	vlaneseq.u32;
	s4 =	simm.s32 $0x1;
	s31 =	smax.u32 s26, $0x1;
	[dreg:$0x6] =	wrdreg s30  }
0x10: {  	v1 =	vshrl.u32 v0, $0x3;
	v0 =	vand.u32 $0x7, v0;
	s8 =	simm.s32 $0x3;
	s0 =	sadd.s32 $0x400, s30;
	[dreg:$0x8] =	wrdreg s31  }
0x11: {  	vm0 =	vmmov $0xffff;
	[tilespmem:$0x1FFF0] =	vst v0;
	v1 =	vmul.u32 $0x8, v1;
	s14 =	sadd.s32 s3, s29;
	s26 =	simm.s32 $0x6;
	[dreg:$0x7] =	wrdreg s0  }
.LBB2_1:
0x12: {  	[dreg:$0x9] =	wrdreg s20  }
0x13: {  	s0 =	rddreg [dreg:$0x5];
	s20 =	simm.s32 $0xD  }
0x14: {  	[tilespmem:s5], [sflag:$0xD] =	stream.linear.gather [hbm4b:s0+s5], $0x400, $0x38;
	[tilespmem:$0x10400] =	vst v63  }
0x15: {  	_ =	swait.ge [sflag:s20], $0x400  }
0x16: {  	[sflag:s20] =	ssyncset.done $0x0  }
0x17: {  	[sflag:s20] =	ssyncadd.s32 $0xFFFFFC00  }
0x18: {  	v2 =	vld.msk [tilespmem:$0x0], $0xff;
	_ =	sdelay $0x2  }
0x19: {  	v0 =	vld [tilespmem:$0x1FFF0];
	_ =	sdelay $0x1  }
0x1a: {  	v3 =	vshll.u32 v2, $0x3  }
0x1b: {  	v2 =	vand.u32 $0x7, v2;
	v3 =	vand.u32 $0xFFFFFFC0, v3  }
0x1c: {  	v2 =	vor.u32 v2, v3  }
0x1d: {  	v2 =	vperm.xlane v2, v0;
	_ =	sdelay $0x1  }
0x1e: {  	v2 =	vadd.s32 v1, v2;
	_ =	sdelay $0x4  }
0x1f: {  	[tilespmem:s17], [sflag:$0x1] =	stream.indirect_vreg.gather [hbm4b:s2+s5], $0x80, v2, vm0, $0xb8;
	[tilespmem:$0x10400] =	vst v63  }
0x20: {  	s21 =	simm.s32 $0x8C00  }
0x21: {  	[tilespmem:s21], [sflag:$0x1] =	stream.indirect_vreg.gather [hbm4b:s9+s5], $0x80, v2, vm0, $0xb8;
	[tilespmem:$0x10400] =	vst v63  }
0x22: {  	s29 =	simm.s32 $0x9400  }
0x23: {  	[tilespmem:s29], [sflag:$0x1] =	stream.indirect_vreg.gather [hbm4b:s11+s5], $0x80, v2, vm0, $0xb8;
	[tilespmem:$0x10400] =	vst v63  }
0x24: {  	s30 =	simm.s32 $0x9C00  }
0x25: {  	[tilespmem:s30], [sflag:$0x1] =	stream.indirect_vreg.gather [hbm4b:s12+s5], $0x80, v2, vm0, $0xb8;
	[tilespmem:$0x10400] =	vst v63  }
0x26: {  	s16 =	simm.s32 $0x400;
	s31 =	rddreg [dreg:$0x6]  }
0x27: {  	[tilespmem:s16], [sflag:$0x5] =	stream.linear.gather [hbm4b:s31+s5], $0x2000, $0x38;
	[tilespmem:$0x10400] =	vst v63  }
0x28: {  	v2 =	vld.msk [tilespmem:$0x8], $0xff;
	_ =	sdelay $0x4  }
0x29: {  	v3 =	vshll.u32 v2, $0x3  }
0x2a: {  	v2 =	vand.u32 $0x7, v2;
	v3 =	vand.u32 $0xFFFFFFC0, v3  }
0x2b: {  	v2 =	vor.u32 v2, v3  }
0x2c: {  	v2 =	vperm.xlane v2, v0;
	_ =	sdelay $0x1  }
0x2d: {  	v2 =	vadd.s32 v1, v2;
	_ =	sdelay $0x4  }
0x2e: {  	[tilespmem:s22], [sflag:$0x2] =	stream.indirect_vreg.gather [hbm4b:s2+s5], $0x80, v2, vm0, $0xb8;
	[tilespmem:$0x10400] =	vst v63  }
0x2f: {  	s20 =	simm.s32 $0xAC00  }
0x30: {  	[tilespmem:s20], [sflag:$0x2] =	stream.indirect_vreg.gather [hbm4b:s9+s5], $0x80, v2, vm0, $0xb8;
	[tilespmem:$0x10400] =	vst v63  }
0x31: {  	s21 =	simm.s32 $0xB400  }
0x32: {  	[tilespmem:s21], [sflag:$0x2] =	stream.indirect_vreg.gather [hbm4b:s11+s5], $0x80, v2, vm0, $0xb8;
	[tilespmem:$0x10400] =	vst v63  }
0x33: {  	s29 =	simm.s32 $0xBC00  }
0x34: {  	[tilespmem:s29], [sflag:$0x2] =	stream.indirect_vreg.gather [hbm4b:s12+s5], $0x80, v2, vm0, $0xb8;
	[tilespmem:$0x10400] =	vst v63  }
0x35: {  	s30 =	rddreg [dreg:$0x7];
	s31 =	simm.s32 $0x2400;
	s16 =	simm.s32 $0x0  }
0x36: {  	[tilespmem:s31], [sflag:$0x6] =	stream.linear.gather [hbm4b:s30+s5], $0x2000, $0x38;
	[tilespmem:$0x10400] =	vst v63  }
.LBB2_2:
0x37: {  	p0 =	seq.s32 s16, $0x0  }
0x38: {  	s0 =	simm.s32 @!p0 $0xB  }
0x39: {  	s29 =	sshll.u32 s16, $0x2;
	_ =	swait.ge @!p0 [sflag:s0], $0x2000  }
0x3a: {  	s30 =	sor.u32 $0x2, s29;
	[sflag:s0] =	ssyncset.done @!p0 $0x0  }
0x3b: {  	[sflag:s0] =	ssyncadd.s32 @!p0 $0xFFFFE000;
	s0 =	sshll.u32 s30, $0x3  }
0x3c: {  	v2 =	vld.msk [tilespmem:s0+$0x0], $0xff;
	_ =	sdelay $0x2  }
0x3d: {  	v0 =	vld [tilespmem:$0x1FFF0];
	_ =	sdelay $0x1  }
0x3e: {  	v3 =	vshll.u32 v2, $0x3  }
0x3f: {  	v2 =	vand.u32 $0x7, v2;
	v3 =	vand.u32 $0xFFFFFFC0, v3  }
0x40: {  	v2 =	vor.u32 v2, v3  }
0x41: {  	v2 =	vperm.xlane v2, v0;
	_ =	sdelay $0x1  }
0x42: {  	v2 =	vadd.s32 v1, v2;
	_ =	sdelay $0x3  }
0x43: {  	s20 =	simm.s32 $0x0  }
0x44: {  	[tilespmem:s28], [sflag:$0x3] =	stream.indirect_vreg.gather [hbm4b:s2+s20], $0x80, v2, vm0, $0xb8;
	[tilespmem:$0x10400] =	vst v63  }
0x45: {  	s21 =	simm.s32 $0xCC00  }
0x46: {  	[tilespmem:s21], [sflag:$0x3] =	stream.indirect_vreg.gather [hbm4b:s9+s20], $0x80, v2, vm0, $0xb8;
	[tilespmem:$0x10400] =	vst v63  }
0x47: {  	s0 =	sadd.s32 s6, s0;
	s21 =	simm.s32 $0xD400  }
0x48: {  	[tilespmem:s21], [sflag:$0x3] =	stream.indirect_vreg.gather [hbm4b:s11+s20], $0x80, v2, vm0, $0xb8;
	[tilespmem:$0x10400] =	vst v63  }
0x49: {  	s0 =	sshll.u32 s0, $0x7;
	s21 =	simm.s32 $0xDC00  }
0x4a: {  	[tilespmem:s21], [sflag:$0x3] =	stream.indirect_vreg.gather [hbm4b:s12+s20], $0x80, v2, vm0, $0xb8;
	[tilespmem:$0x10400] =	vst v63  }
0x4b: {  	s0 =	sadd.s32 s1, s0;
	s21 =	simm.s32 $0x4400  }
0x4c: {  	[tilespmem:s21], [sflag:$0x7] =	stream.linear.gather [hbm4b:s0+s20], $0x2000, $0x38;
	[tilespmem:$0x10400] =	vst v63  }
0x4d: {  	_ =	swait.ge [sflag:s4], $0x2000  }
0x4e: {  	[sflag:s4] =	ssyncset.done $0x0  }
0x4f: {  	[sflag:s4] =	ssyncadd.s32 $0xFFFFE000  }
0x50: {  	_ =	swait.ge [sflag:s18], $0x2000  }
0x51: {  	[sflag:s18] =	ssyncset.done $0x0  }
0x52: {  	s31 =	simm.s32 $0x200;
	s0 =	simm.s32 $0x0;
	[sflag:s18] =	ssyncadd.s32 $0xFFFFE000  }
.LBB2_3:
0x53: {  	p1 =	sne.s32 s31, $0xE00;
	v2 =	vld [tilespmem:s0+$0x2070]  }
0x54: {  	v3 =	vld [tilespmem:s0+$0x400]  }
0x55: {  	v4 =	vld [tilespmem:s0+$0x410]  }
0x56: {  	v5 =	vld [tilespmem:s0+$0x420]  }
0x57: {  	v6 =	vld [tilespmem:s0+$0x430]  }
0x58: {  	[tilespmem:s0+$0xA070] =	vst.add.f32.msk $0xffff, v2  }
0x59: {  	v2 =	vld [tilespmem:s0+$0x440]  }
0x5a: {  	v7 =	vld [tilespmem:s0+$0x450]  }
0x5b: {  	v8 =	vld [tilespmem:s0+$0x460]  }
0x5c: {  	v9 =	vld [tilespmem:s0+$0x470]  }
0x5d: {  	v10 =	vld [tilespmem:s0+$0x800]  }
0x5e: {  	v11 =	vld [tilespmem:s0+$0x810]  }
0x5f: {  	v12 =	vld [tilespmem:s0+$0x820]  }
0x60: {  	v13 =	vld [tilespmem:s0+$0x830]  }
0x61: {  	v14 =	vld [tilespmem:s0+$0x840]  }
0x62: {  	v15 =	vld [tilespmem:s0+$0x850]  }
0x63: {  	v16 =	vld [tilespmem:s0+$0x860]  }
0x64: {  	v17 =	vld [tilespmem:s0+$0x870]  }
0x65: {  	v18 =	vld [tilespmem:s0+$0xC00]  }
0x66: {  	v19 =	vld [tilespmem:s0+$0xC10]  }
0x67: {  	v20 =	vld [tilespmem:s0+$0xC20]  }
0x68: {  	v21 =	vld [tilespmem:s0+$0xC30]  }
0x69: {  	v22 =	vld [tilespmem:s0+$0xC40]  }
0x6a: {  	v23 =	vld [tilespmem:s0+$0xC50]  }
0x6b: {  	v24 =	vld [tilespmem:s0+$0xC60]  }
0x6c: {  	v25 =	vld [tilespmem:s0+$0xC70]  }
0x6d: {  	v26 =	vld [tilespmem:s0+$0x1000]  }
0x6e: {  	v27 =	vld [tilespmem:s0+$0x1010]  }
0x6f: {  	v28 =	vld [tilespmem:s0+$0x1020]  }
0x70: {  	v29 =	vld [tilespmem:s0+$0x1030]  }
0x71: {  	v30 =	vld [tilespmem:s0+$0x1040]  }
0x72: {  	v31 =	vld [tilespmem:s0+$0x1050]  }
0x73: {  	v32 =	vld [tilespmem:s0+$0x1060]  }
0x74: {  	v33 =	vld [tilespmem:s0+$0x1070]  }
0x75: {  	v34 =	vld [tilespmem:s0+$0x1400]  }
0x76: {  	v35 =	vld [tilespmem:s0+$0x1410]  }
0x77: {  	v36 =	vld [tilespmem:s0+$0x1420]  }
0x78: {  	v37 =	vld [tilespmem:s0+$0x1430]  }
0x79: {  	v38 =	vld [tilespmem:s0+$0x1440]  }
0x7a: {  	v39 =	vld [tilespmem:s0+$0x1450]  }
0x7b: {  	v40 =	vld [tilespmem:s0+$0x1460]  }
0x7c: {  	v41 =	vld [tilespmem:s0+$0x1470]  }
0x7d: {  	v42 =	vld [tilespmem:s0+$0x1800]  }
0x7e: {  	v43 =	vld [tilespmem:s0+$0x1810]  }
0x7f: {  	v44 =	vld [tilespmem:s0+$0x1820]  }
0x80: {  	v45 =	vld [tilespmem:s0+$0x1830]  }
0x81: {  	v46 =	vld [tilespmem:s0+$0x1840]  }
0x82: {  	v47 =	vld [tilespmem:s0+$0x1850]  }
0x83: {  	v48 =	vld [tilespmem:s0+$0x1860]  }
0x84: {  	v49 =	vld [tilespmem:s0+$0x1870]  }
0x85: {  	v50 =	vld [tilespmem:s0+$0x1C00]  }
0x86: {  	v51 =	vld [tilespmem:s0+$0x1C10]  }
0x87: {  	v52 =	vld [tilespmem:s0+$0x1C20]  }
0x88: {  	v53 =	vld [tilespmem:s0+$0x1C30]  }
0x89: {  	v54 =	vld [tilespmem:s0+$0x1C40]  }
0x8a: {  	v55 =	vld [tilespmem:s0+$0x1C50]  }
0x8b: {  	v56 =	vld [tilespmem:s0+$0x1C60]  }
0x8c: {  	v57 =	vld [tilespmem:s0+$0x1C70]  }
0x8d: {  	v58 =	vld [tilespmem:s0+$0x2000]  }
0x8e: {  	v59 =	vld [tilespmem:s0+$0x2010]  }
0x8f: {  	v60 =	vld [tilespmem:s0+$0x2020]  }
0x90: {  	v61 =	vld [tilespmem:s0+$0x2030]  }
0x91: {  	v62 =	vld [tilespmem:s0+$0x2040]  }
0x92: {  	v63 =	vld [tilespmem:s0+$0x2050]  }
0x93: {  	v0 =	vld [tilespmem:s0+$0x2060]  }
0x94: {  	[tilespmem:s0+$0x8400] =	vst.add.f32.msk $0xffff, v3  }
0x95: {  	[tilespmem:s0+$0x8410] =	vst.add.f32.msk $0xffff, v4  }
0x96: {  	[tilespmem:s0+$0x8420] =	vst.add.f32.msk $0xffff, v5  }
0x97: {  	[tilespmem:s0+$0x8430] =	vst.add.f32.msk $0xffff, v6  }
0x98: {  	[tilespmem:s0+$0x8440] =	vst.add.f32.msk $0xffff, v2  }
0x99: {  	[tilespmem:s0+$0x8450] =	vst.add.f32.msk $0xffff, v7  }
0x9a: {  	[tilespmem:s0+$0x8460] =	vst.add.f32.msk $0xffff, v8  }
0x9b: {  	[tilespmem:s0+$0x8470] =	vst.add.f32.msk $0xffff, v9  }
0x9c: {  	[tilespmem:s0+$0x8800] =	vst.add.f32.msk $0xffff, v10  }
0x9d: {  	[tilespmem:s0+$0x8810] =	vst.add.f32.msk $0xffff, v11  }
0x9e: {  	[tilespmem:s0+$0x8820] =	vst.add.f32.msk $0xffff, v12  }
0x9f: {  	[tilespmem:s0+$0x8830] =	vst.add.f32.msk $0xffff, v13  }
0xa0: {  	[tilespmem:s0+$0x8840] =	vst.add.f32.msk $0xffff, v14  }
0xa1: {  	[tilespmem:s0+$0x8850] =	vst.add.f32.msk $0xffff, v15  }
0xa2: {  	[tilespmem:s0+$0x8860] =	vst.add.f32.msk $0xffff, v16  }
0xa3: {  	[tilespmem:s0+$0x8870] =	vst.add.f32.msk $0xffff, v17  }
0xa4: {  	[tilespmem:s0+$0x8C00] =	vst.add.f32.msk $0xffff, v18  }
0xa5: {  	[tilespmem:s0+$0x8C10] =	vst.add.f32.msk $0xffff, v19  }
0xa6: {  	[tilespmem:s0+$0x8C20] =	vst.add.f32.msk $0xffff, v20  }
0xa7: {  	[tilespmem:s0+$0x8C30] =	vst.add.f32.msk $0xffff, v21  }
0xa8: {  	[tilespmem:s0+$0x8C40] =	vst.add.f32.msk $0xffff, v22  }
0xa9: {  	[tilespmem:s0+$0x8C50] =	vst.add.f32.msk $0xffff, v23  }
0xaa: {  	[tilespmem:s0+$0x8C60] =	vst.add.f32.msk $0xffff, v24  }
0xab: {  	[tilespmem:s0+$0x8C70] =	vst.add.f32.msk $0xffff, v25  }
0xac: {  	[tilespmem:s0+$0x9000] =	vst.add.f32.msk $0xffff, v26  }
0xad: {  	[tilespmem:s0+$0x9010] =	vst.add.f32.msk $0xffff, v27  }
0xae: {  	[tilespmem:s0+$0x9020] =	vst.add.f32.msk $0xffff, v28  }
0xaf: {  	[tilespmem:s0+$0x9030] =	vst.add.f32.msk $0xffff, v29  }
0xb0: {  	[tilespmem:s0+$0x9040] =	vst.add.f32.msk $0xffff, v30  }
0xb1: {  	[tilespmem:s0+$0x9050] =	vst.add.f32.msk $0xffff, v31  }
0xb2: {  	[tilespmem:s0+$0x9060] =	vst.add.f32.msk $0xffff, v32  }
0xb3: {  	[tilespmem:s0+$0x9070] =	vst.add.f32.msk $0xffff, v33  }
0xb4: {  	[tilespmem:s0+$0x9400] =	vst.add.f32.msk $0xffff, v34  }
0xb5: {  	[tilespmem:s0+$0x9410] =	vst.add.f32.msk $0xffff, v35  }
0xb6: {  	[tilespmem:s0+$0x9420] =	vst.add.f32.msk $0xffff, v36  }
0xb7: {  	[tilespmem:s0+$0x9430] =	vst.add.f32.msk $0xffff, v37  }
0xb8: {  	[tilespmem:s0+$0x9440] =	vst.add.f32.msk $0xffff, v38  }
0xb9: {  	[tilespmem:s0+$0x9450] =	vst.add.f32.msk $0xffff, v39  }
0xba: {  	[tilespmem:s0+$0x9460] =	vst.add.f32.msk $0xffff, v40  }
0xbb: {  	[tilespmem:s0+$0x9470] =	vst.add.f32.msk $0xffff, v41  }
0xbc: {  	[tilespmem:s0+$0x9800] =	vst.add.f32.msk $0xffff, v42  }
0xbd: {  	[tilespmem:s0+$0x9810] =	vst.add.f32.msk $0xffff, v43  }
0xbe: {  	[tilespmem:s0+$0x9820] =	vst.add.f32.msk $0xffff, v44  }
0xbf: {  	[tilespmem:s0+$0x9830] =	vst.add.f32.msk $0xffff, v45  }
0xc0: {  	[tilespmem:s0+$0x9840] =	vst.add.f32.msk $0xffff, v46  }
0xc1: {  	[tilespmem:s0+$0x9850] =	vst.add.f32.msk $0xffff, v47  }
0xc2: {  	[tilespmem:s0+$0x9860] =	vst.add.f32.msk $0xffff, v48  }
0xc3: {  	[tilespmem:s0+$0x9870] =	vst.add.f32.msk $0xffff, v49  }
0xc4: {  	[tilespmem:s0+$0x9C00] =	vst.add.f32.msk $0xffff, v50  }
0xc5: {  	[tilespmem:s0+$0x9C10] =	vst.add.f32.msk $0xffff, v51  }
0xc6: {  	[tilespmem:s0+$0x9C20] =	vst.add.f32.msk $0xffff, v52  }
0xc7: {  	[tilespmem:s0+$0x9C30] =	vst.add.f32.msk $0xffff, v53  }
0xc8: {  	[tilespmem:s0+$0x9C40] =	vst.add.f32.msk $0xffff, v54  }
0xc9: {  	[tilespmem:s0+$0x9C50] =	vst.add.f32.msk $0xffff, v55  }
0xca: {  	[tilespmem:s0+$0x9C60] =	vst.add.f32.msk $0xffff, v56  }
0xcb: {  	[tilespmem:s0+$0x9C70] =	vst.add.f32.msk $0xffff, v57  }
0xcc: {  	[tilespmem:s0+$0xA000] =	vst.add.f32.msk $0xffff, v58  }
0xcd: {  	[tilespmem:s0+$0xA010] =	vst.add.f32.msk $0xffff, v59  }
.Ltmp0:
0xce: {  	[tilespmem:s0+$0xA020] =	vst.add.f32.msk $0xffff, v60;
	(pc) =	sbr.rel @p1 .LBB2_3-.Ltmp0, $4  }
0xcf: {  	[tilespmem:s0+$0xA030] =	vst.add.f32.msk $0xffff, v61  }
0xd0: {  	[tilespmem:s0+$0xA040] =	vst.add.f32.msk $0xffff, v62  }
0xd1: {  	[tilespmem:s0+$0xA050] =	vst.add.f32.msk $0xffff, v63  }
0xd2: {  	[tilespmem:s0+$0xA060] =	vst.add.f32.msk $0xffff, v0;
	s0 =	sshra.s32 s31, $0x2;
	s31 =	sadd.s32 $0x200, s31  }
0xd3: {  	v0 =	vld [tilespmem:s0+$0x2070]  }
0xd4: {  	v2 =	vld [tilespmem:s0+$0x400]  }
0xd5: {  	v3 =	vld [tilespmem:s0+$0x410]  }
0xd6: {  	v4 =	vld [tilespmem:s0+$0x420]  }
0xd7: {  	v5 =	vld [tilespmem:s0+$0x430]  }
0xd8: {  	v6 =	vld [tilespmem:s0+$0x450]  }
0xd9: {  	v7 =	vld [tilespmem:s0+$0x460]  }
0xda: {  	v8 =	vld [tilespmem:s0+$0x470]  }
0xdb: {  	v9 =	vld [tilespmem:s0+$0x800]  }
0xdc: {  	v10 =	vld [tilespmem:s0+$0x810]  }
0xdd: {  	v11 =	vld [tilespmem:s0+$0x820]  }
0xde: {  	v12 =	vld [tilespmem:s0+$0x830]  }
0xdf: {  	v13 =	vld [tilespmem:s0+$0x840]  }
0xe0: {  	v14 =	vld [tilespmem:s0+$0x850]  }
0xe1: {  	v15 =	vld [tilespmem:s0+$0x860]  }
0xe2: {  	v16 =	vld [tilespmem:s0+$0x870]  }
0xe3: {  	v17 =	vld [tilespmem:s0+$0xC00]  }
0xe4: {  	v18 =	vld [tilespmem:s0+$0xC10]  }
0xe5: {  	v19 =	vld [tilespmem:s0+$0xC20]  }
0xe6: {  	v20 =	vld [tilespmem:s0+$0xC30]  }
0xe7: {  	v21 =	vld [tilespmem:s0+$0xC40]  }
0xe8: {  	v22 =	vld [tilespmem:s0+$0xC50]  }
0xe9: {  	v23 =	vld [tilespmem:s0+$0xC60]  }
0xea: {  	v24 =	vld [tilespmem:s0+$0xC70]  }
0xeb: {  	v25 =	vld [tilespmem:s0+$0x1000]  }
0xec: {  	v26 =	vld [tilespmem:s0+$0x1010]  }
0xed: {  	v27 =	vld [tilespmem:s0+$0x1020]  }
0xee: {  	v28 =	vld [tilespmem:s0+$0x1030]  }
0xef: {  	v29 =	vld [tilespmem:s0+$0x1040]  }
0xf0: {  	v30 =	vld [tilespmem:s0+$0x1050]  }
0xf1: {  	v31 =	vld [tilespmem:s0+$0x1060]  }
0xf2: {  	v32 =	vld [tilespmem:s0+$0x1070]  }
0xf3: {  	v33 =	vld [tilespmem:s0+$0x1400]  }
0xf4: {  	v34 =	vld [tilespmem:s0+$0x1410]  }
0xf5: {  	v35 =	vld [tilespmem:s0+$0x1420]  }
0xf6: {  	v36 =	vld [tilespmem:s0+$0x1430]  }
0xf7: {  	v37 =	vld [tilespmem:s0+$0x1440]  }
0xf8: {  	v38 =	vld [tilespmem:s0+$0x1450]  }
0xf9: {  	v39 =	vld [tilespmem:s0+$0x1460]  }
0xfa: {  	v40 =	vld [tilespmem:s0+$0x1470]  }
0xfb: {  	v41 =	vld [tilespmem:s0+$0x1800]  }
0xfc: {  	v42 =	vld [tilespmem:s0+$0x1810]  }
0xfd: {  	v43 =	vld [tilespmem:s0+$0x1820]  }
0xfe: {  	v44 =	vld [tilespmem:s0+$0x1830]  }
0xff: {  	v45 =	vld [tilespmem:s0+$0x1840]  }
0x100: {  	v46 =	vld [tilespmem:s0+$0x1850]  }
0x101: {  	v47 =	vld [tilespmem:s0+$0x1860]  }
0x102: {  	v48 =	vld [tilespmem:s0+$0x1870]  }
0x103: {  	v49 =	vld [tilespmem:s0+$0x1C00]  }
0x104: {  	v50 =	vld [tilespmem:s0+$0x1C10]  }
0x105: {  	v51 =	vld [tilespmem:s0+$0x1C20]  }
0x106: {  	v52 =	vld [tilespmem:s0+$0x1C30]  }
0x107: {  	v53 =	vld [tilespmem:s0+$0x1C40]  }
0x108: {  	v54 =	vld [tilespmem:s0+$0x1C50]  }
0x109: {  	v55 =	vld [tilespmem:s0+$0x1C60]  }
0x10a: {  	v56 =	vld [tilespmem:s0+$0x1C70]  }
0x10b: {  	v57 =	vld [tilespmem:s0+$0x2000]  }
0x10c: {  	v58 =	vld [tilespmem:s0+$0x2010]  }
0x10d: {  	v59 =	vld [tilespmem:s0+$0x2020]  }
0x10e: {  	v60 =	vld [tilespmem:s0+$0x2030]  }
0x10f: {  	v61 =	vld [tilespmem:s0+$0x2040]  }
0x110: {  	v62 =	vld [tilespmem:s0+$0x2050]  }
0x111: {  	v63 =	vld [tilespmem:s0+$0x2060]  }
0x112: {  	[tilespmem:s0+$0xA070] =	vst.add.f32.msk $0xffff, v0  }
0x113: {  	v0 =	vld [tilespmem:s0+$0x440]  }
0x114: {  	[tilespmem:s0+$0x8400] =	vst.add.f32.msk $0xffff, v2  }
0x115: {  	[tilespmem:s0+$0x8410] =	vst.add.f32.msk $0xffff, v3  }
0x116: {  	[tilespmem:s0+$0x8420] =	vst.add.f32.msk $0xffff, v4  }
0x117: {  	[tilespmem:s0+$0x8430] =	vst.add.f32.msk $0xffff, v5  }
0x118: {  	[tilespmem:s0+$0x8450] =	vst.add.f32.msk $0xffff, v6  }
0x119: {  	[tilespmem:s0+$0x8460] =	vst.add.f32.msk $0xffff, v7  }
0x11a: {  	[tilespmem:s0+$0x8470] =	vst.add.f32.msk $0xffff, v8  }
0x11b: {  	[tilespmem:s0+$0x8800] =	vst.add.f32.msk $0xffff, v9  }
0x11c: {  	[tilespmem:s0+$0x8810] =	vst.add.f32.msk $0xffff, v10  }
0x11d: {  	[tilespmem:s0+$0x8820] =	vst.add.f32.msk $0xffff, v11  }
0x11e: {  	[tilespmem:s0+$0x8830] =	vst.add.f32.msk $0xffff, v12  }
0x11f: {  	[tilespmem:s0+$0x8840] =	vst.add.f32.msk $0xffff, v13  }
0x120: {  	[tilespmem:s0+$0x8850] =	vst.add.f32.msk $0xffff, v14  }
0x121: {  	[tilespmem:s0+$0x8860] =	vst.add.f32.msk $0xffff, v15  }
0x122: {  	[tilespmem:s0+$0x8870] =	vst.add.f32.msk $0xffff, v16  }
0x123: {  	[tilespmem:s0+$0x8C00] =	vst.add.f32.msk $0xffff, v17  }
0x124: {  	[tilespmem:s0+$0x8C10] =	vst.add.f32.msk $0xffff, v18  }
0x125: {  	[tilespmem:s0+$0x8C20] =	vst.add.f32.msk $0xffff, v19  }
0x126: {  	[tilespmem:s0+$0x8C30] =	vst.add.f32.msk $0xffff, v20  }
0x127: {  	[tilespmem:s0+$0x8C40] =	vst.add.f32.msk $0xffff, v21  }
0x128: {  	[tilespmem:s0+$0x8C50] =	vst.add.f32.msk $0xffff, v22  }
0x129: {  	[tilespmem:s0+$0x8C60] =	vst.add.f32.msk $0xffff, v23  }
0x12a: {  	[tilespmem:s0+$0x8C70] =	vst.add.f32.msk $0xffff, v24  }
0x12b: {  	[tilespmem:s0+$0x9000] =	vst.add.f32.msk $0xffff, v25  }
0x12c: {  	[tilespmem:s0+$0x9010] =	vst.add.f32.msk $0xffff, v26  }
0x12d: {  	[tilespmem:s0+$0x9020] =	vst.add.f32.msk $0xffff, v27  }
0x12e: {  	[tilespmem:s0+$0x9030] =	vst.add.f32.msk $0xffff, v28  }
0x12f: {  	[tilespmem:s0+$0x9040] =	vst.add.f32.msk $0xffff, v29  }
0x130: {  	[tilespmem:s0+$0x9050] =	vst.add.f32.msk $0xffff, v30  }
0x131: {  	[tilespmem:s0+$0x9060] =	vst.add.f32.msk $0xffff, v31  }
0x132: {  	[tilespmem:s0+$0x9070] =	vst.add.f32.msk $0xffff, v32  }
0x133: {  	[tilespmem:s0+$0x9400] =	vst.add.f32.msk $0xffff, v33  }
0x134: {  	[tilespmem:s0+$0x9410] =	vst.add.f32.msk $0xffff, v34  }
0x135: {  	[tilespmem:s0+$0x9420] =	vst.add.f32.msk $0xffff, v35  }
0x136: {  	[tilespmem:s0+$0x9430] =	vst.add.f32.msk $0xffff, v36  }
0x137: {  	[tilespmem:s0+$0x9440] =	vst.add.f32.msk $0xffff, v37  }
0x138: {  	[tilespmem:s0+$0x9450] =	vst.add.f32.msk $0xffff, v38  }
0x139: {  	[tilespmem:s0+$0x9460] =	vst.add.f32.msk $0xffff, v39  }
0x13a: {  	[tilespmem:s0+$0x9470] =	vst.add.f32.msk $0xffff, v40  }
0x13b: {  	[tilespmem:s0+$0x9800] =	vst.add.f32.msk $0xffff, v41  }
0x13c: {  	[tilespmem:s0+$0x9810] =	vst.add.f32.msk $0xffff, v42  }
0x13d: {  	[tilespmem:s0+$0x9820] =	vst.add.f32.msk $0xffff, v43  }
0x13e: {  	[tilespmem:s0+$0x9830] =	vst.add.f32.msk $0xffff, v44  }
0x13f: {  	[tilespmem:s0+$0x9840] =	vst.add.f32.msk $0xffff, v45  }
0x140: {  	[tilespmem:s0+$0x9850] =	vst.add.f32.msk $0xffff, v46  }
0x141: {  	[tilespmem:s0+$0x9860] =	vst.add.f32.msk $0xffff, v47  }
0x142: {  	[tilespmem:s0+$0x9870] =	vst.add.f32.msk $0xffff, v48  }
0x143: {  	[tilespmem:s0+$0x9C00] =	vst.add.f32.msk $0xffff, v49  }
0x144: {  	[tilespmem:s0+$0x9C10] =	vst.add.f32.msk $0xffff, v50  }
0x145: {  	[tilespmem:s0+$0x9C20] =	vst.add.f32.msk $0xffff, v51  }
0x146: {  	[tilespmem:s0+$0x9C30] =	vst.add.f32.msk $0xffff, v52  }
0x147: {  	[tilespmem:s0+$0x9C40] =	vst.add.f32.msk $0xffff, v53  }
0x148: {  	[tilespmem:s0+$0x9C50] =	vst.add.f32.msk $0xffff, v54  }
0x149: {  	[tilespmem:s0+$0x9C60] =	vst.add.f32.msk $0xffff, v55  }
0x14a: {  	[tilespmem:s0+$0x9C70] =	vst.add.f32.msk $0xffff, v56  }
0x14b: {  	[tilespmem:s0+$0xA000] =	vst.add.f32.msk $0xffff, v57  }
0x14c: {  	[tilespmem:s0+$0xA010] =	vst.add.f32.msk $0xffff, v58  }
0x14d: {  	[tilespmem:s0+$0xA020] =	vst.add.f32.msk $0xffff, v59  }
0x14e: {  	[tilespmem:s0+$0xA030] =	vst.add.f32.msk $0xffff, v60  }
0x14f: {  	[tilespmem:s0+$0xA040] =	vst.add.f32.msk $0xffff, v61  }
0x150: {  	[tilespmem:s0+$0xA050] =	vst.add.f32.msk $0xffff, v62  }
0x151: {  	s20 =	sshll.u32 s16, $0xC;
	[tilespmem:s0+$0xA060] =	vst.add.f32.msk $0xffff, v63  }
0x152: {  	s21 =	sadd.s32 s20, s14;
	[tilespmem:s0+$0x8440] =	vst.add.f32.msk $0xffff, v0;
	s0 =	simm.s32 @!p0 $0xC  }
0x153: {  	[hbm4b:s21+s5] =	stream.linear.scatter [tilespmem:s17], [sflag:$0x9], $0x2000, $0x38;
	[tilespmem:$0x10400] =	vst v63  }
0x154: {  	_ =	swait.ge @!p0 [sflag:s0], $0x2000  }
0x155: {  	s29 =	sor.u32 $0x3, s29;
	[sflag:s0] =	ssyncset.done @!p0 $0x0  }
0x156: {  	[sflag:s0] =	ssyncadd.s32 @!p0 $0xFFFFE000;
	s0 =	sshll.u32 s29, $0x3  }
0x157: {  	v0 =	vld.msk [tilespmem:s0+$0x0], $0xff;
	_ =	sdelay $0x4  }
0x158: {  	v2 =	vshll.u32 v0, $0x3  }
0x159: {  	v0 =	vand.u32 $0x7, v0;
	v2 =	vand.u32 $0xFFFFFFC0, v2  }
0x15a: {  	v0 =	vor.u32 v0, v2;
	v2 =	vld [tilespmem:$0x1FFF0];
	_ =	sdelay $0x4  }
0x15b: {  	v0 =	vperm.xlane v0, v2;
	_ =	sdelay $0x1  }
0x15c: {  	v0 =	vadd.s32 v1, v0;
	_ =	sdelay $0x3  }
0x15d: {  	s20 =	simm.s32 $0x0  }
0x15e: {  	[tilespmem:s19], [sflag:$0x4] =	stream.indirect_vreg.gather [hbm4b:s2+s20], $0x80, v0, vm0, $0xb8;
	[tilespmem:$0x10400] =	vst v63  }
0x15f: {  	s21 =	simm.s32 $0xEC00  }
0x160: {  	[tilespmem:s21], [sflag:$0x4] =	stream.indirect_vreg.gather [hbm4b:s9+s20], $0x80, v0, vm0, $0xb8;
	[tilespmem:$0x10400] =	vst v63  }
0x161: {  	s0 =	sadd.s32 s6, s0;
	s21 =	simm.s32 $0xF400  }
0x162: {  	[tilespmem:s21], [sflag:$0x4] =	stream.indirect_vreg.gather [hbm4b:s11+s20], $0x80, v0, vm0, $0xb8;
	[tilespmem:$0x10400] =	vst v63  }
0x163: {  	s0 =	sshll.u32 s0, $0x7  }
0x164: {  	[tilespmem:s23], [sflag:$0x4] =	stream.indirect_vreg.gather [hbm4b:s12+s20], $0x80, v0, vm0, $0xb8;
	[tilespmem:$0x10400] =	vst v63  }
0x165: {  	s0 =	sadd.s32 s1, s0  }
0x166: {  	[tilespmem:s24], [sflag:$0x8] =	stream.linear.gather [hbm4b:s0+s20], $0x2000, $0x38;
	[tilespmem:$0x10400] =	vst v63  }
0x167: {  	_ =	swait.ge [sflag:s25], $0x2000  }
0x168: {  	[sflag:s25] =	ssyncset.done $0x0  }
0x169: {  	[sflag:s25] =	ssyncadd.s32 $0xFFFFE000  }
0x16a: {  	_ =	swait.ge [sflag:s26], $0x2000  }
0x16b: {  	[sflag:s26] =	ssyncset.done $0x0  }
0x16c: {  	s31 =	simm.s32 $0x200;
	s0 =	simm.s32 $0x0;
	[sflag:s26] =	ssyncadd.s32 $0xFFFFE000  }
.LBB2_5:
0x16d: {  	p0 =	sne.s32 s31, $0xE00;
	v0 =	vld [tilespmem:s0+$0x4070]  }
0x16e: {  	v2 =	vld [tilespmem:s0+$0x2400]  }
0x16f: {  	v3 =	vld [tilespmem:s0+$0x2410]  }
0x170: {  	v4 =	vld [tilespmem:s0+$0x2420]  }
0x171: {  	v5 =	vld [tilespmem:s0+$0x2430]  }
0x172: {  	[tilespmem:s0+$0xC070] =	vst.add.f32.msk $0xffff, v0  }
0x173: {  	v0 =	vld [tilespmem:s0+$0x2440]  }
0x174: {  	v6 =	vld [tilespmem:s0+$0x2450]  }
0x175: {  	v7 =	vld [tilespmem:s0+$0x2460]  }
0x176: {  	v8 =	vld [tilespmem:s0+$0x2470]  }
0x177: {  	v9 =	vld [tilespmem:s0+$0x2800]  }
0x178: {  	v10 =	vld [tilespmem:s0+$0x2810]  }
0x179: {  	v11 =	vld [tilespmem:s0+$0x2820]  }
0x17a: {  	v12 =	vld [tilespmem:s0+$0x2830]  }
0x17b: {  	v13 =	vld [tilespmem:s0+$0x2840]  }
0x17c: {  	v14 =	vld [tilespmem:s0+$0x2850]  }
0x17d: {  	v15 =	vld [tilespmem:s0+$0x2860]  }
0x17e: {  	v16 =	vld [tilespmem:s0+$0x2870]  }
0x17f: {  	v17 =	vld [tilespmem:s0+$0x2C00]  }
0x180: {  	v18 =	vld [tilespmem:s0+$0x2C10]  }
0x181: {  	v19 =	vld [tilespmem:s0+$0x2C20]  }
0x182: {  	v20 =	vld [tilespmem:s0+$0x2C30]  }
0x183: {  	v21 =	vld [tilespmem:s0+$0x2C40]  }
0x184: {  	v22 =	vld [tilespmem:s0+$0x2C50]  }
0x185: {  	v23 =	vld [tilespmem:s0+$0x2C60]  }
0x186: {  	v24 =	vld [tilespmem:s0+$0x2C70]  }
0x187: {  	v25 =	vld [tilespmem:s0+$0x3000]  }
0x188: {  	v26 =	vld [tilespmem:s0+$0x3010]  }
0x189: {  	v27 =	vld [tilespmem:s0+$0x3020]  }
0x18a: {  	v28 =	vld [tilespmem:s0+$0x3030]  }
0x18b: {  	v29 =	vld [tilespmem:s0+$0x3040]  }
0x18c: {  	v30 =	vld [tilespmem:s0+$0x3050]  }
0x18d: {  	v31 =	vld [tilespmem:s0+$0x3060]  }
0x18e: {  	v32 =	vld [tilespmem:s0+$0x3070]  }
0x18f: {  	v33 =	vld [tilespmem:s0+$0x3400]  }
0x190: {  	v34 =	vld [tilespmem:s0+$0x3410]  }
0x191: {  	v35 =	vld [tilespmem:s0+$0x3420]  }
0x192: {  	v36 =	vld [tilespmem:s0+$0x3430]  }
0x193: {  	v37 =	vld [tilespmem:s0+$0x3440]  }
0x194: {  	v38 =	vld [tilespmem:s0+$0x3450]  }
0x195: {  	v39 =	vld [tilespmem:s0+$0x3460]  }
0x196: {  	v40 =	vld [tilespmem:s0+$0x3470]  }
0x197: {  	v41 =	vld [tilespmem:s0+$0x3800]  }
0x198: {  	v42 =	vld [tilespmem:s0+$0x3810]  }
0x199: {  	v43 =	vld [tilespmem:s0+$0x3820]  }
0x19a: {  	v44 =	vld [tilespmem:s0+$0x3830]  }
0x19b: {  	v45 =	vld [tilespmem:s0+$0x3840]  }
0x19c: {  	v46 =	vld [tilespmem:s0+$0x3850]  }
0x19d: {  	v47 =	vld [tilespmem:s0+$0x3860]  }
0x19e: {  	v48 =	vld [tilespmem:s0+$0x3870]  }
0x19f: {  	v49 =	vld [tilespmem:s0+$0x3C00]  }
0x1a0: {  	v50 =	vld [tilespmem:s0+$0x3C10]  }
0x1a1: {  	v51 =	vld [tilespmem:s0+$0x3C20]  }
0x1a2: {  	v52 =	vld [tilespmem:s0+$0x3C30]  }
0x1a3: {  	v53 =	vld [tilespmem:s0+$0x3C40]  }
0x1a4: {  	v54 =	vld [tilespmem:s0+$0x3C50]  }
0x1a5: {  	v55 =	vld [tilespmem:s0+$0x3C60]  }
0x1a6: {  	v56 =	vld [tilespmem:s0+$0x3C70]  }
0x1a7: {  	v57 =	vld [tilespmem:s0+$0x4000]  }
0x1a8: {  	v58 =	vld [tilespmem:s0+$0x4010]  }
0x1a9: {  	v59 =	vld [tilespmem:s0+$0x4020]  }
0x1aa: {  	v60 =	vld [tilespmem:s0+$0x4030]  }
0x1ab: {  	v61 =	vld [tilespmem:s0+$0x4040]  }
0x1ac: {  	v62 =	vld [tilespmem:s0+$0x4050]  }
0x1ad: {  	v63 =	vld [tilespmem:s0+$0x4060]  }
0x1ae: {  	[tilespmem:s0+$0xA400] =	vst.add.f32.msk $0xffff, v2  }
0x1af: {  	[tilespmem:s0+$0xA410] =	vst.add.f32.msk $0xffff, v3  }
0x1b0: {  	[tilespmem:s0+$0xA420] =	vst.add.f32.msk $0xffff, v4  }
0x1b1: {  	[tilespmem:s0+$0xA430] =	vst.add.f32.msk $0xffff, v5  }
0x1b2: {  	[tilespmem:s0+$0xA440] =	vst.add.f32.msk $0xffff, v0  }
0x1b3: {  	[tilespmem:s0+$0xA450] =	vst.add.f32.msk $0xffff, v6  }
0x1b4: {  	[tilespmem:s0+$0xA460] =	vst.add.f32.msk $0xffff, v7  }
0x1b5: {  	[tilespmem:s0+$0xA470] =	vst.add.f32.msk $0xffff, v8  }
0x1b6: {  	[tilespmem:s0+$0xA800] =	vst.add.f32.msk $0xffff, v9  }
0x1b7: {  	[tilespmem:s0+$0xA810] =	vst.add.f32.msk $0xffff, v10  }
0x1b8: {  	[tilespmem:s0+$0xA820] =	vst.add.f32.msk $0xffff, v11  }
0x1b9: {  	[tilespmem:s0+$0xA830] =	vst.add.f32.msk $0xffff, v12  }
0x1ba: {  	[tilespmem:s0+$0xA840] =	vst.add.f32.msk $0xffff, v13  }
0x1bb: {  	[tilespmem:s0+$0xA850] =	vst.add.f32.msk $0xffff, v14  }
0x1bc: {  	[tilespmem:s0+$0xA860] =	vst.add.f32.msk $0xffff, v15  }
0x1bd: {  	[tilespmem:s0+$0xA870] =	vst.add.f32.msk $0xffff, v16  }
0x1be: {  	[tilespmem:s0+$0xAC00] =	vst.add.f32.msk $0xffff, v17  }
0x1bf: {  	[tilespmem:s0+$0xAC10] =	vst.add.f32.msk $0xffff, v18  }
0x1c0: {  	[tilespmem:s0+$0xAC20] =	vst.add.f32.msk $0xffff, v19  }
0x1c1: {  	[tilespmem:s0+$0xAC30] =	vst.add.f32.msk $0xffff, v20  }
0x1c2: {  	[tilespmem:s0+$0xAC40] =	vst.add.f32.msk $0xffff, v21  }
0x1c3: {  	[tilespmem:s0+$0xAC50] =	vst.add.f32.msk $0xffff, v22  }
0x1c4: {  	[tilespmem:s0+$0xAC60] =	vst.add.f32.msk $0xffff, v23  }
0x1c5: {  	[tilespmem:s0+$0xAC70] =	vst.add.f32.msk $0xffff, v24  }
0x1c6: {  	[tilespmem:s0+$0xB000] =	vst.add.f32.msk $0xffff, v25  }
0x1c7: {  	[tilespmem:s0+$0xB010] =	vst.add.f32.msk $0xffff, v26  }
0x1c8: {  	[tilespmem:s0+$0xB020] =	vst.add.f32.msk $0xffff, v27  }
0x1c9: {  	[tilespmem:s0+$0xB030] =	vst.add.f32.msk $0xffff, v28  }
0x1ca: {  	[tilespmem:s0+$0xB040] =	vst.add.f32.msk $0xffff, v29  }
0x1cb: {  	[tilespmem:s0+$0xB050] =	vst.add.f32.msk $0xffff, v30  }
0x1cc: {  	[tilespmem:s0+$0xB060] =	vst.add.f32.msk $0xffff, v31  }
0x1cd: {  	[tilespmem:s0+$0xB070] =	vst.add.f32.msk $0xffff, v32  }
0x1ce: {  	[tilespmem:s0+$0xB400] =	vst.add.f32.msk $0xffff, v33  }
0x1cf: {  	[tilespmem:s0+$0xB410] =	vst.add.f32.msk $0xffff, v34  }
0x1d0: {  	[tilespmem:s0+$0xB420] =	vst.add.f32.msk $0xffff, v35  }
0x1d1: {  	[tilespmem:s0+$0xB430] =	vst.add.f32.msk $0xffff, v36  }
0x1d2: {  	[tilespmem:s0+$0xB440] =	vst.add.f32.msk $0xffff, v37  }
0x1d3: {  	[tilespmem:s0+$0xB450] =	vst.add.f32.msk $0xffff, v38  }
0x1d4: {  	[tilespmem:s0+$0xB460] =	vst.add.f32.msk $0xffff, v39  }
0x1d5: {  	[tilespmem:s0+$0xB470] =	vst.add.f32.msk $0xffff, v40  }
0x1d6: {  	[tilespmem:s0+$0xB800] =	vst.add.f32.msk $0xffff, v41  }
0x1d7: {  	[tilespmem:s0+$0xB810] =	vst.add.f32.msk $0xffff, v42  }
0x1d8: {  	[tilespmem:s0+$0xB820] =	vst.add.f32.msk $0xffff, v43  }
0x1d9: {  	[tilespmem:s0+$0xB830] =	vst.add.f32.msk $0xffff, v44  }
0x1da: {  	[tilespmem:s0+$0xB840] =	vst.add.f32.msk $0xffff, v45  }
0x1db: {  	[tilespmem:s0+$0xB850] =	vst.add.f32.msk $0xffff, v46  }
0x1dc: {  	[tilespmem:s0+$0xB860] =	vst.add.f32.msk $0xffff, v47  }
0x1dd: {  	[tilespmem:s0+$0xB870] =	vst.add.f32.msk $0xffff, v48  }
0x1de: {  	[tilespmem:s0+$0xBC00] =	vst.add.f32.msk $0xffff, v49  }
0x1df: {  	[tilespmem:s0+$0xBC10] =	vst.add.f32.msk $0xffff, v50  }
0x1e0: {  	[tilespmem:s0+$0xBC20] =	vst.add.f32.msk $0xffff, v51  }
0x1e1: {  	[tilespmem:s0+$0xBC30] =	vst.add.f32.msk $0xffff, v52  }
0x1e2: {  	[tilespmem:s0+$0xBC40] =	vst.add.f32.msk $0xffff, v53  }
0x1e3: {  	[tilespmem:s0+$0xBC50] =	vst.add.f32.msk $0xffff, v54  }
0x1e4: {  	[tilespmem:s0+$0xBC60] =	vst.add.f32.msk $0xffff, v55  }
0x1e5: {  	[tilespmem:s0+$0xBC70] =	vst.add.f32.msk $0xffff, v56  }
0x1e6: {  	[tilespmem:s0+$0xC000] =	vst.add.f32.msk $0xffff, v57  }
0x1e7: {  	[tilespmem:s0+$0xC010] =	vst.add.f32.msk $0xffff, v58  }
.Ltmp1:
0x1e8: {  	[tilespmem:s0+$0xC020] =	vst.add.f32.msk $0xffff, v59;
	(pc) =	sbr.rel @p0 .LBB2_5-.Ltmp1, $4  }
0x1e9: {  	[tilespmem:s0+$0xC030] =	vst.add.f32.msk $0xffff, v60  }
0x1ea: {  	[tilespmem:s0+$0xC040] =	vst.add.f32.msk $0xffff, v61  }
0x1eb: {  	[tilespmem:s0+$0xC050] =	vst.add.f32.msk $0xffff, v62  }
0x1ec: {  	[tilespmem:s0+$0xC060] =	vst.add.f32.msk $0xffff, v63;
	s0 =	sshra.s32 s31, $0x2;
	s31 =	sadd.s32 $0x200, s31  }
0x1ed: {  	v0 =	vld [tilespmem:s0+$0x4070]  }
0x1ee: {  	v2 =	vld [tilespmem:s0+$0x2400]  }
0x1ef: {  	v3 =	vld [tilespmem:s0+$0x2410]  }
0x1f0: {  	v4 =	vld [tilespmem:s0+$0x2420]  }
0x1f1: {  	v5 =	vld [tilespmem:s0+$0x2430]  }
0x1f2: {  	v6 =	vld [tilespmem:s0+$0x2450]  }
0x1f3: {  	v7 =	vld [tilespmem:s0+$0x2460]  }
0x1f4: {  	v8 =	vld [tilespmem:s0+$0x2470]  }
0x1f5: {  	v9 =	vld [tilespmem:s0+$0x2800]  }
0x1f6: {  	v10 =	vld [tilespmem:s0+$0x2810]  }
0x1f7: {  	v11 =	vld [tilespmem:s0+$0x2820]  }
0x1f8: {  	v12 =	vld [tilespmem:s0+$0x2830]  }
0x1f9: {  	v13 =	vld [tilespmem:s0+$0x2840]  }
0x1fa: {  	v14 =	vld [tilespmem:s0+$0x2850]  }
0x1fb: {  	v15 =	vld [tilespmem:s0+$0x2860]  }
0x1fc: {  	v16 =	vld [tilespmem:s0+$0x2870]  }
0x1fd: {  	v17 =	vld [tilespmem:s0+$0x2C00]  }
0x1fe: {  	v18 =	vld [tilespmem:s0+$0x2C10]  }
0x1ff: {  	v19 =	vld [tilespmem:s0+$0x2C20]  }
0x200: {  	v20 =	vld [tilespmem:s0+$0x2C30]  }
0x201: {  	v21 =	vld [tilespmem:s0+$0x2C40]  }
0x202: {  	v22 =	vld [tilespmem:s0+$0x2C50]  }
0x203: {  	v23 =	vld [tilespmem:s0+$0x2C60]  }
0x204: {  	v24 =	vld [tilespmem:s0+$0x2C70]  }
0x205: {  	v25 =	vld [tilespmem:s0+$0x3000]  }
0x206: {  	v26 =	vld [tilespmem:s0+$0x3010]  }
0x207: {  	v27 =	vld [tilespmem:s0+$0x3020]  }
0x208: {  	v28 =	vld [tilespmem:s0+$0x3030]  }
0x209: {  	v29 =	vld [tilespmem:s0+$0x3040]  }
0x20a: {  	v30 =	vld [tilespmem:s0+$0x3050]  }
0x20b: {  	v31 =	vld [tilespmem:s0+$0x3060]  }
0x20c: {  	v32 =	vld [tilespmem:s0+$0x3070]  }
0x20d: {  	v33 =	vld [tilespmem:s0+$0x3400]  }
0x20e: {  	v34 =	vld [tilespmem:s0+$0x3410]  }
0x20f: {  	v35 =	vld [tilespmem:s0+$0x3420]  }
0x210: {  	v36 =	vld [tilespmem:s0+$0x3430]  }
0x211: {  	v37 =	vld [tilespmem:s0+$0x3440]  }
0x212: {  	v38 =	vld [tilespmem:s0+$0x3450]  }
0x213: {  	v39 =	vld [tilespmem:s0+$0x3460]  }
0x214: {  	v40 =	vld [tilespmem:s0+$0x3470]  }
0x215: {  	v41 =	vld [tilespmem:s0+$0x3800]  }
0x216: {  	v42 =	vld [tilespmem:s0+$0x3810]  }
0x217: {  	v43 =	vld [tilespmem:s0+$0x3820]  }
0x218: {  	v44 =	vld [tilespmem:s0+$0x3830]  }
0x219: {  	v45 =	vld [tilespmem:s0+$0x3840]  }
0x21a: {  	v46 =	vld [tilespmem:s0+$0x3850]  }
0x21b: {  	v47 =	vld [tilespmem:s0+$0x3860]  }
0x21c: {  	v48 =	vld [tilespmem:s0+$0x3870]  }
0x21d: {  	v49 =	vld [tilespmem:s0+$0x3C00]  }
0x21e: {  	v50 =	vld [tilespmem:s0+$0x3C10]  }
0x21f: {  	v51 =	vld [tilespmem:s0+$0x3C20]  }
0x220: {  	v52 =	vld [tilespmem:s0+$0x3C30]  }
0x221: {  	v53 =	vld [tilespmem:s0+$0x3C40]  }
0x222: {  	v54 =	vld [tilespmem:s0+$0x3C50]  }
0x223: {  	v55 =	vld [tilespmem:s0+$0x3C60]  }
0x224: {  	v56 =	vld [tilespmem:s0+$0x3C70]  }
0x225: {  	v57 =	vld [tilespmem:s0+$0x4000]  }
0x226: {  	v58 =	vld [tilespmem:s0+$0x4010]  }
0x227: {  	v59 =	vld [tilespmem:s0+$0x4020]  }
0x228: {  	v60 =	vld [tilespmem:s0+$0x4030]  }
0x229: {  	v61 =	vld [tilespmem:s0+$0x4040]  }
0x22a: {  	v62 =	vld [tilespmem:s0+$0x4050]  }
0x22b: {  	v63 =	vld [tilespmem:s0+$0x4060]  }
0x22c: {  	[tilespmem:s0+$0xC070] =	vst.add.f32.msk $0xffff, v0  }
0x22d: {  	v0 =	vld [tilespmem:s0+$0x2440]  }
0x22e: {  	[tilespmem:s0+$0xA400] =	vst.add.f32.msk $0xffff, v2  }
0x22f: {  	[tilespmem:s0+$0xA410] =	vst.add.f32.msk $0xffff, v3  }
0x230: {  	[tilespmem:s0+$0xA420] =	vst.add.f32.msk $0xffff, v4  }
0x231: {  	[tilespmem:s0+$0xA430] =	vst.add.f32.msk $0xffff, v5  }
0x232: {  	[tilespmem:s0+$0xA450] =	vst.add.f32.msk $0xffff, v6  }
0x233: {  	[tilespmem:s0+$0xA460] =	vst.add.f32.msk $0xffff, v7  }
0x234: {  	[tilespmem:s0+$0xA470] =	vst.add.f32.msk $0xffff, v8  }
0x235: {  	[tilespmem:s0+$0xA800] =	vst.add.f32.msk $0xffff, v9  }
0x236: {  	[tilespmem:s0+$0xA810] =	vst.add.f32.msk $0xffff, v10  }
0x237: {  	[tilespmem:s0+$0xA820] =	vst.add.f32.msk $0xffff, v11  }
0x238: {  	[tilespmem:s0+$0xA830] =	vst.add.f32.msk $0xffff, v12  }
0x239: {  	[tilespmem:s0+$0xA840] =	vst.add.f32.msk $0xffff, v13  }
0x23a: {  	[tilespmem:s0+$0xA850] =	vst.add.f32.msk $0xffff, v14  }
0x23b: {  	[tilespmem:s0+$0xA860] =	vst.add.f32.msk $0xffff, v15  }
0x23c: {  	[tilespmem:s0+$0xA870] =	vst.add.f32.msk $0xffff, v16  }
0x23d: {  	[tilespmem:s0+$0xAC00] =	vst.add.f32.msk $0xffff, v17  }
0x23e: {  	[tilespmem:s0+$0xAC10] =	vst.add.f32.msk $0xffff, v18  }
0x23f: {  	[tilespmem:s0+$0xAC20] =	vst.add.f32.msk $0xffff, v19  }
0x240: {  	[tilespmem:s0+$0xAC30] =	vst.add.f32.msk $0xffff, v20  }
0x241: {  	[tilespmem:s0+$0xAC40] =	vst.add.f32.msk $0xffff, v21  }
0x242: {  	[tilespmem:s0+$0xAC50] =	vst.add.f32.msk $0xffff, v22  }
0x243: {  	[tilespmem:s0+$0xAC60] =	vst.add.f32.msk $0xffff, v23  }
0x244: {  	[tilespmem:s0+$0xAC70] =	vst.add.f32.msk $0xffff, v24  }
0x245: {  	[tilespmem:s0+$0xB000] =	vst.add.f32.msk $0xffff, v25  }
0x246: {  	[tilespmem:s0+$0xB010] =	vst.add.f32.msk $0xffff, v26  }
0x247: {  	[tilespmem:s0+$0xB020] =	vst.add.f32.msk $0xffff, v27  }
0x248: {  	[tilespmem:s0+$0xB030] =	vst.add.f32.msk $0xffff, v28  }
0x249: {  	[tilespmem:s0+$0xB040] =	vst.add.f32.msk $0xffff, v29  }
0x24a: {  	[tilespmem:s0+$0xB050] =	vst.add.f32.msk $0xffff, v30  }
0x24b: {  	[tilespmem:s0+$0xB060] =	vst.add.f32.msk $0xffff, v31  }
0x24c: {  	[tilespmem:s0+$0xB070] =	vst.add.f32.msk $0xffff, v32  }
0x24d: {  	[tilespmem:s0+$0xB400] =	vst.add.f32.msk $0xffff, v33  }
0x24e: {  	[tilespmem:s0+$0xB410] =	vst.add.f32.msk $0xffff, v34  }
0x24f: {  	[tilespmem:s0+$0xB420] =	vst.add.f32.msk $0xffff, v35  }
0x250: {  	[tilespmem:s0+$0xB430] =	vst.add.f32.msk $0xffff, v36  }
0x251: {  	[tilespmem:s0+$0xB440] =	vst.add.f32.msk $0xffff, v37  }
0x252: {  	[tilespmem:s0+$0xB450] =	vst.add.f32.msk $0xffff, v38  }
0x253: {  	[tilespmem:s0+$0xB460] =	vst.add.f32.msk $0xffff, v39  }
0x254: {  	[tilespmem:s0+$0xB470] =	vst.add.f32.msk $0xffff, v40  }
0x255: {  	[tilespmem:s0+$0xB800] =	vst.add.f32.msk $0xffff, v41  }
0x256: {  	[tilespmem:s0+$0xB810] =	vst.add.f32.msk $0xffff, v42  }
0x257: {  	[tilespmem:s0+$0xB820] =	vst.add.f32.msk $0xffff, v43  }
0x258: {  	[tilespmem:s0+$0xB830] =	vst.add.f32.msk $0xffff, v44  }
0x259: {  	[tilespmem:s0+$0xB840] =	vst.add.f32.msk $0xffff, v45  }
0x25a: {  	[tilespmem:s0+$0xB850] =	vst.add.f32.msk $0xffff, v46  }
0x25b: {  	[tilespmem:s0+$0xB860] =	vst.add.f32.msk $0xffff, v47  }
0x25c: {  	[tilespmem:s0+$0xB870] =	vst.add.f32.msk $0xffff, v48  }
0x25d: {  	[tilespmem:s0+$0xBC00] =	vst.add.f32.msk $0xffff, v49  }
0x25e: {  	[tilespmem:s0+$0xBC10] =	vst.add.f32.msk $0xffff, v50  }
0x25f: {  	[tilespmem:s0+$0xBC20] =	vst.add.f32.msk $0xffff, v51  }
0x260: {  	[tilespmem:s0+$0xBC30] =	vst.add.f32.msk $0xffff, v52  }
0x261: {  	[tilespmem:s0+$0xBC40] =	vst.add.f32.msk $0xffff, v53  }
0x262: {  	[tilespmem:s0+$0xBC50] =	vst.add.f32.msk $0xffff, v54  }
0x263: {  	[tilespmem:s0+$0xBC60] =	vst.add.f32.msk $0xffff, v55  }
0x264: {  	[tilespmem:s0+$0xBC70] =	vst.add.f32.msk $0xffff, v56  }
0x265: {  	[tilespmem:s0+$0xC000] =	vst.add.f32.msk $0xffff, v57  }
0x266: {  	[tilespmem:s0+$0xC010] =	vst.add.f32.msk $0xffff, v58  }
0x267: {  	[tilespmem:s0+$0xC020] =	vst.add.f32.msk $0xffff, v59  }
0x268: {  	s31 =	sshll.u32 s16, $0x5;
	[tilespmem:s0+$0xC030] =	vst.add.f32.msk $0xffff, v60  }
0x269: {  	s20 =	sadd.s32 s31, s6;
	[tilespmem:s0+$0xC040] =	vst.add.f32.msk $0xffff, v61  }
0x26a: {  	s20 =	sshll.u32 s20, $0x7;
	[tilespmem:s0+$0xC050] =	vst.add.f32.msk $0xffff, v62  }
0x26b: {  	p0 =	seq.s32 s16, $0x1F;
	s20 =	sadd.s32 s3, s20;
	[tilespmem:s0+$0xC060] =	vst.add.f32.msk $0xffff, v63  }
0x26c: {  	s21 =	sadd.s32 $0x400, s20;
	[tilespmem:s0+$0xA440] =	vst.add.f32.msk $0xffff, v0;
	s0 =	simm.s32 @!p0 $0x9  }
0x26d: {  	[hbm4b:s21+s5] =	stream.linear.scatter [tilespmem:s22], [sflag:$0xA], $0x2000, $0x38;
	[tilespmem:$0x10400] =	vst v63  }
0x26e: {  	_ =	swait.ge @!p0 [sflag:s0], $0x2000  }
0x26f: {  	[sflag:s0] =	ssyncset.done @!p0 $0x0  }
0x270: {  	[sflag:s0] =	ssyncadd.s32 @!p0 $0xFFFFE000  }
0x271: {  	v0 =	vld.msk @!p0 [tilespmem:s31+$0x20], $0xff;
	_ =	sdelay $0x4  }
0x272: {  	v2 =	vshll.u32 @!p0 v0, $0x3  }
0x273: {  	v3 =	vlaneseq.u32 @!p0;
	v0 =	vand.u32 @!p0 $0x7, v0;
	v2 =	vand.u32 @!p0 $0xFFFFFFC0, v2  }
0x274: {  	v0 =	vor.u32 @!p0 v0, v2;
	v2 =	vand.u32 @!p0 $0x7, v3;
	v3 =	vshrl.u32 @!p0 v3, $0x3  }
0x275: {  	v0 =	vperm.xlane @!p0 v0, v2;
	v2 =	vmul.u32 @!p0 $0x8, v3;
	_ =	sdelay $0x1  }
0x276: {  	v0 =	vadd.s32 @!p0 v2, v0;
	_ =	sdelay $0x3  }
0x277: {  	vm1 =	vmmov @!p0 $0xffff;
	s20 =	simm.s32 @!p0 $0x8400;
	s0 =	simm.s32 @!p0 $0x0  }
0x278: {  	[tilespmem:s20], [sflag:$0x1] =	stream.indirect_vreg.gather @!p0 [hbm4b:s2+s0], $0x80, v0, vm1, $0xb8;
	[tilespmem:$0x10400] =	vst v63  }
0x279: {  	s20 =	simm.s32 @!p0 $0x8C00  }
0x27a: {  	[tilespmem:s20], [sflag:$0x1] =	stream.indirect_vreg.gather @!p0 [hbm4b:s9+s0], $0x80, v0, vm1, $0xb8;
	[tilespmem:$0x10400] =	vst v63  }
0x27b: {  	s20 =	simm.s32 @!p0 $0x9400  }
0x27c: {  	[tilespmem:s20], [sflag:$0x1] =	stream.indirect_vreg.gather @!p0 [hbm4b:s11+s0], $0x80, v0, vm1, $0xb8;
	[tilespmem:$0x10400] =	vst v63  }
0x27d: {  	s20 =	sadd.s32 @!p0 $0x20, s31  }
0x27e: {  	s21 =	simm.s32 @!p0 $0x9C00;
	s20 =	sadd.s32 @!p0 s6, s20  }
0x27f: {  	[tilespmem:s21], [sflag:$0x1] =	stream.indirect_vreg.gather @!p0 [hbm4b:s12+s0], $0x80, v0, vm1, $0xb8;
	[tilespmem:$0x10400] =	vst v63  }
0x280: {  	s20 =	sshll.u32 @!p0 s20, $0x7  }
0x281: {  	s21 =	simm.s32 @!p0 $0x400;
	s20 =	sadd.s32 @!p0 s1, s20  }
0x282: {  	[tilespmem:s21], [sflag:$0x5] =	stream.linear.gather @!p0 [hbm4b:s20+s0], $0x2000, $0x38;
	[tilespmem:$0x10400] =	vst v63  }
0x283: {  	_ =	swait.ge [sflag:s8], $0x2000  }
0x284: {  	[sflag:s8] =	ssyncset.done $0x0  }
0x285: {  	[sflag:s8] =	ssyncadd.s32 $0xFFFFE000  }
0x286: {  	_ =	swait.ge [sflag:s13], $0x2000  }
0x287: {  	[sflag:s13] =	ssyncset.done $0x0  }
0x288: {  	s0 =	simm.s32 $0x0;
	s20 =	simm.s32 $0x200;
	[sflag:s13] =	ssyncadd.s32 $0xFFFFE000  }
.LBB2_7:
0x289: {  	p1 =	sne.s32 s20, $0xE00;
	v0 =	vld [tilespmem:s0+$0x6070]  }
0x28a: {  	v2 =	vld [tilespmem:s0+$0x4400]  }
0x28b: {  	v3 =	vld [tilespmem:s0+$0x4410]  }
0x28c: {  	v4 =	vld [tilespmem:s0+$0x4420]  }
0x28d: {  	v5 =	vld [tilespmem:s0+$0x4430]  }
0x28e: {  	[tilespmem:s0+$0xE070] =	vst.add.f32.msk $0xffff, v0  }
0x28f: {  	v0 =	vld [tilespmem:s0+$0x4440]  }
0x290: {  	v6 =	vld [tilespmem:s0+$0x4450]  }
0x291: {  	v7 =	vld [tilespmem:s0+$0x4460]  }
0x292: {  	v8 =	vld [tilespmem:s0+$0x4470]  }
0x293: {  	v9 =	vld [tilespmem:s0+$0x4800]  }
0x294: {  	v10 =	vld [tilespmem:s0+$0x4810]  }
0x295: {  	v11 =	vld [tilespmem:s0+$0x4820]  }
0x296: {  	v12 =	vld [tilespmem:s0+$0x4830]  }
0x297: {  	v13 =	vld [tilespmem:s0+$0x4840]  }
0x298: {  	v14 =	vld [tilespmem:s0+$0x4850]  }
0x299: {  	v15 =	vld [tilespmem:s0+$0x4860]  }
0x29a: {  	v16 =	vld [tilespmem:s0+$0x4870]  }
0x29b: {  	v17 =	vld [tilespmem:s0+$0x4C00]  }
0x29c: {  	v18 =	vld [tilespmem:s0+$0x4C10]  }
0x29d: {  	v19 =	vld [tilespmem:s0+$0x4C20]  }
0x29e: {  	v20 =	vld [tilespmem:s0+$0x4C30]  }
0x29f: {  	v21 =	vld [tilespmem:s0+$0x4C40]  }
0x2a0: {  	v22 =	vld [tilespmem:s0+$0x4C50]  }
0x2a1: {  	v23 =	vld [tilespmem:s0+$0x4C60]  }
0x2a2: {  	v24 =	vld [tilespmem:s0+$0x4C70]  }
0x2a3: {  	v25 =	vld [tilespmem:s0+$0x5000]  }
0x2a4: {  	v26 =	vld [tilespmem:s0+$0x5010]  }
0x2a5: {  	v27 =	vld [tilespmem:s0+$0x5020]  }
0x2a6: {  	v28 =	vld [tilespmem:s0+$0x5030]  }
0x2a7: {  	v29 =	vld [tilespmem:s0+$0x5040]  }
0x2a8: {  	v30 =	vld [tilespmem:s0+$0x5050]  }
0x2a9: {  	v31 =	vld [tilespmem:s0+$0x5060]  }
0x2aa: {  	v32 =	vld [tilespmem:s0+$0x5070]  }
0x2ab: {  	v33 =	vld [tilespmem:s0+$0x5400]  }
0x2ac: {  	v34 =	vld [tilespmem:s0+$0x5410]  }
0x2ad: {  	v35 =	vld [tilespmem:s0+$0x5420]  }
0x2ae: {  	v36 =	vld [tilespmem:s0+$0x5430]  }
0x2af: {  	v37 =	vld [tilespmem:s0+$0x5440]  }
0x2b0: {  	v38 =	vld [tilespmem:s0+$0x5450]  }
0x2b1: {  	v39 =	vld [tilespmem:s0+$0x5460]  }
0x2b2: {  	v40 =	vld [tilespmem:s0+$0x5470]  }
0x2b3: {  	v41 =	vld [tilespmem:s0+$0x5800]  }
0x2b4: {  	v42 =	vld [tilespmem:s0+$0x5810]  }
0x2b5: {  	v43 =	vld [tilespmem:s0+$0x5820]  }
0x2b6: {  	v44 =	vld [tilespmem:s0+$0x5830]  }
0x2b7: {  	v45 =	vld [tilespmem:s0+$0x5840]  }
0x2b8: {  	v46 =	vld [tilespmem:s0+$0x5850]  }
0x2b9: {  	v47 =	vld [tilespmem:s0+$0x5860]  }
0x2ba: {  	v48 =	vld [tilespmem:s0+$0x5870]  }
0x2bb: {  	v49 =	vld [tilespmem:s0+$0x5C00]  }
0x2bc: {  	v50 =	vld [tilespmem:s0+$0x5C10]  }
0x2bd: {  	v51 =	vld [tilespmem:s0+$0x5C20]  }
0x2be: {  	v52 =	vld [tilespmem:s0+$0x5C30]  }
0x2bf: {  	v53 =	vld [tilespmem:s0+$0x5C40]  }
0x2c0: {  	v54 =	vld [tilespmem:s0+$0x5C50]  }
0x2c1: {  	v55 =	vld [tilespmem:s0+$0x5C60]  }
0x2c2: {  	v56 =	vld [tilespmem:s0+$0x5C70]  }
0x2c3: {  	v57 =	vld [tilespmem:s0+$0x6000]  }
0x2c4: {  	v58 =	vld [tilespmem:s0+$0x6010]  }
0x2c5: {  	v59 =	vld [tilespmem:s0+$0x6020]  }
0x2c6: {  	v60 =	vld [tilespmem:s0+$0x6030]  }
0x2c7: {  	v61 =	vld [tilespmem:s0+$0x6040]  }
0x2c8: {  	v62 =	vld [tilespmem:s0+$0x6050]  }
0x2c9: {  	v63 =	vld [tilespmem:s0+$0x6060]  }
0x2ca: {  	[tilespmem:s0+$0xC400] =	vst.add.f32.msk $0xffff, v2  }
0x2cb: {  	[tilespmem:s0+$0xC410] =	vst.add.f32.msk $0xffff, v3  }
0x2cc: {  	[tilespmem:s0+$0xC420] =	vst.add.f32.msk $0xffff, v4  }
0x2cd: {  	[tilespmem:s0+$0xC430] =	vst.add.f32.msk $0xffff, v5  }
0x2ce: {  	[tilespmem:s0+$0xC440] =	vst.add.f32.msk $0xffff, v0  }
0x2cf: {  	[tilespmem:s0+$0xC450] =	vst.add.f32.msk $0xffff, v6  }
0x2d0: {  	[tilespmem:s0+$0xC460] =	vst.add.f32.msk $0xffff, v7  }
0x2d1: {  	[tilespmem:s0+$0xC470] =	vst.add.f32.msk $0xffff, v8  }
0x2d2: {  	[tilespmem:s0+$0xC800] =	vst.add.f32.msk $0xffff, v9  }
0x2d3: {  	[tilespmem:s0+$0xC810] =	vst.add.f32.msk $0xffff, v10  }
0x2d4: {  	[tilespmem:s0+$0xC820] =	vst.add.f32.msk $0xffff, v11  }
0x2d5: {  	[tilespmem:s0+$0xC830] =	vst.add.f32.msk $0xffff, v12  }
0x2d6: {  	[tilespmem:s0+$0xC840] =	vst.add.f32.msk $0xffff, v13  }
0x2d7: {  	[tilespmem:s0+$0xC850] =	vst.add.f32.msk $0xffff, v14  }
0x2d8: {  	[tilespmem:s0+$0xC860] =	vst.add.f32.msk $0xffff, v15  }
0x2d9: {  	[tilespmem:s0+$0xC870] =	vst.add.f32.msk $0xffff, v16  }
0x2da: {  	[tilespmem:s0+$0xCC00] =	vst.add.f32.msk $0xffff, v17  }
0x2db: {  	[tilespmem:s0+$0xCC10] =	vst.add.f32.msk $0xffff, v18  }
0x2dc: {  	[tilespmem:s0+$0xCC20] =	vst.add.f32.msk $0xffff, v19  }
0x2dd: {  	[tilespmem:s0+$0xCC30] =	vst.add.f32.msk $0xffff, v20  }
0x2de: {  	[tilespmem:s0+$0xCC40] =	vst.add.f32.msk $0xffff, v21  }
0x2df: {  	[tilespmem:s0+$0xCC50] =	vst.add.f32.msk $0xffff, v22  }
0x2e0: {  	[tilespmem:s0+$0xCC60] =	vst.add.f32.msk $0xffff, v23  }
0x2e1: {  	[tilespmem:s0+$0xCC70] =	vst.add.f32.msk $0xffff, v24  }
0x2e2: {  	[tilespmem:s0+$0xD000] =	vst.add.f32.msk $0xffff, v25  }
0x2e3: {  	[tilespmem:s0+$0xD010] =	vst.add.f32.msk $0xffff, v26  }
0x2e4: {  	[tilespmem:s0+$0xD020] =	vst.add.f32.msk $0xffff, v27  }
0x2e5: {  	[tilespmem:s0+$0xD030] =	vst.add.f32.msk $0xffff, v28  }
0x2e6: {  	[tilespmem:s0+$0xD040] =	vst.add.f32.msk $0xffff, v29  }
0x2e7: {  	[tilespmem:s0+$0xD050] =	vst.add.f32.msk $0xffff, v30  }
0x2e8: {  	[tilespmem:s0+$0xD060] =	vst.add.f32.msk $0xffff, v31  }
0x2e9: {  	[tilespmem:s0+$0xD070] =	vst.add.f32.msk $0xffff, v32  }
0x2ea: {  	[tilespmem:s0+$0xD400] =	vst.add.f32.msk $0xffff, v33  }
0x2eb: {  	[tilespmem:s0+$0xD410] =	vst.add.f32.msk $0xffff, v34  }
0x2ec: {  	[tilespmem:s0+$0xD420] =	vst.add.f32.msk $0xffff, v35  }
0x2ed: {  	[tilespmem:s0+$0xD430] =	vst.add.f32.msk $0xffff, v36  }
0x2ee: {  	[tilespmem:s0+$0xD440] =	vst.add.f32.msk $0xffff, v37  }
0x2ef: {  	[tilespmem:s0+$0xD450] =	vst.add.f32.msk $0xffff, v38  }
0x2f0: {  	[tilespmem:s0+$0xD460] =	vst.add.f32.msk $0xffff, v39  }
0x2f1: {  	[tilespmem:s0+$0xD470] =	vst.add.f32.msk $0xffff, v40  }
0x2f2: {  	[tilespmem:s0+$0xD800] =	vst.add.f32.msk $0xffff, v41  }
0x2f3: {  	[tilespmem:s0+$0xD810] =	vst.add.f32.msk $0xffff, v42  }
0x2f4: {  	[tilespmem:s0+$0xD820] =	vst.add.f32.msk $0xffff, v43  }
0x2f5: {  	[tilespmem:s0+$0xD830] =	vst.add.f32.msk $0xffff, v44  }
0x2f6: {  	[tilespmem:s0+$0xD840] =	vst.add.f32.msk $0xffff, v45  }
0x2f7: {  	[tilespmem:s0+$0xD850] =	vst.add.f32.msk $0xffff, v46  }
0x2f8: {  	[tilespmem:s0+$0xD860] =	vst.add.f32.msk $0xffff, v47  }
0x2f9: {  	[tilespmem:s0+$0xD870] =	vst.add.f32.msk $0xffff, v48  }
0x2fa: {  	[tilespmem:s0+$0xDC00] =	vst.add.f32.msk $0xffff, v49  }
0x2fb: {  	[tilespmem:s0+$0xDC10] =	vst.add.f32.msk $0xffff, v50  }
0x2fc: {  	[tilespmem:s0+$0xDC20] =	vst.add.f32.msk $0xffff, v51  }
0x2fd: {  	[tilespmem:s0+$0xDC30] =	vst.add.f32.msk $0xffff, v52  }
0x2fe: {  	[tilespmem:s0+$0xDC40] =	vst.add.f32.msk $0xffff, v53  }
0x2ff: {  	[tilespmem:s0+$0xDC50] =	vst.add.f32.msk $0xffff, v54  }
0x300: {  	[tilespmem:s0+$0xDC60] =	vst.add.f32.msk $0xffff, v55  }
0x301: {  	[tilespmem:s0+$0xDC70] =	vst.add.f32.msk $0xffff, v56  }
0x302: {  	[tilespmem:s0+$0xE000] =	vst.add.f32.msk $0xffff, v57  }
0x303: {  	[tilespmem:s0+$0xE010] =	vst.add.f32.msk $0xffff, v58  }
.Ltmp2:
0x304: {  	[tilespmem:s0+$0xE020] =	vst.add.f32.msk $0xffff, v59;
	(pc) =	sbr.rel @p1 .LBB2_7-.Ltmp2, $4  }
0x305: {  	[tilespmem:s0+$0xE030] =	vst.add.f32.msk $0xffff, v60  }
0x306: {  	[tilespmem:s0+$0xE040] =	vst.add.f32.msk $0xffff, v61  }
0x307: {  	[tilespmem:s0+$0xE050] =	vst.add.f32.msk $0xffff, v62  }
0x308: {  	[tilespmem:s0+$0xE060] =	vst.add.f32.msk $0xffff, v63;
	s0 =	sshra.s32 s20, $0x2;
	s20 =	sadd.s32 $0x200, s20  }
0x309: {  	v0 =	vld [tilespmem:s0+$0x6070]  }
0x30a: {  	v2 =	vld [tilespmem:s0+$0x4400]  }
0x30b: {  	v3 =	vld [tilespmem:s0+$0x4410]  }
0x30c: {  	v4 =	vld [tilespmem:s0+$0x4420]  }
0x30d: {  	v5 =	vld [tilespmem:s0+$0x4430]  }
0x30e: {  	v6 =	vld [tilespmem:s0+$0x4450]  }
0x30f: {  	v7 =	vld [tilespmem:s0+$0x4460]  }
0x310: {  	v8 =	vld [tilespmem:s0+$0x4470]  }
0x311: {  	v9 =	vld [tilespmem:s0+$0x4800]  }
0x312: {  	v10 =	vld [tilespmem:s0+$0x4810]  }
0x313: {  	v11 =	vld [tilespmem:s0+$0x4820]  }
0x314: {  	v12 =	vld [tilespmem:s0+$0x4830]  }
0x315: {  	v13 =	vld [tilespmem:s0+$0x4840]  }
0x316: {  	v14 =	vld [tilespmem:s0+$0x4850]  }
0x317: {  	v15 =	vld [tilespmem:s0+$0x4860]  }
0x318: {  	v16 =	vld [tilespmem:s0+$0x4870]  }
0x319: {  	v17 =	vld [tilespmem:s0+$0x4C00]  }
0x31a: {  	v18 =	vld [tilespmem:s0+$0x4C10]  }
0x31b: {  	v19 =	vld [tilespmem:s0+$0x4C20]  }
0x31c: {  	v20 =	vld [tilespmem:s0+$0x4C30]  }
0x31d: {  	v21 =	vld [tilespmem:s0+$0x4C40]  }
0x31e: {  	v22 =	vld [tilespmem:s0+$0x4C50]  }
0x31f: {  	v23 =	vld [tilespmem:s0+$0x4C60]  }
0x320: {  	v24 =	vld [tilespmem:s0+$0x4C70]  }
0x321: {  	v25 =	vld [tilespmem:s0+$0x5000]  }
0x322: {  	v26 =	vld [tilespmem:s0+$0x5010]  }
0x323: {  	v27 =	vld [tilespmem:s0+$0x5020]  }
0x324: {  	v28 =	vld [tilespmem:s0+$0x5030]  }
0x325: {  	v29 =	vld [tilespmem:s0+$0x5040]  }
0x326: {  	v30 =	vld [tilespmem:s0+$0x5050]  }
0x327: {  	v31 =	vld [tilespmem:s0+$0x5060]  }
0x328: {  	v32 =	vld [tilespmem:s0+$0x5070]  }
0x329: {  	v33 =	vld [tilespmem:s0+$0x5400]  }
0x32a: {  	v34 =	vld [tilespmem:s0+$0x5410]  }
0x32b: {  	v35 =	vld [tilespmem:s0+$0x5420]  }
0x32c: {  	v36 =	vld [tilespmem:s0+$0x5430]  }
0x32d: {  	v37 =	vld [tilespmem:s0+$0x5440]  }
0x32e: {  	v38 =	vld [tilespmem:s0+$0x5450]  }
0x32f: {  	v39 =	vld [tilespmem:s0+$0x5460]  }
0x330: {  	v40 =	vld [tilespmem:s0+$0x5470]  }
0x331: {  	v41 =	vld [tilespmem:s0+$0x5800]  }
0x332: {  	v42 =	vld [tilespmem:s0+$0x5810]  }
0x333: {  	v43 =	vld [tilespmem:s0+$0x5820]  }
0x334: {  	v44 =	vld [tilespmem:s0+$0x5830]  }
0x335: {  	v45 =	vld [tilespmem:s0+$0x5840]  }
0x336: {  	v46 =	vld [tilespmem:s0+$0x5850]  }
0x337: {  	v47 =	vld [tilespmem:s0+$0x5860]  }
0x338: {  	v48 =	vld [tilespmem:s0+$0x5870]  }
0x339: {  	v49 =	vld [tilespmem:s0+$0x5C00]  }
0x33a: {  	v50 =	vld [tilespmem:s0+$0x5C10]  }
0x33b: {  	v51 =	vld [tilespmem:s0+$0x5C20]  }
0x33c: {  	v52 =	vld [tilespmem:s0+$0x5C30]  }
0x33d: {  	v53 =	vld [tilespmem:s0+$0x5C40]  }
0x33e: {  	v54 =	vld [tilespmem:s0+$0x5C50]  }
0x33f: {  	v55 =	vld [tilespmem:s0+$0x5C60]  }
0x340: {  	v56 =	vld [tilespmem:s0+$0x5C70]  }
0x341: {  	v57 =	vld [tilespmem:s0+$0x6000]  }
0x342: {  	v58 =	vld [tilespmem:s0+$0x6010]  }
0x343: {  	v59 =	vld [tilespmem:s0+$0x6020]  }
0x344: {  	v60 =	vld [tilespmem:s0+$0x6030]  }
0x345: {  	v61 =	vld [tilespmem:s0+$0x6040]  }
0x346: {  	v62 =	vld [tilespmem:s0+$0x6050]  }
0x347: {  	v63 =	vld [tilespmem:s0+$0x6060]  }
0x348: {  	[tilespmem:s0+$0xE070] =	vst.add.f32.msk $0xffff, v0  }
0x349: {  	v0 =	vld [tilespmem:s0+$0x4440]  }
0x34a: {  	[tilespmem:s0+$0xC400] =	vst.add.f32.msk $0xffff, v2  }
0x34b: {  	[tilespmem:s0+$0xC410] =	vst.add.f32.msk $0xffff, v3  }
0x34c: {  	[tilespmem:s0+$0xC420] =	vst.add.f32.msk $0xffff, v4  }
0x34d: {  	[tilespmem:s0+$0xC430] =	vst.add.f32.msk $0xffff, v5  }
0x34e: {  	[tilespmem:s0+$0xC450] =	vst.add.f32.msk $0xffff, v6  }
0x34f: {  	[tilespmem:s0+$0xC460] =	vst.add.f32.msk $0xffff, v7  }
0x350: {  	[tilespmem:s0+$0xC470] =	vst.add.f32.msk $0xffff, v8  }
0x351: {  	[tilespmem:s0+$0xC800] =	vst.add.f32.msk $0xffff, v9  }
0x352: {  	[tilespmem:s0+$0xC810] =	vst.add.f32.msk $0xffff, v10  }
0x353: {  	[tilespmem:s0+$0xC820] =	vst.add.f32.msk $0xffff, v11  }
0x354: {  	[tilespmem:s0+$0xC830] =	vst.add.f32.msk $0xffff, v12  }
0x355: {  	[tilespmem:s0+$0xC840] =	vst.add.f32.msk $0xffff, v13  }
0x356: {  	[tilespmem:s0+$0xC850] =	vst.add.f32.msk $0xffff, v14  }
0x357: {  	[tilespmem:s0+$0xC860] =	vst.add.f32.msk $0xffff, v15  }
0x358: {  	[tilespmem:s0+$0xC870] =	vst.add.f32.msk $0xffff, v16  }
0x359: {  	[tilespmem:s0+$0xCC00] =	vst.add.f32.msk $0xffff, v17  }
0x35a: {  	[tilespmem:s0+$0xCC10] =	vst.add.f32.msk $0xffff, v18  }
0x35b: {  	[tilespmem:s0+$0xCC20] =	vst.add.f32.msk $0xffff, v19  }
0x35c: {  	[tilespmem:s0+$0xCC30] =	vst.add.f32.msk $0xffff, v20  }
0x35d: {  	[tilespmem:s0+$0xCC40] =	vst.add.f32.msk $0xffff, v21  }
0x35e: {  	[tilespmem:s0+$0xCC50] =	vst.add.f32.msk $0xffff, v22  }
0x35f: {  	[tilespmem:s0+$0xCC60] =	vst.add.f32.msk $0xffff, v23  }
0x360: {  	[tilespmem:s0+$0xCC70] =	vst.add.f32.msk $0xffff, v24  }
0x361: {  	[tilespmem:s0+$0xD000] =	vst.add.f32.msk $0xffff, v25  }
0x362: {  	[tilespmem:s0+$0xD010] =	vst.add.f32.msk $0xffff, v26  }
0x363: {  	[tilespmem:s0+$0xD020] =	vst.add.f32.msk $0xffff, v27  }
0x364: {  	[tilespmem:s0+$0xD030] =	vst.add.f32.msk $0xffff, v28  }
0x365: {  	[tilespmem:s0+$0xD040] =	vst.add.f32.msk $0xffff, v29  }
0x366: {  	[tilespmem:s0+$0xD050] =	vst.add.f32.msk $0xffff, v30  }
0x367: {  	[tilespmem:s0+$0xD060] =	vst.add.f32.msk $0xffff, v31  }
0x368: {  	[tilespmem:s0+$0xD070] =	vst.add.f32.msk $0xffff, v32  }
0x369: {  	[tilespmem:s0+$0xD400] =	vst.add.f32.msk $0xffff, v33  }
0x36a: {  	[tilespmem:s0+$0xD410] =	vst.add.f32.msk $0xffff, v34  }
0x36b: {  	[tilespmem:s0+$0xD420] =	vst.add.f32.msk $0xffff, v35  }
0x36c: {  	[tilespmem:s0+$0xD430] =	vst.add.f32.msk $0xffff, v36  }
0x36d: {  	[tilespmem:s0+$0xD440] =	vst.add.f32.msk $0xffff, v37  }
0x36e: {  	[tilespmem:s0+$0xD450] =	vst.add.f32.msk $0xffff, v38  }
0x36f: {  	[tilespmem:s0+$0xD460] =	vst.add.f32.msk $0xffff, v39  }
0x370: {  	[tilespmem:s0+$0xD470] =	vst.add.f32.msk $0xffff, v40  }
0x371: {  	[tilespmem:s0+$0xD800] =	vst.add.f32.msk $0xffff, v41  }
0x372: {  	[tilespmem:s0+$0xD810] =	vst.add.f32.msk $0xffff, v42  }
0x373: {  	[tilespmem:s0+$0xD820] =	vst.add.f32.msk $0xffff, v43  }
0x374: {  	[tilespmem:s0+$0xD830] =	vst.add.f32.msk $0xffff, v44  }
0x375: {  	[tilespmem:s0+$0xD840] =	vst.add.f32.msk $0xffff, v45  }
0x376: {  	[tilespmem:s0+$0xD850] =	vst.add.f32.msk $0xffff, v46  }
0x377: {  	[tilespmem:s0+$0xD860] =	vst.add.f32.msk $0xffff, v47  }
0x378: {  	[tilespmem:s0+$0xD870] =	vst.add.f32.msk $0xffff, v48  }
0x379: {  	[tilespmem:s0+$0xDC00] =	vst.add.f32.msk $0xffff, v49  }
0x37a: {  	[tilespmem:s0+$0xDC10] =	vst.add.f32.msk $0xffff, v50  }
0x37b: {  	[tilespmem:s0+$0xDC20] =	vst.add.f32.msk $0xffff, v51  }
0x37c: {  	[tilespmem:s0+$0xDC30] =	vst.add.f32.msk $0xffff, v52  }
0x37d: {  	[tilespmem:s0+$0xDC40] =	vst.add.f32.msk $0xffff, v53  }
0x37e: {  	[tilespmem:s0+$0xDC50] =	vst.add.f32.msk $0xffff, v54  }
0x37f: {  	[tilespmem:s0+$0xDC60] =	vst.add.f32.msk $0xffff, v55  }
0x380: {  	[tilespmem:s0+$0xDC70] =	vst.add.f32.msk $0xffff, v56  }
0x381: {  	[tilespmem:s0+$0xE000] =	vst.add.f32.msk $0xffff, v57  }
0x382: {  	[tilespmem:s0+$0xE010] =	vst.add.f32.msk $0xffff, v58  }
0x383: {  	[tilespmem:s0+$0xE020] =	vst.add.f32.msk $0xffff, v59  }
0x384: {  	[tilespmem:s0+$0xE030] =	vst.add.f32.msk $0xffff, v60  }
0x385: {  	[tilespmem:s0+$0xE040] =	vst.add.f32.msk $0xffff, v61  }
0x386: {  	s20 =	sadd.s32 s7, s30;
	[tilespmem:s0+$0xE050] =	vst.add.f32.msk $0xffff, v62  }
0x387: {  	s20 =	sshll.u32 s20, $0xA;
	[tilespmem:s0+$0xE060] =	vst.add.f32.msk $0xffff, v63  }
0x388: {  	s30 =	sadd.s32 s3, s20;
	[tilespmem:s0+$0xC440] =	vst.add.f32.msk $0xffff, v0;
	s0 =	simm.s32 @!p0 $0xA  }
0x389: {  	[hbm4b:s30+s5] =	stream.linear.scatter [tilespmem:s28], [sflag:$0xB], $0x2000, $0x38;
	[tilespmem:$0x10400] =	vst v63  }
0x38a: {  	_ =	swait.ge @!p0 [sflag:s0], $0x2000  }
0x38b: {  	[sflag:s0] =	ssyncset.done @!p0 $0x0  }
0x38c: {  	[sflag:s0] =	ssyncadd.s32 @!p0 $0xFFFFE000  }
0x38d: {  	v0 =	vld.msk @!p0 [tilespmem:s31+$0x28], $0xff;
	_ =	sdelay $0x4  }
0x38e: {  	v2 =	vshll.u32 @!p0 v0, $0x3  }
0x38f: {  	v3 =	vlaneseq.u32 @!p0;
	v0 =	vand.u32 @!p0 $0x7, v0;
	v2 =	vand.u32 @!p0 $0xFFFFFFC0, v2  }
0x390: {  	v0 =	vor.u32 @!p0 v0, v2;
	v2 =	vand.u32 @!p0 $0x7, v3;
	v3 =	vshrl.u32 @!p0 v3, $0x3  }
0x391: {  	v0 =	vperm.xlane @!p0 v0, v2;
	v2 =	vmul.u32 @!p0 $0x8, v3;
	_ =	sdelay $0x1  }
0x392: {  	v0 =	vadd.s32 @!p0 v2, v0;
	_ =	sdelay $0x3  }
0x393: {  	s20 =	simm.s32 @!p0 $0xA400;
	s0 =	simm.s32 @!p0 $0x0  }
0x394: {  	[tilespmem:s20], [sflag:$0x2] =	stream.indirect_vreg.gather @!p0 [hbm4b:s2+s0], $0x80, v0, vm1, $0xb8;
	[tilespmem:$0x10400] =	vst v63  }
0x395: {  	s20 =	simm.s32 @!p0 $0xAC00  }
0x396: {  	[tilespmem:s20], [sflag:$0x2] =	stream.indirect_vreg.gather @!p0 [hbm4b:s9+s0], $0x80, v0, vm1, $0xb8;
	[tilespmem:$0x10400] =	vst v63  }
0x397: {  	s20 =	simm.s32 @!p0 $0xB400  }
0x398: {  	[tilespmem:s20], [sflag:$0x2] =	stream.indirect_vreg.gather @!p0 [hbm4b:s11+s0], $0x80, v0, vm1, $0xb8;
	[tilespmem:$0x10400] =	vst v63  }
0x399: {  	s20 =	sadd.s32 @!p0 $0x28, s31  }
0x39a: {  	s21 =	simm.s32 @!p0 $0xBC00;
	s20 =	sadd.s32 @!p0 s6, s20  }
0x39b: {  	[tilespmem:s21], [sflag:$0x2] =	stream.indirect_vreg.gather @!p0 [hbm4b:s12+s0], $0x80, v0, vm1, $0xb8;
	[tilespmem:$0x10400] =	vst v63  }
0x39c: {  	s20 =	sshll.u32 @!p0 s20, $0x7  }
0x39d: {  	s21 =	simm.s32 @!p0 $0x2400;
	s20 =	sadd.s32 @!p0 s1, s20  }
0x39e: {  	[tilespmem:s21], [sflag:$0x6] =	stream.linear.gather @!p0 [hbm4b:s20+s0], $0x2000, $0x38;
	[tilespmem:$0x10400] =	vst v63  }
0x39f: {  	_ =	swait.ge [sflag:s15], $0x2000  }
0x3a0: {  	[sflag:s15] =	ssyncset.done $0x0  }
0x3a1: {  	[sflag:s15] =	ssyncadd.s32 $0xFFFFE000  }
0x3a2: {  	_ =	swait.ge [sflag:s10], $0x2000  }
0x3a3: {  	[sflag:s10] =	ssyncset.done $0x0  }
0x3a4: {  	s0 =	simm.s32 $0x0;
	s20 =	simm.s32 $0x200;
	[sflag:s10] =	ssyncadd.s32 $0xFFFFE000  }
.LBB2_9:
0x3a5: {  	p0 =	sne.s32 s20, $0xE00;
	v0 =	vld [tilespmem:s0+$0x8070]  }
0x3a6: {  	v2 =	vld [tilespmem:s0+$0x6400]  }
0x3a7: {  	v3 =	vld [tilespmem:s0+$0x6410]  }
0x3a8: {  	v4 =	vld [tilespmem:s0+$0x6420]  }
0x3a9: {  	v5 =	vld [tilespmem:s0+$0x6430]  }
0x3aa: {  	[tilespmem:s0+$0x10070] =	vst.add.f32.msk $0xffff, v0  }
0x3ab: {  	v0 =	vld [tilespmem:s0+$0x6440]  }
0x3ac: {  	v6 =	vld [tilespmem:s0+$0x6450]  }
0x3ad: {  	v7 =	vld [tilespmem:s0+$0x6460]  }
0x3ae: {  	v8 =	vld [tilespmem:s0+$0x6470]  }
0x3af: {  	v9 =	vld [tilespmem:s0+$0x6800]  }
0x3b0: {  	v10 =	vld [tilespmem:s0+$0x6810]  }
0x3b1: {  	v11 =	vld [tilespmem:s0+$0x6820]  }
0x3b2: {  	v12 =	vld [tilespmem:s0+$0x6830]  }
0x3b3: {  	v13 =	vld [tilespmem:s0+$0x6840]  }
0x3b4: {  	v14 =	vld [tilespmem:s0+$0x6850]  }
0x3b5: {  	v15 =	vld [tilespmem:s0+$0x6860]  }
0x3b6: {  	v16 =	vld [tilespmem:s0+$0x6870]  }
0x3b7: {  	v17 =	vld [tilespmem:s0+$0x6C00]  }
0x3b8: {  	v18 =	vld [tilespmem:s0+$0x6C10]  }
0x3b9: {  	v19 =	vld [tilespmem:s0+$0x6C20]  }
0x3ba: {  	v20 =	vld [tilespmem:s0+$0x6C30]  }
0x3bb: {  	v21 =	vld [tilespmem:s0+$0x6C40]  }
0x3bc: {  	v22 =	vld [tilespmem:s0+$0x6C50]  }
0x3bd: {  	v23 =	vld [tilespmem:s0+$0x6C60]  }
0x3be: {  	v24 =	vld [tilespmem:s0+$0x6C70]  }
0x3bf: {  	v25 =	vld [tilespmem:s0+$0x7000]  }
0x3c0: {  	v26 =	vld [tilespmem:s0+$0x7010]  }
0x3c1: {  	v27 =	vld [tilespmem:s0+$0x7020]  }
0x3c2: {  	v28 =	vld [tilespmem:s0+$0x7030]  }
0x3c3: {  	v29 =	vld [tilespmem:s0+$0x7040]  }
0x3c4: {  	v30 =	vld [tilespmem:s0+$0x7050]  }
0x3c5: {  	v31 =	vld [tilespmem:s0+$0x7060]  }
0x3c6: {  	v32 =	vld [tilespmem:s0+$0x7070]  }
0x3c7: {  	v33 =	vld [tilespmem:s0+$0x7400]  }
0x3c8: {  	v34 =	vld [tilespmem:s0+$0x7410]  }
0x3c9: {  	v35 =	vld [tilespmem:s0+$0x7420]  }
0x3ca: {  	v36 =	vld [tilespmem:s0+$0x7430]  }
0x3cb: {  	v37 =	vld [tilespmem:s0+$0x7440]  }
0x3cc: {  	v38 =	vld [tilespmem:s0+$0x7450]  }
0x3cd: {  	v39 =	vld [tilespmem:s0+$0x7460]  }
0x3ce: {  	v40 =	vld [tilespmem:s0+$0x7470]  }
0x3cf: {  	v41 =	vld [tilespmem:s0+$0x7800]  }
0x3d0: {  	v42 =	vld [tilespmem:s0+$0x7810]  }
0x3d1: {  	v43 =	vld [tilespmem:s0+$0x7820]  }
0x3d2: {  	v44 =	vld [tilespmem:s0+$0x7830]  }
0x3d3: {  	v45 =	vld [tilespmem:s0+$0x7840]  }
0x3d4: {  	v46 =	vld [tilespmem:s0+$0x7850]  }
0x3d5: {  	v47 =	vld [tilespmem:s0+$0x7860]  }
0x3d6: {  	v48 =	vld [tilespmem:s0+$0x7870]  }
0x3d7: {  	v49 =	vld [tilespmem:s0+$0x7C00]  }
0x3d8: {  	v50 =	vld [tilespmem:s0+$0x7C10]  }
0x3d9: {  	v51 =	vld [tilespmem:s0+$0x7C20]  }
0x3da: {  	v52 =	vld [tilespmem:s0+$0x7C30]  }
0x3db: {  	v53 =	vld [tilespmem:s0+$0x7C40]  }
0x3dc: {  	v54 =	vld [tilespmem:s0+$0x7C50]  }
0x3dd: {  	v55 =	vld [tilespmem:s0+$0x7C60]  }
0x3de: {  	v56 =	vld [tilespmem:s0+$0x7C70]  }
0x3df: {  	v57 =	vld [tilespmem:s0+$0x8000]  }
0x3e0: {  	v58 =	vld [tilespmem:s0+$0x8010]  }
0x3e1: {  	v59 =	vld [tilespmem:s0+$0x8020]  }
0x3e2: {  	v60 =	vld [tilespmem:s0+$0x8030]  }
0x3e3: {  	v61 =	vld [tilespmem:s0+$0x8040]  }
0x3e4: {  	v62 =	vld [tilespmem:s0+$0x8050]  }
0x3e5: {  	v63 =	vld [tilespmem:s0+$0x8060]  }
0x3e6: {  	[tilespmem:s0+$0xE400] =	vst.add.f32.msk $0xffff, v2  }
0x3e7: {  	[tilespmem:s0+$0xE410] =	vst.add.f32.msk $0xffff, v3  }
0x3e8: {  	[tilespmem:s0+$0xE420] =	vst.add.f32.msk $0xffff, v4  }
0x3e9: {  	[tilespmem:s0+$0xE430] =	vst.add.f32.msk $0xffff, v5  }
0x3ea: {  	[tilespmem:s0+$0xE440] =	vst.add.f32.msk $0xffff, v0  }
0x3eb: {  	[tilespmem:s0+$0xE450] =	vst.add.f32.msk $0xffff, v6  }
0x3ec: {  	[tilespmem:s0+$0xE460] =	vst.add.f32.msk $0xffff, v7  }
0x3ed: {  	[tilespmem:s0+$0xE470] =	vst.add.f32.msk $0xffff, v8  }
0x3ee: {  	[tilespmem:s0+$0xE800] =	vst.add.f32.msk $0xffff, v9  }
0x3ef: {  	[tilespmem:s0+$0xE810] =	vst.add.f32.msk $0xffff, v10  }
0x3f0: {  	[tilespmem:s0+$0xE820] =	vst.add.f32.msk $0xffff, v11  }
0x3f1: {  	[tilespmem:s0+$0xE830] =	vst.add.f32.msk $0xffff, v12  }
0x3f2: {  	[tilespmem:s0+$0xE840] =	vst.add.f32.msk $0xffff, v13  }
0x3f3: {  	[tilespmem:s0+$0xE850] =	vst.add.f32.msk $0xffff, v14  }
0x3f4: {  	[tilespmem:s0+$0xE860] =	vst.add.f32.msk $0xffff, v15  }
0x3f5: {  	[tilespmem:s0+$0xE870] =	vst.add.f32.msk $0xffff, v16  }
0x3f6: {  	[tilespmem:s0+$0xEC00] =	vst.add.f32.msk $0xffff, v17  }
0x3f7: {  	[tilespmem:s0+$0xEC10] =	vst.add.f32.msk $0xffff, v18  }
0x3f8: {  	[tilespmem:s0+$0xEC20] =	vst.add.f32.msk $0xffff, v19  }
0x3f9: {  	[tilespmem:s0+$0xEC30] =	vst.add.f32.msk $0xffff, v20  }
0x3fa: {  	[tilespmem:s0+$0xEC40] =	vst.add.f32.msk $0xffff, v21  }
0x3fb: {  	[tilespmem:s0+$0xEC50] =	vst.add.f32.msk $0xffff, v22  }
0x3fc: {  	[tilespmem:s0+$0xEC60] =	vst.add.f32.msk $0xffff, v23  }
0x3fd: {  	[tilespmem:s0+$0xEC70] =	vst.add.f32.msk $0xffff, v24  }
0x3fe: {  	[tilespmem:s0+$0xF000] =	vst.add.f32.msk $0xffff, v25  }
0x3ff: {  	[tilespmem:s0+$0xF010] =	vst.add.f32.msk $0xffff, v26  }
0x400: {  	[tilespmem:s0+$0xF020] =	vst.add.f32.msk $0xffff, v27  }
0x401: {  	[tilespmem:s0+$0xF030] =	vst.add.f32.msk $0xffff, v28  }
0x402: {  	[tilespmem:s0+$0xF040] =	vst.add.f32.msk $0xffff, v29  }
0x403: {  	[tilespmem:s0+$0xF050] =	vst.add.f32.msk $0xffff, v30  }
0x404: {  	[tilespmem:s0+$0xF060] =	vst.add.f32.msk $0xffff, v31  }
0x405: {  	[tilespmem:s0+$0xF070] =	vst.add.f32.msk $0xffff, v32  }
0x406: {  	[tilespmem:s0+$0xF400] =	vst.add.f32.msk $0xffff, v33  }
0x407: {  	[tilespmem:s0+$0xF410] =	vst.add.f32.msk $0xffff, v34  }
0x408: {  	[tilespmem:s0+$0xF420] =	vst.add.f32.msk $0xffff, v35  }
0x409: {  	[tilespmem:s0+$0xF430] =	vst.add.f32.msk $0xffff, v36  }
0x40a: {  	[tilespmem:s0+$0xF440] =	vst.add.f32.msk $0xffff, v37  }
0x40b: {  	[tilespmem:s0+$0xF450] =	vst.add.f32.msk $0xffff, v38  }
0x40c: {  	[tilespmem:s0+$0xF460] =	vst.add.f32.msk $0xffff, v39  }
0x40d: {  	[tilespmem:s0+$0xF470] =	vst.add.f32.msk $0xffff, v40  }
0x40e: {  	[tilespmem:s0+$0xF800] =	vst.add.f32.msk $0xffff, v41  }
0x40f: {  	[tilespmem:s0+$0xF810] =	vst.add.f32.msk $0xffff, v42  }
0x410: {  	[tilespmem:s0+$0xF820] =	vst.add.f32.msk $0xffff, v43  }
0x411: {  	[tilespmem:s0+$0xF830] =	vst.add.f32.msk $0xffff, v44  }
0x412: {  	[tilespmem:s0+$0xF840] =	vst.add.f32.msk $0xffff, v45  }
0x413: {  	[tilespmem:s0+$0xF850] =	vst.add.f32.msk $0xffff, v46  }
0x414: {  	[tilespmem:s0+$0xF860] =	vst.add.f32.msk $0xffff, v47  }
0x415: {  	[tilespmem:s0+$0xF870] =	vst.add.f32.msk $0xffff, v48  }
0x416: {  	[tilespmem:s0+$0xFC00] =	vst.add.f32.msk $0xffff, v49  }
0x417: {  	[tilespmem:s0+$0xFC10] =	vst.add.f32.msk $0xffff, v50  }
0x418: {  	[tilespmem:s0+$0xFC20] =	vst.add.f32.msk $0xffff, v51  }
0x419: {  	[tilespmem:s0+$0xFC30] =	vst.add.f32.msk $0xffff, v52  }
0x41a: {  	[tilespmem:s0+$0xFC40] =	vst.add.f32.msk $0xffff, v53  }
0x41b: {  	[tilespmem:s0+$0xFC50] =	vst.add.f32.msk $0xffff, v54  }
0x41c: {  	[tilespmem:s0+$0xFC60] =	vst.add.f32.msk $0xffff, v55  }
0x41d: {  	[tilespmem:s0+$0xFC70] =	vst.add.f32.msk $0xffff, v56  }
0x41e: {  	[tilespmem:s0+$0x10000] =	vst.add.f32.msk $0xffff, v57  }
0x41f: {  	[tilespmem:s0+$0x10010] =	vst.add.f32.msk $0xffff, v58  }
.Ltmp3:
0x420: {  	[tilespmem:s0+$0x10020] =	vst.add.f32.msk $0xffff, v59;
	(pc) =	sbr.rel @p0 .LBB2_9-.Ltmp3, $4  }
0x421: {  	[tilespmem:s0+$0x10030] =	vst.add.f32.msk $0xffff, v60  }
0x422: {  	[tilespmem:s0+$0x10040] =	vst.add.f32.msk $0xffff, v61  }
0x423: {  	[tilespmem:s0+$0x10050] =	vst.add.f32.msk $0xffff, v62  }
0x424: {  	[tilespmem:s0+$0x10060] =	vst.add.f32.msk $0xffff, v63;
	s0 =	sshra.s32 s20, $0x2;
	s20 =	sadd.s32 $0x200, s20  }
0x425: {  	v0 =	vld [tilespmem:s0+$0x8070]  }
0x426: {  	v2 =	vld [tilespmem:s0+$0x6400]  }
0x427: {  	v3 =	vld [tilespmem:s0+$0x6410]  }
0x428: {  	v4 =	vld [tilespmem:s0+$0x6420]  }
0x429: {  	v5 =	vld [tilespmem:s0+$0x6430]  }
0x42a: {  	v6 =	vld [tilespmem:s0+$0x6450]  }
0x42b: {  	v7 =	vld [tilespmem:s0+$0x6460]  }
0x42c: {  	v8 =	vld [tilespmem:s0+$0x6470]  }
0x42d: {  	v9 =	vld [tilespmem:s0+$0x6800]  }
0x42e: {  	v10 =	vld [tilespmem:s0+$0x6810]  }
0x42f: {  	v11 =	vld [tilespmem:s0+$0x6820]  }
0x430: {  	v12 =	vld [tilespmem:s0+$0x6830]  }
0x431: {  	v13 =	vld [tilespmem:s0+$0x6840]  }
0x432: {  	v14 =	vld [tilespmem:s0+$0x6850]  }
0x433: {  	v15 =	vld [tilespmem:s0+$0x6860]  }
0x434: {  	v16 =	vld [tilespmem:s0+$0x6870]  }
0x435: {  	v17 =	vld [tilespmem:s0+$0x6C00]  }
0x436: {  	v18 =	vld [tilespmem:s0+$0x6C10]  }
0x437: {  	v19 =	vld [tilespmem:s0+$0x6C20]  }
0x438: {  	v20 =	vld [tilespmem:s0+$0x6C30]  }
0x439: {  	v21 =	vld [tilespmem:s0+$0x6C40]  }
0x43a: {  	v22 =	vld [tilespmem:s0+$0x6C50]  }
0x43b: {  	v23 =	vld [tilespmem:s0+$0x6C60]  }
0x43c: {  	v24 =	vld [tilespmem:s0+$0x6C70]  }
0x43d: {  	v25 =	vld [tilespmem:s0+$0x7000]  }
0x43e: {  	v26 =	vld [tilespmem:s0+$0x7010]  }
0x43f: {  	v27 =	vld [tilespmem:s0+$0x7020]  }
0x440: {  	v28 =	vld [tilespmem:s0+$0x7030]  }
0x441: {  	v29 =	vld [tilespmem:s0+$0x7040]  }
0x442: {  	v30 =	vld [tilespmem:s0+$0x7050]  }
0x443: {  	v31 =	vld [tilespmem:s0+$0x7060]  }
0x444: {  	v32 =	vld [tilespmem:s0+$0x7070]  }
0x445: {  	v33 =	vld [tilespmem:s0+$0x7400]  }
0x446: {  	v34 =	vld [tilespmem:s0+$0x7410]  }
0x447: {  	v35 =	vld [tilespmem:s0+$0x7420]  }
0x448: {  	v36 =	vld [tilespmem:s0+$0x7430]  }
0x449: {  	v37 =	vld [tilespmem:s0+$0x7440]  }
0x44a: {  	v38 =	vld [tilespmem:s0+$0x7450]  }
0x44b: {  	v39 =	vld [tilespmem:s0+$0x7460]  }
0x44c: {  	v40 =	vld [tilespmem:s0+$0x7470]  }
0x44d: {  	v41 =	vld [tilespmem:s0+$0x7800]  }
0x44e: {  	v42 =	vld [tilespmem:s0+$0x7810]  }
0x44f: {  	v43 =	vld [tilespmem:s0+$0x7820]  }
0x450: {  	v44 =	vld [tilespmem:s0+$0x7830]  }
0x451: {  	v45 =	vld [tilespmem:s0+$0x7840]  }
0x452: {  	v46 =	vld [tilespmem:s0+$0x7850]  }
0x453: {  	v47 =	vld [tilespmem:s0+$0x7860]  }
0x454: {  	v48 =	vld [tilespmem:s0+$0x7870]  }
0x455: {  	v49 =	vld [tilespmem:s0+$0x7C00]  }
0x456: {  	v50 =	vld [tilespmem:s0+$0x7C10]  }
0x457: {  	v51 =	vld [tilespmem:s0+$0x7C20]  }
0x458: {  	v52 =	vld [tilespmem:s0+$0x7C30]  }
0x459: {  	v53 =	vld [tilespmem:s0+$0x7C40]  }
0x45a: {  	v54 =	vld [tilespmem:s0+$0x7C50]  }
0x45b: {  	v55 =	vld [tilespmem:s0+$0x7C60]  }
0x45c: {  	v56 =	vld [tilespmem:s0+$0x7C70]  }
0x45d: {  	v57 =	vld [tilespmem:s0+$0x8000]  }
0x45e: {  	v58 =	vld [tilespmem:s0+$0x8010]  }
0x45f: {  	v59 =	vld [tilespmem:s0+$0x8020]  }
0x460: {  	v60 =	vld [tilespmem:s0+$0x8030]  }
0x461: {  	v61 =	vld [tilespmem:s0+$0x8040]  }
0x462: {  	v62 =	vld [tilespmem:s0+$0x8050]  }
0x463: {  	v63 =	vld [tilespmem:s0+$0x8060]  }
0x464: {  	[tilespmem:s0+$0x10070] =	vst.add.f32.msk $0xffff, v0  }
0x465: {  	v0 =	vld [tilespmem:s0+$0x6440]  }
0x466: {  	[tilespmem:s0+$0xE400] =	vst.add.f32.msk $0xffff, v2  }
0x467: {  	[tilespmem:s0+$0xE410] =	vst.add.f32.msk $0xffff, v3  }
0x468: {  	[tilespmem:s0+$0xE420] =	vst.add.f32.msk $0xffff, v4  }
0x469: {  	[tilespmem:s0+$0xE430] =	vst.add.f32.msk $0xffff, v5  }
0x46a: {  	[tilespmem:s0+$0xE450] =	vst.add.f32.msk $0xffff, v6  }
0x46b: {  	[tilespmem:s0+$0xE460] =	vst.add.f32.msk $0xffff, v7  }
0x46c: {  	[tilespmem:s0+$0xE470] =	vst.add.f32.msk $0xffff, v8  }
0x46d: {  	[tilespmem:s0+$0xE800] =	vst.add.f32.msk $0xffff, v9  }
0x46e: {  	[tilespmem:s0+$0xE810] =	vst.add.f32.msk $0xffff, v10  }
0x46f: {  	[tilespmem:s0+$0xE820] =	vst.add.f32.msk $0xffff, v11  }
0x470: {  	[tilespmem:s0+$0xE830] =	vst.add.f32.msk $0xffff, v12  }
0x471: {  	[tilespmem:s0+$0xE840] =	vst.add.f32.msk $0xffff, v13  }
0x472: {  	[tilespmem:s0+$0xE850] =	vst.add.f32.msk $0xffff, v14  }
0x473: {  	[tilespmem:s0+$0xE860] =	vst.add.f32.msk $0xffff, v15  }
0x474: {  	[tilespmem:s0+$0xE870] =	vst.add.f32.msk $0xffff, v16  }
0x475: {  	[tilespmem:s0+$0xEC00] =	vst.add.f32.msk $0xffff, v17  }
0x476: {  	[tilespmem:s0+$0xEC10] =	vst.add.f32.msk $0xffff, v18  }
0x477: {  	[tilespmem:s0+$0xEC20] =	vst.add.f32.msk $0xffff, v19  }
0x478: {  	[tilespmem:s0+$0xEC30] =	vst.add.f32.msk $0xffff, v20  }
0x479: {  	[tilespmem:s0+$0xEC40] =	vst.add.f32.msk $0xffff, v21  }
0x47a: {  	[tilespmem:s0+$0xEC50] =	vst.add.f32.msk $0xffff, v22  }
0x47b: {  	[tilespmem:s0+$0xEC60] =	vst.add.f32.msk $0xffff, v23  }
0x47c: {  	[tilespmem:s0+$0xEC70] =	vst.add.f32.msk $0xffff, v24  }
0x47d: {  	[tilespmem:s0+$0xF000] =	vst.add.f32.msk $0xffff, v25  }
0x47e: {  	[tilespmem:s0+$0xF010] =	vst.add.f32.msk $0xffff, v26  }
0x47f: {  	[tilespmem:s0+$0xF020] =	vst.add.f32.msk $0xffff, v27  }
0x480: {  	[tilespmem:s0+$0xF030] =	vst.add.f32.msk $0xffff, v28  }
0x481: {  	[tilespmem:s0+$0xF040] =	vst.add.f32.msk $0xffff, v29  }
0x482: {  	[tilespmem:s0+$0xF050] =	vst.add.f32.msk $0xffff, v30  }
0x483: {  	[tilespmem:s0+$0xF060] =	vst.add.f32.msk $0xffff, v31  }
0x484: {  	[tilespmem:s0+$0xF070] =	vst.add.f32.msk $0xffff, v32  }
0x485: {  	[tilespmem:s0+$0xF400] =	vst.add.f32.msk $0xffff, v33  }
0x486: {  	[tilespmem:s0+$0xF410] =	vst.add.f32.msk $0xffff, v34  }
0x487: {  	[tilespmem:s0+$0xF420] =	vst.add.f32.msk $0xffff, v35  }
0x488: {  	[tilespmem:s0+$0xF430] =	vst.add.f32.msk $0xffff, v36  }
0x489: {  	[tilespmem:s0+$0xF440] =	vst.add.f32.msk $0xffff, v37  }
0x48a: {  	[tilespmem:s0+$0xF450] =	vst.add.f32.msk $0xffff, v38  }
0x48b: {  	[tilespmem:s0+$0xF460] =	vst.add.f32.msk $0xffff, v39  }
0x48c: {  	[tilespmem:s0+$0xF470] =	vst.add.f32.msk $0xffff, v40  }
0x48d: {  	[tilespmem:s0+$0xF800] =	vst.add.f32.msk $0xffff, v41  }
0x48e: {  	[tilespmem:s0+$0xF810] =	vst.add.f32.msk $0xffff, v42  }
0x48f: {  	[tilespmem:s0+$0xF820] =	vst.add.f32.msk $0xffff, v43  }
0x490: {  	[tilespmem:s0+$0xF830] =	vst.add.f32.msk $0xffff, v44  }
0x491: {  	[tilespmem:s0+$0xF840] =	vst.add.f32.msk $0xffff, v45  }
0x492: {  	[tilespmem:s0+$0xF850] =	vst.add.f32.msk $0xffff, v46  }
0x493: {  	[tilespmem:s0+$0xF860] =	vst.add.f32.msk $0xffff, v47  }
0x494: {  	[tilespmem:s0+$0xF870] =	vst.add.f32.msk $0xffff, v48  }
0x495: {  	[tilespmem:s0+$0xFC00] =	vst.add.f32.msk $0xffff, v49  }
0x496: {  	[tilespmem:s0+$0xFC10] =	vst.add.f32.msk $0xffff, v50  }
0x497: {  	[tilespmem:s0+$0xFC20] =	vst.add.f32.msk $0xffff, v51  }
0x498: {  	[tilespmem:s0+$0xFC30] =	vst.add.f32.msk $0xffff, v52  }
0x499: {  	[tilespmem:s0+$0xFC40] =	vst.add.f32.msk $0xffff, v53  }
0x49a: {  	[tilespmem:s0+$0xFC50] =	vst.add.f32.msk $0xffff, v54  }
0x49b: {  	[tilespmem:s0+$0xFC60] =	vst.add.f32.msk $0xffff, v55  }
0x49c: {  	[tilespmem:s0+$0xFC70] =	vst.add.f32.msk $0xffff, v56  }
0x49d: {  	[tilespmem:s0+$0x10000] =	vst.add.f32.msk $0xffff, v57  }
0x49e: {  	[tilespmem:s0+$0x10010] =	vst.add.f32.msk $0xffff, v58  }
0x49f: {  	s16 =	sadd.s32 $0x1, s16;
	[tilespmem:s0+$0x10020] =	vst.add.f32.msk $0xffff, v59  }
0x4a0: {  	p0 =	sne.s32 s16, $0x20;
	[tilespmem:s0+$0x10030] =	vst.add.f32.msk $0xffff, v60  }
.Ltmp4:
0x4a1: {  	[tilespmem:s0+$0x10040] =	vst.add.f32.msk $0xffff, v61;
	(pc) =	sbr.rel @p0 .LBB2_2-.Ltmp4, $4  }
0x4a2: {  	s20 =	sadd.s32 s7, s29;
	[tilespmem:s0+$0x10050] =	vst.add.f32.msk $0xffff, v62  }
0x4a3: {  	s20 =	sshll.u32 s20, $0xA;
	[tilespmem:s0+$0x10060] =	vst.add.f32.msk $0xffff, v63  }
0x4a4: {  	s31 =	sadd.s32 s3, s20;
	[tilespmem:s0+$0xE440] =	vst.add.f32.msk $0xffff, v0  }
0x4a5: {  	[hbm4b:s31+s5] =	stream.linear.scatter [tilespmem:s19], [sflag:$0xC], $0x2000, $0x38;
	[tilespmem:$0x10400] =	vst v63  }
0x4a6: {  	s0 =	simm.s32 $0x9  }
0x4a7: {  	_ =	swait.ge [sflag:s0], $0x2000  }
0x4a8: {  	[sflag:s0] =	ssyncset.done $0x0  }
0x4a9: {  	s29 =	simm.s32 $0xA;
	[sflag:s0] =	ssyncadd.s32 $0xFFFFE000  }
0x4aa: {  	_ =	swait.ge [sflag:s29], $0x2000  }
0x4ab: {  	[sflag:s29] =	ssyncset.done $0x0  }
0x4ac: {  	s30 =	simm.s32 $0xB;
	[sflag:s29] =	ssyncadd.s32 $0xFFFFE000  }
0x4ad: {  	_ =	swait.ge [sflag:s30], $0x2000  }
0x4ae: {  	[sflag:s30] =	ssyncset.done $0x0  }
0x4af: {  	s16 =	simm.s32 $0xC;
	[sflag:s30] =	ssyncadd.s32 $0xFFFFE000  }
0x4b0: {  	_ =	swait.ge [sflag:s16], $0x2000  }
0x4b1: {  	s20 =	rddreg [dreg:$0x9]  }
0x4b2: {  	s31 =	rddreg [dreg:$0x8];
	s20 =	sadd.s32 $0x1, s20  }
0x4b3: {  	p0 =	sne.s32 s20, s31  }
.Ltmp5:
0x4b4: {  	_ = 	snop;
	(pc) =	sbr.rel @p0 .LBB2_1-.Ltmp5, $3  }
0x4b5: {  	_ =	sdelay $0x1  }
0x4b6: {  	[sflag:s16] =	ssyncset.done $0x0  }
0x4b7: {  	[sflag:s16] =	ssyncadd.s32 $0xFFFFE000  }
0x4b8: {  	_ =	sfence.sel $0x180000  }
0x4b9: {  	[bflag:$0x0] =	sbarrier.arrive $0xFFFF  }
0x4ba: {  	_ =	strace $0x90000047  }
0x4bb: {  	s0 =	stileid.u32;
	[bflag:$0x2] =	sbarrier.arrive $0xFFFF  }
0x4bc: {  	p0 =	sne.s32 s0, $0x0;
	s0 =	rddreg [dreg:$0x4]  }
0x4bd: {  	s0 =	sadd.s32 @!p0 $0x100000, s0  }
0x4be: {  	[sflag:s0] =	ssyncadd.tile.s32 @!p0 $0x1;
	_ =	shalt  }
.Lfunc_end2:
_tile_overlayer_lowered:
.L_overlay_start_2:
0x4bf: {  	(tag) =	ssettag $0x2  }
0x4c0: {  	s0 =	rddreg [dreg:$0x0];
	s2 =	stileid.u32  }
0x4c1: {  	s1 =	rddreg [dreg:$0x1];
	p0 =	sne.s32 s2, $0x0  }
0x4c2: {  	s3 =	rddreg [dreg:$0x2];
	[bflag:$0x3] =	sbarrier.arrive $0xFFFF;
	s2 =	simm.s32 @!p0 $0x1C0D  }
0x4c3: {  	[timem:s3], [sflag:s2] =	dma.local @!p0 [hbm:s0], s1  }
0x4c4: {  	s0 =	simm.s32 @!p0 $0xD  }
0x4c5: {  	_ =	swait.ge @!p0 [sflag:s0], s1  }
0x4c6: {  	s1 =	ssub.s32 @!p0 $0x0, s1;
	[sflag:s0] =	ssyncset.done @!p0 $0x0  }
0x4c7: {  	[sflag:s0] =	ssyncadd.s32 @!p0 s1  }
0x4c8: {  	[bflag:$0x3] =	sbarrier.arrive $0xFFFF  }
0x4c9: {  	_ =	shalt  }

</sc_bundles>
